<compile_context>
chip_gen: v7x
topology: tpu7x:2x2x1
jax: 0.10.2.dev20260603
libtpu: 0.0.44.dev20260713+nightly
codegen_flags: <defaults>
</compile_context>

<pallas_src>
import functools

import jax
import jax.numpy as jnp
from jax import lax
from jax.experimental import pallas as pl
from jax.experimental.pallas import tpu as pltpu
from jax.experimental.pallas import tpu_sc as plsc

ROWS = 128
COLS = 32768
LANES = 16

_info = plsc.get_sparse_core_info()
_NC, _NS = _info.num_cores, _info.num_subcores
NW = _NC * _NS
ROWS_PER_W = ROWS // NW

TILE = 8192
NT = COLS // TILE
CPT = TILE // LANES
STEP = 8
PIECE = TILE // (CPT // STEP)

_mesh = plsc.VectorSubcoreMesh(core_axis_name="c", subcore_axis_name="s")


@functools.partial(
    pl.kernel,
    mesh=_mesh,
    out_type=jax.ShapeDtypeStruct((ROWS, COLS), jnp.float32),
    scratch_types=(
        [pltpu.VMEM((ROWS_PER_W, TILE), jnp.float32)] * 3
        + [pltpu.SemaphoreType.DMA] * 2
    ),
    compiler_params=pltpu.CompilerParams(needs_layout_passes=False),
)
def _cumsum_sc(x_hbm, out_hbm, buf0, buf1, buf2, isem, osem):
    bufs = (buf0, buf1, buf2)
    wid = lax.axis_index("s") * _NC + lax.axis_index("c")
    rows = [wid * ROWS_PER_W + k for k in range(ROWS_PER_W)]

    def drain(sem):
        pltpu.make_async_copy(
            x_hbm.at[pl.ds(0, ROWS_PER_W), pl.ds(0, TILE)], bufs[0], sem
        ).wait()

    def scan_tile(t, carries):
        p = t % 3
        pin = (t + 1) % 3
        pout = (t - 1) % 3
        buf = bufs[p]

        @plsc.parallel_loop(0, CPT, step=STEP, carry=carries, unroll=2)
        def final(i, c):
            if t + 1 < NT:
                for r in range(ROWS_PER_W):
                    pltpu.async_copy(
                        x_hbm.at[rows[r], pl.ds((t + 1) * TILE + i * LANES, PIECE)],
                        bufs[pin].at[r, pl.ds(i * LANES, PIECE)],
                        isem,
                    )
            if t - 1 >= 0:
                for r in range(ROWS_PER_W):
                    pltpu.async_copy(
                        bufs[pout].at[r, pl.ds(i * LANES, PIECE)],
                        out_hbm.at[rows[r], pl.ds((t - 1) * TILE + i * LANES, PIECE)],
                        osem,
                    )
            c = list(c)
            for u in range(STEP):
                off = (i + u) * LANES
                for r in range(ROWS_PER_W):
                    v = buf[r, pl.ds(off, LANES)]
                    s = plsc.cumsum(v)
                    buf[r, pl.ds(off, LANES)] = s + c[r]
                    c[r] = c[r] + jnp.sum(v)
            return tuple(c)

        return final

    carries = tuple(jnp.zeros((LANES,), jnp.float32) for _ in range(ROWS_PER_W))

    in0 = [
        pltpu.async_copy(x_hbm.at[rows[r], pl.ds(0, TILE)], bufs[0].at[r], isem)
        for r in range(ROWS_PER_W)
    ]
    for h in in0:
        h.wait()

    for t in range(NT):
        if t >= 1:
            drain(isem)
        if t >= 2:
            drain(osem)
        carries = scan_tile(t, carries)

    drain(osem)
    outl = [
        pltpu.async_copy(
            bufs[(NT - 1) % 3].at[r],
            out_hbm.at[rows[r], pl.ds((NT - 1) * TILE, TILE)],
            osem,
        )
        for r in range(ROWS_PER_W)
    ]
    for h in outl:
        h.wait()


def kernel(x):
    return _cumsum_sc(x)

# --- scband reference (transcript-rebuilt; emitter-appended) ---
"""Pipeline reference for scband-model-new-23656679867181 (READ-ONLY COPY).

The authoritative reference and input builder live on the scoring server;
editing this copy changes nothing except your own understanding.
"""

import jax, jax.numpy as jnp
import numpy as np

def setup_inputs(seed: int = 0) -> dict:
    key = jax.random.key(seed)
    x = jax.random.normal(key, (128, 32768), dtype=jnp.float32)
    return {"x": x}

def reference(x) -> jnp.ndarray:
    # Faithful translation: cumulative sum along dim=1 in float32
    x = x.astype(jnp.float32)
    return jnp.cumsum(x, axis=1)

if __name__ == "__main__":
    import jax
    _d = setup_inputs()
    print(jax.jit(kernel)(*tuple(_d.values())))

</pallas_src>

<mosaic_0001>
#map = affine_map<(d0, d1) -> (0, 0)>
module attributes {stable_mosaic.version = 14 : i64} {
  func.func @_cumsum_sc(%arg0: i32, %arg1: i32, %arg2: memref<128x32768xf32, #tpu.memory_space<hbm>>, %arg3: memref<128x32768xf32, #tpu.memory_space<hbm>>, %arg4: memref<4x8192xf32, #tpu.memory_space<vmem>>, %arg5: memref<4x8192xf32, #tpu.memory_space<vmem>>, %arg6: memref<4x8192xf32, #tpu.memory_space<vmem>>, %arg7: memref<!tpu.dma_semaphore, #tpu.memory_space<semaphore_mem>>, %arg8: memref<!tpu.dma_semaphore, #tpu.memory_space<semaphore_mem>>) attributes {dimension_semantics = [#tpu.dimension_semantics<core_parallel>, #tpu.dimension_semantics<subcore_parallel>], iteration_bounds = array<i64: 2, 16>, scalar_prefetch = 0 : i64, scratch_operands = 5 : i64, tpu.core_type = #tpu.core_type<sc_vector_subcore>, window_params = [{transform_indices = #map}, {transform_indices = #map}]} {
    %mul3A = arith.constant 2 : i32
    %mul3A_0 = arith.muli %arg1, %mul3A : i32
    %add3A = arith.addi %mul3A_0, %arg0 : i32
    %mul3A_1 = arith.constant 4 : i32
    %mul3A_2 = arith.muli %add3A, %mul3A_1 : i32
    %add3A_3 = arith.constant 0 : i32
    %add3A_4 = arith.addi %mul3A_2, %add3A_3 : i32
    %mul3A_5 = arith.constant 4 : i32
    %mul3A_6 = arith.muli %add3A, %mul3A_5 : i32
    %add3A_7 = arith.constant 1 : i32
    %add3A_8 = arith.addi %mul3A_6, %add3A_7 : i32
    %mul3A_9 = arith.constant 4 : i32
    %mul3A_10 = arith.muli %add3A, %mul3A_9 : i32
    %add3A_11 = arith.constant 2 : i32
    %add3A_12 = arith.addi %mul3A_10, %add3A_11 : i32
    %mul3A_13 = arith.constant 4 : i32
    %mul3A_14 = arith.muli %add3A, %mul3A_13 : i32
    %add3A_15 = arith.constant 3 : i32
    %add3A_16 = arith.addi %mul3A_14, %add3A_15 : i32
    %broadcast_in_dim3A = arith.constant 0.000000e+00 : f32
    %broadcast_in_dim3A_17 = vector.broadcast %broadcast_in_dim3A : f32 to vector<16xf32>
    %broadcast_in_dim3A_18 = arith.constant 0.000000e+00 : f32
    %broadcast_in_dim3A_19 = vector.broadcast %broadcast_in_dim3A_18 : f32 to vector<16xf32>
    %broadcast_in_dim3A_20 = arith.constant 0.000000e+00 : f32
    %broadcast_in_dim3A_21 = vector.broadcast %broadcast_in_dim3A_20 : f32 to vector<16xf32>
    %broadcast_in_dim3A_22 = arith.constant 0.000000e+00 : f32
    %broadcast_in_dim3A_23 = vector.broadcast %broadcast_in_dim3A_22 : f32 to vector<16xf32>
    %dma_start3A = arith.constant 0 : i32
    %dma_start3A_24 = arith.constant 0 : i32
    %dma_start3A_25 = tpu.memref_slice %arg4[%dma_start3A, %dma_start3A_24] : memref<4x8192xf32, #tpu.memory_space<vmem>> -> memref<1x8192xf32, #tpu.memory_space<vmem>>
    %dma_start3A_26 = tpu.memref_squeeze %dma_start3A_25 : memref<1x8192xf32, #tpu.memory_space<vmem>> -> memref<8192xf32, #tpu.memory_space<vmem>>
    %dma_start3A_27 = arith.constant 0 : i32
    %dma_start3A_28 = tpu.memref_slice %arg2[%add3A_4, %dma_start3A_27] : memref<128x32768xf32, #tpu.memory_space<hbm>> -> memref<1x8192xf32, #tpu.memory_space<hbm>>
    %dma_start3A_29 = tpu.memref_squeeze %dma_start3A_28 : memref<1x8192xf32, #tpu.memory_space<hbm>> -> memref<8192xf32, #tpu.memory_space<hbm>>
    %dma_start3A_30 = arith.constant 0 : i32
    %dma_start3A_31 = tpu.memref_slice %arg4[%dma_start3A, %dma_start3A_30] : memref<4x8192xf32, #tpu.memory_space<vmem>> -> memref<1x8192xf32, #tpu.memory_space<vmem>>
    %dma_start3A_32 = tpu.memref_squeeze %dma_start3A_31 : memref<1x8192xf32, #tpu.memory_space<vmem>> -> memref<8192xf32, #tpu.memory_space<vmem>>
    %dma_start3A_33 = arith.constant 0 : i32
    %dma_start3A_34 = tpu.memref_slice %arg2[%add3A_4, %dma_start3A_33] : memref<128x32768xf32, #tpu.memory_space<hbm>> -> memref<1x8192xf32, #tpu.memory_space<hbm>>
    %dma_start3A_35 = tpu.memref_squeeze %dma_start3A_34 : memref<1x8192xf32, #tpu.memory_space<hbm>> -> memref<8192xf32, #tpu.memory_space<hbm>>
    tpu.enqueue_dma source(%dma_start3A_35 : memref<8192xf32, #tpu.memory_space<hbm>>) target(%dma_start3A_32 : memref<8192xf32, #tpu.memory_space<vmem>>) target_semaphore(%arg7 : memref<!tpu.dma_semaphore, #tpu.memory_space<semaphore_mem>>)
    %dma_start3A_36 = arith.constant 1 : i32
    %dma_start3A_37 = arith.constant 0 : i32
    %dma_start3A_38 = tpu.memref_slice %arg4[%dma_start3A_36, %dma_start3A_37] : memref<4x8192xf32, #tpu.memory_space<vmem>> -> memref<1x8192xf32, #tpu.memory_space<vmem>>
    %dma_start3A_39 = tpu.memref_squeeze %dma_start3A_38 : memref<1x8192xf32, #tpu.memory_space<vmem>> -> memref<8192xf32, #tpu.memory_space<vmem>>
    %dma_start3A_40 = arith.constant 0 : i32
    %dma_start3A_41 = tpu.memref_slice %arg2[%add3A_8, %dma_start3A_40] : memref<128x32768xf32, #tpu.memory_space<hbm>> -> memref<1x8192xf32, #tpu.memory_space<hbm>>
    %dma_start3A_42 = tpu.memref_squeeze %dma_start3A_41 : memref<1x8192xf32, #tpu.memory_space<hbm>> -> memref<8192xf32, #tpu.memory_space<hbm>>
    %dma_start3A_43 = arith.constant 0 : i32
    %dma_start3A_44 = tpu.memref_slice %arg4[%dma_start3A_36, %dma_start3A_43] : memref<4x8192xf32, #tpu.memory_space<vmem>> -> memref<1x8192xf32, #tpu.memory_space<vmem>>
    %dma_start3A_45 = tpu.memref_squeeze %dma_start3A_44 : memref<1x8192xf32, #tpu.memory_space<vmem>> -> memref<8192xf32, #tpu.memory_space<vmem>>
    %dma_start3A_46 = arith.constant 0 : i32
    %dma_start3A_47 = tpu.memref_slice %arg2[%add3A_8, %dma_start3A_46] : memref<128x32768xf32, #tpu.memory_space<hbm>> -> memref<1x8192xf32, #tpu.memory_space<hbm>>
    %dma_start3A_48 = tpu.memref_squeeze %dma_start3A_47 : memref<1x8192xf32, #tpu.memory_space<hbm>> -> memref<8192xf32, #tpu.memory_space<hbm>>
    tpu.enqueue_dma source(%dma_start3A_48 : memref<8192xf32, #tpu.memory_space<hbm>>) target(%dma_start3A_45 : memref<8192xf32, #tpu.memory_space<vmem>>) target_semaphore(%arg7 : memref<!tpu.dma_semaphore, #tpu.memory_space<semaphore_mem>>)
    %dma_start3A_49 = arith.constant 2 : i32
    %dma_start3A_50 = arith.constant 0 : i32
    %dma_start3A_51 = tpu.memref_slice %arg4[%dma_start3A_49, %dma_start3A_50] : memref<4x8192xf32, #tpu.memory_space<vmem>> -> memref<1x8192xf32, #tpu.memory_space<vmem>>
    %dma_start3A_52 = tpu.memref_squeeze %dma_start3A_51 : memref<1x8192xf32, #tpu.memory_space<vmem>> -> memref<8192xf32, #tpu.memory_space<vmem>>
    %dma_start3A_53 = arith.constant 0 : i32
    %dma_start3A_54 = tpu.memref_slice %arg2[%add3A_12, %dma_start3A_53] : memref<128x32768xf32, #tpu.memory_space<hbm>> -> memref<1x8192xf32, #tpu.memory_space<hbm>>
    %dma_start3A_55 = tpu.memref_squeeze %dma_start3A_54 : memref<1x8192xf32, #tpu.memory_space<hbm>> -> memref<8192xf32, #tpu.memory_space<hbm>>
    %dma_start3A_56 = arith.constant 0 : i32
    %dma_start3A_57 = tpu.memref_slice %arg4[%dma_start3A_49, %dma_start3A_56] : memref<4x8192xf32, #tpu.memory_space<vmem>> -> memref<1x8192xf32, #tpu.memory_space<vmem>>
    %dma_start3A_58 = tpu.memref_squeeze %dma_start3A_57 : memref<1x8192xf32, #tpu.memory_space<vmem>> -> memref<8192xf32, #tpu.memory_space<vmem>>
    %dma_start3A_59 = arith.constant 0 : i32
    %dma_start3A_60 = tpu.memref_slice %arg2[%add3A_12, %dma_start3A_59] : memref<128x32768xf32, #tpu.memory_space<hbm>> -> memref<1x8192xf32, #tpu.memory_space<hbm>>
    %dma_start3A_61 = tpu.memref_squeeze %dma_start3A_60 : memref<1x8192xf32, #tpu.memory_space<hbm>> -> memref<8192xf32, #tpu.memory_space<hbm>>
    tpu.enqueue_dma source(%dma_start3A_61 : memref<8192xf32, #tpu.memory_space<hbm>>) target(%dma_start3A_58 : memref<8192xf32, #tpu.memory_space<vmem>>) target_semaphore(%arg7 : memref<!tpu.dma_semaphore, #tpu.memory_space<semaphore_mem>>)
    %dma_start3A_62 = arith.constant 3 : i32
    %dma_start3A_63 = arith.constant 0 : i32
    %dma_start3A_64 = tpu.memref_slice %arg4[%dma_start3A_62, %dma_start3A_63] : memref<4x8192xf32, #tpu.memory_space<vmem>> -> memref<1x8192xf32, #tpu.memory_space<vmem>>
    %dma_start3A_65 = tpu.memref_squeeze %dma_start3A_64 : memref<1x8192xf32, #tpu.memory_space<vmem>> -> memref<8192xf32, #tpu.memory_space<vmem>>
    %dma_start3A_66 = arith.constant 0 : i32
    %dma_start3A_67 = tpu.memref_slice %arg2[%add3A_16, %dma_start3A_66] : memref<128x32768xf32, #tpu.memory_space<hbm>> -> memref<1x8192xf32, #tpu.memory_space<hbm>>
    %dma_start3A_68 = tpu.memref_squeeze %dma_start3A_67 : memref<1x8192xf32, #tpu.memory_space<hbm>> -> memref<8192xf32, #tpu.memory_space<hbm>>
    %dma_start3A_69 = arith.constant 0 : i32
    %dma_start3A_70 = tpu.memref_slice %arg4[%dma_start3A_62, %dma_start3A_69] : memref<4x8192xf32, #tpu.memory_space<vmem>> -> memref<1x8192xf32, #tpu.memory_space<vmem>>
    %dma_start3A_71 = tpu.memref_squeeze %dma_start3A_70 : memref<1x8192xf32, #tpu.memory_space<vmem>> -> memref<8192xf32, #tpu.memory_space<vmem>>
    %dma_start3A_72 = arith.constant 0 : i32
    %dma_start3A_73 = tpu.memref_slice %arg2[%add3A_16, %dma_start3A_72] : memref<128x32768xf32, #tpu.memory_space<hbm>> -> memref<1x8192xf32, #tpu.memory_space<hbm>>
    %dma_start3A_74 = tpu.memref_squeeze %dma_start3A_73 : memref<1x8192xf32, #tpu.memory_space<hbm>> -> memref<8192xf32, #tpu.memory_space<hbm>>
    tpu.enqueue_dma source(%dma_start3A_74 : memref<8192xf32, #tpu.memory_space<hbm>>) target(%dma_start3A_71 : memref<8192xf32, #tpu.memory_space<vmem>>) target_semaphore(%arg7 : memref<!tpu.dma_semaphore, #tpu.memory_space<semaphore_mem>>)
    %dma_wait3A = arith.constant 0 : i32
    %dma_wait3A_75 = arith.constant 0 : i32
    %dma_wait3A_76 = tpu.memref_slice %arg4[%dma_wait3A, %dma_wait3A_75] : memref<4x8192xf32, #tpu.memory_space<vmem>> -> memref<1x8192xf32, #tpu.memory_space<vmem>>
    %dma_wait3A_77 = tpu.memref_squeeze %dma_wait3A_76 : memref<1x8192xf32, #tpu.memory_space<vmem>> -> memref<8192xf32, #tpu.memory_space<vmem>>
    %dma_wait3A_78 = arith.constant 0 : i32
    %dma_wait3A_79 = tpu.memref_slice %arg2[%add3A_4, %dma_wait3A_78] : memref<128x32768xf32, #tpu.memory_space<hbm>> -> memref<1x8192xf32, #tpu.memory_space<hbm>>
    %dma_wait3A_80 = tpu.memref_squeeze %dma_wait3A_79 : memref<1x8192xf32, #tpu.memory_space<hbm>> -> memref<8192xf32, #tpu.memory_space<hbm>>
    %dma_wait3A_81 = arith.constant 0 : i32
    %dma_wait3A_82 = tpu.memref_slice %arg4[%dma_wait3A, %dma_wait3A_81] : memref<4x8192xf32, #tpu.memory_space<vmem>> -> memref<1x8192xf32, #tpu.memory_space<vmem>>
    %dma_wait3A_83 = tpu.memref_squeeze %dma_wait3A_82 : memref<1x8192xf32, #tpu.memory_space<vmem>> -> memref<8192xf32, #tpu.memory_space<vmem>>
    %dma_wait3A_84 = arith.constant 0 : i32
    %dma_wait3A_85 = tpu.memref_slice %arg2[%add3A_4, %dma_wait3A_84] : memref<128x32768xf32, #tpu.memory_space<hbm>> -> memref<1x8192xf32, #tpu.memory_space<hbm>>
    %dma_wait3A_86 = tpu.memref_squeeze %dma_wait3A_85 : memref<1x8192xf32, #tpu.memory_space<hbm>> -> memref<8192xf32, #tpu.memory_space<hbm>>
    tpu.wait_dma2 semaphore(%arg7 : memref<!tpu.dma_semaphore, #tpu.memory_space<semaphore_mem>>) src(%dma_wait3A_86 : memref<8192xf32, #tpu.memory_space<hbm>>) dst(%dma_wait3A_83 : memref<8192xf32, #tpu.memory_space<vmem>>)
    %dma_wait3A_87 = arith.constant 1 : i32
    %dma_wait3A_88 = arith.constant 0 : i32
    %dma_wait3A_89 = tpu.memref_slice %arg4[%dma_wait3A_87, %dma_wait3A_88] : memref<4x8192xf32, #tpu.memory_space<vmem>> -> memref<1x8192xf32, #tpu.memory_space<vmem>>
    %dma_wait3A_90 = tpu.memref_squeeze %dma_wait3A_89 : memref<1x8192xf32, #tpu.memory_space<vmem>> -> memref<8192xf32, #tpu.memory_space<vmem>>
    %dma_wait3A_91 = arith.constant 0 : i32
    %dma_wait3A_92 = tpu.memref_slice %arg2[%add3A_8, %dma_wait3A_91] : memref<128x32768xf32, #tpu.memory_space<hbm>> -> memref<1x8192xf32, #tpu.memory_space<hbm>>
    %dma_wait3A_93 = tpu.memref_squeeze %dma_wait3A_92 : memref<1x8192xf32, #tpu.memory_space<hbm>> -> memref<8192xf32, #tpu.memory_space<hbm>>
    %dma_wait3A_94 = arith.constant 0 : i32
    %dma_wait3A_95 = tpu.memref_slice %arg4[%dma_wait3A_87, %dma_wait3A_94] : memref<4x8192xf32, #tpu.memory_space<vmem>> -> memref<1x8192xf32, #tpu.memory_space<vmem>>
    %dma_wait3A_96 = tpu.memref_squeeze %dma_wait3A_95 : memref<1x8192xf32, #tpu.memory_space<vmem>> -> memref<8192xf32, #tpu.memory_space<vmem>>
    %dma_wait3A_97 = arith.constant 0 : i32
    %dma_wait3A_98 = tpu.memref_slice %arg2[%add3A_8, %dma_wait3A_97] : memref<128x32768xf32, #tpu.memory_space<hbm>> -> memref<1x8192xf32, #tpu.memory_space<hbm>>
    %dma_wait3A_99 = tpu.memref_squeeze %dma_wait3A_98 : memref<1x8192xf32, #tpu.memory_space<hbm>> -> memref<8192xf32, #tpu.memory_space<hbm>>
    tpu.wait_dma2 semaphore(%arg7 : memref<!tpu.dma_semaphore, #tpu.memory_space<semaphore_mem>>) src(%dma_wait3A_99 : memref<8192xf32, #tpu.memory_space<hbm>>) dst(%dma_wait3A_96 : memref<8192xf32, #tpu.memory_space<vmem>>)
    %dma_wait3A_100 = arith.constant 2 : i32
    %dma_wait3A_101 = arith.constant 0 : i32
    %dma_wait3A_102 = tpu.memref_slice %arg4[%dma_wait3A_100, %dma_wait3A_101] : memref<4x8192xf32, #tpu.memory_space<vmem>> -> memref<1x8192xf32, #tpu.memory_space<vmem>>
    %dma_wait3A_103 = tpu.memref_squeeze %dma_wait3A_102 : memref<1x8192xf32, #tpu.memory_space<vmem>> -> memref<8192xf32, #tpu.memory_space<vmem>>
    %dma_wait3A_104 = arith.constant 0 : i32
    %dma_wait3A_105 = tpu.memref_slice %arg2[%add3A_12, %dma_wait3A_104] : memref<128x32768xf32, #tpu.memory_space<hbm>> -> memref<1x8192xf32, #tpu.memory_space<hbm>>
    %dma_wait3A_106 = tpu.memref_squeeze %dma_wait3A_105 : memref<1x8192xf32, #tpu.memory_space<hbm>> -> memref<8192xf32, #tpu.memory_space<hbm>>
    %dma_wait3A_107 = arith.constant 0 : i32
    %dma_wait3A_108 = tpu.memref_slice %arg4[%dma_wait3A_100, %dma_wait3A_107] : memref<4x8192xf32, #tpu.memory_space<vmem>> -> memref<1x8192xf32, #tpu.memory_space<vmem>>
    %dma_wait3A_109 = tpu.memref_squeeze %dma_wait3A_108 : memref<1x8192xf32, #tpu.memory_space<vmem>> -> memref<8192xf32, #tpu.memory_space<vmem>>
    %dma_wait3A_110 = arith.constant 0 : i32
    %dma_wait3A_111 = tpu.memref_slice %arg2[%add3A_12, %dma_wait3A_110] : memref<128x32768xf32, #tpu.memory_space<hbm>> -> memref<1x8192xf32, #tpu.memory_space<hbm>>
    %dma_wait3A_112 = tpu.memref_squeeze %dma_wait3A_111 : memref<1x8192xf32, #tpu.memory_space<hbm>> -> memref<8192xf32, #tpu.memory_space<hbm>>
    tpu.wait_dma2 semaphore(%arg7 : memref<!tpu.dma_semaphore, #tpu.memory_space<semaphore_mem>>) src(%dma_wait3A_112 : memref<8192xf32, #tpu.memory_space<hbm>>) dst(%dma_wait3A_109 : memref<8192xf32, #tpu.memory_space<vmem>>)
    %dma_wait3A_113 = arith.constant 3 : i32
    %dma_wait3A_114 = arith.constant 0 : i32
    %dma_wait3A_115 = tpu.memref_slice %arg4[%dma_wait3A_113, %dma_wait3A_114] : memref<4x8192xf32, #tpu.memory_space<vmem>> -> memref<1x8192xf32, #tpu.memory_space<vmem>>
    %dma_wait3A_116 = tpu.memref_squeeze %dma_wait3A_115 : memref<1x8192xf32, #tpu.memory_space<vmem>> -> memref<8192xf32, #tpu.memory_space<vmem>>
    %dma_wait3A_117 = arith.constant 0 : i32
    %dma_wait3A_118 = tpu.memref_slice %arg2[%add3A_16, %dma_wait3A_117] : memref<128x32768xf32, #tpu.memory_space<hbm>> -> memref<1x8192xf32, #tpu.memory_space<hbm>>
    %dma_wait3A_119 = tpu.memref_squeeze %dma_wait3A_118 : memref<1x8192xf32, #tpu.memory_space<hbm>> -> memref<8192xf32, #tpu.memory_space<hbm>>
    %dma_wait3A_120 = arith.constant 0 : i32
    %dma_wait3A_121 = tpu.memref_slice %arg4[%dma_wait3A_113, %dma_wait3A_120] : memref<4x8192xf32, #tpu.memory_space<vmem>> -> memref<1x8192xf32, #tpu.memory_space<vmem>>
    %dma_wait3A_122 = tpu.memref_squeeze %dma_wait3A_121 : memref<1x8192xf32, #tpu.memory_space<vmem>> -> memref<8192xf32, #tpu.memory_space<vmem>>
    %dma_wait3A_123 = arith.constant 0 : i32
    %dma_wait3A_124 = tpu.memref_slice %arg2[%add3A_16, %dma_wait3A_123] : memref<128x32768xf32, #tpu.memory_space<hbm>> -> memref<1x8192xf32, #tpu.memory_space<hbm>>
    %dma_wait3A_125 = tpu.memref_squeeze %dma_wait3A_124 : memref<1x8192xf32, #tpu.memory_space<hbm>> -> memref<8192xf32, #tpu.memory_space<hbm>>
    tpu.wait_dma2 semaphore(%arg7 : memref<!tpu.dma_semaphore, #tpu.memory_space<semaphore_mem>>) src(%dma_wait3A_125 : memref<8192xf32, #tpu.memory_space<hbm>>) dst(%dma_wait3A_122 : memref<8192xf32, #tpu.memory_space<vmem>>)
    %parallel_loop3A = arith.constant 0 : i32
    %parallel_loop3A_126 = arith.constant 512 : i32
    %parallel_loop3A_127 = arith.constant 8 : i32
    %parallel_loop3A_128:4 = scf.for %parallel_loop3A_281 = %parallel_loop3A to %parallel_loop3A_126 step %parallel_loop3A_127 iter_args(%parallel_loop3A_282 = %broadcast_in_dim3A_17, %parallel_loop3A_283 = %broadcast_in_dim3A_19, %parallel_loop3A_284 = %broadcast_in_dim3A_21, %parallel_loop3A_285 = %broadcast_in_dim3A_23) -> (vector<16xf32>, vector<16xf32>, vector<16xf32>, vector<16xf32>)  : i32 {
      %parallel_loop3A_286 = arith.constant 16 : i32
      %parallel_loop3A_287 = arith.muli %parallel_loop3A_281, %parallel_loop3A_286 : i32
      %parallel_loop3A_288 = arith.constant 8192 : i32
      %parallel_loop3A_289 = arith.addi %parallel_loop3A_288, %parallel_loop3A_287 : i32
      %parallel_loop3A_290 = arith.constant 16 : i32
      %parallel_loop3A_291 = arith.muli %parallel_loop3A_281, %parallel_loop3A_290 : i32
      %parallel_loop3A_292 = arith.constant 0 : i32
      %parallel_loop3A_293 = tpu.memref_slice %arg5[%parallel_loop3A_292, %parallel_loop3A_291] : memref<4x8192xf32, #tpu.memory_space<vmem>> -> memref<1x128xf32, #tpu.memory_space<vmem>>
      %parallel_loop3A_294 = tpu.memref_squeeze %parallel_loop3A_293 : memref<1x128xf32, #tpu.memory_space<vmem>> -> memref<128xf32, #tpu.memory_space<vmem>>
      %parallel_loop3A_295 = tpu.memref_slice %arg2[%add3A_4, %parallel_loop3A_289] : memref<128x32768xf32, #tpu.memory_space<hbm>> -> memref<1x128xf32, #tpu.memory_space<hbm>>
      %parallel_loop3A_296 = tpu.memref_squeeze %parallel_loop3A_295 : memref<1x128xf32, #tpu.memory_space<hbm>> -> memref<128xf32, #tpu.memory_space<hbm>>
      %parallel_loop3A_297 = tpu.memref_slice %arg5[%parallel_loop3A_292, %parallel_loop3A_291] : memref<4x8192xf32, #tpu.memory_space<vmem>> -> memref<1x128xf32, #tpu.memory_space<vmem>>
      %parallel_loop3A_298 = tpu.memref_squeeze %parallel_loop3A_297 : memref<1x128xf32, #tpu.memory_space<vmem>> -> memref<128xf32, #tpu.memory_space<vmem>>
      %parallel_loop3A_299 = tpu.memref_slice %arg2[%add3A_4, %parallel_loop3A_289] : memref<128x32768xf32, #tpu.memory_space<hbm>> -> memref<1x128xf32, #tpu.memory_space<hbm>>
      %parallel_loop3A_300 = tpu.memref_squeeze %parallel_loop3A_299 : memref<1x128xf32, #tpu.memory_space<hbm>> -> memref<128xf32, #tpu.memory_space<hbm>>
      tpu.enqueue_dma source(%parallel_loop3A_300 : memref<128xf32, #tpu.memory_space<hbm>>) target(%parallel_loop3A_298 : memref<128xf32, #tpu.memory_space<vmem>>) target_semaphore(%arg7 : memref<!tpu.dma_semaphore, #tpu.memory_space<semaphore_mem>>)
      %parallel_loop3A_301 = arith.constant 16 : i32
      %parallel_loop3A_302 = arith.muli %parallel_loop3A_281, %parallel_loop3A_301 : i32
      %parallel_loop3A_303 = arith.constant 8192 : i32
      %parallel_loop3A_304 = arith.addi %parallel_loop3A_303, %parallel_loop3A_302 : i32
      %parallel_loop3A_305 = arith.constant 16 : i32
      %parallel_loop3A_306 = arith.muli %parallel_loop3A_281, %parallel_loop3A_305 : i32
      %parallel_loop3A_307 = arith.constant 1 : i32
      %parallel_loop3A_308 = tpu.memref_slice %arg5[%parallel_loop3A_307, %parallel_loop3A_306] : memref<4x8192xf32, #tpu.memory_space<vmem>> -> memref<1x128xf32, #tpu.memory_space<vmem>>
      %parallel_loop3A_309 = tpu.memref_squeeze %parallel_loop3A_308 : memref<1x128xf32, #tpu.memory_space<vmem>> -> memref<128xf32, #tpu.memory_space<vmem>>
      %parallel_loop3A_310 = tpu.memref_slice %arg2[%add3A_8, %parallel_loop3A_304] : memref<128x32768xf32, #tpu.memory_space<hbm>> -> memref<1x128xf32, #tpu.memory_space<hbm>>
      %parallel_loop3A_311 = tpu.memref_squeeze %parallel_loop3A_310 : memref<1x128xf32, #tpu.memory_space<hbm>> -> memref<128xf32, #tpu.memory_space<hbm>>
      %parallel_loop3A_312 = tpu.memref_slice %arg5[%parallel_loop3A_307, %parallel_loop3A_306] : memref<4x8192xf32, #tpu.memory_space<vmem>> -> memref<1x128xf32, #tpu.memory_space<vmem>>
      %parallel_loop3A_313 = tpu.memref_squeeze %parallel_loop3A_312 : memref<1x128xf32, #tpu.memory_space<vmem>> -> memref<128xf32, #tpu.memory_space<vmem>>
      %parallel_loop3A_314 = tpu.memref_slice %arg2[%add3A_8, %parallel_loop3A_304] : memref<128x32768xf32, #tpu.memory_space<hbm>> -> memref<1x128xf32, #tpu.memory_space<hbm>>
      %parallel_loop3A_315 = tpu.memref_squeeze %parallel_loop3A_314 : memref<1x128xf32, #tpu.memory_space<hbm>> -> memref<128xf32, #tpu.memory_space<hbm>>
      tpu.enqueue_dma source(%parallel_loop3A_315 : memref<128xf32, #tpu.memory_space<hbm>>) target(%parallel_loop3A_313 : memref<128xf32, #tpu.memory_space<vmem>>) target_semaphore(%arg7 : memref<!tpu.dma_semaphore, #tpu.memory_space<semaphore_mem>>)
      %parallel_loop3A_316 = arith.constant 16 : i32
      %parallel_loop3A_317 = arith.muli %parallel_loop3A_281, %parallel_loop3A_316 : i32
      %parallel_loop3A_318 = arith.constant 8192 : i32
      %parallel_loop3A_319 = arith.addi %parallel_loop3A_318, %parallel_loop3A_317 : i32
      %parallel_loop3A_320 = arith.constant 16 : i32
      %parallel_loop3A_321 = arith.muli %parallel_loop3A_281, %parallel_loop3A_320 : i32
      %parallel_loop3A_322 = arith.constant 2 : i32
      %parallel_loop3A_323 = tpu.memref_slice %arg5[%parallel_loop3A_322, %parallel_loop3A_321] : memref<4x8192xf32, #tpu.memory_space<vmem>> -> memref<1x128xf32, #tpu.memory_space<vmem>>
      %parallel_loop3A_324 = tpu.memref_squeeze %parallel_loop3A_323 : memref<1x128xf32, #tpu.memory_space<vmem>> -> memref<128xf32, #tpu.memory_space<vmem>>
      %parallel_loop3A_325 = tpu.memref_slice %arg2[%add3A_12, %parallel_loop3A_319] : memref<128x32768xf32, #tpu.memory_space<hbm>> -> memref<1x128xf32, #tpu.memory_space<hbm>>
      %parallel_loop3A_326 = tpu.memref_squeeze %parallel_loop3A_325 : memref<1x128xf32, #tpu.memory_space<hbm>> -> memref<128xf32, #tpu.memory_space<hbm>>
      %parallel_loop3A_327 = tpu.memref_slice %arg5[%parallel_loop3A_322, %parallel_loop3A_321] : memref<4x8192xf32, #tpu.memory_space<vmem>> -> memref<1x128xf32, #tpu.memory_space<vmem>>
      %parallel_loop3A_328 = tpu.memref_squeeze %parallel_loop3A_327 : memref<1x128xf32, #tpu.memory_space<vmem>> -> memref<128xf32, #tpu.memory_space<vmem>>
      %parallel_loop3A_329 = tpu.memref_slice %arg2[%add3A_12, %parallel_loop3A_319] : memref<128x32768xf32, #tpu.memory_space<hbm>> -> memref<1x128xf32, #tpu.memory_space<hbm>>
      %parallel_loop3A_330 = tpu.memref_squeeze %parallel_loop3A_329 : memref<1x128xf32, #tpu.memory_space<hbm>> -> memref<128xf32, #tpu.memory_space<hbm>>
      tpu.enqueue_dma source(%parallel_loop3A_330 : memref<128xf32, #tpu.memory_space<hbm>>) target(%parallel_loop3A_328 : memref<128xf32, #tpu.memory_space<vmem>>) target_semaphore(%arg7 : memref<!tpu.dma_semaphore, #tpu.memory_space<semaphore_mem>>)
      %parallel_loop3A_331 = arith.constant 16 : i32
      %parallel_loop3A_332 = arith.muli %parallel_loop3A_281, %parallel_loop3A_331 : i32
      %parallel_loop3A_333 = arith.constant 8192 : i32
      %parallel_loop3A_334 = arith.addi %parallel_loop3A_333, %parallel_loop3A_332 : i32
      %parallel_loop3A_335 = arith.constant 16 : i32
      %parallel_loop3A_336 = arith.muli %parallel_loop3A_281, %parallel_loop3A_335 : i32
      %parallel_loop3A_337 = arith.constant 3 : i32
      %parallel_loop3A_338 = tpu.memref_slice %arg5[%parallel_loop3A_337, %parallel_loop3A_336] : memref<4x8192xf32, #tpu.memory_space<vmem>> -> memref<1x128xf32, #tpu.memory_space<vmem>>
      %parallel_loop3A_339 = tpu.memref_squeeze %parallel_loop3A_338 : memref<1x128xf32, #tpu.memory_space<vmem>> -> memref<128xf32, #tpu.memory_space<vmem>>
      %parallel_loop3A_340 = tpu.memref_slice %arg2[%add3A_16, %parallel_loop3A_334] : memref<128x32768xf32, #tpu.memory_space<hbm>> -> memref<1x128xf32, #tpu.memory_space<hbm>>
      %parallel_loop3A_341 = tpu.memref_squeeze %parallel_loop3A_340 : memref<1x128xf32, #tpu.memory_space<hbm>> -> memref<128xf32, #tpu.memory_space<hbm>>
      %parallel_loop3A_342 = tpu.memref_slice %arg5[%parallel_loop3A_337, %parallel_loop3A_336] : memref<4x8192xf32, #tpu.memory_space<vmem>> -> memref<1x128xf32, #tpu.memory_space<vmem>>
      %parallel_loop3A_343 = tpu.memref_squeeze %parallel_loop3A_342 : memref<1x128xf32, #tpu.memory_space<vmem>> -> memref<128xf32, #tpu.memory_space<vmem>>
      %parallel_loop3A_344 = tpu.memref_slice %arg2[%add3A_16, %parallel_loop3A_334] : memref<128x32768xf32, #tpu.memory_space<hbm>> -> memref<1x128xf32, #tpu.memory_space<hbm>>
      %parallel_loop3A_345 = tpu.memref_squeeze %parallel_loop3A_344 : memref<1x128xf32, #tpu.memory_space<hbm>> -> memref<128xf32, #tpu.memory_space<hbm>>
      tpu.enqueue_dma source(%parallel_loop3A_345 : memref<128xf32, #tpu.memory_space<hbm>>) target(%parallel_loop3A_343 : memref<128xf32, #tpu.memory_space<vmem>>) target_semaphore(%arg7 : memref<!tpu.dma_semaphore, #tpu.memory_space<semaphore_mem>>)
      %parallel_loop3A_346 = arith.constant 0 : i32
      %parallel_loop3A_347 = arith.addi %parallel_loop3A_281, %parallel_loop3A_346 : i32
      %parallel_loop3A_348 = arith.constant 16 : i32
      %parallel_loop3A_349 = arith.muli %parallel_loop3A_347, %parallel_loop3A_348 : i32
      %parallel_loop3A_350 = arith.constant 0 : i32
      %parallel_loop3A_351 = arith.index_cast %parallel_loop3A_350 : i32 to index
      %parallel_loop3A_352 = arith.index_cast %parallel_loop3A_349 : i32 to index
      %parallel_loop3A_353 = tpu.vector_load %arg4[%parallel_loop3A_351, %parallel_loop3A_352] {strides = array<i32>} : memref<4x8192xf32, #tpu.memory_space<vmem>>, vector<16xf32>,
      %parallel_loop3A_354 = arith.constant true
      %parallel_loop3A_355 = vector.broadcast %parallel_loop3A_354 : i1 to vector<16xi1>
      %parallel_loop3A_356 = tpu.scan <sum>, %parallel_loop3A_353 masked %parallel_loop3A_355 : vector<16xf32>, vector<16xi1> -> vector<16xf32>
      %parallel_loop3A_357 = arith.addf %parallel_loop3A_356, %parallel_loop3A_282 : vector<16xf32>
      %parallel_loop3A_358 = arith.constant 0 : i32
      %parallel_loop3A_359 = arith.index_cast %parallel_loop3A_358 : i32 to index
      %parallel_loop3A_360 = arith.index_cast %parallel_loop3A_349 : i32 to index
      %parallel_loop3A_361 = tpu.vector_load %arg4[%parallel_loop3A_359, %parallel_loop3A_360] {strides = array<i32>} : memref<4x8192xf32, #tpu.memory_space<vmem>>, vector<16xf32>,
      tpu.vector_store %arg4[%parallel_loop3A_359, %parallel_loop3A_360], %parallel_loop3A_357 {strides = array<i32>} : memref<4x8192xf32, #tpu.memory_space<vmem>>, vector<16xf32>,
      %parallel_loop3A_362 = arith.constant true
      %parallel_loop3A_363 = vector.broadcast %parallel_loop3A_362 : i1 to vector<16xi1>
      %parallel_loop3A_364 = tpu.scan <sum>, %parallel_loop3A_353 masked %parallel_loop3A_363 : vector<16xf32>, vector<16xi1> -> vector<16xf32>
      %parallel_loop3A_365 = vector.extract %parallel_loop3A_364[15] : f32 from vector<16xf32>
      %parallel_loop3A_366 = vector.broadcast %parallel_loop3A_365 : f32 to vector<16xf32>
      %parallel_loop3A_367 = arith.addf %parallel_loop3A_282, %parallel_loop3A_366 : vector<16xf32>
      %parallel_loop3A_368 = arith.constant 1 : i32
      %parallel_loop3A_369 = arith.index_cast %parallel_loop3A_368 : i32 to index
      %parallel_loop3A_370 = arith.index_cast %parallel_loop3A_349 : i32 to index
      %parallel_loop3A_371 = tpu.vector_load %arg4[%parallel_loop3A_369, %parallel_loop3A_370] {strides = array<i32>} : memref<4x8192xf32, #tpu.memory_space<vmem>>, vector<16xf32>,
      %parallel_loop3A_372 = arith.constant true
      %parallel_loop3A_373 = vector.broadcast %parallel_loop3A_372 : i1 to vector<16xi1>
      %parallel_loop3A_374 = tpu.scan <sum>, %parallel_loop3A_371 masked %parallel_loop3A_373 : vector<16xf32>, vector<16xi1> -> vector<16xf32>
      %parallel_loop3A_375 = arith.addf %parallel_loop3A_374, %parallel_loop3A_283 : vector<16xf32>
      %parallel_loop3A_376 = arith.constant 1 : i32
      %parallel_loop3A_377 = arith.index_cast %parallel_loop3A_376 : i32 to index
      %parallel_loop3A_378 = arith.index_cast %parallel_loop3A_349 : i32 to index
      %parallel_loop3A_379 = tpu.vector_load %arg4[%parallel_loop3A_377, %parallel_loop3A_378] {strides = array<i32>} : memref<4x8192xf32, #tpu.memory_space<vmem>>, vector<16xf32>,
      tpu.vector_store %arg4[%parallel_loop3A_377, %parallel_loop3A_378], %parallel_loop3A_375 {strides = array<i32>} : memref<4x8192xf32, #tpu.memory_space<vmem>>, vector<16xf32>,
      %parallel_loop3A_380 = arith.constant true
      %parallel_loop3A_381 = vector.broadcast %parallel_loop3A_380 : i1 to vector<16xi1>
      %parallel_loop3A_382 = tpu.scan <sum>, %parallel_loop3A_371 masked %parallel_loop3A_381 : vector<16xf32>, vector<16xi1> -> vector<16xf32>
      %parallel_loop3A_383 = vector.extract %parallel_loop3A_382[15] : f32 from vector<16xf32>
      %parallel_loop3A_384 = vector.broadcast %parallel_loop3A_383 : f32 to vector<16xf32>
      %parallel_loop3A_385 = arith.addf %parallel_loop3A_283, %parallel_loop3A_384 : vector<16xf32>
      %parallel_loop3A_386 = arith.constant 2 : i32
      %parallel_loop3A_387 = arith.index_cast %parallel_loop3A_386 : i32 to index
      %parallel_loop3A_388 = arith.index_cast %parallel_loop3A_349 : i32 to index
      %parallel_loop3A_389 = tpu.vector_load %arg4[%parallel_loop3A_387, %parallel_loop3A_388] {strides = array<i32>} : memref<4x8192xf32, #tpu.memory_space<vmem>>, vector<16xf32>,
      %parallel_loop3A_390 = arith.constant true
      %parallel_loop3A_391 = vector.broadcast %parallel_loop3A_390 : i1 to vector<16xi1>
      %parallel_loop3A_392 = tpu.scan <sum>, %parallel_loop3A_389 masked %parallel_loop3A_391 : vector<16xf32>, vector<16xi1> -> vector<16xf32>
      %parallel_loop3A_393 = arith.addf %parallel_loop3A_392, %parallel_loop3A_284 : vector<16xf32>
      %parallel_loop3A_394 = arith.constant 2 : i32
      %parallel_loop3A_395 = arith.index_cast %parallel_loop3A_394 : i32 to index
      %parallel_loop3A_396 = arith.index_cast %parallel_loop3A_349 : i32 to index
      %parallel_loop3A_397 = tpu.vector_load %arg4[%parallel_loop3A_395, %parallel_loop3A_396] {strides = array<i32>} : memref<4x8192xf32, #tpu.memory_space<vmem>>, vector<16xf32>,
      tpu.vector_store %arg4[%parallel_loop3A_395, %parallel_loop3A_396], %parallel_loop3A_393 {strides = array<i32>} : memref<4x8192xf32, #tpu.memory_space<vmem>>, vector<16xf32>,
      %parallel_loop3A_398 = arith.constant true
      %parallel_loop3A_399 = vector.broadcast %parallel_loop3A_398 : i1 to vector<16xi1>
      %parallel_loop3A_400 = tpu.scan <sum>, %parallel_loop3A_389 masked %parallel_loop3A_399 : vector<16xf32>, vector<16xi1> -> vector<16xf32>
      %parallel_loop3A_401 = vector.extract %parallel_loop3A_400[15] : f32 from vector<16xf32>
      %parallel_loop3A_402 = vector.broadcast %parallel_loop3A_401 : f32 to vector<16xf32>
      %parallel_loop3A_403 = arith.addf %parallel_loop3A_284, %parallel_loop3A_402 : vector<16xf32>
      %parallel_loop3A_404 = arith.constant 3 : i32
      %parallel_loop3A_405 = arith.index_cast %parallel_loop3A_404 : i32 to index
      %parallel_loop3A_406 = arith.index_cast %parallel_loop3A_349 : i32 to index
      %parallel_loop3A_407 = tpu.vector_load %arg4[%parallel_loop3A_405, %parallel_loop3A_406] {strides = array<i32>} : memref<4x8192xf32, #tpu.memory_space<vmem>>, vector<16xf32>,
      %parallel_loop3A_408 = arith.constant true
      %parallel_loop3A_409 = vector.broadcast %parallel_loop3A_408 : i1 to vector<16xi1>
      %parallel_loop3A_410 = tpu.scan <sum>, %parallel_loop3A_407 masked %parallel_loop3A_409 : vector<16xf32>, vector<16xi1> -> vector<16xf32>
      %parallel_loop3A_411 = arith.addf %parallel_loop3A_410, %parallel_loop3A_285 : vector<16xf32>
      %parallel_loop3A_412 = arith.constant 3 : i32
      %parallel_loop3A_413 = arith.index_cast %parallel_loop3A_412 : i32 to index
      %parallel_loop3A_414 = arith.index_cast %parallel_loop3A_349 : i32 to index
      %parallel_loop3A_415 = tpu.vector_load %arg4[%parallel_loop3A_413, %parallel_loop3A_414] {strides = array<i32>} : memref<4x8192xf32, #tpu.memory_space<vmem>>, vector<16xf32>,
      tpu.vector_store %arg4[%parallel_loop3A_413, %parallel_loop3A_414], %parallel_loop3A_411 {strides = array<i32>} : memref<4x8192xf32, #tpu.memory_space<vmem>>, vector<16xf32>,
      %parallel_loop3A_416 = arith.constant true
      %parallel_loop3A_417 = vector.broadcast %parallel_loop3A_416 : i1 to vector<16xi1>
      %parallel_loop3A_418 = tpu.scan <sum>, %parallel_loop3A_407 masked %parallel_loop3A_417 : vector<16xf32>, vector<16xi1> -> vector<16xf32>
      %parallel_loop3A_419 = vector.extract %parallel_loop3A_418[15] : f32 from vector<16xf32>
      %parallel_loop3A_420 = vector.broadcast %parallel_loop3A_419 : f32 to vector<16xf32>
      %parallel_loop3A_421 = arith.addf %parallel_loop3A_285, %parallel_loop3A_420 : vector<16xf32>
      %parallel_loop3A_422 = arith.constant 1 : i32
      %parallel_loop3A_423 = arith.addi %parallel_loop3A_281, %parallel_loop3A_422 : i32
      %parallel_loop3A_424 = arith.constant 16 : i32
      %parallel_loop3A_425 = arith.muli %parallel_loop3A_423, %parallel_loop3A_424 : i32
      %parallel_loop3A_426 = arith.constant 0 : i32
      %parallel_loop3A_427 = arith.index_cast %parallel_loop3A_426 : i32 to index
      %parallel_loop3A_428 = arith.index_cast %parallel_loop3A_425 : i32 to index
      %parallel_loop3A_429 = tpu.vector_load %arg4[%parallel_loop3A_427, %parallel_loop3A_428] {strides = array<i32>} : memref<4x8192xf32, #tpu.memory_space<vmem>>, vector<16xf32>,
      %parallel_loop3A_430 = arith.constant true
      %parallel_loop3A_431 = vector.broadcast %parallel_loop3A_430 : i1 to vector<16xi1>
      %parallel_loop3A_432 = tpu.scan <sum>, %parallel_loop3A_429 masked %parallel_loop3A_431 : vector<16xf32>, vector<16xi1> -> vector<16xf32>
      %parallel_loop3A_433 = arith.addf %parallel_loop3A_432, %parallel_loop3A_367 : vector<16xf32>
      %parallel_loop3A_434 = arith.constant 0 : i32
      %parallel_loop3A_435 = arith.index_cast %parallel_loop3A_434 : i32 to index
      %parallel_loop3A_436 = arith.index_cast %parallel_loop3A_425 : i32 to index
      %parallel_loop3A_437 = tpu.vector_load %arg4[%parallel_loop3A_435, %parallel_loop3A_436] {strides = array<i32>} : memref<4x8192xf32, #tpu.memory_space<vmem>>, vector<16xf32>,
      tpu.vector_store %arg4[%parallel_loop3A_435, %parallel_loop3A_436], %parallel_loop3A_433 {strides = array<i32>} : memref<4x8192xf32, #tpu.memory_space<vmem>>, vector<16xf32>,
      %parallel_loop3A_438 = arith.constant true
      %parallel_loop3A_439 = vector.broadcast %parallel_loop3A_438 : i1 to vector<16xi1>
      %parallel_loop3A_440 = tpu.scan <sum>, %parallel_loop3A_429 masked %parallel_loop3A_439 : vector<16xf32>, vector<16xi1> -> vector<16xf32>
      %parallel_loop3A_441 = vector.extract %parallel_loop3A_440[15] : f32 from vector<16xf32>
      %parallel_loop3A_442 = vector.broadcast %parallel_loop3A_441 : f32 to vector<16xf32>
      %parallel_loop3A_443 = arith.addf %parallel_loop3A_367, %parallel_loop3A_442 : vector<16xf32>
      %parallel_loop3A_444 = arith.constant 1 : i32
      %parallel_loop3A_445 = arith.index_cast %parallel_loop3A_444 : i32 to index
      %parallel_loop3A_446 = arith.index_cast %parallel_loop3A_425 : i32 to index
      %parallel_loop3A_447 = tpu.vector_load %arg4[%parallel_loop3A_445, %parallel_loop3A_446] {strides = array<i32>} : memref<4x8192xf32, #tpu.memory_space<vmem>>, vector<16xf32>,
      %parallel_loop3A_448 = arith.constant true
      %parallel_loop3A_449 = vector.broadcast %parallel_loop3A_448 : i1 to vector<16xi1>
      %parallel_loop3A_450 = tpu.scan <sum>, %parallel_loop3A_447 masked %parallel_loop3A_449 : vector<16xf32>, vector<16xi1> -> vector<16xf32>
      %parallel_loop3A_451 = arith.addf %parallel_loop3A_450, %parallel_loop3A_385 : vector<16xf32>
      %parallel_loop3A_452 = arith.constant 1 : i32
      %parallel_loop3A_453 = arith.index_cast %parallel_loop3A_452 : i32 to index
      %parallel_loop3A_454 = arith.index_cast %parallel_loop3A_425 : i32 to index
      %parallel_loop3A_455 = tpu.vector_load %arg4[%parallel_loop3A_453, %parallel_loop3A_454] {strides = array<i32>} : memref<4x8192xf32, #tpu.memory_space<vmem>>, vector<16xf32>,
      tpu.vector_store %arg4[%parallel_loop3A_453, %parallel_loop3A_454], %parallel_loop3A_451 {strides = array<i32>} : memref<4x8192xf32, #tpu.memory_space<vmem>>, vector<16xf32>,
      %parallel_loop3A_456 = arith.constant true
      %parallel_loop3A_457 = vector.broadcast %parallel_loop3A_456 : i1 to vector<16xi1>
      %parallel_loop3A_458 = tpu.scan <sum>, %parallel_loop3A_447 masked %parallel_loop3A_457 : vector<16xf32>, vector<16xi1> -> vector<16xf32>
      %parallel_loop3A_459 = vector.extract %parallel_loop3A_458[15] : f32 from vector<16xf32>
      %parallel_loop3A_460 = vector.broadcast %parallel_loop3A_459 : f32 to vector<16xf32>
      %parallel_loop3A_461 = arith.addf %parallel_loop3A_385, %parallel_loop3A_460 : vector<16xf32>
      %parallel_loop3A_462 = arith.constant 2 : i32
      %parallel_loop3A_463 = arith.index_cast %parallel_loop3A_462 : i32 to index
      %parallel_loop3A_464 = arith.index_cast %parallel_loop3A_425 : i32 to index
      %parallel_loop3A_465 = tpu.vector_load %arg4[%parallel_loop3A_463, %parallel_loop3A_464] {strides = array<i32>} : memref<4x8192xf32, #tpu.memory_space<vmem>>, vector<16xf32>,
      %parallel_loop3A_466 = arith.constant true
      %parallel_loop3A_467 = vector.broadcast %parallel_loop3A_466 : i1 to vector<16xi1>
      %parallel_loop3A_468 = tpu.scan <sum>, %parallel_loop3A_465 masked %parallel_loop3A_467 : vector<16xf32>, vector<16xi1> -> vector<16xf32>
      %parallel_loop3A_469 = arith.addf %parallel_loop3A_468, %parallel_loop3A_403 : vector<16xf32>
      %parallel_loop3A_470 = arith.constant 2 : i32
      %parallel_loop3A_471 = arith.index_cast %parallel_loop3A_470 : i32 to index
      %parallel_loop3A_472 = arith.index_cast %parallel_loop3A_425 : i32 to index
      %parallel_loop3A_473 = tpu.vector_load %arg4[%parallel_loop3A_471, %parallel_loop3A_472] {strides = array<i32>} : memref<4x8192xf32, #tpu.memory_space<vmem>>, vector<16xf32>,
      tpu.vector_store %arg4[%parallel_loop3A_471, %parallel_loop3A_472], %parallel_loop3A_469 {strides = array<i32>} : memref<4x8192xf32, #tpu.memory_space<vmem>>, vector<16xf32>,
      %parallel_loop3A_474 = arith.constant true
      %parallel_loop3A_475 = vector.broadcast %parallel_loop3A_474 : i1 to vector<16xi1>
      %parallel_loop3A_476 = tpu.scan <sum>, %parallel_loop3A_465 masked %parallel_loop3A_475 : vector<16xf32>, vector<16xi1> -> vector<16xf32>
      %parallel_loop3A_477 = vector.extract %parallel_loop3A_476[15] : f32 from vector<16xf32>
      %parallel_loop3A_478 = vector.broadcast %parallel_loop3A_477 : f32 to vector<16xf32>
      %parallel_loop3A_479 = arith.addf %parallel_loop3A_403, %parallel_loop3A_478 : vector<16xf32>
      %parallel_loop3A_480 = arith.constant 3 : i32
      %parallel_loop3A_481 = arith.index_cast %parallel_loop3A_480 : i32 to index
      %parallel_loop3A_482 = arith.index_cast %parallel_loop3A_425 : i32 to index
      %parallel_loop3A_483 = tpu.vector_load %arg4[%parallel_loop3A_481, %parallel_loop3A_482] {strides = array<i32>} : memref<4x8192xf32, #tpu.memory_space<vmem>>, vector<16xf32>,
      %parallel_loop3A_484 = arith.constant true
      %parallel_loop3A_485 = vector.broadcast %parallel_loop3A_484 : i1 to vector<16xi1>
      %parallel_loop3A_486 = tpu.scan <sum>, %parallel_loop3A_483 masked %parallel_loop3A_485 : vector<16xf32>, vector<16xi1> -> vector<16xf32>
      %parallel_loop3A_487 = arith.addf %parallel_loop3A_486, %parallel_loop3A_421 : vector<16xf32>
      %parallel_loop3A_488 = arith.constant 3 : i32
      %parallel_loop3A_489 = arith.index_cast %parallel_loop3A_488 : i32 to index
      %parallel_loop3A_490 = arith.index_cast %parallel_loop3A_425 : i32 to index
      %parallel_loop3A_491 = tpu.vector_load %arg4[%parallel_loop3A_489, %parallel_loop3A_490] {strides = array<i32>} : memref<4x8192xf32, #tpu.memory_space<vmem>>, vector<16xf32>,
      tpu.vector_store %arg4[%parallel_loop3A_489, %parallel_loop3A_490], %parallel_loop3A_487 {strides = array<i32>} : memref<4x8192xf32, #tpu.memory_space<vmem>>, vector<16xf32>,
      %parallel_loop3A_492 = arith.constant true
      %parallel_loop3A_493 = vector.broadcast %parallel_loop3A_492 : i1 to vector<16xi1>
      %parallel_loop3A_494 = tpu.scan <sum>, %parallel_loop3A_483 masked %parallel_loop3A_493 : vector<16xf32>, vector<16xi1> -> vector<16xf32>
      %parallel_loop3A_495 = vector.extract %parallel_loop3A_494[15] : f32 from vector<16xf32>
      %parallel_loop3A_496 = vector.broadcast %parallel_loop3A_495 : f32 to vector<16xf32>
      %parallel_loop3A_497 = arith.addf %parallel_loop3A_421, %parallel_loop3A_496 : vector<16xf32>
      %parallel_loop3A_498 = arith.constant 2 : i32
      %parallel_loop3A_499 = arith.addi %parallel_loop3A_281, %parallel_loop3A_498 : i32
      %parallel_loop3A_500 = arith.constant 16 : i32
      %parallel_loop3A_501 = arith.muli %parallel_loop3A_499, %parallel_loop3A_500 : i32
      %parallel_loop3A_502 = arith.constant 0 : i32
      %parallel_loop3A_503 = arith.index_cast %parallel_loop3A_502 : i32 to index
      %parallel_loop3A_504 = arith.index_cast %parallel_loop3A_501 : i32 to index
      %parallel_loop3A_505 = tpu.vector_load %arg4[%parallel_loop3A_503, %parallel_loop3A_504] {strides = array<i32>} : memref<4x8192xf32, #tpu.memory_space<vmem>>, vector<16xf32>,
      %parallel_loop3A_506 = arith.constant true
      %parallel_loop3A_507 = vector.broadcast %parallel_loop3A_506 : i1 to vector<16xi1>
      %parallel_loop3A_508 = tpu.scan <sum>, %parallel_loop3A_505 masked %parallel_loop3A_507 : vector<16xf32>, vector<16xi1> -> vector<16xf32>
      %parallel_loop3A_509 = arith.addf %parallel_loop3A_508, %parallel_loop3A_443 : vector<16xf32>
      %parallel_loop3A_510 = arith.constant 0 : i32
      %parallel_loop3A_511 = arith.index_cast %parallel_loop3A_510 : i32 to index
      %parallel_loop3A_512 = arith.index_cast %parallel_loop3A_501 : i32 to index
      %parallel_loop3A_513 = tpu.vector_load %arg4[%parallel_loop3A_511, %parallel_loop3A_512] {strides = array<i32>} : memref<4x8192xf32, #tpu.memory_space<vmem>>, vector<16xf32>,
      tpu.vector_store %arg4[%parallel_loop3A_511, %parallel_loop3A_512], %parallel_loop3A_509 {strides = array<i32>} : memref<4x8192xf32, #tpu.memory_space<vmem>>, vector<16xf32>,
      %parallel_loop3A_514 = arith.constant true
      %parallel_loop3A_515 = vector.broadcast %parallel_loop3A_514 : i1 to vector<16xi1>
      %parallel_loop3A_516 = tpu.scan <sum>, %parallel_loop3A_505 masked %parallel_loop3A_515 : vector<16xf32>, vector<16xi1> -> vector<16xf32>
      %parallel_loop3A_517 = vector.extract %parallel_loop3A_516[15] : f32 from vector<16xf32>
      %parallel_loop3A_518 = vector.broadcast %parallel_loop3A_517 : f32 to vector<16xf32>
      %parallel_loop3A_519 = arith.addf %parallel_loop3A_443, %parallel_loop3A_518 : vector<16xf32>
      %parallel_loop3A_520 = arith.constant 1 : i32
      %parallel_loop3A_521 = arith.index_cast %parallel_loop3A_520 : i32 to index
      %parallel_loop3A_522 = arith.index_cast %parallel_loop3A_501 : i32 to index
      %parallel_loop3A_523 = tpu.vector_load %arg4[%parallel_loop3A_521, %parallel_loop3A_522] {strides = array<i32>} : memref<4x8192xf32, #tpu.memory_space<vmem>>, vector<16xf32>,
      %parallel_loop3A_524 = arith.constant true
      %parallel_loop3A_525 = vector.broadcast %parallel_loop3A_524 : i1 to vector<16xi1>
      %parallel_loop3A_526 = tpu.scan <sum>, %parallel_loop3A_523 masked %parallel_loop3A_525 : vector<16xf32>, vector<16xi1> -> vector<16xf32>
      %parallel_loop3A_527 = arith.addf %parallel_loop3A_526, %parallel_loop3A_461 : vector<16xf32>
      %parallel_loop3A_528 = arith.constant 1 : i32
      %parallel_loop3A_529 = arith.index_cast %parallel_loop3A_528 : i32 to index
      %parallel_loop3A_530 = arith.index_cast %parallel_loop3A_501 : i32 to index
      %parallel_loop3A_531 = tpu.vector_load %arg4[%parallel_loop3A_529, %parallel_loop3A_530] {strides = array<i32>} : memref<4x8192xf32, #tpu.memory_space<vmem>>, vector<16xf32>,
      tpu.vector_store %arg4[%parallel_loop3A_529, %parallel_loop3A_530], %parallel_loop3A_527 {strides = array<i32>} : memref<4x8192xf32, #tpu.memory_space<vmem>>, vector<16xf32>,
      %parallel_loop3A_532 = arith.constant true
      %parallel_loop3A_533 = vector.broadcast %parallel_loop3A_532 : i1 to vector<16xi1>
      %parallel_loop3A_534 = tpu.scan <sum>, %parallel_loop3A_523 masked %parallel_loop3A_533 : vector<16xf32>, vector<16xi1> -> vector<16xf32>
      %parallel_loop3A_535 = vector.extract %parallel_loop3A_534[15] : f32 from vector<16xf32>
      %parallel_loop3A_536 = vector.broadcast %parallel_loop3A_535 : f32 to vector<16xf32>
      %parallel_loop3A_537 = arith.addf %parallel_loop3A_461, %parallel_loop3A_536 : vector<16xf32>
      %parallel_loop3A_538 = arith.constant 2 : i32
      %parallel_loop3A_539 = arith.index_cast %parallel_loop3A_538 : i32 to index
      %parallel_loop3A_540 = arith.index_cast %parallel_loop3A_501 : i32 to index
      %parallel_loop3A_541 = tpu.vector_load %arg4[%parallel_loop3A_539, %parallel_loop3A_540] {strides = array<i32>} : memref<4x8192xf32, #tpu.memory_space<vmem>>, vector<16xf32>,
      %parallel_loop3A_542 = arith.constant true
      %parallel_loop3A_543 = vector.broadcast %parallel_loop3A_542 : i1 to vector<16xi1>
      %parallel_loop3A_544 = tpu.scan <sum>, %parallel_loop3A_541 masked %parallel_loop3A_543 : vector<16xf32>, vector<16xi1> -> vector<16xf32>
      %parallel_loop3A_545 = arith.addf %parallel_loop3A_544, %parallel_loop3A_479 : vector<16xf32>
      %parallel_loop3A_546 = arith.constant 2 : i32
      %parallel_loop3A_547 = arith.index_cast %parallel_loop3A_546 : i32 to index
      %parallel_loop3A_548 = arith.index_cast %parallel_loop3A_501 : i32 to index
      %parallel_loop3A_549 = tpu.vector_load %arg4[%parallel_loop3A_547, %parallel_loop3A_548] {strides = array<i32>} : memref<4x8192xf32, #tpu.memory_space<vmem>>, vector<16xf32>,
      tpu.vector_store %arg4[%parallel_loop3A_547, %parallel_loop3A_548], %parallel_loop3A_545 {strides = array<i32>} : memref<4x8192xf32, #tpu.memory_space<vmem>>, vector<16xf32>,
      %parallel_loop3A_550 = arith.constant true
      %parallel_loop3A_551 = vector.broadcast %parallel_loop3A_550 : i1 to vector<16xi1>
      %parallel_loop3A_552 = tpu.scan <sum>, %parallel_loop3A_541 masked %parallel_loop3A_551 : vector<16xf32>, vector<16xi1> -> vector<16xf32>
      %parallel_loop3A_553 = vector.extract %parallel_loop3A_552[15] : f32 from vector<16xf32>
      %parallel_loop3A_554 = vector.broadcast %parallel_loop3A_553 : f32 to vector<16xf32>
      %parallel_loop3A_555 = arith.addf %parallel_loop3A_479, %parallel_loop3A_554 : vector<16xf32>
      %parallel_loop3A_556 = arith.constant 3 : i32
      %parallel_loop3A_557 = arith.index_cast %parallel_loop3A_556 : i32 to index
      %parallel_loop3A_558 = arith.index_cast %parallel_loop3A_501 : i32 to index
      %parallel_loop3A_559 = tpu.vector_load %arg4[%parallel_loop3A_557, %parallel_loop3A_558] {strides = array<i32>} : memref<4x8192xf32, #tpu.memory_space<vmem>>, vector<16xf32>,
      %parallel_loop3A_560 = arith.constant true
      %parallel_loop3A_561 = vector.broadcast %parallel_loop3A_560 : i1 to vector<16xi1>
      %parallel_loop3A_562 = tpu.scan <sum>, %parallel_loop3A_559 masked %parallel_loop3A_561 : vector<16xf32>, vector<16xi1> -> vector<16xf32>
      %parallel_loop3A_563 = arith.addf %parallel_loop3A_562, %parallel_loop3A_497 : vector<16xf32>
      %parallel_loop3A_564 = arith.constant 3 : i32
      %parallel_loop3A_565 = arith.index_cast %parallel_loop3A_564 : i32 to index
      %parallel_loop3A_566 = arith.index_cast %parallel_loop3A_501 : i32 to index
      %parallel_loop3A_567 = tpu.vector_load %arg4[%parallel_loop3A_565, %parallel_loop3A_566] {strides = array<i32>} : memref<4x8192xf32, #tpu.memory_space<vmem>>, vector<16xf32>,
      tpu.vector_store %arg4[%parallel_loop3A_565, %parallel_loop3A_566], %parallel_loop3A_563 {strides = array<i32>} : memref<4x8192xf32, #tpu.memory_space<vmem>>, vector<16xf32>,
      %parallel_loop3A_568 = arith.constant true
      %parallel_loop3A_569 = vector.broadcast %parallel_loop3A_568 : i1 to vector<16xi1>
      %parallel_loop3A_570 = tpu.scan <sum>, %parallel_loop3A_559 masked %parallel_loop3A_569 : vector<16xf32>, vector<16xi1> -> vector<16xf32>
      %parallel_loop3A_571 = vector.extract %parallel_loop3A_570[15] : f32 from vector<16xf32>
      %parallel_loop3A_572 = vector.broadcast %parallel_loop3A_571 : f32 to vector<16xf32>
      %parallel_loop3A_573 = arith.addf %parallel_loop3A_497, %parallel_loop3A_572 : vector<16xf32>
      %parallel_loop3A_574 = arith.constant 3 : i32
      %parallel_loop3A_575 = arith.addi %parallel_loop3A_281, %parallel_loop3A_574 : i32
      %parallel_loop3A_576 = arith.constant 16 : i32
      %parallel_loop3A_577 = arith.muli %parallel_loop3A_575, %parallel_loop3A_576 : i32
      %parallel_loop3A_578 = arith.constant 0 : i32
      %parallel_loop3A_579 = arith.index_cast %parallel_loop3A_578 : i32 to index
      %parallel_loop3A_580 = arith.index_cast %parallel_loop3A_577 : i32 to index
      %parallel_loop3A_581 = tpu.vector_load %arg4[%parallel_loop3A_579, %parallel_loop3A_580] {strides = array<i32>} : memref<4x8192xf32, #tpu.memory_space<vmem>>, vector<16xf32>,
      %parallel_loop3A_582 = arith.constant true
      %parallel_loop3A_583 = vector.broadcast %parallel_loop3A_582 : i1 to vector<16xi1>
      %parallel_loop3A_584 = tpu.scan <sum>, %parallel_loop3A_581 masked %parallel_loop3A_583 : vector<16xf32>, vector<16xi1> -> vector<16xf32>
      %parallel_loop3A_585 = arith.addf %parallel_loop3A_584, %parallel_loop3A_519 : vector<16xf32>
      %parallel_loop3A_586 = arith.constant 0 : i32
      %parallel_loop3A_587 = arith.index_cast %parallel_loop3A_586 : i32 to index
      %parallel_loop3A_588 = arith.index_cast %parallel_loop3A_577 : i32 to index
      %parallel_loop3A_589 = tpu.vector_load %arg4[%parallel_loop3A_587, %parallel_loop3A_588] {strides = array<i32>} : memref<4x8192xf32, #tpu.memory_space<vmem>>, vector<16xf32>,
      tpu.vector_store %arg4[%parallel_loop3A_587, %parallel_loop3A_588], %parallel_loop3A_585 {strides = array<i32>} : memref<4x8192xf32, #tpu.memory_space<vmem>>, vector<16xf32>,
      %parallel_loop3A_590 = arith.constant true
      %parallel_loop3A_591 = vector.broadcast %parallel_loop3A_590 : i1 to vector<16xi1>
      %parallel_loop3A_592 = tpu.scan <sum>, %parallel_loop3A_581 masked %parallel_loop3A_591 : vector<16xf32>, vector<16xi1> -> vector<16xf32>
      %parallel_loop3A_593 = vector.extract %parallel_loop3A_592[15] : f32 from vector<16xf32>
      %parallel_loop3A_594 = vector.broadcast %parallel_loop3A_593 : f32 to vector<16xf32>
      %parallel_loop3A_595 = arith.addf %parallel_loop3A_519, %parallel_loop3A_594 : vector<16xf32>
      %parallel_loop3A_596 = arith.constant 1 : i32
      %parallel_loop3A_597 = arith.index_cast %parallel_loop3A_596 : i32 to index
      %parallel_loop3A_598 = arith.index_cast %parallel_loop3A_577 : i32 to index
      %parallel_loop3A_599 = tpu.vector_load %arg4[%parallel_loop3A_597, %parallel_loop3A_598] {strides = array<i32>} : memref<4x8192xf32, #tpu.memory_space<vmem>>, vector<16xf32>,
      %parallel_loop3A_600 = arith.constant true
      %parallel_loop3A_601 = vector.broadcast %parallel_loop3A_600 : i1 to vector<16xi1>
      %parallel_loop3A_602 = tpu.scan <sum>, %parallel_loop3A_599 masked %parallel_loop3A_601 : vector<16xf32>, vector<16xi1> -> vector<16xf32>
      %parallel_loop3A_603 = arith.addf %parallel_loop3A_602, %parallel_loop3A_537 : vector<16xf32>
      %parallel_loop3A_604 = arith.constant 1 : i32
      %parallel_loop3A_605 = arith.index_cast %parallel_loop3A_604 : i32 to index
      %parallel_loop3A_606 = arith.index_cast %parallel_loop3A_577 : i32 to index
      %parallel_loop3A_607 = tpu.vector_load %arg4[%parallel_loop3A_605, %parallel_loop3A_606] {strides = array<i32>} : memref<4x8192xf32, #tpu.memory_space<vmem>>, vector<16xf32>,
      tpu.vector_store %arg4[%parallel_loop3A_605, %parallel_loop3A_606], %parallel_loop3A_603 {strides = array<i32>} : memref<4x8192xf32, #tpu.memory_space<vmem>>, vector<16xf32>,
      %parallel_loop3A_608 = arith.constant true
      %parallel_loop3A_609 = vector.broadcast %parallel_loop3A_608 : i1 to vector<16xi1>
      %parallel_loop3A_610 = tpu.scan <sum>, %parallel_loop3A_599 masked %parallel_loop3A_609 : vector<16xf32>, vector<16xi1> -> vector<16xf32>
      %parallel_loop3A_611 = vector.extract %parallel_loop3A_610[15] : f32 from vector<16xf32>
      %parallel_loop3A_612 = vector.broadcast %parallel_loop3A_611 : f32 to vector<16xf32>
      %parallel_loop3A_613 = arith.addf %parallel_loop3A_537, %parallel_loop3A_612 : vector<16xf32>
      %parallel_loop3A_614 = arith.constant 2 : i32
      %parallel_loop3A_615 = arith.index_cast %parallel_loop3A_614 : i32 to index
      %parallel_loop3A_616 = arith.index_cast %parallel_loop3A_577 : i32 to index
      %parallel_loop3A_617 = tpu.vector_load %arg4[%parallel_loop3A_615, %parallel_loop3A_616] {strides = array<i32>} : memref<4x8192xf32, #tpu.memory_space<vmem>>, vector<16xf32>,
      %parallel_loop3A_618 = arith.constant true
      %parallel_loop3A_619 = vector.broadcast %parallel_loop3A_618 : i1 to vector<16xi1>
      %parallel_loop3A_620 = tpu.scan <sum>, %parallel_loop3A_617 masked %parallel_loop3A_619 : vector<16xf32>, vector<16xi1> -> vector<16xf32>
      %parallel_loop3A_621 = arith.addf %parallel_loop3A_620, %parallel_loop3A_555 : vector<16xf32>
      %parallel_loop3A_622 = arith.constant 2 : i32
      %parallel_loop3A_623 = arith.index_cast %parallel_loop3A_622 : i32 to index
      %parallel_loop3A_624 = arith.index_cast %parallel_loop3A_577 : i32 to index
      %parallel_loop3A_625 = tpu.vector_load %arg4[%parallel_loop3A_623, %parallel_loop3A_624] {strides = array<i32>} : memref<4x8192xf32, #tpu.memory_space<vmem>>, vector<16xf32>,
      tpu.vector_store %arg4[%parallel_loop3A_623, %parallel_loop3A_624], %parallel_loop3A_621 {strides = array<i32>} : memref<4x8192xf32, #tpu.memory_space<vmem>>, vector<16xf32>,
      %parallel_loop3A_626 = arith.constant true
      %parallel_loop3A_627 = vector.broadcast %parallel_loop3A_626 : i1 to vector<16xi1>
      %parallel_loop3A_628 = tpu.scan <sum>, %parallel_loop3A_617 masked %parallel_loop3A_627 : vector<16xf32>, vector<16xi1> -> vector<16xf32>
      %parallel_loop3A_629 = vector.extract %parallel_loop3A_628[15] : f32 from vector<16xf32>
      %parallel_loop3A_630 = vector.broadcast %parallel_loop3A_629 : f32 to vector<16xf32>
      %parallel_loop3A_631 = arith.addf %parallel_loop3A_555, %parallel_loop3A_630 : vector<16xf32>
      %parallel_loop3A_632 = arith.constant 3 : i32
      %parallel_loop3A_633 = arith.index_cast %parallel_loop3A_632 : i32 to index
      %parallel_loop3A_634 = arith.index_cast %parallel_loop3A_577 : i32 to index
      %parallel_loop3A_635 = tpu.vector_load %arg4[%parallel_loop3A_633, %parallel_loop3A_634] {strides = array<i32>} : memref<4x8192xf32, #tpu.memory_space<vmem>>, vector<16xf32>,
      %parallel_loop3A_636 = arith.constant true
      %parallel_loop3A_637 = vector.broadcast %parallel_loop3A_636 : i1 to vector<16xi1>
      %parallel_loop3A_638 = tpu.scan <sum>, %parallel_loop3A_635 masked %parallel_loop3A_637 : vector<16xf32>, vector<16xi1> -> vector<16xf32>
      %parallel_loop3A_639 = arith.addf %parallel_loop3A_638, %parallel_loop3A_573 : vector<16xf32>
      %parallel_loop3A_640 = arith.constant 3 : i32
      %parallel_loop3A_641 = arith.index_cast %parallel_loop3A_640 : i32 to index
      %parallel_loop3A_642 = arith.index_cast %parallel_loop3A_577 : i32 to index
      %parallel_loop3A_643 = tpu.vector_load %arg4[%parallel_loop3A_641, %parallel_loop3A_642] {strides = array<i32>} : memref<4x8192xf32, #tpu.memory_space<vmem>>, vector<16xf32>,
      tpu.vector_store %arg4[%parallel_loop3A_641, %parallel_loop3A_642], %parallel_loop3A_639 {strides = array<i32>} : memref<4x8192xf32, #tpu.memory_space<vmem>>, vector<16xf32>,
      %parallel_loop3A_644 = arith.constant true
      %parallel_loop3A_645 = vector.broadcast %parallel_loop3A_644 : i1 to vector<16xi1>
      %parallel_loop3A_646 = tpu.scan <sum>, %parallel_loop3A_635 masked %parallel_loop3A_645 : vector<16xf32>, vector<16xi1> -> vector<16xf32>
      %parallel_loop3A_647 = vector.extract %parallel_loop3A_646[15] : f32 from vector<16xf32>
      %parallel_loop3A_648 = vector.broadcast %parallel_loop3A_647 : f32 to vector<16xf32>
      %parallel_loop3A_649 = arith.addf %parallel_loop3A_573, %parallel_loop3A_648 : vector<16xf32>
      %parallel_loop3A_650 = arith.constant 4 : i32
      %parallel_loop3A_651 = arith.addi %parallel_loop3A_281, %parallel_loop3A_650 : i32
      %parallel_loop3A_652 = arith.constant 16 : i32
      %parallel_loop3A_653 = arith.muli %parallel_loop3A_651, %parallel_loop3A_652 : i32
      %parallel_loop3A_654 = arith.constant 0 : i32
      %parallel_loop3A_655 = arith.index_cast %parallel_loop3A_654 : i32 to index
      %parallel_loop3A_656 = arith.index_cast %parallel_loop3A_653 : i32 to index
      %parallel_loop3A_657 = tpu.vector_load %arg4[%parallel_loop3A_655, %parallel_loop3A_656] {strides = array<i32>} : memref<4x8192xf32, #tpu.memory_space<vmem>>, vector<16xf32>,
      %parallel_loop3A_658 = arith.constant true
      %parallel_loop3A_659 = vector.broadcast %parallel_loop3A_658 : i1 to vector<16xi1>
      %parallel_loop3A_660 = tpu.scan <sum>, %parallel_loop3A_657 masked %parallel_loop3A_659 : vector<16xf32>, vector<16xi1> -> vector<16xf32>
      %parallel_loop3A_661 = arith.addf %parallel_loop3A_660, %parallel_loop3A_595 : vector<16xf32>
      %parallel_loop3A_662 = arith.constant 0 : i32
      %parallel_loop3A_663 = arith.index_cast %parallel_loop3A_662 : i32 to index
      %parallel_loop3A_664 = arith.index_cast %parallel_loop3A_653 : i32 to index
      %parallel_loop3A_665 = tpu.vector_load %arg4[%parallel_loop3A_663, %parallel_loop3A_664] {strides = array<i32>} : memref<4x8192xf32, #tpu.memory_space<vmem>>, vector<16xf32>,
      tpu.vector_store %arg4[%parallel_loop3A_663, %parallel_loop3A_664], %parallel_loop3A_661 {strides = array<i32>} : memref<4x8192xf32, #tpu.memory_space<vmem>>, vector<16xf32>,
      %parallel_loop3A_666 = arith.constant true
      %parallel_loop3A_667 = vector.broadcast %parallel_loop3A_666 : i1 to vector<16xi1>
      %parallel_loop3A_668 = tpu.scan <sum>, %parallel_loop3A_657 masked %parallel_loop3A_667 : vector<16xf32>, vector<16xi1> -> vector<16xf32>
      %parallel_loop3A_669 = vector.extract %parallel_loop3A_668[15] : f32 from vector<16xf32>
      %parallel_loop3A_670 = vector.broadcast %parallel_loop3A_669 : f32 to vector<16xf32>
      %parallel_loop3A_671 = arith.addf %parallel_loop3A_595, %parallel_loop3A_670 : vector<16xf32>
      %parallel_loop3A_672 = arith.constant 1 : i32
      %parallel_loop3A_673 = arith.index_cast %parallel_loop3A_672 : i32 to index
      %parallel_loop3A_674 = arith.index_cast %parallel_loop3A_653 : i32 to index
      %parallel_loop3A_675 = tpu.vector_load %arg4[%parallel_loop3A_673, %parallel_loop3A_674] {strides = array<i32>} : memref<4x8192xf32, #tpu.memory_space<vmem>>, vector<16xf32>,
      %parallel_loop3A_676 = arith.constant true
      %parallel_loop3A_677 = vector.broadcast %parallel_loop3A_676 : i1 to vector<16xi1>
      %parallel_loop3A_678 = tpu.scan <sum>, %parallel_loop3A_675 masked %parallel_loop3A_677 : vector<16xf32>, vector<16xi1> -> vector<16xf32>
      %parallel_loop3A_679 = arith.addf %parallel_loop3A_678, %parallel_loop3A_613 : vector<16xf32>
      %parallel_loop3A_680 = arith.constant 1 : i32
      %parallel_loop3A_681 = arith.index_cast %parallel_loop3A_680 : i32 to index
      %parallel_loop3A_682 = arith.index_cast %parallel_loop3A_653 : i32 to index
      %parallel_loop3A_683 = tpu.vector_load %arg4[%parallel_loop3A_681, %parallel_loop3A_682] {strides = array<i32>} : memref<4x8192xf32, #tpu.memory_space<vmem>>, vector<16xf32>,
      tpu.vector_store %arg4[%parallel_loop3A_681, %parallel_loop3A_682], %parallel_loop3A_679 {strides = array<i32>} : memref<4x8192xf32, #tpu.memory_space<vmem>>, vector<16xf32>,
      %parallel_loop3A_684 = arith.constant true
      %parallel_loop3A_685 = vector.broadcast %parallel_loop3A_684 : i1 to vector<16xi1>
      %parallel_loop3A_686 = tpu.scan <sum>, %parallel_loop3A_675 masked %parallel_loop3A_685 : vector<16xf32>, vector<16xi1> -> vector<16xf32>
      %parallel_loop3A_687 = vector.extract %parallel_loop3A_686[15] : f32 from vector<16xf32>
      %parallel_loop3A_688 = vector.broadcast %parallel_loop3A_687 : f32 to vector<16xf32>
      %parallel_loop3A_689 = arith.addf %parallel_loop3A_613, %parallel_loop3A_688 : vector<16xf32>
      %parallel_loop3A_690 = arith.constant 2 : i32
      %parallel_loop3A_691 = arith.index_cast %parallel_loop3A_690 : i32 to index
      %parallel_loop3A_692 = arith.index_cast %parallel_loop3A_653 : i32 to index
      %parallel_loop3A_693 = tpu.vector_load %arg4[%parallel_loop3A_691, %parallel_loop3A_692] {strides = array<i32>} : memref<4x8192xf32, #tpu.memory_space<vmem>>, vector<16xf32>,
      %parallel_loop3A_694 = arith.constant true
      %parallel_loop3A_695 = vector.broadcast %parallel_loop3A_694 : i1 to vector<16xi1>
      %parallel_loop3A_696 = tpu.scan <sum>, %parallel_loop3A_693 masked %parallel_loop3A_695 : vector<16xf32>, vector<16xi1> -> vector<16xf32>
      %parallel_loop3A_697 = arith.addf %parallel_loop3A_696, %parallel_loop3A_631 : vector<16xf32>
      %parallel_loop3A_698 = arith.constant 2 : i32
      %parallel_loop3A_699 = arith.index_cast %parallel_loop3A_698 : i32 to index
      %parallel_loop3A_700 = arith.index_cast %parallel_loop3A_653 : i32 to index
      %parallel_loop3A_701 = tpu.vector_load %arg4[%parallel_loop3A_699, %parallel_loop3A_700] {strides = array<i32>} : memref<4x8192xf32, #tpu.memory_space<vmem>>, vector<16xf32>,
      tpu.vector_store %arg4[%parallel_loop3A_699, %parallel_loop3A_700], %parallel_loop3A_697 {strides = array<i32>} : memref<4x8192xf32, #tpu.memory_space<vmem>>, vector<16xf32>,
      %parallel_loop3A_702 = arith.constant true
      %parallel_loop3A_703 = vector.broadcast %parallel_loop3A_702 : i1 to vector<16xi1>
      %parallel_loop3A_704 = tpu.scan <sum>, %parallel_loop3A_693 masked %parallel_loop3A_703 : vector<16xf32>, vector<16xi1> -> vector<16xf32>
      %parallel_loop3A_705 = vector.extract %parallel_loop3A_704[15] : f32 from vector<16xf32>
      %parallel_loop3A_706 = vector.broadcast %parallel_loop3A_705 : f32 to vector<16xf32>
      %parallel_loop3A_707 = arith.addf %parallel_loop3A_631, %parallel_loop3A_706 : vector<16xf32>
      %parallel_loop3A_708 = arith.constant 3 : i32
      %parallel_loop3A_709 = arith.index_cast %parallel_loop3A_708 : i32 to index
      %parallel_loop3A_710 = arith.index_cast %parallel_loop3A_653 : i32 to index
      %parallel_loop3A_711 = tpu.vector_load %arg4[%parallel_loop3A_709, %parallel_loop3A_710] {strides = array<i32>} : memref<4x8192xf32, #tpu.memory_space<vmem>>, vector<16xf32>,
      %parallel_loop3A_712 = arith.constant true
      %parallel_loop3A_713 = vector.broadcast %parallel_loop3A_712 : i1 to vector<16xi1>
      %parallel_loop3A_714 = tpu.scan <sum>, %parallel_loop3A_711 masked %parallel_loop3A_713 : vector<16xf32>, vector<16xi1> -> vector<16xf32>
      %parallel_loop3A_715 = arith.addf %parallel_loop3A_714, %parallel_loop3A_649 : vector<16xf32>
      %parallel_loop3A_716 = arith.constant 3 : i32
      %parallel_loop3A_717 = arith.index_cast %parallel_loop3A_716 : i32 to index
      %parallel_loop3A_718 = arith.index_cast %parallel_loop3A_653 : i32 to index
      %parallel_loop3A_719 = tpu.vector_load %arg4[%parallel_loop3A_717, %parallel_loop3A_718] {strides = array<i32>} : memref<4x8192xf32, #tpu.memory_space<vmem>>, vector<16xf32>,
      tpu.vector_store %arg4[%parallel_loop3A_717, %parallel_loop3A_718], %parallel_loop3A_715 {strides = array<i32>} : memref<4x8192xf32, #tpu.memory_space<vmem>>, vector<16xf32>,
      %parallel_loop3A_720 = arith.constant true
      %parallel_loop3A_721 = vector.broadcast %parallel_loop3A_720 : i1 to vector<16xi1>
      %parallel_loop3A_722 = tpu.scan <sum>, %parallel_loop3A_711 masked %parallel_loop3A_721 : vector<16xf32>, vector<16xi1> -> vector<16xf32>
      %parallel_loop3A_723 = vector.extract %parallel_loop3A_722[15] : f32 from vector<16xf32>
      %parallel_loop3A_724 = vector.broadcast %parallel_loop3A_723 : f32 to vector<16xf32>
      %parallel_loop3A_725 = arith.addf %parallel_loop3A_649, %parallel_loop3A_724 : vector<16xf32>
      %parallel_loop3A_726 = arith.constant 5 : i32
      %parallel_loop3A_727 = arith.addi %parallel_loop3A_281, %parallel_loop3A_726 : i32
      %parallel_loop3A_728 = arith.constant 16 : i32
      %parallel_loop3A_729 = arith.muli %parallel_loop3A_727, %parallel_loop3A_728 : i32
      %parallel_loop3A_730 = arith.constant 0 : i32
      %parallel_loop3A_731 = arith.index_cast %parallel_loop3A_730 : i32 to index
      %parallel_loop3A_732 = arith.index_cast %parallel_loop3A_729 : i32 to index
      %parallel_loop3A_733 = tpu.vector_load %arg4[%parallel_loop3A_731, %parallel_loop3A_732] {strides = array<i32>} : memref<4x8192xf32, #tpu.memory_space<vmem>>, vector<16xf32>,
      %parallel_loop3A_734 = arith.constant true
      %parallel_loop3A_735 = vector.broadcast %parallel_loop3A_734 : i1 to vector<16xi1>
      %parallel_loop3A_736 = tpu.scan <sum>, %parallel_loop3A_733 masked %parallel_loop3A_735 : vector<16xf32>, vector<16xi1> -> vector<16xf32>
      %parallel_loop3A_737 = arith.addf %parallel_loop3A_736, %parallel_loop3A_671 : vector<16xf32>
      %parallel_loop3A_738 = arith.constant 0 : i32
      %parallel_loop3A_739 = arith.index_cast %parallel_loop3A_738 : i32 to index
      %parallel_loop3A_740 = arith.index_cast %parallel_loop3A_729 : i32 to index
      %parallel_loop3A_741 = tpu.vector_load %arg4[%parallel_loop3A_739, %parallel_loop3A_740] {strides = array<i32>} : memref<4x8192xf32, #tpu.memory_space<vmem>>, vector<16xf32>,
      tpu.vector_store %arg4[%parallel_loop3A_739, %parallel_loop3A_740], %parallel_loop3A_737 {strides = array<i32>} : memref<4x8192xf32, #tpu.memory_space<vmem>>, vector<16xf32>,
      %parallel_loop3A_742 = arith.constant true
      %parallel_loop3A_743 = vector.broadcast %parallel_loop3A_742 : i1 to vector<16xi1>
      %parallel_loop3A_744 = tpu.scan <sum>, %parallel_loop3A_733 masked %parallel_loop3A_743 : vector<16xf32>, vector<16xi1> -> vector<16xf32>
      %parallel_loop3A_745 = vector.extract %parallel_loop3A_744[15] : f32 from vector<16xf32>
      %parallel_loop3A_746 = vector.broadcast %parallel_loop3A_745 : f32 to vector<16xf32>
      %parallel_loop3A_747 = arith.addf %parallel_loop3A_671, %parallel_loop3A_746 : vector<16xf32>
      %parallel_loop3A_748 = arith.constant 1 : i32
      %parallel_loop3A_749 = arith.index_cast %parallel_loop3A_748 : i32 to index
      %parallel_loop3A_750 = arith.index_cast %parallel_loop3A_729 : i32 to index
      %parallel_loop3A_751 = tpu.vector_load %arg4[%parallel_loop3A_749, %parallel_loop3A_750] {strides = array<i32>} : memref<4x8192xf32, #tpu.memory_space<vmem>>, vector<16xf32>,
      %parallel_loop3A_752 = arith.constant true
      %parallel_loop3A_753 = vector.broadcast %parallel_loop3A_752 : i1 to vector<16xi1>
      %parallel_loop3A_754 = tpu.scan <sum>, %parallel_loop3A_751 masked %parallel_loop3A_753 : vector<16xf32>, vector<16xi1> -> vector<16xf32>
      %parallel_loop3A_755 = arith.addf %parallel_loop3A_754, %parallel_loop3A_689 : vector<16xf32>
      %parallel_loop3A_756 = arith.constant 1 : i32
      %parallel_loop3A_757 = arith.index_cast %parallel_loop3A_756 : i32 to index
      %parallel_loop3A_758 = arith.index_cast %parallel_loop3A_729 : i32 to index
      %parallel_loop3A_759 = tpu.vector_load %arg4[%parallel_loop3A_757, %parallel_loop3A_758] {strides = array<i32>} : memref<4x8192xf32, #tpu.memory_space<vmem>>, vector<16xf32>,
      tpu.vector_store %arg4[%parallel_loop3A_757, %parallel_loop3A_758], %parallel_loop3A_755 {strides = array<i32>} : memref<4x8192xf32, #tpu.memory_space<vmem>>, vector<16xf32>,
      %parallel_loop3A_760 = arith.constant true
      %parallel_loop3A_761 = vector.broadcast %parallel_loop3A_760 : i1 to vector<16xi1>
      %parallel_loop3A_762 = tpu.scan <sum>, %parallel_loop3A_751 masked %parallel_loop3A_761 : vector<16xf32>, vector<16xi1> -> vector<16xf32>
      %parallel_loop3A_763 = vector.extract %parallel_loop3A_762[15] : f32 from vector<16xf32>
      %parallel_loop3A_764 = vector.broadcast %parallel_loop3A_763 : f32 to vector<16xf32>
      %parallel_loop3A_765 = arith.addf %parallel_loop3A_689, %parallel_loop3A_764 : vector<16xf32>
      %parallel_loop3A_766 = arith.constant 2 : i32
      %parallel_loop3A_767 = arith.index_cast %parallel_loop3A_766 : i32 to index
      %parallel_loop3A_768 = arith.index_cast %parallel_loop3A_729 : i32 to index
      %parallel_loop3A_769 = tpu.vector_load %arg4[%parallel_loop3A_767, %parallel_loop3A_768] {strides = array<i32>} : memref<4x8192xf32, #tpu.memory_space<vmem>>, vector<16xf32>,
      %parallel_loop3A_770 = arith.constant true
      %parallel_loop3A_771 = vector.broadcast %parallel_loop3A_770 : i1 to vector<16xi1>
      %parallel_loop3A_772 = tpu.scan <sum>, %parallel_loop3A_769 masked %parallel_loop3A_771 : vector<16xf32>, vector<16xi1> -> vector<16xf32>
      %parallel_loop3A_773 = arith.addf %parallel_loop3A_772, %parallel_loop3A_707 : vector<16xf32>
      %parallel_loop3A_774 = arith.constant 2 : i32
      %parallel_loop3A_775 = arith.index_cast %parallel_loop3A_774 : i32 to index
      %parallel_loop3A_776 = arith.index_cast %parallel_loop3A_729 : i32 to index
      %parallel_loop3A_777 = tpu.vector_load %arg4[%parallel_loop3A_775, %parallel_loop3A_776] {strides = array<i32>} : memref<4x8192xf32, #tpu.memory_space<vmem>>, vector<16xf32>,
      tpu.vector_store %arg4[%parallel_loop3A_775, %parallel_loop3A_776], %parallel_loop3A_773 {strides = array<i32>} : memref<4x8192xf32, #tpu.memory_space<vmem>>, vector<16xf32>,
      %parallel_loop3A_778 = arith.constant true
      %parallel_loop3A_779 = vector.broadcast %parallel_loop3A_778 : i1 to vector<16xi1>
      %parallel_loop3A_780 = tpu.scan <sum>, %parallel_loop3A_769 masked %parallel_loop3A_779 : vector<16xf32>, vector<16xi1> -> vector<16xf32>
      %parallel_loop3A_781 = vector.extract %parallel_loop3A_780[15] : f32 from vector<16xf32>
      %parallel_loop3A_782 = vector.broadcast %parallel_loop3A_781 : f32 to vector<16xf32>
      %parallel_loop3A_783 = arith.addf %parallel_loop3A_707, %parallel_loop3A_782 : vector<16xf32>
      %parallel_loop3A_784 = arith.constant 3 : i32
      %parallel_loop3A_785 = arith.index_cast %parallel_loop3A_784 : i32 to index
      %parallel_loop3A_786 = arith.index_cast %parallel_loop3A_729 : i32 to index
      %parallel_loop3A_787 = tpu.vector_load %arg4[%parallel_loop3A_785, %parallel_loop3A_786] {strides = array<i32>} : memref<4x8192xf32, #tpu.memory_space<vmem>>, vector<16xf32>,
      %parallel_loop3A_788 = arith.constant true
      %parallel_loop3A_789 = vector.broadcast %parallel_loop3A_788 : i1 to vector<16xi1>
      %parallel_loop3A_790 = tpu.scan <sum>, %parallel_loop3A_787 masked %parallel_loop3A_789 : vector<16xf32>, vector<16xi1> -> vector<16xf32>
      %parallel_loop3A_791 = arith.addf %parallel_loop3A_790, %parallel_loop3A_725 : vector<16xf32>
      %parallel_loop3A_792 = arith.constant 3 : i32
      %parallel_loop3A_793 = arith.index_cast %parallel_loop3A_792 : i32 to index
      %parallel_loop3A_794 = arith.index_cast %parallel_loop3A_729 : i32 to index
      %parallel_loop3A_795 = tpu.vector_load %arg4[%parallel_loop3A_793, %parallel_loop3A_794] {strides = array<i32>} : memref<4x8192xf32, #tpu.memory_space<vmem>>, vector<16xf32>,
      tpu.vector_store %arg4[%parallel_loop3A_793, %parallel_loop3A_794], %parallel_loop3A_791 {strides = array<i32>} : memref<4x8192xf32, #tpu.memory_space<vmem>>, vector<16xf32>,
      %parallel_loop3A_796 = arith.constant true
      %parallel_loop3A_797 = vector.broadcast %parallel_loop3A_796 : i1 to vector<16xi1>
      %parallel_loop3A_798 = tpu.scan <sum>, %parallel_loop3A_787 masked %parallel_loop3A_797 : vector<16xf32>, vector<16xi1> -> vector<16xf32>
      %parallel_loop3A_799 = vector.extract %parallel_loop3A_798[15] : f32 from vector<16xf32>
      %parallel_loop3A_800 = vector.broadcast %parallel_loop3A_799 : f32 to vector<16xf32>
      %parallel_loop3A_801 = arith.addf %parallel_loop3A_725, %parallel_loop3A_800 : vector<16xf32>
      %parallel_loop3A_802 = arith.constant 6 : i32
      %parallel_loop3A_803 = arith.addi %parallel_loop3A_281, %parallel_loop3A_802 : i32
      %parallel_loop3A_804 = arith.constant 16 : i32
      %parallel_loop3A_805 = arith.muli %parallel_loop3A_803, %parallel_loop3A_804 : i32
      %parallel_loop3A_806 = arith.constant 0 : i32
      %parallel_loop3A_807 = arith.index_cast %parallel_loop3A_806 : i32 to index
      %parallel_loop3A_808 = arith.index_cast %parallel_loop3A_805 : i32 to index
      %parallel_loop3A_809 = tpu.vector_load %arg4[%parallel_loop3A_807, %parallel_loop3A_808] {strides = array<i32>} : memref<4x8192xf32, #tpu.memory_space<vmem>>, vector<16xf32>,
      %parallel_loop3A_810 = arith.constant true
      %parallel_loop3A_811 = vector.broadcast %parallel_loop3A_810 : i1 to vector<16xi1>
      %parallel_loop3A_812 = tpu.scan <sum>, %parallel_loop3A_809 masked %parallel_loop3A_811 : vector<16xf32>, vector<16xi1> -> vector<16xf32>
      %parallel_loop3A_813 = arith.addf %parallel_loop3A_812, %parallel_loop3A_747 : vector<16xf32>
      %parallel_loop3A_814 = arith.constant 0 : i32
      %parallel_loop3A_815 = arith.index_cast %parallel_loop3A_814 : i32 to index
      %parallel_loop3A_816 = arith.index_cast %parallel_loop3A_805 : i32 to index
      %parallel_loop3A_817 = tpu.vector_load %arg4[%parallel_loop3A_815, %parallel_loop3A_816] {strides = array<i32>} : memref<4x8192xf32, #tpu.memory_space<vmem>>, vector<16xf32>,
      tpu.vector_store %arg4[%parallel_loop3A_815, %parallel_loop3A_816], %parallel_loop3A_813 {strides = array<i32>} : memref<4x8192xf32, #tpu.memory_space<vmem>>, vector<16xf32>,
      %parallel_loop3A_818 = arith.constant true
      %parallel_loop3A_819 = vector.broadcast %parallel_loop3A_818 : i1 to vector<16xi1>
      %parallel_loop3A_820 = tpu.scan <sum>, %parallel_loop3A_809 masked %parallel_loop3A_819 : vector<16xf32>, vector<16xi1> -> vector<16xf32>
      %parallel_loop3A_821 = vector.extract %parallel_loop3A_820[15] : f32 from vector<16xf32>
      %parallel_loop3A_822 = vector.broadcast %parallel_loop3A_821 : f32 to vector<16xf32>
      %parallel_loop3A_823 = arith.addf %parallel_loop3A_747, %parallel_loop3A_822 : vector<16xf32>
      %parallel_loop3A_824 = arith.constant 1 : i32
      %parallel_loop3A_825 = arith.index_cast %parallel_loop3A_824 : i32 to index
      %parallel_loop3A_826 = arith.index_cast %parallel_loop3A_805 : i32 to index
      %parallel_loop3A_827 = tpu.vector_load %arg4[%parallel_loop3A_825, %parallel_loop3A_826] {strides = array<i32>} : memref<4x8192xf32, #tpu.memory_space<vmem>>, vector<16xf32>,
      %parallel_loop3A_828 = arith.constant true
      %parallel_loop3A_829 = vector.broadcast %parallel_loop3A_828 : i1 to vector<16xi1>
      %parallel_loop3A_830 = tpu.scan <sum>, %parallel_loop3A_827 masked %parallel_loop3A_829 : vector<16xf32>, vector<16xi1> -> vector<16xf32>
      %parallel_loop3A_831 = arith.addf %parallel_loop3A_830, %parallel_loop3A_765 : vector<16xf32>
      %parallel_loop3A_832 = arith.constant 1 : i32
      %parallel_loop3A_833 = arith.index_cast %parallel_loop3A_832 : i32 to index
      %parallel_loop3A_834 = arith.index_cast %parallel_loop3A_805 : i32 to index
      %parallel_loop3A_835 = tpu.vector_load %arg4[%parallel_loop3A_833, %parallel_loop3A_834] {strides = array<i32>} : memref<4x8192xf32, #tpu.memory_space<vmem>>, vector<16xf32>,
      tpu.vector_store %arg4[%parallel_loop3A_833, %parallel_loop3A_834], %parallel_loop3A_831 {strides = array<i32>} : memref<4x8192xf32, #tpu.memory_space<vmem>>, vector<16xf32>,
      %parallel_loop3A_836 = arith.constant true
      %parallel_loop3A_837 = vector.broadcast %parallel_loop3A_836 : i1 to vector<16xi1>
      %parallel_loop3A_838 = tpu.scan <sum>, %parallel_loop3A_827 masked %parallel_loop3A_837 : vector<16xf32>, vector<16xi1> -> vector<16xf32>
      %parallel_loop3A_839 = vector.extract %parallel_loop3A_838[15] : f32 from vector<16xf32>
      %parallel_loop3A_840 = vector.broadcast %parallel_loop3A_839 : f32 to vector<16xf32>
      %parallel_loop3A_841 = arith.addf %parallel_loop3A_765, %parallel_loop3A_840 : vector<16xf32>
      %parallel_loop3A_842 = arith.constant 2 : i32
      %parallel_loop3A_843 = arith.index_cast %parallel_loop3A_842 : i32 to index
      %parallel_loop3A_844 = arith.index_cast %parallel_loop3A_805 : i32 to index
      %parallel_loop3A_845 = tpu.vector_load %arg4[%parallel_loop3A_843, %parallel_loop3A_844] {strides = array<i32>} : memref<4x8192xf32, #tpu.memory_space<vmem>>, vector<16xf32>,
      %parallel_loop3A_846 = arith.constant true
      %parallel_loop3A_847 = vector.broadcast %parallel_loop3A_846 : i1 to vector<16xi1>
      %parallel_loop3A_848 = tpu.scan <sum>, %parallel_loop3A_845 masked %parallel_loop3A_847 : vector<16xf32>, vector<16xi1> -> vector<16xf32>
      %parallel_loop3A_849 = arith.addf %parallel_loop3A_848, %parallel_loop3A_783 : vector<16xf32>
      %parallel_loop3A_850 = arith.constant 2 : i32
      %parallel_loop3A_851 = arith.index_cast %parallel_loop3A_850 : i32 to index
      %parallel_loop3A_852 = arith.index_cast %parallel_loop3A_805 : i32 to index
      %parallel_loop3A_853 = tpu.vector_load %arg4[%parallel_loop3A_851, %parallel_loop3A_852] {strides = array<i32>} : memref<4x8192xf32, #tpu.memory_space<vmem>>, vector<16xf32>,
      tpu.vector_store %arg4[%parallel_loop3A_851, %parallel_loop3A_852], %parallel_loop3A_849 {strides = array<i32>} : memref<4x8192xf32, #tpu.memory_space<vmem>>, vector<16xf32>,
      %parallel_loop3A_854 = arith.constant true
      %parallel_loop3A_855 = vector.broadcast %parallel_loop3A_854 : i1 to vector<16xi1>
      %parallel_loop3A_856 = tpu.scan <sum>, %parallel_loop3A_845 masked %parallel_loop3A_855 : vector<16xf32>, vector<16xi1> -> vector<16xf32>
      %parallel_loop3A_857 = vector.extract %parallel_loop3A_856[15] : f32 from vector<16xf32>
      %parallel_loop3A_858 = vector.broadcast %parallel_loop3A_857 : f32 to vector<16xf32>
      %parallel_loop3A_859 = arith.addf %parallel_loop3A_783, %parallel_loop3A_858 : vector<16xf32>
      %parallel_loop3A_860 = arith.constant 3 : i32
      %parallel_loop3A_861 = arith.index_cast %parallel_loop3A_860 : i32 to index
      %parallel_loop3A_862 = arith.index_cast %parallel_loop3A_805 : i32 to index
      %parallel_loop3A_863 = tpu.vector_load %arg4[%parallel_loop3A_861, %parallel_loop3A_862] {strides = array<i32>} : memref<4x8192xf32, #tpu.memory_space<vmem>>, vector<16xf32>,
      %parallel_loop3A_864 = arith.constant true
      %parallel_loop3A_865 = vector.broadcast %parallel_loop3A_864 : i1 to vector<16xi1>
      %parallel_loop3A_866 = tpu.scan <sum>, %parallel_loop3A_863 masked %parallel_loop3A_865 : vector<16xf32>, vector<16xi1> -> vector<16xf32>
      %parallel_loop3A_867 = arith.addf %parallel_loop3A_866, %parallel_loop3A_801 : vector<16xf32>
      %parallel_loop3A_868 = arith.constant 3 : i32
      %parallel_loop3A_869 = arith.index_cast %parallel_loop3A_868 : i32 to index
      %parallel_loop3A_870 = arith.index_cast %parallel_loop3A_805 : i32 to index
      %parallel_loop3A_871 = tpu.vector_load %arg4[%parallel_loop3A_869, %parallel_loop3A_870] {strides = array<i32>} : memref<4x8192xf32, #tpu.memory_space<vmem>>, vector<16xf32>,
      tpu.vector_store %arg4[%parallel_loop3A_869, %parallel_loop3A_870], %parallel_loop3A_867 {strides = array<i32>} : memref<4x8192xf32, #tpu.memory_space<vmem>>, vector<16xf32>,
      %parallel_loop3A_872 = arith.constant true
      %parallel_loop3A_873 = vector.broadcast %parallel_loop3A_872 : i1 to vector<16xi1>
      %parallel_loop3A_874 = tpu.scan <sum>, %parallel_loop3A_863 masked %parallel_loop3A_873 : vector<16xf32>, vector<16xi1> -> vector<16xf32>
      %parallel_loop3A_875 = vector.extract %parallel_loop3A_874[15] : f32 from vector<16xf32>
      %parallel_loop3A_876 = vector.broadcast %parallel_loop3A_875 : f32 to vector<16xf32>
      %parallel_loop3A_877 = arith.addf %parallel_loop3A_801, %parallel_loop3A_876 : vector<16xf32>
      %parallel_loop3A_878 = arith.constant 7 : i32
      %parallel_loop3A_879 = arith.addi %parallel_loop3A_281, %parallel_loop3A_878 : i32
      %parallel_loop3A_880 = arith.constant 16 : i32
      %parallel_loop3A_881 = arith.muli %parallel_loop3A_879, %parallel_loop3A_880 : i32
      %parallel_loop3A_882 = arith.constant 0 : i32
      %parallel_loop3A_883 = arith.index_cast %parallel_loop3A_882 : i32 to index
      %parallel_loop3A_884 = arith.index_cast %parallel_loop3A_881 : i32 to index
      %parallel_loop3A_885 = tpu.vector_load %arg4[%parallel_loop3A_883, %parallel_loop3A_884] {strides = array<i32>} : memref<4x8192xf32, #tpu.memory_space<vmem>>, vector<16xf32>,
      %parallel_loop3A_886 = arith.constant true
      %parallel_loop3A_887 = vector.broadcast %parallel_loop3A_886 : i1 to vector<16xi1>
      %parallel_loop3A_888 = tpu.scan <sum>, %parallel_loop3A_885 masked %parallel_loop3A_887 : vector<16xf32>, vector<16xi1> -> vector<16xf32>
      %parallel_loop3A_889 = arith.addf %parallel_loop3A_888, %parallel_loop3A_823 : vector<16xf32>
      %parallel_loop3A_890 = arith.constant 0 : i32
      %parallel_loop3A_891 = arith.index_cast %parallel_loop3A_890 : i32 to index
      %parallel_loop3A_892 = arith.index_cast %parallel_loop3A_881 : i32 to index
      %parallel_loop3A_893 = tpu.vector_load %arg4[%parallel_loop3A_891, %parallel_loop3A_892] {strides = array<i32>} : memref<4x8192xf32, #tpu.memory_space<vmem>>, vector<16xf32>,
      tpu.vector_store %arg4[%parallel_loop3A_891, %parallel_loop3A_892], %parallel_loop3A_889 {strides = array<i32>} : memref<4x8192xf32, #tpu.memory_space<vmem>>, vector<16xf32>,
      %parallel_loop3A_894 = arith.constant true
      %parallel_loop3A_895 = vector.broadcast %parallel_loop3A_894 : i1 to vector<16xi1>
      %parallel_loop3A_896 = tpu.scan <sum>, %parallel_loop3A_885 masked %parallel_loop3A_895 : vector<16xf32>, vector<16xi1> -> vector<16xf32>
      %parallel_loop3A_897 = vector.extract %parallel_loop3A_896[15] : f32 from vector<16xf32>
      %parallel_loop3A_898 = vector.broadcast %parallel_loop3A_897 : f32 to vector<16xf32>
      %parallel_loop3A_899 = arith.addf %parallel_loop3A_823, %parallel_loop3A_898 : vector<16xf32>
      %parallel_loop3A_900 = arith.constant 1 : i32
      %parallel_loop3A_901 = arith.index_cast %parallel_loop3A_900 : i32 to index
      %parallel_loop3A_902 = arith.index_cast %parallel_loop3A_881 : i32 to index
      %parallel_loop3A_903 = tpu.vector_load %arg4[%parallel_loop3A_901, %parallel_loop3A_902] {strides = array<i32>} : memref<4x8192xf32, #tpu.memory_space<vmem>>, vector<16xf32>,
      %parallel_loop3A_904 = arith.constant true
      %parallel_loop3A_905 = vector.broadcast %parallel_loop3A_904 : i1 to vector<16xi1>
      %parallel_loop3A_906 = tpu.scan <sum>, %parallel_loop3A_903 masked %parallel_loop3A_905 : vector<16xf32>, vector<16xi1> -> vector<16xf32>
      %parallel_loop3A_907 = arith.addf %parallel_loop3A_906, %parallel_loop3A_841 : vector<16xf32>
      %parallel_loop3A_908 = arith.constant 1 : i32
      %parallel_loop3A_909 = arith.index_cast %parallel_loop3A_908 : i32 to index
      %parallel_loop3A_910 = arith.index_cast %parallel_loop3A_881 : i32 to index
      %parallel_loop3A_911 = tpu.vector_load %arg4[%parallel_loop3A_909, %parallel_loop3A_910] {strides = array<i32>} : memref<4x8192xf32, #tpu.memory_space<vmem>>, vector<16xf32>,
      tpu.vector_store %arg4[%parallel_loop3A_909, %parallel_loop3A_910], %parallel_loop3A_907 {strides = array<i32>} : memref<4x8192xf32, #tpu.memory_space<vmem>>, vector<16xf32>,
      %parallel_loop3A_912 = arith.constant true
      %parallel_loop3A_913 = vector.broadcast %parallel_loop3A_912 : i1 to vector<16xi1>
      %parallel_loop3A_914 = tpu.scan <sum>, %parallel_loop3A_903 masked %parallel_loop3A_913 : vector<16xf32>, vector<16xi1> -> vector<16xf32>
      %parallel_loop3A_915 = vector.extract %parallel_loop3A_914[15] : f32 from vector<16xf32>
      %parallel_loop3A_916 = vector.broadcast %parallel_loop3A_915 : f32 to vector<16xf32>
      %parallel_loop3A_917 = arith.addf %parallel_loop3A_841, %parallel_loop3A_916 : vector<16xf32>
      %parallel_loop3A_918 = arith.constant 2 : i32
      %parallel_loop3A_919 = arith.index_cast %parallel_loop3A_918 : i32 to index
      %parallel_loop3A_920 = arith.index_cast %parallel_loop3A_881 : i32 to index
      %parallel_loop3A_921 = tpu.vector_load %arg4[%parallel_loop3A_919, %parallel_loop3A_920] {strides = array<i32>} : memref<4x8192xf32, #tpu.memory_space<vmem>>, vector<16xf32>,
      %parallel_loop3A_922 = arith.constant true
      %parallel_loop3A_923 = vector.broadcast %parallel_loop3A_922 : i1 to vector<16xi1>
      %parallel_loop3A_924 = tpu.scan <sum>, %parallel_loop3A_921 masked %parallel_loop3A_923 : vector<16xf32>, vector<16xi1> -> vector<16xf32>
      %parallel_loop3A_925 = arith.addf %parallel_loop3A_924, %parallel_loop3A_859 : vector<16xf32>
      %parallel_loop3A_926 = arith.constant 2 : i32
      %parallel_loop3A_927 = arith.index_cast %parallel_loop3A_926 : i32 to index
      %parallel_loop3A_928 = arith.index_cast %parallel_loop3A_881 : i32 to index
      %parallel_loop3A_929 = tpu.vector_load %arg4[%parallel_loop3A_927, %parallel_loop3A_928] {strides = array<i32>} : memref<4x8192xf32, #tpu.memory_space<vmem>>, vector<16xf32>,
      tpu.vector_store %arg4[%parallel_loop3A_927, %parallel_loop3A_928], %parallel_loop3A_925 {strides = array<i32>} : memref<4x8192xf32, #tpu.memory_space<vmem>>, vector<16xf32>,
      %parallel_loop3A_930 = arith.constant true
      %parallel_loop3A_931 = vector.broadcast %parallel_loop3A_930 : i1 to vector<16xi1>
      %parallel_loop3A_932 = tpu.scan <sum>, %parallel_loop3A_921 masked %parallel_loop3A_931 : vector<16xf32>, vector<16xi1> -> vector<16xf32>
      %parallel_loop3A_933 = vector.extract %parallel_loop3A_932[15] : f32 from vector<16xf32>
      %parallel_loop3A_934 = vector.broadcast %parallel_loop3A_933 : f32 to vector<16xf32>
      %parallel_loop3A_935 = arith.addf %parallel_loop3A_859, %parallel_loop3A_934 : vector<16xf32>
      %parallel_loop3A_936 = arith.constant 3 : i32
      %parallel_loop3A_937 = arith.index_cast %parallel_loop3A_936 : i32 to index
      %parallel_loop3A_938 = arith.index_cast %parallel_loop3A_881 : i32 to index
      %parallel_loop3A_939 = tpu.vector_load %arg4[%parallel_loop3A_937, %parallel_loop3A_938] {strides = array<i32>} : memref<4x8192xf32, #tpu.memory_space<vmem>>, vector<16xf32>,
      %parallel_loop3A_940 = arith.constant true
      %parallel_loop3A_941 = vector.broadcast %parallel_loop3A_940 : i1 to vector<16xi1>
      %parallel_loop3A_942 = tpu.scan <sum>, %parallel_loop3A_939 masked %parallel_loop3A_941 : vector<16xf32>, vector<16xi1> -> vector<16xf32>
      %parallel_loop3A_943 = arith.addf %parallel_loop3A_942, %parallel_loop3A_877 : vector<16xf32>
      %parallel_loop3A_944 = arith.constant 3 : i32
      %parallel_loop3A_945 = arith.index_cast %parallel_loop3A_944 : i32 to index
      %parallel_loop3A_946 = arith.index_cast %parallel_loop3A_881 : i32 to index
      %parallel_loop3A_947 = tpu.vector_load %arg4[%parallel_loop3A_945, %parallel_loop3A_946] {strides = array<i32>} : memref<4x8192xf32, #tpu.memory_space<vmem>>, vector<16xf32>,
      tpu.vector_store %arg4[%parallel_loop3A_945, %parallel_loop3A_946], %parallel_loop3A_943 {strides = array<i32>} : memref<4x8192xf32, #tpu.memory_space<vmem>>, vector<16xf32>,
      %parallel_loop3A_948 = arith.constant true
      %parallel_loop3A_949 = vector.broadcast %parallel_loop3A_948 : i1 to vector<16xi1>
      %parallel_loop3A_950 = tpu.scan <sum>, %parallel_loop3A_939 masked %parallel_loop3A_949 : vector<16xf32>, vector<16xi1> -> vector<16xf32>
      %parallel_loop3A_951 = vector.extract %parallel_loop3A_950[15] : f32 from vector<16xf32>
      %parallel_loop3A_952 = vector.broadcast %parallel_loop3A_951 : f32 to vector<16xf32>
      %parallel_loop3A_953 = arith.addf %parallel_loop3A_877, %parallel_loop3A_952 : vector<16xf32>
      scf.yield %parallel_loop3A_899, %parallel_loop3A_917, %parallel_loop3A_935, %parallel_loop3A_953 : vector<16xf32>, vector<16xf32>, vector<16xf32>, vector<16xf32>
    } {sc.loop_unroll_factor = 2 : i64, sc.parallel_access}
    %dma_wait3A_129 = arith.constant 0 : i32
    %dma_wait3A_130 = arith.constant 0 : i32
    %dma_wait3A_131 = tpu.memref_slice %arg2[%dma_wait3A_129, %dma_wait3A_130] : memref<128x32768xf32, #tpu.memory_space<hbm>> -> memref<4x8192xf32, #tpu.memory_space<hbm>>
    %dma_wait3A_132 = arith.constant 0 : i32
    %dma_wait3A_133 = arith.constant 0 : i32
    %dma_wait3A_134 = tpu.memref_slice %arg2[%dma_wait3A_132, %dma_wait3A_133] : memref<128x32768xf32, #tpu.memory_space<hbm>> -> memref<4x8192xf32, #tpu.memory_space<hbm>>
    tpu.wait_dma2 semaphore(%arg7 : memref<!tpu.dma_semaphore, #tpu.memory_space<semaphore_mem>>) src(%dma_wait3A_134 : memref<4x8192xf32, #tpu.memory_space<hbm>>) dst(%arg4 : memref<4x8192xf32, #tpu.memory_space<vmem>>)
    %parallel_loop3A_135 = arith.constant 0 : i32
    %parallel_loop3A_136 = arith.constant 512 : i32
    %parallel_loop3A_137 = arith.constant 8 : i32
    %parallel_loop3A_138:4 = scf.for %parallel_loop3A_281 = %parallel_loop3A_135 to %parallel_loop3A_136 step %parallel_loop3A_137 iter_args(%parallel_loop3A_282 = %parallel_loop3A_128#0, %parallel_loop3A_283 = %parallel_loop3A_128#1, %parallel_loop3A_284 = %parallel_loop3A_128#2, %parallel_loop3A_285 = %parallel_loop3A_128#3) -> (vector<16xf32>, vector<16xf32>, vector<16xf32>, vector<16xf32>)  : i32 {
      %parallel_loop3A_286 = arith.constant 16 : i32
      %parallel_loop3A_287 = arith.muli %parallel_loop3A_281, %parallel_loop3A_286 : i32
      %parallel_loop3A_288 = arith.constant 16384 : i32
      %parallel_loop3A_289 = arith.addi %parallel_loop3A_288, %parallel_loop3A_287 : i32
      %parallel_loop3A_290 = arith.constant 16 : i32
      %parallel_loop3A_291 = arith.muli %parallel_loop3A_281, %parallel_loop3A_290 : i32
      %parallel_loop3A_292 = arith.constant 0 : i32
      %parallel_loop3A_293 = tpu.memref_slice %arg6[%parallel_loop3A_292, %parallel_loop3A_291] : memref<4x8192xf32, #tpu.memory_space<vmem>> -> memref<1x128xf32, #tpu.memory_space<vmem>>
      %parallel_loop3A_294 = tpu.memref_squeeze %parallel_loop3A_293 : memref<1x128xf32, #tpu.memory_space<vmem>> -> memref<128xf32, #tpu.memory_space<vmem>>
      %parallel_loop3A_295 = tpu.memref_slice %arg2[%add3A_4, %parallel_loop3A_289] : memref<128x32768xf32, #tpu.memory_space<hbm>> -> memref<1x128xf32, #tpu.memory_space<hbm>>
      %parallel_loop3A_296 = tpu.memref_squeeze %parallel_loop3A_295 : memref<1x128xf32, #tpu.memory_space<hbm>> -> memref<128xf32, #tpu.memory_space<hbm>>
      %parallel_loop3A_297 = tpu.memref_slice %arg6[%parallel_loop3A_292, %parallel_loop3A_291] : memref<4x8192xf32, #tpu.memory_space<vmem>> -> memref<1x128xf32, #tpu.memory_space<vmem>>
      %parallel_loop3A_298 = tpu.memref_squeeze %parallel_loop3A_297 : memref<1x128xf32, #tpu.memory_space<vmem>> -> memref<128xf32, #tpu.memory_space<vmem>>
      %parallel_loop3A_299 = tpu.memref_slice %arg2[%add3A_4, %parallel_loop3A_289] : memref<128x32768xf32, #tpu.memory_space<hbm>> -> memref<1x128xf32, #tpu.memory_space<hbm>>
      %parallel_loop3A_300 = tpu.memref_squeeze %parallel_loop3A_299 : memref<1x128xf32, #tpu.memory_space<hbm>> -> memref<128xf32, #tpu.memory_space<hbm>>
      tpu.enqueue_dma source(%parallel_loop3A_300 : memref<128xf32, #tpu.memory_space<hbm>>) target(%parallel_loop3A_298 : memref<128xf32, #tpu.memory_space<vmem>>) target_semaphore(%arg7 : memref<!tpu.dma_semaphore, #tpu.memory_space<semaphore_mem>>)
      %parallel_loop3A_301 = arith.constant 16 : i32
      %parallel_loop3A_302 = arith.muli %parallel_loop3A_281, %parallel_loop3A_301 : i32
      %parallel_loop3A_303 = arith.constant 16384 : i32
      %parallel_loop3A_304 = arith.addi %parallel_loop3A_303, %parallel_loop3A_302 : i32
      %parallel_loop3A_305 = arith.constant 16 : i32
      %parallel_loop3A_306 = arith.muli %parallel_loop3A_281, %parallel_loop3A_305 : i32
      %parallel_loop3A_307 = arith.constant 1 : i32
      %parallel_loop3A_308 = tpu.memref_slice %arg6[%parallel_loop3A_307, %parallel_loop3A_306] : memref<4x8192xf32, #tpu.memory_space<vmem>> -> memref<1x128xf32, #tpu.memory_space<vmem>>
      %parallel_loop3A_309 = tpu.memref_squeeze %parallel_loop3A_308 : memref<1x128xf32, #tpu.memory_space<vmem>> -> memref<128xf32, #tpu.memory_space<vmem>>
      %parallel_loop3A_310 = tpu.memref_slice %arg2[%add3A_8, %parallel_loop3A_304] : memref<128x32768xf32, #tpu.memory_space<hbm>> -> memref<1x128xf32, #tpu.memory_space<hbm>>
      %parallel_loop3A_311 = tpu.memref_squeeze %parallel_loop3A_310 : memref<1x128xf32, #tpu.memory_space<hbm>> -> memref<128xf32, #tpu.memory_space<hbm>>
      %parallel_loop3A_312 = tpu.memref_slice %arg6[%parallel_loop3A_307, %parallel_loop3A_306] : memref<4x8192xf32, #tpu.memory_space<vmem>> -> memref<1x128xf32, #tpu.memory_space<vmem>>
      %parallel_loop3A_313 = tpu.memref_squeeze %parallel_loop3A_312 : memref<1x128xf32, #tpu.memory_space<vmem>> -> memref<128xf32, #tpu.memory_space<vmem>>
      %parallel_loop3A_314 = tpu.memref_slice %arg2[%add3A_8, %parallel_loop3A_304] : memref<128x32768xf32, #tpu.memory_space<hbm>> -> memref<1x128xf32, #tpu.memory_space<hbm>>
      %parallel_loop3A_315 = tpu.memref_squeeze %parallel_loop3A_314 : memref<1x128xf32, #tpu.memory_space<hbm>> -> memref<128xf32, #tpu.memory_space<hbm>>
      tpu.enqueue_dma source(%parallel_loop3A_315 : memref<128xf32, #tpu.memory_space<hbm>>) target(%parallel_loop3A_313 : memref<128xf32, #tpu.memory_space<vmem>>) target_semaphore(%arg7 : memref<!tpu.dma_semaphore, #tpu.memory_space<semaphore_mem>>)
      %parallel_loop3A_316 = arith.constant 16 : i32
      %parallel_loop3A_317 = arith.muli %parallel_loop3A_281, %parallel_loop3A_316 : i32
      %parallel_loop3A_318 = arith.constant 16384 : i32
      %parallel_loop3A_319 = arith.addi %parallel_loop3A_318, %parallel_loop3A_317 : i32
      %parallel_loop3A_320 = arith.constant 16 : i32
      %parallel_loop3A_321 = arith.muli %parallel_loop3A_281, %parallel_loop3A_320 : i32
      %parallel_loop3A_322 = arith.constant 2 : i32
      %parallel_loop3A_323 = tpu.memref_slice %arg6[%parallel_loop3A_322, %parallel_loop3A_321] : memref<4x8192xf32, #tpu.memory_space<vmem>> -> memref<1x128xf32, #tpu.memory_space<vmem>>
      %parallel_loop3A_324 = tpu.memref_squeeze %parallel_loop3A_323 : memref<1x128xf32, #tpu.memory_space<vmem>> -> memref<128xf32, #tpu.memory_space<vmem>>
      %parallel_loop3A_325 = tpu.memref_slice %arg2[%add3A_12, %parallel_loop3A_319] : memref<128x32768xf32, #tpu.memory_space<hbm>> -> memref<1x128xf32, #tpu.memory_space<hbm>>
      %parallel_loop3A_326 = tpu.memref_squeeze %parallel_loop3A_325 : memref<1x128xf32, #tpu.memory_space<hbm>> -> memref<128xf32, #tpu.memory_space<hbm>>
      %parallel_loop3A_327 = tpu.memref_slice %arg6[%parallel_loop3A_322, %parallel_loop3A_321] : memref<4x8192xf32, #tpu.memory_space<vmem>> -> memref<1x128xf32, #tpu.memory_space<vmem>>
      %parallel_loop3A_328 = tpu.memref_squeeze %parallel_loop3A_327 : memref<1x128xf32, #tpu.memory_space<vmem>> -> memref<128xf32, #tpu.memory_space<vmem>>
      %parallel_loop3A_329 = tpu.memref_slice %arg2[%add3A_12, %parallel_loop3A_319] : memref<128x32768xf32, #tpu.memory_space<hbm>> -> memref<1x128xf32, #tpu.memory_space<hbm>>
      %parallel_loop3A_330 = tpu.memref_squeeze %parallel_loop3A_329 : memref<1x128xf32, #tpu.memory_space<hbm>> -> memref<128xf32, #tpu.memory_space<hbm>>
      tpu.enqueue_dma source(%parallel_loop3A_330 : memref<128xf32, #tpu.memory_space<hbm>>) target(%parallel_loop3A_328 : memref<128xf32, #tpu.memory_space<vmem>>) target_semaphore(%arg7 : memref<!tpu.dma_semaphore, #tpu.memory_space<semaphore_mem>>)
      %parallel_loop3A_331 = arith.constant 16 : i32
      %parallel_loop3A_332 = arith.muli %parallel_loop3A_281, %parallel_loop3A_331 : i32
      %parallel_loop3A_333 = arith.constant 16384 : i32
      %parallel_loop3A_334 = arith.addi %parallel_loop3A_333, %parallel_loop3A_332 : i32
      %parallel_loop3A_335 = arith.constant 16 : i32
      %parallel_loop3A_336 = arith.muli %parallel_loop3A_281, %parallel_loop3A_335 : i32
      %parallel_loop3A_337 = arith.constant 3 : i32
      %parallel_loop3A_338 = tpu.memref_slice %arg6[%parallel_loop3A_337, %parallel_loop3A_336] : memref<4x8192xf32, #tpu.memory_space<vmem>> -> memref<1x128xf32, #tpu.memory_space<vmem>>
      %parallel_loop3A_339 = tpu.memref_squeeze %parallel_loop3A_338 : memref<1x128xf32, #tpu.memory_space<vmem>> -> memref<128xf32, #tpu.memory_space<vmem>>
      %parallel_loop3A_340 = tpu.memref_slice %arg2[%add3A_16, %parallel_loop3A_334] : memref<128x32768xf32, #tpu.memory_space<hbm>> -> memref<1x128xf32, #tpu.memory_space<hbm>>
      %parallel_loop3A_341 = tpu.memref_squeeze %parallel_loop3A_340 : memref<1x128xf32, #tpu.memory_space<hbm>> -> memref<128xf32, #tpu.memory_space<hbm>>
      %parallel_loop3A_342 = tpu.memref_slice %arg6[%parallel_loop3A_337, %parallel_loop3A_336] : memref<4x8192xf32, #tpu.memory_space<vmem>> -> memref<1x128xf32, #tpu.memory_space<vmem>>
      %parallel_loop3A_343 = tpu.memref_squeeze %parallel_loop3A_342 : memref<1x128xf32, #tpu.memory_space<vmem>> -> memref<128xf32, #tpu.memory_space<vmem>>
      %parallel_loop3A_344 = tpu.memref_slice %arg2[%add3A_16, %parallel_loop3A_334] : memref<128x32768xf32, #tpu.memory_space<hbm>> -> memref<1x128xf32, #tpu.memory_space<hbm>>
      %parallel_loop3A_345 = tpu.memref_squeeze %parallel_loop3A_344 : memref<1x128xf32, #tpu.memory_space<hbm>> -> memref<128xf32, #tpu.memory_space<hbm>>
      tpu.enqueue_dma source(%parallel_loop3A_345 : memref<128xf32, #tpu.memory_space<hbm>>) target(%parallel_loop3A_343 : memref<128xf32, #tpu.memory_space<vmem>>) target_semaphore(%arg7 : memref<!tpu.dma_semaphore, #tpu.memory_space<semaphore_mem>>)
      %parallel_loop3A_346 = arith.constant 16 : i32
      %parallel_loop3A_347 = arith.muli %parallel_loop3A_281, %parallel_loop3A_346 : i32
      %parallel_loop3A_348 = arith.constant 16 : i32
      %parallel_loop3A_349 = arith.muli %parallel_loop3A_281, %parallel_loop3A_348 : i32
      %parallel_loop3A_350 = arith.constant 0 : i32
      %parallel_loop3A_351 = arith.addi %parallel_loop3A_350, %parallel_loop3A_349 : i32
      %parallel_loop3A_352 = arith.constant 0 : i32
      %parallel_loop3A_353 = tpu.memref_slice %arg4[%parallel_loop3A_352, %parallel_loop3A_347] : memref<4x8192xf32, #tpu.memory_space<vmem>> -> memref<1x128xf32, #tpu.memory_space<vmem>>
      %parallel_loop3A_354 = tpu.memref_squeeze %parallel_loop3A_353 : memref<1x128xf32, #tpu.memory_space<vmem>> -> memref<128xf32, #tpu.memory_space<vmem>>
      %parallel_loop3A_355 = tpu.memref_slice %arg3[%add3A_4, %parallel_loop3A_351] : memref<128x32768xf32, #tpu.memory_space<hbm>> -> memref<1x128xf32, #tpu.memory_space<hbm>>
      %parallel_loop3A_356 = tpu.memref_squeeze %parallel_loop3A_355 : memref<1x128xf32, #tpu.memory_space<hbm>> -> memref<128xf32, #tpu.memory_space<hbm>>
      %parallel_loop3A_357 = tpu.memref_slice %arg3[%add3A_4, %parallel_loop3A_351] : memref<128x32768xf32, #tpu.memory_space<hbm>> -> memref<1x128xf32, #tpu.memory_space<hbm>>
      %parallel_loop3A_358 = tpu.memref_squeeze %parallel_loop3A_357 : memref<1x128xf32, #tpu.memory_space<hbm>> -> memref<128xf32, #tpu.memory_space<hbm>>
      %parallel_loop3A_359 = tpu.memref_slice %arg4[%parallel_loop3A_352, %parallel_loop3A_347] : memref<4x8192xf32, #tpu.memory_space<vmem>> -> memref<1x128xf32, #tpu.memory_space<vmem>>
      %parallel_loop3A_360 = tpu.memref_squeeze %parallel_loop3A_359 : memref<1x128xf32, #tpu.memory_space<vmem>> -> memref<128xf32, #tpu.memory_space<vmem>>
      tpu.enqueue_dma source(%parallel_loop3A_360 : memref<128xf32, #tpu.memory_space<vmem>>) target(%parallel_loop3A_358 : memref<128xf32, #tpu.memory_space<hbm>>) target_semaphore(%arg8 : memref<!tpu.dma_semaphore, #tpu.memory_space<semaphore_mem>>)
      %parallel_loop3A_361 = arith.constant 16 : i32
      %parallel_loop3A_362 = arith.muli %parallel_loop3A_281, %parallel_loop3A_361 : i32
      %parallel_loop3A_363 = arith.constant 16 : i32
      %parallel_loop3A_364 = arith.muli %parallel_loop3A_281, %parallel_loop3A_363 : i32
      %parallel_loop3A_365 = arith.constant 0 : i32
      %parallel_loop3A_366 = arith.addi %parallel_loop3A_365, %parallel_loop3A_364 : i32
      %parallel_loop3A_367 = arith.constant 1 : i32
      %parallel_loop3A_368 = tpu.memref_slice %arg4[%parallel_loop3A_367, %parallel_loop3A_362] : memref<4x8192xf32, #tpu.memory_space<vmem>> -> memref<1x128xf32, #tpu.memory_space<vmem>>
      %parallel_loop3A_369 = tpu.memref_squeeze %parallel_loop3A_368 : memref<1x128xf32, #tpu.memory_space<vmem>> -> memref<128xf32, #tpu.memory_space<vmem>>
      %parallel_loop3A_370 = tpu.memref_slice %arg3[%add3A_8, %parallel_loop3A_366] : memref<128x32768xf32, #tpu.memory_space<hbm>> -> memref<1x128xf32, #tpu.memory_space<hbm>>
      %parallel_loop3A_371 = tpu.memref_squeeze %parallel_loop3A_370 : memref<1x128xf32, #tpu.memory_space<hbm>> -> memref<128xf32, #tpu.memory_space<hbm>>
      %parallel_loop3A_372 = tpu.memref_slice %arg3[%add3A_8, %parallel_loop3A_366] : memref<128x32768xf32, #tpu.memory_space<hbm>> -> memref<1x128xf32, #tpu.memory_space<hbm>>
      %parallel_loop3A_373 = tpu.memref_squeeze %parallel_loop3A_372 : memref<1x128xf32, #tpu.memory_space<hbm>> -> memref<128xf32, #tpu.memory_space<hbm>>
      %parallel_loop3A_374 = tpu.memref_slice %arg4[%parallel_loop3A_367, %parallel_loop3A_362] : memref<4x8192xf32, #tpu.memory_space<vmem>> -> memref<1x128xf32, #tpu.memory_space<vmem>>
      %parallel_loop3A_375 = tpu.memref_squeeze %parallel_loop3A_374 : memref<1x128xf32, #tpu.memory_space<vmem>> -> memref<128xf32, #tpu.memory_space<vmem>>
      tpu.enqueue_dma source(%parallel_loop3A_375 : memref<128xf32, #tpu.memory_space<vmem>>) target(%parallel_loop3A_373 : memref<128xf32, #tpu.memory_space<hbm>>) target_semaphore(%arg8 : memref<!tpu.dma_semaphore, #tpu.memory_space<semaphore_mem>>)
      %parallel_loop3A_376 = arith.constant 16 : i32
      %parallel_loop3A_377 = arith.muli %parallel_loop3A_281, %parallel_loop3A_376 : i32
      %parallel_loop3A_378 = arith.constant 16 : i32
      %parallel_loop3A_379 = arith.muli %parallel_loop3A_281, %parallel_loop3A_378 : i32
      %parallel_loop3A_380 = arith.constant 0 : i32
      %parallel_loop3A_381 = arith.addi %parallel_loop3A_380, %parallel_loop3A_379 : i32
      %parallel_loop3A_382 = arith.constant 2 : i32
      %parallel_loop3A_383 = tpu.memref_slice %arg4[%parallel_loop3A_382, %parallel_loop3A_377] : memref<4x8192xf32, #tpu.memory_space<vmem>> -> memref<1x128xf32, #tpu.memory_space<vmem>>
      %parallel_loop3A_384 = tpu.memref_squeeze %parallel_loop3A_383 : memref<1x128xf32, #tpu.memory_space<vmem>> -> memref<128xf32, #tpu.memory_space<vmem>>
      %parallel_loop3A_385 = tpu.memref_slice %arg3[%add3A_12, %parallel_loop3A_381] : memref<128x32768xf32, #tpu.memory_space<hbm>> -> memref<1x128xf32, #tpu.memory_space<hbm>>
      %parallel_loop3A_386 = tpu.memref_squeeze %parallel_loop3A_385 : memref<1x128xf32, #tpu.memory_space<hbm>> -> memref<128xf32, #tpu.memory_space<hbm>>
      %parallel_loop3A_387 = tpu.memref_slice %arg3[%add3A_12, %parallel_loop3A_381] : memref<128x32768xf32, #tpu.memory_space<hbm>> -> memref<1x128xf32, #tpu.memory_space<hbm>>
      %parallel_loop3A_388 = tpu.memref_squeeze %parallel_loop3A_387 : memref<1x128xf32, #tpu.memory_space<hbm>> -> memref<128xf32, #tpu.memory_space<hbm>>
      %parallel_loop3A_389 = tpu.memref_slice %arg4[%parallel_loop3A_382, %parallel_loop3A_377] : memref<4x8192xf32, #tpu.memory_space<vmem>> -> memref<1x128xf32, #tpu.memory_space<vmem>>
      %parallel_loop3A_390 = tpu.memref_squeeze %parallel_loop3A_389 : memref<1x128xf32, #tpu.memory_space<vmem>> -> memref<128xf32, #tpu.memory_space<vmem>>
      tpu.enqueue_dma source(%parallel_loop3A_390 : memref<128xf32, #tpu.memory_space<vmem>>) target(%parallel_loop3A_388 : memref<128xf32, #tpu.memory_space<hbm>>) target_semaphore(%arg8 : memref<!tpu.dma_semaphore, #tpu.memory_space<semaphore_mem>>)
      %parallel_loop3A_391 = arith.constant 16 : i32
      %parallel_loop3A_392 = arith.muli %parallel_loop3A_281, %parallel_loop3A_391 : i32
      %parallel_loop3A_393 = arith.constant 16 : i32
      %parallel_loop3A_394 = arith.muli %parallel_loop3A_281, %parallel_loop3A_393 : i32
      %parallel_loop3A_395 = arith.constant 0 : i32
      %parallel_loop3A_396 = arith.addi %parallel_loop3A_395, %parallel_loop3A_394 : i32
      %parallel_loop3A_397 = arith.constant 3 : i32
      %parallel_loop3A_398 = tpu.memref_slice %arg4[%parallel_loop3A_397, %parallel_loop3A_392] : memref<4x8192xf32, #tpu.memory_space<vmem>> -> memref<1x128xf32, #tpu.memory_space<vmem>>
      %parallel_loop3A_399 = tpu.memref_squeeze %parallel_loop3A_398 : memref<1x128xf32, #tpu.memory_space<vmem>> -> memref<128xf32, #tpu.memory_space<vmem>>
      %parallel_loop3A_400 = tpu.memref_slice %arg3[%add3A_16, %parallel_loop3A_396] : memref<128x32768xf32, #tpu.memory_space<hbm>> -> memref<1x128xf32, #tpu.memory_space<hbm>>
      %parallel_loop3A_401 = tpu.memref_squeeze %parallel_loop3A_400 : memref<1x128xf32, #tpu.memory_space<hbm>> -> memref<128xf32, #tpu.memory_space<hbm>>
      %parallel_loop3A_402 = tpu.memref_slice %arg3[%add3A_16, %parallel_loop3A_396] : memref<128x32768xf32, #tpu.memory_space<hbm>> -> memref<1x128xf32, #tpu.memory_space<hbm>>
      %parallel_loop3A_403 = tpu.memref_squeeze %parallel_loop3A_402 : memref<1x128xf32, #tpu.memory_space<hbm>> -> memref<128xf32, #tpu.memory_space<hbm>>
      %parallel_loop3A_404 = tpu.memref_slice %arg4[%parallel_loop3A_397, %parallel_loop3A_392] : memref<4x8192xf32, #tpu.memory_space<vmem>> -> memref<1x128xf32, #tpu.memory_space<vmem>>
      %parallel_loop3A_405 = tpu.memref_squeeze %parallel_loop3A_404 : memref<1x128xf32, #tpu.memory_space<vmem>> -> memref<128xf32, #tpu.memory_space<vmem>>
      tpu.enqueue_dma source(%parallel_loop3A_405 : memref<128xf32, #tpu.memory_space<vmem>>) target(%parallel_loop3A_403 : memref<128xf32, #tpu.memory_space<hbm>>) target_semaphore(%arg8 : memref<!tpu.dma_semaphore, #tpu.memory_space<semaphore_mem>>)
      %parallel_loop3A_406 = arith.constant 0 : i32
      %parallel_loop3A_407 = arith.addi %parallel_loop3A_281, %parallel_loop3A_406 : i32
      %parallel_loop3A_408 = arith.constant 16 : i32
      %parallel_loop3A_409 = arith.muli %parallel_loop3A_407, %parallel_loop3A_408 : i32
      %parallel_loop3A_410 = arith.constant 0 : i32
      %parallel_loop3A_411 = arith.index_cast %parallel_loop3A_410 : i32 to index
      %parallel_loop3A_412 = arith.index_cast %parallel_loop3A_409 : i32 to index
      %parallel_loop3A_413 = tpu.vector_load %arg5[%parallel_loop3A_411, %parallel_loop3A_412] {strides = array<i32>} : memref<4x8192xf32, #tpu.memory_space<vmem>>, vector<16xf32>,
      %parallel_loop3A_414 = arith.constant true
      %parallel_loop3A_415 = vector.broadcast %parallel_loop3A_414 : i1 to vector<16xi1>
      %parallel_loop3A_416 = tpu.scan <sum>, %parallel_loop3A_413 masked %parallel_loop3A_415 : vector<16xf32>, vector<16xi1> -> vector<16xf32>
      %parallel_loop3A_417 = arith.addf %parallel_loop3A_416, %parallel_loop3A_282 : vector<16xf32>
      %parallel_loop3A_418 = arith.constant 0 : i32
      %parallel_loop3A_419 = arith.index_cast %parallel_loop3A_418 : i32 to index
      %parallel_loop3A_420 = arith.index_cast %parallel_loop3A_409 : i32 to index
      %parallel_loop3A_421 = tpu.vector_load %arg5[%parallel_loop3A_419, %parallel_loop3A_420] {strides = array<i32>} : memref<4x8192xf32, #tpu.memory_space<vmem>>, vector<16xf32>,
      tpu.vector_store %arg5[%parallel_loop3A_419, %parallel_loop3A_420], %parallel_loop3A_417 {strides = array<i32>} : memref<4x8192xf32, #tpu.memory_space<vmem>>, vector<16xf32>,
      %parallel_loop3A_422 = arith.constant true
      %parallel_loop3A_423 = vector.broadcast %parallel_loop3A_422 : i1 to vector<16xi1>
      %parallel_loop3A_424 = tpu.scan <sum>, %parallel_loop3A_413 masked %parallel_loop3A_423 : vector<16xf32>, vector<16xi1> -> vector<16xf32>
      %parallel_loop3A_425 = vector.extract %parallel_loop3A_424[15] : f32 from vector<16xf32>
      %parallel_loop3A_426 = vector.broadcast %parallel_loop3A_425 : f32 to vector<16xf32>
      %parallel_loop3A_427 = arith.addf %parallel_loop3A_282, %parallel_loop3A_426 : vector<16xf32>
      %parallel_loop3A_428 = arith.constant 1 : i32
      %parallel_loop3A_429 = arith.index_cast %parallel_loop3A_428 : i32 to index
      %parallel_loop3A_430 = arith.index_cast %parallel_loop3A_409 : i32 to index
      %parallel_loop3A_431 = tpu.vector_load %arg5[%parallel_loop3A_429, %parallel_loop3A_430] {strides = array<i32>} : memref<4x8192xf32, #tpu.memory_space<vmem>>, vector<16xf32>,
      %parallel_loop3A_432 = arith.constant true
      %parallel_loop3A_433 = vector.broadcast %parallel_loop3A_432 : i1 to vector<16xi1>
      %parallel_loop3A_434 = tpu.scan <sum>, %parallel_loop3A_431 masked %parallel_loop3A_433 : vector<16xf32>, vector<16xi1> -> vector<16xf32>
      %parallel_loop3A_435 = arith.addf %parallel_loop3A_434, %parallel_loop3A_283 : vector<16xf32>
      %parallel_loop3A_436 = arith.constant 1 : i32
      %parallel_loop3A_437 = arith.index_cast %parallel_loop3A_436 : i32 to index
      %parallel_loop3A_438 = arith.index_cast %parallel_loop3A_409 : i32 to index
      %parallel_loop3A_439 = tpu.vector_load %arg5[%parallel_loop3A_437, %parallel_loop3A_438] {strides = array<i32>} : memref<4x8192xf32, #tpu.memory_space<vmem>>, vector<16xf32>,
      tpu.vector_store %arg5[%parallel_loop3A_437, %parallel_loop3A_438], %parallel_loop3A_435 {strides = array<i32>} : memref<4x8192xf32, #tpu.memory_space<vmem>>, vector<16xf32>,
      %parallel_loop3A_440 = arith.constant true
      %parallel_loop3A_441 = vector.broadcast %parallel_loop3A_440 : i1 to vector<16xi1>
      %parallel_loop3A_442 = tpu.scan <sum>, %parallel_loop3A_431 masked %parallel_loop3A_441 : vector<16xf32>, vector<16xi1> -> vector<16xf32>
      %parallel_loop3A_443 = vector.extract %parallel_loop3A_442[15] : f32 from vector<16xf32>
      %parallel_loop3A_444 = vector.broadcast %parallel_loop3A_443 : f32 to vector<16xf32>
      %parallel_loop3A_445 = arith.addf %parallel_loop3A_283, %parallel_loop3A_444 : vector<16xf32>
      %parallel_loop3A_446 = arith.constant 2 : i32
      %parallel_loop3A_447 = arith.index_cast %parallel_loop3A_446 : i32 to index
      %parallel_loop3A_448 = arith.index_cast %parallel_loop3A_409 : i32 to index
      %parallel_loop3A_449 = tpu.vector_load %arg5[%parallel_loop3A_447, %parallel_loop3A_448] {strides = array<i32>} : memref<4x8192xf32, #tpu.memory_space<vmem>>, vector<16xf32>,
      %parallel_loop3A_450 = arith.constant true
      %parallel_loop3A_451 = vector.broadcast %parallel_loop3A_450 : i1 to vector<16xi1>
      %parallel_loop3A_452 = tpu.scan <sum>, %parallel_loop3A_449 masked %parallel_loop3A_451 : vector<16xf32>, vector<16xi1> -> vector<16xf32>
      %parallel_loop3A_453 = arith.addf %parallel_loop3A_452, %parallel_loop3A_284 : vector<16xf32>
      %parallel_loop3A_454 = arith.constant 2 : i32
      %parallel_loop3A_455 = arith.index_cast %parallel_loop3A_454 : i32 to index
      %parallel_loop3A_456 = arith.index_cast %parallel_loop3A_409 : i32 to index
      %parallel_loop3A_457 = tpu.vector_load %arg5[%parallel_loop3A_455, %parallel_loop3A_456] {strides = array<i32>} : memref<4x8192xf32, #tpu.memory_space<vmem>>, vector<16xf32>,
      tpu.vector_store %arg5[%parallel_loop3A_455, %parallel_loop3A_456], %parallel_loop3A_453 {strides = array<i32>} : memref<4x8192xf32, #tpu.memory_space<vmem>>, vector<16xf32>,
      %parallel_loop3A_458 = arith.constant true
      %parallel_loop3A_459 = vector.broadcast %parallel_loop3A_458 : i1 to vector<16xi1>
      %parallel_loop3A_460 = tpu.scan <sum>, %parallel_loop3A_449 masked %parallel_loop3A_459 : vector<16xf32>, vector<16xi1> -> vector<16xf32>
      %parallel_loop3A_461 = vector.extract %parallel_loop3A_460[15] : f32 from vector<16xf32>
      %parallel_loop3A_462 = vector.broadcast %parallel_loop3A_461 : f32 to vector<16xf32>
      %parallel_loop3A_463 = arith.addf %parallel_loop3A_284, %parallel_loop3A_462 : vector<16xf32>
      %parallel_loop3A_464 = arith.constant 3 : i32
      %parallel_loop3A_465 = arith.index_cast %parallel_loop3A_464 : i32 to index
      %parallel_loop3A_466 = arith.index_cast %parallel_loop3A_409 : i32 to index
      %parallel_loop3A_467 = tpu.vector_load %arg5[%parallel_loop3A_465, %parallel_loop3A_466] {strides = array<i32>} : memref<4x8192xf32, #tpu.memory_space<vmem>>, vector<16xf32>,
      %parallel_loop3A_468 = arith.constant true
      %parallel_loop3A_469 = vector.broadcast %parallel_loop3A_468 : i1 to vector<16xi1>
      %parallel_loop3A_470 = tpu.scan <sum>, %parallel_loop3A_467 masked %parallel_loop3A_469 : vector<16xf32>, vector<16xi1> -> vector<16xf32>
      %parallel_loop3A_471 = arith.addf %parallel_loop3A_470, %parallel_loop3A_285 : vector<16xf32>
      %parallel_loop3A_472 = arith.constant 3 : i32
      %parallel_loop3A_473 = arith.index_cast %parallel_loop3A_472 : i32 to index
      %parallel_loop3A_474 = arith.index_cast %parallel_loop3A_409 : i32 to index
      %parallel_loop3A_475 = tpu.vector_load %arg5[%parallel_loop3A_473, %parallel_loop3A_474] {strides = array<i32>} : memref<4x8192xf32, #tpu.memory_space<vmem>>, vector<16xf32>,
      tpu.vector_store %arg5[%parallel_loop3A_473, %parallel_loop3A_474], %parallel_loop3A_471 {strides = array<i32>} : memref<4x8192xf32, #tpu.memory_space<vmem>>, vector<16xf32>,
      %parallel_loop3A_476 = arith.constant true
      %parallel_loop3A_477 = vector.broadcast %parallel_loop3A_476 : i1 to vector<16xi1>
      %parallel_loop3A_478 = tpu.scan <sum>, %parallel_loop3A_467 masked %parallel_loop3A_477 : vector<16xf32>, vector<16xi1> -> vector<16xf32>
      %parallel_loop3A_479 = vector.extract %parallel_loop3A_478[15] : f32 from vector<16xf32>
      %parallel_loop3A_480 = vector.broadcast %parallel_loop3A_479 : f32 to vector<16xf32>
      %parallel_loop3A_481 = arith.addf %parallel_loop3A_285, %parallel_loop3A_480 : vector<16xf32>
      %parallel_loop3A_482 = arith.constant 1 : i32
      %parallel_loop3A_483 = arith.addi %parallel_loop3A_281, %parallel_loop3A_482 : i32
      %parallel_loop3A_484 = arith.constant 16 : i32
      %parallel_loop3A_485 = arith.muli %parallel_loop3A_483, %parallel_loop3A_484 : i32
      %parallel_loop3A_486 = arith.constant 0 : i32
      %parallel_loop3A_487 = arith.index_cast %parallel_loop3A_486 : i32 to index
      %parallel_loop3A_488 = arith.index_cast %parallel_loop3A_485 : i32 to index
      %parallel_loop3A_489 = tpu.vector_load %arg5[%parallel_loop3A_487, %parallel_loop3A_488] {strides = array<i32>} : memref<4x8192xf32, #tpu.memory_space<vmem>>, vector<16xf32>,
      %parallel_loop3A_490 = arith.constant true
      %parallel_loop3A_491 = vector.broadcast %parallel_loop3A_490 : i1 to vector<16xi1>
      %parallel_loop3A_492 = tpu.scan <sum>, %parallel_loop3A_489 masked %parallel_loop3A_491 : vector<16xf32>, vector<16xi1> -> vector<16xf32>
      %parallel_loop3A_493 = arith.addf %parallel_loop3A_492, %parallel_loop3A_427 : vector<16xf32>
      %parallel_loop3A_494 = arith.constant 0 : i32
      %parallel_loop3A_495 = arith.index_cast %parallel_loop3A_494 : i32 to index
      %parallel_loop3A_496 = arith.index_cast %parallel_loop3A_485 : i32 to index
      %parallel_loop3A_497 = tpu.vector_load %arg5[%parallel_loop3A_495, %parallel_loop3A_496] {strides = array<i32>} : memref<4x8192xf32, #tpu.memory_space<vmem>>, vector<16xf32>,
      tpu.vector_store %arg5[%parallel_loop3A_495, %parallel_loop3A_496], %parallel_loop3A_493 {strides = array<i32>} : memref<4x8192xf32, #tpu.memory_space<vmem>>, vector<16xf32>,
      %parallel_loop3A_498 = arith.constant true
      %parallel_loop3A_499 = vector.broadcast %parallel_loop3A_498 : i1 to vector<16xi1>
      %parallel_loop3A_500 = tpu.scan <sum>, %parallel_loop3A_489 masked %parallel_loop3A_499 : vector<16xf32>, vector<16xi1> -> vector<16xf32>
      %parallel_loop3A_501 = vector.extract %parallel_loop3A_500[15] : f32 from vector<16xf32>
      %parallel_loop3A_502 = vector.broadcast %parallel_loop3A_501 : f32 to vector<16xf32>
      %parallel_loop3A_503 = arith.addf %parallel_loop3A_427, %parallel_loop3A_502 : vector<16xf32>
      %parallel_loop3A_504 = arith.constant 1 : i32
      %parallel_loop3A_505 = arith.index_cast %parallel_loop3A_504 : i32 to index
      %parallel_loop3A_506 = arith.index_cast %parallel_loop3A_485 : i32 to index
      %parallel_loop3A_507 = tpu.vector_load %arg5[%parallel_loop3A_505, %parallel_loop3A_506] {strides = array<i32>} : memref<4x8192xf32, #tpu.memory_space<vmem>>, vector<16xf32>,
      %parallel_loop3A_508 = arith.constant true
      %parallel_loop3A_509 = vector.broadcast %parallel_loop3A_508 : i1 to vector<16xi1>
      %parallel_loop3A_510 = tpu.scan <sum>, %parallel_loop3A_507 masked %parallel_loop3A_509 : vector<16xf32>, vector<16xi1> -> vector<16xf32>
      %parallel_loop3A_511 = arith.addf %parallel_loop3A_510, %parallel_loop3A_445 : vector<16xf32>
      %parallel_loop3A_512 = arith.constant 1 : i32
      %parallel_loop3A_513 = arith.index_cast %parallel_loop3A_512 : i32 to index
      %parallel_loop3A_514 = arith.index_cast %parallel_loop3A_485 : i32 to index
      %parallel_loop3A_515 = tpu.vector_load %arg5[%parallel_loop3A_513, %parallel_loop3A_514] {strides = array<i32>} : memref<4x8192xf32, #tpu.memory_space<vmem>>, vector<16xf32>,
      tpu.vector_store %arg5[%parallel_loop3A_513, %parallel_loop3A_514], %parallel_loop3A_511 {strides = array<i32>} : memref<4x8192xf32, #tpu.memory_space<vmem>>, vector<16xf32>,
      %parallel_loop3A_516 = arith.constant true
      %parallel_loop3A_517 = vector.broadcast %parallel_loop3A_516 : i1 to vector<16xi1>
      %parallel_loop3A_518 = tpu.scan <sum>, %parallel_loop3A_507 masked %parallel_loop3A_517 : vector<16xf32>, vector<16xi1> -> vector<16xf32>
      %parallel_loop3A_519 = vector.extract %parallel_loop3A_518[15] : f32 from vector<16xf32>
      %parallel_loop3A_520 = vector.broadcast %parallel_loop3A_519 : f32 to vector<16xf32>
      %parallel_loop3A_521 = arith.addf %parallel_loop3A_445, %parallel_loop3A_520 : vector<16xf32>
      %parallel_loop3A_522 = arith.constant 2 : i32
      %parallel_loop3A_523 = arith.index_cast %parallel_loop3A_522 : i32 to index
      %parallel_loop3A_524 = arith.index_cast %parallel_loop3A_485 : i32 to index
      %parallel_loop3A_525 = tpu.vector_load %arg5[%parallel_loop3A_523, %parallel_loop3A_524] {strides = array<i32>} : memref<4x8192xf32, #tpu.memory_space<vmem>>, vector<16xf32>,
      %parallel_loop3A_526 = arith.constant true
      %parallel_loop3A_527 = vector.broadcast %parallel_loop3A_526 : i1 to vector<16xi1>
      %parallel_loop3A_528 = tpu.scan <sum>, %parallel_loop3A_525 masked %parallel_loop3A_527 : vector<16xf32>, vector<16xi1> -> vector<16xf32>
      %parallel_loop3A_529 = arith.addf %parallel_loop3A_528, %parallel_loop3A_463 : vector<16xf32>
      %parallel_loop3A_530 = arith.constant 2 : i32
      %parallel_loop3A_531 = arith.index_cast %parallel_loop3A_530 : i32 to index
      %parallel_loop3A_532 = arith.index_cast %parallel_loop3A_485 : i32 to index
      %parallel_loop3A_533 = tpu.vector_load %arg5[%parallel_loop3A_531, %parallel_loop3A_532] {strides = array<i32>} : memref<4x8192xf32, #tpu.memory_space<vmem>>, vector<16xf32>,
      tpu.vector_store %arg5[%parallel_loop3A_531, %parallel_loop3A_532], %parallel_loop3A_529 {strides = array<i32>} : memref<4x8192xf32, #tpu.memory_space<vmem>>, vector<16xf32>,
      %parallel_loop3A_534 = arith.constant true
      %parallel_loop3A_535 = vector.broadcast %parallel_loop3A_534 : i1 to vector<16xi1>
      %parallel_loop3A_536 = tpu.scan <sum>, %parallel_loop3A_525 masked %parallel_loop3A_535 : vector<16xf32>, vector<16xi1> -> vector<16xf32>
      %parallel_loop3A_537 = vector.extract %parallel_loop3A_536[15] : f32 from vector<16xf32>
      %parallel_loop3A_538 = vector.broadcast %parallel_loop3A_537 : f32 to vector<16xf32>
      %parallel_loop3A_539 = arith.addf %parallel_loop3A_463, %parallel_loop3A_538 : vector<16xf32>
      %parallel_loop3A_540 = arith.constant 3 : i32
      %parallel_loop3A_541 = arith.index_cast %parallel_loop3A_540 : i32 to index
      %parallel_loop3A_542 = arith.index_cast %parallel_loop3A_485 : i32 to index
      %parallel_loop3A_543 = tpu.vector_load %arg5[%parallel_loop3A_541, %parallel_loop3A_542] {strides = array<i32>} : memref<4x8192xf32, #tpu.memory_space<vmem>>, vector<16xf32>,
      %parallel_loop3A_544 = arith.constant true
      %parallel_loop3A_545 = vector.broadcast %parallel_loop3A_544 : i1 to vector<16xi1>
      %parallel_loop3A_546 = tpu.scan <sum>, %parallel_loop3A_543 masked %parallel_loop3A_545 : vector<16xf32>, vector<16xi1> -> vector<16xf32>
      %parallel_loop3A_547 = arith.addf %parallel_loop3A_546, %parallel_loop3A_481 : vector<16xf32>
      %parallel_loop3A_548 = arith.constant 3 : i32
      %parallel_loop3A_549 = arith.index_cast %parallel_loop3A_548 : i32 to index
      %parallel_loop3A_550 = arith.index_cast %parallel_loop3A_485 : i32 to index
      %parallel_loop3A_551 = tpu.vector_load %arg5[%parallel_loop3A_549, %parallel_loop3A_550] {strides = array<i32>} : memref<4x8192xf32, #tpu.memory_space<vmem>>, vector<16xf32>,
      tpu.vector_store %arg5[%parallel_loop3A_549, %parallel_loop3A_550], %parallel_loop3A_547 {strides = array<i32>} : memref<4x8192xf32, #tpu.memory_space<vmem>>, vector<16xf32>,
      %parallel_loop3A_552 = arith.constant true
      %parallel_loop3A_553 = vector.broadcast %parallel_loop3A_552 : i1 to vector<16xi1>
      %parallel_loop3A_554 = tpu.scan <sum>, %parallel_loop3A_543 masked %parallel_loop3A_553 : vector<16xf32>, vector<16xi1> -> vector<16xf32>
      %parallel_loop3A_555 = vector.extract %parallel_loop3A_554[15] : f32 from vector<16xf32>
      %parallel_loop3A_556 = vector.broadcast %parallel_loop3A_555 : f32 to vector<16xf32>
      %parallel_loop3A_557 = arith.addf %parallel_loop3A_481, %parallel_loop3A_556 : vector<16xf32>
      %parallel_loop3A_558 = arith.constant 2 : i32
      %parallel_loop3A_559 = arith.addi %parallel_loop3A_281, %parallel_loop3A_558 : i32
      %parallel_loop3A_560 = arith.constant 16 : i32
      %parallel_loop3A_561 = arith.muli %parallel_loop3A_559, %parallel_loop3A_560 : i32
      %parallel_loop3A_562 = arith.constant 0 : i32
      %parallel_loop3A_563 = arith.index_cast %parallel_loop3A_562 : i32 to index
      %parallel_loop3A_564 = arith.index_cast %parallel_loop3A_561 : i32 to index
      %parallel_loop3A_565 = tpu.vector_load %arg5[%parallel_loop3A_563, %parallel_loop3A_564] {strides = array<i32>} : memref<4x8192xf32, #tpu.memory_space<vmem>>, vector<16xf32>,
      %parallel_loop3A_566 = arith.constant true
      %parallel_loop3A_567 = vector.broadcast %parallel_loop3A_566 : i1 to vector<16xi1>
      %parallel_loop3A_568 = tpu.scan <sum>, %parallel_loop3A_565 masked %parallel_loop3A_567 : vector<16xf32>, vector<16xi1> -> vector<16xf32>
      %parallel_loop3A_569 = arith.addf %parallel_loop3A_568, %parallel_loop3A_503 : vector<16xf32>
      %parallel_loop3A_570 = arith.constant 0 : i32
      %parallel_loop3A_571 = arith.index_cast %parallel_loop3A_570 : i32 to index
      %parallel_loop3A_572 = arith.index_cast %parallel_loop3A_561 : i32 to index
      %parallel_loop3A_573 = tpu.vector_load %arg5[%parallel_loop3A_571, %parallel_loop3A_572] {strides = array<i32>} : memref<4x8192xf32, #tpu.memory_space<vmem>>, vector<16xf32>,
      tpu.vector_store %arg5[%parallel_loop3A_571, %parallel_loop3A_572], %parallel_loop3A_569 {strides = array<i32>} : memref<4x8192xf32, #tpu.memory_space<vmem>>, vector<16xf32>,
      %parallel_loop3A_574 = arith.constant true
      %parallel_loop3A_575 = vector.broadcast %parallel_loop3A_574 : i1 to vector<16xi1>
      %parallel_loop3A_576 = tpu.scan <sum>, %parallel_loop3A_565 masked %parallel_loop3A_575 : vector<16xf32>, vector<16xi1> -> vector<16xf32>
      %parallel_loop3A_577 = vector.extract %parallel_loop3A_576[15] : f32 from vector<16xf32>
      %parallel_loop3A_578 = vector.broadcast %parallel_loop3A_577 : f32 to vector<16xf32>
      %parallel_loop3A_579 = arith.addf %parallel_loop3A_503, %parallel_loop3A_578 : vector<16xf32>
      %parallel_loop3A_580 = arith.constant 1 : i32
      %parallel_loop3A_581 = arith.index_cast %parallel_loop3A_580 : i32 to index
      %parallel_loop3A_582 = arith.index_cast %parallel_loop3A_561 : i32 to index
      %parallel_loop3A_583 = tpu.vector_load %arg5[%parallel_loop3A_581, %parallel_loop3A_582] {strides = array<i32>} : memref<4x8192xf32, #tpu.memory_space<vmem>>, vector<16xf32>,
      %parallel_loop3A_584 = arith.constant true
      %parallel_loop3A_585 = vector.broadcast %parallel_loop3A_584 : i1 to vector<16xi1>
      %parallel_loop3A_586 = tpu.scan <sum>, %parallel_loop3A_583 masked %parallel_loop3A_585 : vector<16xf32>, vector<16xi1> -> vector<16xf32>
      %parallel_loop3A_587 = arith.addf %parallel_loop3A_586, %parallel_loop3A_521 : vector<16xf32>
      %parallel_loop3A_588 = arith.constant 1 : i32
      %parallel_loop3A_589 = arith.index_cast %parallel_loop3A_588 : i32 to index
      %parallel_loop3A_590 = arith.index_cast %parallel_loop3A_561 : i32 to index
      %parallel_loop3A_591 = tpu.vector_load %arg5[%parallel_loop3A_589, %parallel_loop3A_590] {strides = array<i32>} : memref<4x8192xf32, #tpu.memory_space<vmem>>, vector<16xf32>,
      tpu.vector_store %arg5[%parallel_loop3A_589, %parallel_loop3A_590], %parallel_loop3A_587 {strides = array<i32>} : memref<4x8192xf32, #tpu.memory_space<vmem>>, vector<16xf32>,
      %parallel_loop3A_592 = arith.constant true
      %parallel_loop3A_593 = vector.broadcast %parallel_loop3A_592 : i1 to vector<16xi1>
      %parallel_loop3A_594 = tpu.scan <sum>, %parallel_loop3A_583 masked %parallel_loop3A_593 : vector<16xf32>, vector<16xi1> -> vector<16xf32>
      %parallel_loop3A_595 = vector.extract %parallel_loop3A_594[15] : f32 from vector<16xf32>
      %parallel_loop3A_596 = vector.broadcast %parallel_loop3A_595 : f32 to vector<16xf32>
      %parallel_loop3A_597 = arith.addf %parallel_loop3A_521, %parallel_loop3A_596 : vector<16xf32>
      %parallel_loop3A_598 = arith.constant 2 : i32
      %parallel_loop3A_599 = arith.index_cast %parallel_loop3A_598 : i32 to index
      %parallel_loop3A_600 = arith.index_cast %parallel_loop3A_561 : i32 to index
      %parallel_loop3A_601 = tpu.vector_load %arg5[%parallel_loop3A_599, %parallel_loop3A_600] {strides = array<i32>} : memref<4x8192xf32, #tpu.memory_space<vmem>>, vector<16xf32>,
      %parallel_loop3A_602 = arith.constant true
      %parallel_loop3A_603 = vector.broadcast %parallel_loop3A_602 : i1 to vector<16xi1>
      %parallel_loop3A_604 = tpu.scan <sum>, %parallel_loop3A_601 masked %parallel_loop3A_603 : vector<16xf32>, vector<16xi1> -> vector<16xf32>
      %parallel_loop3A_605 = arith.addf %parallel_loop3A_604, %parallel_loop3A_539 : vector<16xf32>
      %parallel_loop3A_606 = arith.constant 2 : i32
      %parallel_loop3A_607 = arith.index_cast %parallel_loop3A_606 : i32 to index
      %parallel_loop3A_608 = arith.index_cast %parallel_loop3A_561 : i32 to index
      %parallel_loop3A_609 = tpu.vector_load %arg5[%parallel_loop3A_607, %parallel_loop3A_608] {strides = array<i32>} : memref<4x8192xf32, #tpu.memory_space<vmem>>, vector<16xf32>,
      tpu.vector_store %arg5[%parallel_loop3A_607, %parallel_loop3A_608], %parallel_loop3A_605 {strides = array<i32>} : memref<4x8192xf32, #tpu.memory_space<vmem>>, vector<16xf32>,
      %parallel_loop3A_610 = arith.constant true
      %parallel_loop3A_611 = vector.broadcast %parallel_loop3A_610 : i1 to vector<16xi1>
      %parallel_loop3A_612 = tpu.scan <sum>, %parallel_loop3A_601 masked %parallel_loop3A_611 : vector<16xf32>, vector<16xi1> -> vector<16xf32>
      %parallel_loop3A_613 = vector.extract %parallel_loop3A_612[15] : f32 from vector<16xf32>
      %parallel_loop3A_614 = vector.broadcast %parallel_loop3A_613 : f32 to vector<16xf32>
      %parallel_loop3A_615 = arith.addf %parallel_loop3A_539, %parallel_loop3A_614 : vector<16xf32>
      %parallel_loop3A_616 = arith.constant 3 : i32
      %parallel_loop3A_617 = arith.index_cast %parallel_loop3A_616 : i32 to index
      %parallel_loop3A_618 = arith.index_cast %parallel_loop3A_561 : i32 to index
      %parallel_loop3A_619 = tpu.vector_load %arg5[%parallel_loop3A_617, %parallel_loop3A_618] {strides = array<i32>} : memref<4x8192xf32, #tpu.memory_space<vmem>>, vector<16xf32>,
      %parallel_loop3A_620 = arith.constant true
      %parallel_loop3A_621 = vector.broadcast %parallel_loop3A_620 : i1 to vector<16xi1>
      %parallel_loop3A_622 = tpu.scan <sum>, %parallel_loop3A_619 masked %parallel_loop3A_621 : vector<16xf32>, vector<16xi1> -> vector<16xf32>
      %parallel_loop3A_623 = arith.addf %parallel_loop3A_622, %parallel_loop3A_557 : vector<16xf32>
      %parallel_loop3A_624 = arith.constant 3 : i32
      %parallel_loop3A_625 = arith.index_cast %parallel_loop3A_624 : i32 to index
      %parallel_loop3A_626 = arith.index_cast %parallel_loop3A_561 : i32 to index
      %parallel_loop3A_627 = tpu.vector_load %arg5[%parallel_loop3A_625, %parallel_loop3A_626] {strides = array<i32>} : memref<4x8192xf32, #tpu.memory_space<vmem>>, vector<16xf32>,
      tpu.vector_store %arg5[%parallel_loop3A_625, %parallel_loop3A_626], %parallel_loop3A_623 {strides = array<i32>} : memref<4x8192xf32, #tpu.memory_space<vmem>>, vector<16xf32>,
      %parallel_loop3A_628 = arith.constant true
      %parallel_loop3A_629 = vector.broadcast %parallel_loop3A_628 : i1 to vector<16xi1>
      %parallel_loop3A_630 = tpu.scan <sum>, %parallel_loop3A_619 masked %parallel_loop3A_629 : vector<16xf32>, vector<16xi1> -> vector<16xf32>
      %parallel_loop3A_631 = vector.extract %parallel_loop3A_630[15] : f32 from vector<16xf32>
      %parallel_loop3A_632 = vector.broadcast %parallel_loop3A_631 : f32 to vector<16xf32>
      %parallel_loop3A_633 = arith.addf %parallel_loop3A_557, %parallel_loop3A_632 : vector<16xf32>
      %parallel_loop3A_634 = arith.constant 3 : i32
      %parallel_loop3A_635 = arith.addi %parallel_loop3A_281, %parallel_loop3A_634 : i32
      %parallel_loop3A_636 = arith.constant 16 : i32
      %parallel_loop3A_637 = arith.muli %parallel_loop3A_635, %parallel_loop3A_636 : i32
      %parallel_loop3A_638 = arith.constant 0 : i32
      %parallel_loop3A_639 = arith.index_cast %parallel_loop3A_638 : i32 to index
      %parallel_loop3A_640 = arith.index_cast %parallel_loop3A_637 : i32 to index
      %parallel_loop3A_641 = tpu.vector_load %arg5[%parallel_loop3A_639, %parallel_loop3A_640] {strides = array<i32>} : memref<4x8192xf32, #tpu.memory_space<vmem>>, vector<16xf32>,
      %parallel_loop3A_642 = arith.constant true
      %parallel_loop3A_643 = vector.broadcast %parallel_loop3A_642 : i1 to vector<16xi1>
      %parallel_loop3A_644 = tpu.scan <sum>, %parallel_loop3A_641 masked %parallel_loop3A_643 : vector<16xf32>, vector<16xi1> -> vector<16xf32>
      %parallel_loop3A_645 = arith.addf %parallel_loop3A_644, %parallel_loop3A_579 : vector<16xf32>
      %parallel_loop3A_646 = arith.constant 0 : i32
      %parallel_loop3A_647 = arith.index_cast %parallel_loop3A_646 : i32 to index
      %parallel_loop3A_648 = arith.index_cast %parallel_loop3A_637 : i32 to index
      %parallel_loop3A_649 = tpu.vector_load %arg5[%parallel_loop3A_647, %parallel_loop3A_648] {strides = array<i32>} : memref<4x8192xf32, #tpu.memory_space<vmem>>, vector<16xf32>,
      tpu.vector_store %arg5[%parallel_loop3A_647, %parallel_loop3A_648], %parallel_loop3A_645 {strides = array<i32>} : memref<4x8192xf32, #tpu.memory_space<vmem>>, vector<16xf32>,
      %parallel_loop3A_650 = arith.constant true
      %parallel_loop3A_651 = vector.broadcast %parallel_loop3A_650 : i1 to vector<16xi1>
      %parallel_loop3A_652 = tpu.scan <sum>, %parallel_loop3A_641 masked %parallel_loop3A_651 : vector<16xf32>, vector<16xi1> -> vector<16xf32>
      %parallel_loop3A_653 = vector.extract %parallel_loop3A_652[15] : f32 from vector<16xf32>
      %parallel_loop3A_654 = vector.broadcast %parallel_loop3A_653 : f32 to vector<16xf32>
      %parallel_loop3A_655 = arith.addf %parallel_loop3A_579, %parallel_loop3A_654 : vector<16xf32>
      %parallel_loop3A_656 = arith.constant 1 : i32
      %parallel_loop3A_657 = arith.index_cast %parallel_loop3A_656 : i32 to index
      %parallel_loop3A_658 = arith.index_cast %parallel_loop3A_637 : i32 to index
      %parallel_loop3A_659 = tpu.vector_load %arg5[%parallel_loop3A_657, %parallel_loop3A_658] {strides = array<i32>} : memref<4x8192xf32, #tpu.memory_space<vmem>>, vector<16xf32>,
      %parallel_loop3A_660 = arith.constant true
      %parallel_loop3A_661 = vector.broadcast %parallel_loop3A_660 : i1 to vector<16xi1>
      %parallel_loop3A_662 = tpu.scan <sum>, %parallel_loop3A_659 masked %parallel_loop3A_661 : vector<16xf32>, vector<16xi1> -> vector<16xf32>
      %parallel_loop3A_663 = arith.addf %parallel_loop3A_662, %parallel_loop3A_597 : vector<16xf32>
      %parallel_loop3A_664 = arith.constant 1 : i32
      %parallel_loop3A_665 = arith.index_cast %parallel_loop3A_664 : i32 to index
      %parallel_loop3A_666 = arith.index_cast %parallel_loop3A_637 : i32 to index
      %parallel_loop3A_667 = tpu.vector_load %arg5[%parallel_loop3A_665, %parallel_loop3A_666] {strides = array<i32>} : memref<4x8192xf32, #tpu.memory_space<vmem>>, vector<16xf32>,
      tpu.vector_store %arg5[%parallel_loop3A_665, %parallel_loop3A_666], %parallel_loop3A_663 {strides = array<i32>} : memref<4x8192xf32, #tpu.memory_space<vmem>>, vector<16xf32>,
      %parallel_loop3A_668 = arith.constant true
      %parallel_loop3A_669 = vector.broadcast %parallel_loop3A_668 : i1 to vector<16xi1>
      %parallel_loop3A_670 = tpu.scan <sum>, %parallel_loop3A_659 masked %parallel_loop3A_669 : vector<16xf32>, vector<16xi1> -> vector<16xf32>
      %parallel_loop3A_671 = vector.extract %parallel_loop3A_670[15] : f32 from vector<16xf32>
      %parallel_loop3A_672 = vector.broadcast %parallel_loop3A_671 : f32 to vector<16xf32>
      %parallel_loop3A_673 = arith.addf %parallel_loop3A_597, %parallel_loop3A_672 : vector<16xf32>
      %parallel_loop3A_674 = arith.constant 2 : i32
      %parallel_loop3A_675 = arith.index_cast %parallel_loop3A_674 : i32 to index
      %parallel_loop3A_676 = arith.index_cast %parallel_loop3A_637 : i32 to index
      %parallel_loop3A_677 = tpu.vector_load %arg5[%parallel_loop3A_675, %parallel_loop3A_676] {strides = array<i32>} : memref<4x8192xf32, #tpu.memory_space<vmem>>, vector<16xf32>,
      %parallel_loop3A_678 = arith.constant true
      %parallel_loop3A_679 = vector.broadcast %parallel_loop3A_678 : i1 to vector<16xi1>
      %parallel_loop3A_680 = tpu.scan <sum>, %parallel_loop3A_677 masked %parallel_loop3A_679 : vector<16xf32>, vector<16xi1> -> vector<16xf32>
      %parallel_loop3A_681 = arith.addf %parallel_loop3A_680, %parallel_loop3A_615 : vector<16xf32>
      %parallel_loop3A_682 = arith.constant 2 : i32
      %parallel_loop3A_683 = arith.index_cast %parallel_loop3A_682 : i32 to index
      %parallel_loop3A_684 = arith.index_cast %parallel_loop3A_637 : i32 to index
      %parallel_loop3A_685 = tpu.vector_load %arg5[%parallel_loop3A_683, %parallel_loop3A_684] {strides = array<i32>} : memref<4x8192xf32, #tpu.memory_space<vmem>>, vector<16xf32>,
      tpu.vector_store %arg5[%parallel_loop3A_683, %parallel_loop3A_684], %parallel_loop3A_681 {strides = array<i32>} : memref<4x8192xf32, #tpu.memory_space<vmem>>, vector<16xf32>,
      %parallel_loop3A_686 = arith.constant true
      %parallel_loop3A_687 = vector.broadcast %parallel_loop3A_686 : i1 to vector<16xi1>
      %parallel_loop3A_688 = tpu.scan <sum>, %parallel_loop3A_677 masked %parallel_loop3A_687 : vector<16xf32>, vector<16xi1> -> vector<16xf32>
      %parallel_loop3A_689 = vector.extract %parallel_loop3A_688[15] : f32 from vector<16xf32>
      %parallel_loop3A_690 = vector.broadcast %parallel_loop3A_689 : f32 to vector<16xf32>
      %parallel_loop3A_691 = arith.addf %parallel_loop3A_615, %parallel_loop3A_690 : vector<16xf32>
      %parallel_loop3A_692 = arith.constant 3 : i32
      %parallel_loop3A_693 = arith.index_cast %parallel_loop3A_692 : i32 to index
      %parallel_loop3A_694 = arith.index_cast %parallel_loop3A_637 : i32 to index
      %parallel_loop3A_695 = tpu.vector_load %arg5[%parallel_loop3A_693, %parallel_loop3A_694] {strides = array<i32>} : memref<4x8192xf32, #tpu.memory_space<vmem>>, vector<16xf32>,
      %parallel_loop3A_696 = arith.constant true
      %parallel_loop3A_697 = vector.broadcast %parallel_loop3A_696 : i1 to vector<16xi1>
      %parallel_loop3A_698 = tpu.scan <sum>, %parallel_loop3A_695 masked %parallel_loop3A_697 : vector<16xf32>, vector<16xi1> -> vector<16xf32>
      %parallel_loop3A_699 = arith.addf %parallel_loop3A_698, %parallel_loop3A_633 : vector<16xf32>
      %parallel_loop3A_700 = arith.constant 3 : i32
      %parallel_loop3A_701 = arith.index_cast %parallel_loop3A_700 : i32 to index
      %parallel_loop3A_702 = arith.index_cast %parallel_loop3A_637 : i32 to index
      %parallel_loop3A_703 = tpu.vector_load %arg5[%parallel_loop3A_701, %parallel_loop3A_702] {strides = array<i32>} : memref<4x8192xf32, #tpu.memory_space<vmem>>, vector<16xf32>,
      tpu.vector_store %arg5[%parallel_loop3A_701, %parallel_loop3A_702], %parallel_loop3A_699 {strides = array<i32>} : memref<4x8192xf32, #tpu.memory_space<vmem>>, vector<16xf32>,
      %parallel_loop3A_704 = arith.constant true
      %parallel_loop3A_705 = vector.broadcast %parallel_loop3A_704 : i1 to vector<16xi1>
      %parallel_loop3A_706 = tpu.scan <sum>, %parallel_loop3A_695 masked %parallel_loop3A_705 : vector<16xf32>, vector<16xi1> -> vector<16xf32>
      %parallel_loop3A_707 = vector.extract %parallel_loop3A_706[15] : f32 from vector<16xf32>
      %parallel_loop3A_708 = vector.broadcast %parallel_loop3A_707 : f32 to vector<16xf32>
      %parallel_loop3A_709 = arith.addf %parallel_loop3A_633, %parallel_loop3A_708 : vector<16xf32>
      %parallel_loop3A_710 = arith.constant 4 : i32
      %parallel_loop3A_711 = arith.addi %parallel_loop3A_281, %parallel_loop3A_710 : i32
      %parallel_loop3A_712 = arith.constant 16 : i32
      %parallel_loop3A_713 = arith.muli %parallel_loop3A_711, %parallel_loop3A_712 : i32
      %parallel_loop3A_714 = arith.constant 0 : i32
      %parallel_loop3A_715 = arith.index_cast %parallel_loop3A_714 : i32 to index
      %parallel_loop3A_716 = arith.index_cast %parallel_loop3A_713 : i32 to index
      %parallel_loop3A_717 = tpu.vector_load %arg5[%parallel_loop3A_715, %parallel_loop3A_716] {strides = array<i32>} : memref<4x8192xf32, #tpu.memory_space<vmem>>, vector<16xf32>,
      %parallel_loop3A_718 = arith.constant true
      %parallel_loop3A_719 = vector.broadcast %parallel_loop3A_718 : i1 to vector<16xi1>
      %parallel_loop3A_720 = tpu.scan <sum>, %parallel_loop3A_717 masked %parallel_loop3A_719 : vector<16xf32>, vector<16xi1> -> vector<16xf32>
      %parallel_loop3A_721 = arith.addf %parallel_loop3A_720, %parallel_loop3A_655 : vector<16xf32>
      %parallel_loop3A_722 = arith.constant 0 : i32
      %parallel_loop3A_723 = arith.index_cast %parallel_loop3A_722 : i32 to index
      %parallel_loop3A_724 = arith.index_cast %parallel_loop3A_713 : i32 to index
      %parallel_loop3A_725 = tpu.vector_load %arg5[%parallel_loop3A_723, %parallel_loop3A_724] {strides = array<i32>} : memref<4x8192xf32, #tpu.memory_space<vmem>>, vector<16xf32>,
      tpu.vector_store %arg5[%parallel_loop3A_723, %parallel_loop3A_724], %parallel_loop3A_721 {strides = array<i32>} : memref<4x8192xf32, #tpu.memory_space<vmem>>, vector<16xf32>,
      %parallel_loop3A_726 = arith.constant true
      %parallel_loop3A_727 = vector.broadcast %parallel_loop3A_726 : i1 to vector<16xi1>
      %parallel_loop3A_728 = tpu.scan <sum>, %parallel_loop3A_717 masked %parallel_loop3A_727 : vector<16xf32>, vector<16xi1> -> vector<16xf32>
      %parallel_loop3A_729 = vector.extract %parallel_loop3A_728[15] : f32 from vector<16xf32>
      %parallel_loop3A_730 = vector.broadcast %parallel_loop3A_729 : f32 to vector<16xf32>
      %parallel_loop3A_731 = arith.addf %parallel_loop3A_655, %parallel_loop3A_730 : vector<16xf32>
      %parallel_loop3A_732 = arith.constant 1 : i32
      %parallel_loop3A_733 = arith.index_cast %parallel_loop3A_732 : i32 to index
      %parallel_loop3A_734 = arith.index_cast %parallel_loop3A_713 : i32 to index
      %parallel_loop3A_735 = tpu.vector_load %arg5[%parallel_loop3A_733, %parallel_loop3A_734] {strides = array<i32>} : memref<4x8192xf32, #tpu.memory_space<vmem>>, vector<16xf32>,
      %parallel_loop3A_736 = arith.constant true
      %parallel_loop3A_737 = vector.broadcast %parallel_loop3A_736 : i1 to vector<16xi1>
      %parallel_loop3A_738 = tpu.scan <sum>, %parallel_loop3A_735 masked %parallel_loop3A_737 : vector<16xf32>, vector<16xi1> -> vector<16xf32>
      %parallel_loop3A_739 = arith.addf %parallel_loop3A_738, %parallel_loop3A_673 : vector<16xf32>
      %parallel_loop3A_740 = arith.constant 1 : i32
      %parallel_loop3A_741 = arith.index_cast %parallel_loop3A_740 : i32 to index
      %parallel_loop3A_742 = arith.index_cast %parallel_loop3A_713 : i32 to index
      %parallel_loop3A_743 = tpu.vector_load %arg5[%parallel_loop3A_741, %parallel_loop3A_742] {strides = array<i32>} : memref<4x8192xf32, #tpu.memory_space<vmem>>, vector<16xf32>,
      tpu.vector_store %arg5[%parallel_loop3A_741, %parallel_loop3A_742], %parallel_loop3A_739 {strides = array<i32>} : memref<4x8192xf32, #tpu.memory_space<vmem>>, vector<16xf32>,
      %parallel_loop3A_744 = arith.constant true
      %parallel_loop3A_745 = vector.broadcast %parallel_loop3A_744 : i1 to vector<16xi1>
      %parallel_loop3A_746 = tpu.scan <sum>, %parallel_loop3A_735 masked %parallel_loop3A_745 : vector<16xf32>, vector<16xi1> -> vector<16xf32>
      %parallel_loop3A_747 = vector.extract %parallel_loop3A_746[15] : f32 from vector<16xf32>
      %parallel_loop3A_748 = vector.broadcast %parallel_loop3A_747 : f32 to vector<16xf32>
      %parallel_loop3A_749 = arith.addf %parallel_loop3A_673, %parallel_loop3A_748 : vector<16xf32>
      %parallel_loop3A_750 = arith.constant 2 : i32
      %parallel_loop3A_751 = arith.index_cast %parallel_loop3A_750 : i32 to index
      %parallel_loop3A_752 = arith.index_cast %parallel_loop3A_713 : i32 to index
      %parallel_loop3A_753 = tpu.vector_load %arg5[%parallel_loop3A_751, %parallel_loop3A_752] {strides = array<i32>} : memref<4x8192xf32, #tpu.memory_space<vmem>>, vector<16xf32>,
      %parallel_loop3A_754 = arith.constant true
      %parallel_loop3A_755 = vector.broadcast %parallel_loop3A_754 : i1 to vector<16xi1>
      %parallel_loop3A_756 = tpu.scan <sum>, %parallel_loop3A_753 masked %parallel_loop3A_755 : vector<16xf32>, vector<16xi1> -> vector<16xf32>
      %parallel_loop3A_757 = arith.addf %parallel_loop3A_756, %parallel_loop3A_691 : vector<16xf32>
      %parallel_loop3A_758 = arith.constant 2 : i32
      %parallel_loop3A_759 = arith.index_cast %parallel_loop3A_758 : i32 to index
      %parallel_loop3A_760 = arith.index_cast %parallel_loop3A_713 : i32 to index
      %parallel_loop3A_761 = tpu.vector_load %arg5[%parallel_loop3A_759, %parallel_loop3A_760] {strides = array<i32>} : memref<4x8192xf32, #tpu.memory_space<vmem>>, vector<16xf32>,
      tpu.vector_store %arg5[%parallel_loop3A_759, %parallel_loop3A_760], %parallel_loop3A_757 {strides = array<i32>} : memref<4x8192xf32, #tpu.memory_space<vmem>>, vector<16xf32>,
      %parallel_loop3A_762 = arith.constant true
      %parallel_loop3A_763 = vector.broadcast %parallel_loop3A_762 : i1 to vector<16xi1>
      %parallel_loop3A_764 = tpu.scan <sum>, %parallel_loop3A_753 masked %parallel_loop3A_763 : vector<16xf32>, vector<16xi1> -> vector<16xf32>
      %parallel_loop3A_765 = vector.extract %parallel_loop3A_764[15] : f32 from vector<16xf32>
      %parallel_loop3A_766 = vector.broadcast %parallel_loop3A_765 : f32 to vector<16xf32>
      %parallel_loop3A_767 = arith.addf %parallel_loop3A_691, %parallel_loop3A_766 : vector<16xf32>
      %parallel_loop3A_768 = arith.constant 3 : i32
      %parallel_loop3A_769 = arith.index_cast %parallel_loop3A_768 : i32 to index
      %parallel_loop3A_770 = arith.index_cast %parallel_loop3A_713 : i32 to index
      %parallel_loop3A_771 = tpu.vector_load %arg5[%parallel_loop3A_769, %parallel_loop3A_770] {strides = array<i32>} : memref<4x8192xf32, #tpu.memory_space<vmem>>, vector<16xf32>,
      %parallel_loop3A_772 = arith.constant true
      %parallel_loop3A_773 = vector.broadcast %parallel_loop3A_772 : i1 to vector<16xi1>
      %parallel_loop3A_774 = tpu.scan <sum>, %parallel_loop3A_771 masked %parallel_loop3A_773 : vector<16xf32>, vector<16xi1> -> vector<16xf32>
      %parallel_loop3A_775 = arith.addf %parallel_loop3A_774, %parallel_loop3A_709 : vector<16xf32>
      %parallel_loop3A_776 = arith.constant 3 : i32
      %parallel_loop3A_777 = arith.index_cast %parallel_loop3A_776 : i32 to index
      %parallel_loop3A_778 = arith.index_cast %parallel_loop3A_713 : i32 to index
      %parallel_loop3A_779 = tpu.vector_load %arg5[%parallel_loop3A_777, %parallel_loop3A_778] {strides = array<i32>} : memref<4x8192xf32, #tpu.memory_space<vmem>>, vector<16xf32>,
      tpu.vector_store %arg5[%parallel_loop3A_777, %parallel_loop3A_778], %parallel_loop3A_775 {strides = array<i32>} : memref<4x8192xf32, #tpu.memory_space<vmem>>, vector<16xf32>,
      %parallel_loop3A_780 = arith.constant true
      %parallel_loop3A_781 = vector.broadcast %parallel_loop3A_780 : i1 to vector<16xi1>
      %parallel_loop3A_782 = tpu.scan <sum>, %parallel_loop3A_771 masked %parallel_loop3A_781 : vector<16xf32>, vector<16xi1> -> vector<16xf32>
      %parallel_loop3A_783 = vector.extract %parallel_loop3A_782[15] : f32 from vector<16xf32>
      %parallel_loop3A_784 = vector.broadcast %parallel_loop3A_783 : f32 to vector<16xf32>
      %parallel_loop3A_785 = arith.addf %parallel_loop3A_709, %parallel_loop3A_784 : vector<16xf32>
      %parallel_loop3A_786 = arith.constant 5 : i32
      %parallel_loop3A_787 = arith.addi %parallel_loop3A_281, %parallel_loop3A_786 : i32
      %parallel_loop3A_788 = arith.constant 16 : i32
      %parallel_loop3A_789 = arith.muli %parallel_loop3A_787, %parallel_loop3A_788 : i32
      %parallel_loop3A_790 = arith.constant 0 : i32
      %parallel_loop3A_791 = arith.index_cast %parallel_loop3A_790 : i32 to index
      %parallel_loop3A_792 = arith.index_cast %parallel_loop3A_789 : i32 to index
      %parallel_loop3A_793 = tpu.vector_load %arg5[%parallel_loop3A_791, %parallel_loop3A_792] {strides = array<i32>} : memref<4x8192xf32, #tpu.memory_space<vmem>>, vector<16xf32>,
      %parallel_loop3A_794 = arith.constant true
      %parallel_loop3A_795 = vector.broadcast %parallel_loop3A_794 : i1 to vector<16xi1>
      %parallel_loop3A_796 = tpu.scan <sum>, %parallel_loop3A_793 masked %parallel_loop3A_795 : vector<16xf32>, vector<16xi1> -> vector<16xf32>
      %parallel_loop3A_797 = arith.addf %parallel_loop3A_796, %parallel_loop3A_731 : vector<16xf32>
      %parallel_loop3A_798 = arith.constant 0 : i32
      %parallel_loop3A_799 = arith.index_cast %parallel_loop3A_798 : i32 to index
      %parallel_loop3A_800 = arith.index_cast %parallel_loop3A_789 : i32 to index
      %parallel_loop3A_801 = tpu.vector_load %arg5[%parallel_loop3A_799, %parallel_loop3A_800] {strides = array<i32>} : memref<4x8192xf32, #tpu.memory_space<vmem>>, vector<16xf32>,
      tpu.vector_store %arg5[%parallel_loop3A_799, %parallel_loop3A_800], %parallel_loop3A_797 {strides = array<i32>} : memref<4x8192xf32, #tpu.memory_space<vmem>>, vector<16xf32>,
      %parallel_loop3A_802 = arith.constant true
      %parallel_loop3A_803 = vector.broadcast %parallel_loop3A_802 : i1 to vector<16xi1>
      %parallel_loop3A_804 = tpu.scan <sum>, %parallel_loop3A_793 masked %parallel_loop3A_803 : vector<16xf32>, vector<16xi1> -> vector<16xf32>
      %parallel_loop3A_805 = vector.extract %parallel_loop3A_804[15] : f32 from vector<16xf32>
      %parallel_loop3A_806 = vector.broadcast %parallel_loop3A_805 : f32 to vector<16xf32>
      %parallel_loop3A_807 = arith.addf %parallel_loop3A_731, %parallel_loop3A_806 : vector<16xf32>
      %parallel_loop3A_808 = arith.constant 1 : i32
      %parallel_loop3A_809 = arith.index_cast %parallel_loop3A_808 : i32 to index
      %parallel_loop3A_810 = arith.index_cast %parallel_loop3A_789 : i32 to index
      %parallel_loop3A_811 = tpu.vector_load %arg5[%parallel_loop3A_809, %parallel_loop3A_810] {strides = array<i32>} : memref<4x8192xf32, #tpu.memory_space<vmem>>, vector<16xf32>,
      %parallel_loop3A_812 = arith.constant true
      %parallel_loop3A_813 = vector.broadcast %parallel_loop3A_812 : i1 to vector<16xi1>
      %parallel_loop3A_814 = tpu.scan <sum>, %parallel_loop3A_811 masked %parallel_loop3A_813 : vector<16xf32>, vector<16xi1> -> vector<16xf32>
      %parallel_loop3A_815 = arith.addf %parallel_loop3A_814, %parallel_loop3A_749 : vector<16xf32>
      %parallel_loop3A_816 = arith.constant 1 : i32
      %parallel_loop3A_817 = arith.index_cast %parallel_loop3A_816 : i32 to index
      %parallel_loop3A_818 = arith.index_cast %parallel_loop3A_789 : i32 to index
      %parallel_loop3A_819 = tpu.vector_load %arg5[%parallel_loop3A_817, %parallel_loop3A_818] {strides = array<i32>} : memref<4x8192xf32, #tpu.memory_space<vmem>>, vector<16xf32>,
      tpu.vector_store %arg5[%parallel_loop3A_817, %parallel_loop3A_818], %parallel_loop3A_815 {strides = array<i32>} : memref<4x8192xf32, #tpu.memory_space<vmem>>, vector<16xf32>,
      %parallel_loop3A_820 = arith.constant true
      %parallel_loop3A_821 = vector.broadcast %parallel_loop3A_820 : i1 to vector<16xi1>
      %parallel_loop3A_822 = tpu.scan <sum>, %parallel_loop3A_811 masked %parallel_loop3A_821 : vector<16xf32>, vector<16xi1> -> vector<16xf32>
      %parallel_loop3A_823 = vector.extract %parallel_loop3A_822[15] : f32 from vector<16xf32>
      %parallel_loop3A_824 = vector.broadcast %parallel_loop3A_823 : f32 to vector<16xf32>
      %parallel_loop3A_825 = arith.addf %parallel_loop3A_749, %parallel_loop3A_824 : vector<16xf32>
      %parallel_loop3A_826 = arith.constant 2 : i32
      %parallel_loop3A_827 = arith.index_cast %parallel_loop3A_826 : i32 to index
      %parallel_loop3A_828 = arith.index_cast %parallel_loop3A_789 : i32 to index
      %parallel_loop3A_829 = tpu.vector_load %arg5[%parallel_loop3A_827, %parallel_loop3A_828] {strides = array<i32>} : memref<4x8192xf32, #tpu.memory_space<vmem>>, vector<16xf32>,
      %parallel_loop3A_830 = arith.constant true
      %parallel_loop3A_831 = vector.broadcast %parallel_loop3A_830 : i1 to vector<16xi1>
      %parallel_loop3A_832 = tpu.scan <sum>, %parallel_loop3A_829 masked %parallel_loop3A_831 : vector<16xf32>, vector<16xi1> -> vector<16xf32>
      %parallel_loop3A_833 = arith.addf %parallel_loop3A_832, %parallel_loop3A_767 : vector<16xf32>
      %parallel_loop3A_834 = arith.constant 2 : i32
      %parallel_loop3A_835 = arith.index_cast %parallel_loop3A_834 : i32 to index
      %parallel_loop3A_836 = arith.index_cast %parallel_loop3A_789 : i32 to index
      %parallel_loop3A_837 = tpu.vector_load %arg5[%parallel_loop3A_835, %parallel_loop3A_836] {strides = array<i32>} : memref<4x8192xf32, #tpu.memory_space<vmem>>, vector<16xf32>,
      tpu.vector_store %arg5[%parallel_loop3A_835, %parallel_loop3A_836], %parallel_loop3A_833 {strides = array<i32>} : memref<4x8192xf32, #tpu.memory_space<vmem>>, vector<16xf32>,
      %parallel_loop3A_838 = arith.constant true
      %parallel_loop3A_839 = vector.broadcast %parallel_loop3A_838 : i1 to vector<16xi1>
      %parallel_loop3A_840 = tpu.scan <sum>, %parallel_loop3A_829 masked %parallel_loop3A_839 : vector<16xf32>, vector<16xi1> -> vector<16xf32>
      %parallel_loop3A_841 = vector.extract %parallel_loop3A_840[15] : f32 from vector<16xf32>
      %parallel_loop3A_842 = vector.broadcast %parallel_loop3A_841 : f32 to vector<16xf32>
      %parallel_loop3A_843 = arith.addf %parallel_loop3A_767, %parallel_loop3A_842 : vector<16xf32>
      %parallel_loop3A_844 = arith.constant 3 : i32
      %parallel_loop3A_845 = arith.index_cast %parallel_loop3A_844 : i32 to index
      %parallel_loop3A_846 = arith.index_cast %parallel_loop3A_789 : i32 to index
      %parallel_loop3A_847 = tpu.vector_load %arg5[%parallel_loop3A_845, %parallel_loop3A_846] {strides = array<i32>} : memref<4x8192xf32, #tpu.memory_space<vmem>>, vector<16xf32>,
      %parallel_loop3A_848 = arith.constant true
      %parallel_loop3A_849 = vector.broadcast %parallel_loop3A_848 : i1 to vector<16xi1>
      %parallel_loop3A_850 = tpu.scan <sum>, %parallel_loop3A_847 masked %parallel_loop3A_849 : vector<16xf32>, vector<16xi1> -> vector<16xf32>
      %parallel_loop3A_851 = arith.addf %parallel_loop3A_850, %parallel_loop3A_785 : vector<16xf32>
      %parallel_loop3A_852 = arith.constant 3 : i32
      %parallel_loop3A_853 = arith.index_cast %parallel_loop3A_852 : i32 to index
      %parallel_loop3A_854 = arith.index_cast %parallel_loop3A_789 : i32 to index
      %parallel_loop3A_855 = tpu.vector_load %arg5[%parallel_loop3A_853, %parallel_loop3A_854] {strides = array<i32>} : memref<4x8192xf32, #tpu.memory_space<vmem>>, vector<16xf32>,
      tpu.vector_store %arg5[%parallel_loop3A_853, %parallel_loop3A_854], %parallel_loop3A_851 {strides = array<i32>} : memref<4x8192xf32, #tpu.memory_space<vmem>>, vector<16xf32>,
      %parallel_loop3A_856 = arith.constant true
      %parallel_loop3A_857 = vector.broadcast %parallel_loop3A_856 : i1 to vector<16xi1>
      %parallel_loop3A_858 = tpu.scan <sum>, %parallel_loop3A_847 masked %parallel_loop3A_857 : vector<16xf32>, vector<16xi1> -> vector<16xf32>
      %parallel_loop3A_859 = vector.extract %parallel_loop3A_858[15] : f32 from vector<16xf32>
      %parallel_loop3A_860 = vector.broadcast %parallel_loop3A_859 : f32 to vector<16xf32>
      %parallel_loop3A_861 = arith.addf %parallel_loop3A_785, %parallel_loop3A_860 : vector<16xf32>
      %parallel_loop3A_862 = arith.constant 6 : i32
      %parallel_loop3A_863 = arith.addi %parallel_loop3A_281, %parallel_loop3A_862 : i32
      %parallel_loop3A_864 = arith.constant 16 : i32
      %parallel_loop3A_865 = arith.muli %parallel_loop3A_863, %parallel_loop3A_864 : i32
      %parallel_loop3A_866 = arith.constant 0 : i32
      %parallel_loop3A_867 = arith.index_cast %parallel_loop3A_866 : i32 to index
      %parallel_loop3A_868 = arith.index_cast %parallel_loop3A_865 : i32 to index
      %parallel_loop3A_869 = tpu.vector_load %arg5[%parallel_loop3A_867, %parallel_loop3A_868] {strides = array<i32>} : memref<4x8192xf32, #tpu.memory_space<vmem>>, vector<16xf32>,
      %parallel_loop3A_870 = arith.constant true
      %parallel_loop3A_871 = vector.broadcast %parallel_loop3A_870 : i1 to vector<16xi1>
      %parallel_loop3A_872 = tpu.scan <sum>, %parallel_loop3A_869 masked %parallel_loop3A_871 : vector<16xf32>, vector<16xi1> -> vector<16xf32>
      %parallel_loop3A_873 = arith.addf %parallel_loop3A_872, %parallel_loop3A_807 : vector<16xf32>
      %parallel_loop3A_874 = arith.constant 0 : i32
      %parallel_loop3A_875 = arith.index_cast %parallel_loop3A_874 : i32 to index
      %parallel_loop3A_876 = arith.index_cast %parallel_loop3A_865 : i32 to index
      %parallel_loop3A_877 = tpu.vector_load %arg5[%parallel_loop3A_875, %parallel_loop3A_876] {strides = array<i32>} : memref<4x8192xf32, #tpu.memory_space<vmem>>, vector<16xf32>,
      tpu.vector_store %arg5[%parallel_loop3A_875, %parallel_loop3A_876], %parallel_loop3A_873 {strides = array<i32>} : memref<4x8192xf32, #tpu.memory_space<vmem>>, vector<16xf32>,
      %parallel_loop3A_878 = arith.constant true
      %parallel_loop3A_879 = vector.broadcast %parallel_loop3A_878 : i1 to vector<16xi1>
      %parallel_loop3A_880 = tpu.scan <sum>, %parallel_loop3A_869 masked %parallel_loop3A_879 : vector<16xf32>, vector<16xi1> -> vector<16xf32>
      %parallel_loop3A_881 = vector.extract %parallel_loop3A_880[15] : f32 from vector<16xf32>
      %parallel_loop3A_882 = vector.broadcast %parallel_loop3A_881 : f32 to vector<16xf32>
      %parallel_loop3A_883 = arith.addf %parallel_loop3A_807, %parallel_loop3A_882 : vector<16xf32>
      %parallel_loop3A_884 = arith.constant 1 : i32
      %parallel_loop3A_885 = arith.index_cast %parallel_loop3A_884 : i32 to index
      %parallel_loop3A_886 = arith.index_cast %parallel_loop3A_865 : i32 to index
      %parallel_loop3A_887 = tpu.vector_load %arg5[%parallel_loop3A_885, %parallel_loop3A_886] {strides = array<i32>} : memref<4x8192xf32, #tpu.memory_space<vmem>>, vector<16xf32>,
      %parallel_loop3A_888 = arith.constant true
      %parallel_loop3A_889 = vector.broadcast %parallel_loop3A_888 : i1 to vector<16xi1>
      %parallel_loop3A_890 = tpu.scan <sum>, %parallel_loop3A_887 masked %parallel_loop3A_889 : vector<16xf32>, vector<16xi1> -> vector<16xf32>
      %parallel_loop3A_891 = arith.addf %parallel_loop3A_890, %parallel_loop3A_825 : vector<16xf32>
      %parallel_loop3A_892 = arith.constant 1 : i32
      %parallel_loop3A_893 = arith.index_cast %parallel_loop3A_892 : i32 to index
      %parallel_loop3A_894 = arith.index_cast %parallel_loop3A_865 : i32 to index
      %parallel_loop3A_895 = tpu.vector_load %arg5[%parallel_loop3A_893, %parallel_loop3A_894] {strides = array<i32>} : memref<4x8192xf32, #tpu.memory_space<vmem>>, vector<16xf32>,
      tpu.vector_store %arg5[%parallel_loop3A_893, %parallel_loop3A_894], %parallel_loop3A_891 {strides = array<i32>} : memref<4x8192xf32, #tpu.memory_space<vmem>>, vector<16xf32>,
      %parallel_loop3A_896 = arith.constant true
      %parallel_loop3A_897 = vector.broadcast %parallel_loop3A_896 : i1 to vector<16xi1>
      %parallel_loop3A_898 = tpu.scan <sum>, %parallel_loop3A_887 masked %parallel_loop3A_897 : vector<16xf32>, vector<16xi1> -> vector<16xf32>
      %parallel_loop3A_899 = vector.extract %parallel_loop3A_898[15] : f32 from vector<16xf32>
      %parallel_loop3A_900 = vector.broadcast %parallel_loop3A_899 : f32 to vector<16xf32>
      %parallel_loop3A_901 = arith.addf %parallel_loop3A_825, %parallel_loop3A_900 : vector<16xf32>
      %parallel_loop3A_902 = arith.constant 2 : i32
      %parallel_loop3A_903 = arith.index_cast %parallel_loop3A_902 : i32 to index
      %parallel_loop3A_904 = arith.index_cast %parallel_loop3A_865 : i32 to index
      %parallel_loop3A_905 = tpu.vector_load %arg5[%parallel_loop3A_903, %parallel_loop3A_904] {strides = array<i32>} : memref<4x8192xf32, #tpu.memory_space<vmem>>, vector<16xf32>,
      %parallel_loop3A_906 = arith.constant true
      %parallel_loop3A_907 = vector.broadcast %parallel_loop3A_906 : i1 to vector<16xi1>
      %parallel_loop3A_908 = tpu.scan <sum>, %parallel_loop3A_905 masked %parallel_loop3A_907 : vector<16xf32>, vector<16xi1> -> vector<16xf32>
      %parallel_loop3A_909 = arith.addf %parallel_loop3A_908, %parallel_loop3A_843 : vector<16xf32>
      %parallel_loop3A_910 = arith.constant 2 : i32
      %parallel_loop3A_911 = arith.index_cast %parallel_loop3A_910 : i32 to index
      %parallel_loop3A_912 = arith.index_cast %parallel_loop3A_865 : i32 to index
      %parallel_loop3A_913 = tpu.vector_load %arg5[%parallel_loop3A_911, %parallel_loop3A_912] {strides = array<i32>} : memref<4x8192xf32, #tpu.memory_space<vmem>>, vector<16xf32>,
      tpu.vector_store %arg5[%parallel_loop3A_911, %parallel_loop3A_912], %parallel_loop3A_909 {strides = array<i32>} : memref<4x8192xf32, #tpu.memory_space<vmem>>, vector<16xf32>,
      %parallel_loop3A_914 = arith.constant true
      %parallel_loop3A_915 = vector.broadcast %parallel_loop3A_914 : i1 to vector<16xi1>
      %parallel_loop3A_916 = tpu.scan <sum>, %parallel_loop3A_905 masked %parallel_loop3A_915 : vector<16xf32>, vector<16xi1> -> vector<16xf32>
      %parallel_loop3A_917 = vector.extract %parallel_loop3A_916[15] : f32 from vector<16xf32>
      %parallel_loop3A_918 = vector.broadcast %parallel_loop3A_917 : f32 to vector<16xf32>
      %parallel_loop3A_919 = arith.addf %parallel_loop3A_843, %parallel_loop3A_918 : vector<16xf32>
      %parallel_loop3A_920 = arith.constant 3 : i32
      %parallel_loop3A_921 = arith.index_cast %parallel_loop3A_920 : i32 to index
      %parallel_loop3A_922 = arith.index_cast %parallel_loop3A_865 : i32 to index
      %parallel_loop3A_923 = tpu.vector_load %arg5[%parallel_loop3A_921, %parallel_loop3A_922] {strides = array<i32>} : memref<4x8192xf32, #tpu.memory_space<vmem>>, vector<16xf32>,
      %parallel_loop3A_924 = arith.constant true
      %parallel_loop3A_925 = vector.broadcast %parallel_loop3A_924 : i1 to vector<16xi1>
      %parallel_loop3A_926 = tpu.scan <sum>, %parallel_loop3A_923 masked %parallel_loop3A_925 : vector<16xf32>, vector<16xi1> -> vector<16xf32>
      %parallel_loop3A_927 = arith.addf %parallel_loop3A_926, %parallel_loop3A_861 : vector<16xf32>
      %parallel_loop3A_928 = arith.constant 3 : i32
      %parallel_loop3A_929 = arith.index_cast %parallel_loop3A_928 : i32 to index
      %parallel_loop3A_930 = arith.index_cast %parallel_loop3A_865 : i32 to index
      %parallel_loop3A_931 = tpu.vector_load %arg5[%parallel_loop3A_929, %parallel_loop3A_930] {strides = array<i32>} : memref<4x8192xf32, #tpu.memory_space<vmem>>, vector<16xf32>,
      tpu.vector_store %arg5[%parallel_loop3A_929, %parallel_loop3A_930], %parallel_loop3A_927 {strides = array<i32>} : memref<4x8192xf32, #tpu.memory_space<vmem>>, vector<16xf32>,
      %parallel_loop3A_932 = arith.constant true
      %parallel_loop3A_933 = vector.broadcast %parallel_loop3A_932 : i1 to vector<16xi1>
      %parallel_loop3A_934 = tpu.scan <sum>, %parallel_loop3A_923 masked %parallel_loop3A_933 : vector<16xf32>, vector<16xi1> -> vector<16xf32>
      %parallel_loop3A_935 = vector.extract %parallel_loop3A_934[15] : f32 from vector<16xf32>
      %parallel_loop3A_936 = vector.broadcast %parallel_loop3A_935 : f32 to vector<16xf32>
      %parallel_loop3A_937 = arith.addf %parallel_loop3A_861, %parallel_loop3A_936 : vector<16xf32>
      %parallel_loop3A_938 = arith.constant 7 : i32
      %parallel_loop3A_939 = arith.addi %parallel_loop3A_281, %parallel_loop3A_938 : i32
      %parallel_loop3A_940 = arith.constant 16 : i32
      %parallel_loop3A_941 = arith.muli %parallel_loop3A_939, %parallel_loop3A_940 : i32
      %parallel_loop3A_942 = arith.constant 0 : i32
      %parallel_loop3A_943 = arith.index_cast %parallel_loop3A_942 : i32 to index
      %parallel_loop3A_944 = arith.index_cast %parallel_loop3A_941 : i32 to index
      %parallel_loop3A_945 = tpu.vector_load %arg5[%parallel_loop3A_943, %parallel_loop3A_944] {strides = array<i32>} : memref<4x8192xf32, #tpu.memory_space<vmem>>, vector<16xf32>,
      %parallel_loop3A_946 = arith.constant true
      %parallel_loop3A_947 = vector.broadcast %parallel_loop3A_946 : i1 to vector<16xi1>
      %parallel_loop3A_948 = tpu.scan <sum>, %parallel_loop3A_945 masked %parallel_loop3A_947 : vector<16xf32>, vector<16xi1> -> vector<16xf32>
      %parallel_loop3A_949 = arith.addf %parallel_loop3A_948, %parallel_loop3A_883 : vector<16xf32>
      %parallel_loop3A_950 = arith.constant 0 : i32
      %parallel_loop3A_951 = arith.index_cast %parallel_loop3A_950 : i32 to index
      %parallel_loop3A_952 = arith.index_cast %parallel_loop3A_941 : i32 to index
      %parallel_loop3A_953 = tpu.vector_load %arg5[%parallel_loop3A_951, %parallel_loop3A_952] {strides = array<i32>} : memref<4x8192xf32, #tpu.memory_space<vmem>>, vector<16xf32>,
      tpu.vector_store %arg5[%parallel_loop3A_951, %parallel_loop3A_952], %parallel_loop3A_949 {strides = array<i32>} : memref<4x8192xf32, #tpu.memory_space<vmem>>, vector<16xf32>,
      %parallel_loop3A_954 = arith.constant true
      %parallel_loop3A_955 = vector.broadcast %parallel_loop3A_954 : i1 to vector<16xi1>
      %parallel_loop3A_956 = tpu.scan <sum>, %parallel_loop3A_945 masked %parallel_loop3A_955 : vector<16xf32>, vector<16xi1> -> vector<16xf32>
      %parallel_loop3A_957 = vector.extract %parallel_loop3A_956[15] : f32 from vector<16xf32>
      %parallel_loop3A_958 = vector.broadcast %parallel_loop3A_957 : f32 to vector<16xf32>
      %parallel_loop3A_959 = arith.addf %parallel_loop3A_883, %parallel_loop3A_958 : vector<16xf32>
      %parallel_loop3A_960 = arith.constant 1 : i32
      %parallel_loop3A_961 = arith.index_cast %parallel_loop3A_960 : i32 to index
      %parallel_loop3A_962 = arith.index_cast %parallel_loop3A_941 : i32 to index
      %parallel_loop3A_963 = tpu.vector_load %arg5[%parallel_loop3A_961, %parallel_loop3A_962] {strides = array<i32>} : memref<4x8192xf32, #tpu.memory_space<vmem>>, vector<16xf32>,
      %parallel_loop3A_964 = arith.constant true
      %parallel_loop3A_965 = vector.broadcast %parallel_loop3A_964 : i1 to vector<16xi1>
      %parallel_loop3A_966 = tpu.scan <sum>, %parallel_loop3A_963 masked %parallel_loop3A_965 : vector<16xf32>, vector<16xi1> -> vector<16xf32>
      %parallel_loop3A_967 = arith.addf %parallel_loop3A_966, %parallel_loop3A_901 : vector<16xf32>
      %parallel_loop3A_968 = arith.constant 1 : i32
      %parallel_loop3A_969 = arith.index_cast %parallel_loop3A_968 : i32 to index
      %parallel_loop3A_970 = arith.index_cast %parallel_loop3A_941 : i32 to index
      %parallel_loop3A_971 = tpu.vector_load %arg5[%parallel_loop3A_969, %parallel_loop3A_970] {strides = array<i32>} : memref<4x8192xf32, #tpu.memory_space<vmem>>, vector<16xf32>,
      tpu.vector_store %arg5[%parallel_loop3A_969, %parallel_loop3A_970], %parallel_loop3A_967 {strides = array<i32>} : memref<4x8192xf32, #tpu.memory_space<vmem>>, vector<16xf32>,
      %parallel_loop3A_972 = arith.constant true
      %parallel_loop3A_973 = vector.broadcast %parallel_loop3A_972 : i1 to vector<16xi1>
      %parallel_loop3A_974 = tpu.scan <sum>, %parallel_loop3A_963 masked %parallel_loop3A_973 : vector<16xf32>, vector<16xi1> -> vector<16xf32>
      %parallel_loop3A_975 = vector.extract %parallel_loop3A_974[15] : f32 from vector<16xf32>
      %parallel_loop3A_976 = vector.broadcast %parallel_loop3A_975 : f32 to vector<16xf32>
      %parallel_loop3A_977 = arith.addf %parallel_loop3A_901, %parallel_loop3A_976 : vector<16xf32>
      %parallel_loop3A_978 = arith.constant 2 : i32
      %parallel_loop3A_979 = arith.index_cast %parallel_loop3A_978 : i32 to index
      %parallel_loop3A_980 = arith.index_cast %parallel_loop3A_941 : i32 to index
      %parallel_loop3A_981 = tpu.vector_load %arg5[%parallel_loop3A_979, %parallel_loop3A_980] {strides = array<i32>} : memref<4x8192xf32, #tpu.memory_space<vmem>>, vector<16xf32>,
      %parallel_loop3A_982 = arith.constant true
      %parallel_loop3A_983 = vector.broadcast %parallel_loop3A_982 : i1 to vector<16xi1>
      %parallel_loop3A_984 = tpu.scan <sum>, %parallel_loop3A_981 masked %parallel_loop3A_983 : vector<16xf32>, vector<16xi1> -> vector<16xf32>
      %parallel_loop3A_985 = arith.addf %parallel_loop3A_984, %parallel_loop3A_919 : vector<16xf32>
      %parallel_loop3A_986 = arith.constant 2 : i32
      %parallel_loop3A_987 = arith.index_cast %parallel_loop3A_986 : i32 to index
      %parallel_loop3A_988 = arith.index_cast %parallel_loop3A_941 : i32 to index
      %parallel_loop3A_989 = tpu.vector_load %arg5[%parallel_loop3A_987, %parallel_loop3A_988] {strides = array<i32>} : memref<4x8192xf32, #tpu.memory_space<vmem>>, vector<16xf32>,
      tpu.vector_store %arg5[%parallel_loop3A_987, %parallel_loop3A_988], %parallel_loop3A_985 {strides = array<i32>} : memref<4x8192xf32, #tpu.memory_space<vmem>>, vector<16xf32>,
      %parallel_loop3A_990 = arith.constant true
      %parallel_loop3A_991 = vector.broadcast %parallel_loop3A_990 : i1 to vector<16xi1>
      %parallel_loop3A_992 = tpu.scan <sum>, %parallel_loop3A_981 masked %parallel_loop3A_991 : vector<16xf32>, vector<16xi1> -> vector<16xf32>
      %parallel_loop3A_993 = vector.extract %parallel_loop3A_992[15] : f32 from vector<16xf32>
      %parallel_loop3A_994 = vector.broadcast %parallel_loop3A_993 : f32 to vector<16xf32>
      %parallel_loop3A_995 = arith.addf %parallel_loop3A_919, %parallel_loop3A_994 : vector<16xf32>
      %parallel_loop3A_996 = arith.constant 3 : i32
      %parallel_loop3A_997 = arith.index_cast %parallel_loop3A_996 : i32 to index
      %parallel_loop3A_998 = arith.index_cast %parallel_loop3A_941 : i32 to index
      %parallel_loop3A_999 = tpu.vector_load %arg5[%parallel_loop3A_997, %parallel_loop3A_998] {strides = array<i32>} : memref<4x8192xf32, #tpu.memory_space<vmem>>, vector<16xf32>,
      %parallel_loop3A_1000 = arith.constant true
      %parallel_loop3A_1001 = vector.broadcast %parallel_loop3A_1000 : i1 to vector<16xi1>
      %parallel_loop3A_1002 = tpu.scan <sum>, %parallel_loop3A_999 masked %parallel_loop3A_1001 : vector<16xf32>, vector<16xi1> -> vector<16xf32>
      %parallel_loop3A_1003 = arith.addf %parallel_loop3A_1002, %parallel_loop3A_937 : vector<16xf32>
      %parallel_loop3A_1004 = arith.constant 3 : i32
      %parallel_loop3A_1005 = arith.index_cast %parallel_loop3A_1004 : i32 to index
      %parallel_loop3A_1006 = arith.index_cast %parallel_loop3A_941 : i32 to index
      %parallel_loop3A_1007 = tpu.vector_load %arg5[%parallel_loop3A_1005, %parallel_loop3A_1006] {strides = array<i32>} : memref<4x8192xf32, #tpu.memory_space<vmem>>, vector<16xf32>,
      tpu.vector_store %arg5[%parallel_loop3A_1005, %parallel_loop3A_1006], %parallel_loop3A_1003 {strides = array<i32>} : memref<4x8192xf32, #tpu.memory_space<vmem>>, vector<16xf32>,
      %parallel_loop3A_1008 = arith.constant true
      %parallel_loop3A_1009 = vector.broadcast %parallel_loop3A_1008 : i1 to vector<16xi1>
      %parallel_loop3A_1010 = tpu.scan <sum>, %parallel_loop3A_999 masked %parallel_loop3A_1009 : vector<16xf32>, vector<16xi1> -> vector<16xf32>
      %parallel_loop3A_1011 = vector.extract %parallel_loop3A_1010[15] : f32 from vector<16xf32>
      %parallel_loop3A_1012 = vector.broadcast %parallel_loop3A_1011 : f32 to vector<16xf32>
      %parallel_loop3A_1013 = arith.addf %parallel_loop3A_937, %parallel_loop3A_1012 : vector<16xf32>
      scf.yield %parallel_loop3A_959, %parallel_loop3A_977, %parallel_loop3A_995, %parallel_loop3A_1013 : vector<16xf32>, vector<16xf32>, vector<16xf32>, vector<16xf32>
    } {sc.loop_unroll_factor = 2 : i64, sc.parallel_access}
    %dma_wait3A_139 = arith.constant 0 : i32
    %dma_wait3A_140 = arith.constant 0 : i32
    %dma_wait3A_141 = tpu.memref_slice %arg2[%dma_wait3A_139, %dma_wait3A_140] : memref<128x32768xf32, #tpu.memory_space<hbm>> -> memref<4x8192xf32, #tpu.memory_space<hbm>>
    %dma_wait3A_142 = arith.constant 0 : i32
    %dma_wait3A_143 = arith.constant 0 : i32
    %dma_wait3A_144 = tpu.memref_slice %arg2[%dma_wait3A_142, %dma_wait3A_143] : memref<128x32768xf32, #tpu.memory_space<hbm>> -> memref<4x8192xf32, #tpu.memory_space<hbm>>
    tpu.wait_dma2 semaphore(%arg7 : memref<!tpu.dma_semaphore, #tpu.memory_space<semaphore_mem>>) src(%dma_wait3A_144 : memref<4x8192xf32, #tpu.memory_space<hbm>>) dst(%arg4 : memref<4x8192xf32, #tpu.memory_space<vmem>>)
    %dma_wait3A_145 = arith.constant 0 : i32
    %dma_wait3A_146 = arith.constant 0 : i32
    %dma_wait3A_147 = tpu.memref_slice %arg2[%dma_wait3A_145, %dma_wait3A_146] : memref<128x32768xf32, #tpu.memory_space<hbm>> -> memref<4x8192xf32, #tpu.memory_space<hbm>>
    %dma_wait3A_148 = arith.constant 0 : i32
    %dma_wait3A_149 = arith.constant 0 : i32
    %dma_wait3A_150 = tpu.memref_slice %arg2[%dma_wait3A_148, %dma_wait3A_149] : memref<128x32768xf32, #tpu.memory_space<hbm>> -> memref<4x8192xf32, #tpu.memory_space<hbm>>
    tpu.wait_dma2 semaphore(%arg8 : memref<!tpu.dma_semaphore, #tpu.memory_space<semaphore_mem>>) src(%dma_wait3A_150 : memref<4x8192xf32, #tpu.memory_space<hbm>>) dst(%arg4 : memref<4x8192xf32, #tpu.memory_space<vmem>>)
    %parallel_loop3A_151 = arith.constant 0 : i32
    %parallel_loop3A_152 = arith.constant 512 : i32
    %parallel_loop3A_153 = arith.constant 8 : i32
    %parallel_loop3A_154:4 = scf.for %parallel_loop3A_281 = %parallel_loop3A_151 to %parallel_loop3A_152 step %parallel_loop3A_153 iter_args(%parallel_loop3A_282 = %parallel_loop3A_138#0, %parallel_loop3A_283 = %parallel_loop3A_138#1, %parallel_loop3A_284 = %parallel_loop3A_138#2, %parallel_loop3A_285 = %parallel_loop3A_138#3) -> (vector<16xf32>, vector<16xf32>, vector<16xf32>, vector<16xf32>)  : i32 {
      %parallel_loop3A_286 = arith.constant 16 : i32
      %parallel_loop3A_287 = arith.muli %parallel_loop3A_281, %parallel_loop3A_286 : i32
      %parallel_loop3A_288 = arith.constant 24576 : i32
      %parallel_loop3A_289 = arith.addi %parallel_loop3A_288, %parallel_loop3A_287 : i32
      %parallel_loop3A_290 = arith.constant 16 : i32
      %parallel_loop3A_291 = arith.muli %parallel_loop3A_281, %parallel_loop3A_290 : i32
      %parallel_loop3A_292 = arith.constant 0 : i32
      %parallel_loop3A_293 = tpu.memref_slice %arg4[%parallel_loop3A_292, %parallel_loop3A_291] : memref<4x8192xf32, #tpu.memory_space<vmem>> -> memref<1x128xf32, #tpu.memory_space<vmem>>
      %parallel_loop3A_294 = tpu.memref_squeeze %parallel_loop3A_293 : memref<1x128xf32, #tpu.memory_space<vmem>> -> memref<128xf32, #tpu.memory_space<vmem>>
      %parallel_loop3A_295 = tpu.memref_slice %arg2[%add3A_4, %parallel_loop3A_289] : memref<128x32768xf32, #tpu.memory_space<hbm>> -> memref<1x128xf32, #tpu.memory_space<hbm>>
      %parallel_loop3A_296 = tpu.memref_squeeze %parallel_loop3A_295 : memref<1x128xf32, #tpu.memory_space<hbm>> -> memref<128xf32, #tpu.memory_space<hbm>>
      %parallel_loop3A_297 = tpu.memref_slice %arg4[%parallel_loop3A_292, %parallel_loop3A_291] : memref<4x8192xf32, #tpu.memory_space<vmem>> -> memref<1x128xf32, #tpu.memory_space<vmem>>
      %parallel_loop3A_298 = tpu.memref_squeeze %parallel_loop3A_297 : memref<1x128xf32, #tpu.memory_space<vmem>> -> memref<128xf32, #tpu.memory_space<vmem>>
      %parallel_loop3A_299 = tpu.memref_slice %arg2[%add3A_4, %parallel_loop3A_289] : memref<128x32768xf32, #tpu.memory_space<hbm>> -> memref<1x128xf32, #tpu.memory_space<hbm>>
      %parallel_loop3A_300 = tpu.memref_squeeze %parallel_loop3A_299 : memref<1x128xf32, #tpu.memory_space<hbm>> -> memref<128xf32, #tpu.memory_space<hbm>>
      tpu.enqueue_dma source(%parallel_loop3A_300 : memref<128xf32, #tpu.memory_space<hbm>>) target(%parallel_loop3A_298 : memref<128xf32, #tpu.memory_space<vmem>>) target_semaphore(%arg7 : memref<!tpu.dma_semaphore, #tpu.memory_space<semaphore_mem>>)
      %parallel_loop3A_301 = arith.constant 16 : i32
      %parallel_loop3A_302 = arith.muli %parallel_loop3A_281, %parallel_loop3A_301 : i32
      %parallel_loop3A_303 = arith.constant 24576 : i32
      %parallel_loop3A_304 = arith.addi %parallel_loop3A_303, %parallel_loop3A_302 : i32
      %parallel_loop3A_305 = arith.constant 16 : i32
      %parallel_loop3A_306 = arith.muli %parallel_loop3A_281, %parallel_loop3A_305 : i32
      %parallel_loop3A_307 = arith.constant 1 : i32
      %parallel_loop3A_308 = tpu.memref_slice %arg4[%parallel_loop3A_307, %parallel_loop3A_306] : memref<4x8192xf32, #tpu.memory_space<vmem>> -> memref<1x128xf32, #tpu.memory_space<vmem>>
      %parallel_loop3A_309 = tpu.memref_squeeze %parallel_loop3A_308 : memref<1x128xf32, #tpu.memory_space<vmem>> -> memref<128xf32, #tpu.memory_space<vmem>>
      %parallel_loop3A_310 = tpu.memref_slice %arg2[%add3A_8, %parallel_loop3A_304] : memref<128x32768xf32, #tpu.memory_space<hbm>> -> memref<1x128xf32, #tpu.memory_space<hbm>>
      %parallel_loop3A_311 = tpu.memref_squeeze %parallel_loop3A_310 : memref<1x128xf32, #tpu.memory_space<hbm>> -> memref<128xf32, #tpu.memory_space<hbm>>
      %parallel_loop3A_312 = tpu.memref_slice %arg4[%parallel_loop3A_307, %parallel_loop3A_306] : memref<4x8192xf32, #tpu.memory_space<vmem>> -> memref<1x128xf32, #tpu.memory_space<vmem>>
      %parallel_loop3A_313 = tpu.memref_squeeze %parallel_loop3A_312 : memref<1x128xf32, #tpu.memory_space<vmem>> -> memref<128xf32, #tpu.memory_space<vmem>>
      %parallel_loop3A_314 = tpu.memref_slice %arg2[%add3A_8, %parallel_loop3A_304] : memref<128x32768xf32, #tpu.memory_space<hbm>> -> memref<1x128xf32, #tpu.memory_space<hbm>>
      %parallel_loop3A_315 = tpu.memref_squeeze %parallel_loop3A_314 : memref<1x128xf32, #tpu.memory_space<hbm>> -> memref<128xf32, #tpu.memory_space<hbm>>
      tpu.enqueue_dma source(%parallel_loop3A_315 : memref<128xf32, #tpu.memory_space<hbm>>) target(%parallel_loop3A_313 : memref<128xf32, #tpu.memory_space<vmem>>) target_semaphore(%arg7 : memref<!tpu.dma_semaphore, #tpu.memory_space<semaphore_mem>>)
      %parallel_loop3A_316 = arith.constant 16 : i32
      %parallel_loop3A_317 = arith.muli %parallel_loop3A_281, %parallel_loop3A_316 : i32
      %parallel_loop3A_318 = arith.constant 24576 : i32
      %parallel_loop3A_319 = arith.addi %parallel_loop3A_318, %parallel_loop3A_317 : i32
      %parallel_loop3A_320 = arith.constant 16 : i32
      %parallel_loop3A_321 = arith.muli %parallel_loop3A_281, %parallel_loop3A_320 : i32
      %parallel_loop3A_322 = arith.constant 2 : i32
      %parallel_loop3A_323 = tpu.memref_slice %arg4[%parallel_loop3A_322, %parallel_loop3A_321] : memref<4x8192xf32, #tpu.memory_space<vmem>> -> memref<1x128xf32, #tpu.memory_space<vmem>>
      %parallel_loop3A_324 = tpu.memref_squeeze %parallel_loop3A_323 : memref<1x128xf32, #tpu.memory_space<vmem>> -> memref<128xf32, #tpu.memory_space<vmem>>
      %parallel_loop3A_325 = tpu.memref_slice %arg2[%add3A_12, %parallel_loop3A_319] : memref<128x32768xf32, #tpu.memory_space<hbm>> -> memref<1x128xf32, #tpu.memory_space<hbm>>
      %parallel_loop3A_326 = tpu.memref_squeeze %parallel_loop3A_325 : memref<1x128xf32, #tpu.memory_space<hbm>> -> memref<128xf32, #tpu.memory_space<hbm>>
      %parallel_loop3A_327 = tpu.memref_slice %arg4[%parallel_loop3A_322, %parallel_loop3A_321] : memref<4x8192xf32, #tpu.memory_space<vmem>> -> memref<1x128xf32, #tpu.memory_space<vmem>>
      %parallel_loop3A_328 = tpu.memref_squeeze %parallel_loop3A_327 : memref<1x128xf32, #tpu.memory_space<vmem>> -> memref<128xf32, #tpu.memory_space<vmem>>
      %parallel_loop3A_329 = tpu.memref_slice %arg2[%add3A_12, %parallel_loop3A_319] : memref<128x32768xf32, #tpu.memory_space<hbm>> -> memref<1x128xf32, #tpu.memory_space<hbm>>
      %parallel_loop3A_330 = tpu.memref_squeeze %parallel_loop3A_329 : memref<1x128xf32, #tpu.memory_space<hbm>> -> memref<128xf32, #tpu.memory_space<hbm>>
      tpu.enqueue_dma source(%parallel_loop3A_330 : memref<128xf32, #tpu.memory_space<hbm>>) target(%parallel_loop3A_328 : memref<128xf32, #tpu.memory_space<vmem>>) target_semaphore(%arg7 : memref<!tpu.dma_semaphore, #tpu.memory_space<semaphore_mem>>)
      %parallel_loop3A_331 = arith.constant 16 : i32
      %parallel_loop3A_332 = arith.muli %parallel_loop3A_281, %parallel_loop3A_331 : i32
      %parallel_loop3A_333 = arith.constant 24576 : i32
      %parallel_loop3A_334 = arith.addi %parallel_loop3A_333, %parallel_loop3A_332 : i32
      %parallel_loop3A_335 = arith.constant 16 : i32
      %parallel_loop3A_336 = arith.muli %parallel_loop3A_281, %parallel_loop3A_335 : i32
      %parallel_loop3A_337 = arith.constant 3 : i32
      %parallel_loop3A_338 = tpu.memref_slice %arg4[%parallel_loop3A_337, %parallel_loop3A_336] : memref<4x8192xf32, #tpu.memory_space<vmem>> -> memref<1x128xf32, #tpu.memory_space<vmem>>
      %parallel_loop3A_339 = tpu.memref_squeeze %parallel_loop3A_338 : memref<1x128xf32, #tpu.memory_space<vmem>> -> memref<128xf32, #tpu.memory_space<vmem>>
      %parallel_loop3A_340 = tpu.memref_slice %arg2[%add3A_16, %parallel_loop3A_334] : memref<128x32768xf32, #tpu.memory_space<hbm>> -> memref<1x128xf32, #tpu.memory_space<hbm>>
      %parallel_loop3A_341 = tpu.memref_squeeze %parallel_loop3A_340 : memref<1x128xf32, #tpu.memory_space<hbm>> -> memref<128xf32, #tpu.memory_space<hbm>>
      %parallel_loop3A_342 = tpu.memref_slice %arg4[%parallel_loop3A_337, %parallel_loop3A_336] : memref<4x8192xf32, #tpu.memory_space<vmem>> -> memref<1x128xf32, #tpu.memory_space<vmem>>
      %parallel_loop3A_343 = tpu.memref_squeeze %parallel_loop3A_342 : memref<1x128xf32, #tpu.memory_space<vmem>> -> memref<128xf32, #tpu.memory_space<vmem>>
      %parallel_loop3A_344 = tpu.memref_slice %arg2[%add3A_16, %parallel_loop3A_334] : memref<128x32768xf32, #tpu.memory_space<hbm>> -> memref<1x128xf32, #tpu.memory_space<hbm>>
      %parallel_loop3A_345 = tpu.memref_squeeze %parallel_loop3A_344 : memref<1x128xf32, #tpu.memory_space<hbm>> -> memref<128xf32, #tpu.memory_space<hbm>>
      tpu.enqueue_dma source(%parallel_loop3A_345 : memref<128xf32, #tpu.memory_space<hbm>>) target(%parallel_loop3A_343 : memref<128xf32, #tpu.memory_space<vmem>>) target_semaphore(%arg7 : memref<!tpu.dma_semaphore, #tpu.memory_space<semaphore_mem>>)
      %parallel_loop3A_346 = arith.constant 16 : i32
      %parallel_loop3A_347 = arith.muli %parallel_loop3A_281, %parallel_loop3A_346 : i32
      %parallel_loop3A_348 = arith.constant 16 : i32
      %parallel_loop3A_349 = arith.muli %parallel_loop3A_281, %parallel_loop3A_348 : i32
      %parallel_loop3A_350 = arith.constant 8192 : i32
      %parallel_loop3A_351 = arith.addi %parallel_loop3A_350, %parallel_loop3A_349 : i32
      %parallel_loop3A_352 = arith.constant 0 : i32
      %parallel_loop3A_353 = tpu.memref_slice %arg5[%parallel_loop3A_352, %parallel_loop3A_347] : memref<4x8192xf32, #tpu.memory_space<vmem>> -> memref<1x128xf32, #tpu.memory_space<vmem>>
      %parallel_loop3A_354 = tpu.memref_squeeze %parallel_loop3A_353 : memref<1x128xf32, #tpu.memory_space<vmem>> -> memref<128xf32, #tpu.memory_space<vmem>>
      %parallel_loop3A_355 = tpu.memref_slice %arg3[%add3A_4, %parallel_loop3A_351] : memref<128x32768xf32, #tpu.memory_space<hbm>> -> memref<1x128xf32, #tpu.memory_space<hbm>>
      %parallel_loop3A_356 = tpu.memref_squeeze %parallel_loop3A_355 : memref<1x128xf32, #tpu.memory_space<hbm>> -> memref<128xf32, #tpu.memory_space<hbm>>
      %parallel_loop3A_357 = tpu.memref_slice %arg3[%add3A_4, %parallel_loop3A_351] : memref<128x32768xf32, #tpu.memory_space<hbm>> -> memref<1x128xf32, #tpu.memory_space<hbm>>
      %parallel_loop3A_358 = tpu.memref_squeeze %parallel_loop3A_357 : memref<1x128xf32, #tpu.memory_space<hbm>> -> memref<128xf32, #tpu.memory_space<hbm>>
      %parallel_loop3A_359 = tpu.memref_slice %arg5[%parallel_loop3A_352, %parallel_loop3A_347] : memref<4x8192xf32, #tpu.memory_space<vmem>> -> memref<1x128xf32, #tpu.memory_space<vmem>>
      %parallel_loop3A_360 = tpu.memref_squeeze %parallel_loop3A_359 : memref<1x128xf32, #tpu.memory_space<vmem>> -> memref<128xf32, #tpu.memory_space<vmem>>
      tpu.enqueue_dma source(%parallel_loop3A_360 : memref<128xf32, #tpu.memory_space<vmem>>) target(%parallel_loop3A_358 : memref<128xf32, #tpu.memory_space<hbm>>) target_semaphore(%arg8 : memref<!tpu.dma_semaphore, #tpu.memory_space<semaphore_mem>>)
      %parallel_loop3A_361 = arith.constant 16 : i32
      %parallel_loop3A_362 = arith.muli %parallel_loop3A_281, %parallel_loop3A_361 : i32
      %parallel_loop3A_363 = arith.constant 16 : i32
      %parallel_loop3A_364 = arith.muli %parallel_loop3A_281, %parallel_loop3A_363 : i32
      %parallel_loop3A_365 = arith.constant 8192 : i32
      %parallel_loop3A_366 = arith.addi %parallel_loop3A_365, %parallel_loop3A_364 : i32
      %parallel_loop3A_367 = arith.constant 1 : i32
      %parallel_loop3A_368 = tpu.memref_slice %arg5[%parallel_loop3A_367, %parallel_loop3A_362] : memref<4x8192xf32, #tpu.memory_space<vmem>> -> memref<1x128xf32, #tpu.memory_space<vmem>>
      %parallel_loop3A_369 = tpu.memref_squeeze %parallel_loop3A_368 : memref<1x128xf32, #tpu.memory_space<vmem>> -> memref<128xf32, #tpu.memory_space<vmem>>
      %parallel_loop3A_370 = tpu.memref_slice %arg3[%add3A_8, %parallel_loop3A_366] : memref<128x32768xf32, #tpu.memory_space<hbm>> -> memref<1x128xf32, #tpu.memory_space<hbm>>
      %parallel_loop3A_371 = tpu.memref_squeeze %parallel_loop3A_370 : memref<1x128xf32, #tpu.memory_space<hbm>> -> memref<128xf32, #tpu.memory_space<hbm>>
      %parallel_loop3A_372 = tpu.memref_slice %arg3[%add3A_8, %parallel_loop3A_366] : memref<128x32768xf32, #tpu.memory_space<hbm>> -> memref<1x128xf32, #tpu.memory_space<hbm>>
      %parallel_loop3A_373 = tpu.memref_squeeze %parallel_loop3A_372 : memref<1x128xf32, #tpu.memory_space<hbm>> -> memref<128xf32, #tpu.memory_space<hbm>>
      %parallel_loop3A_374 = tpu.memref_slice %arg5[%parallel_loop3A_367, %parallel_loop3A_362] : memref<4x8192xf32, #tpu.memory_space<vmem>> -> memref<1x128xf32, #tpu.memory_space<vmem>>
      %parallel_loop3A_375 = tpu.memref_squeeze %parallel_loop3A_374 : memref<1x128xf32, #tpu.memory_space<vmem>> -> memref<128xf32, #tpu.memory_space<vmem>>
      tpu.enqueue_dma source(%parallel_loop3A_375 : memref<128xf32, #tpu.memory_space<vmem>>) target(%parallel_loop3A_373 : memref<128xf32, #tpu.memory_space<hbm>>) target_semaphore(%arg8 : memref<!tpu.dma_semaphore, #tpu.memory_space<semaphore_mem>>)
      %parallel_loop3A_376 = arith.constant 16 : i32
      %parallel_loop3A_377 = arith.muli %parallel_loop3A_281, %parallel_loop3A_376 : i32
      %parallel_loop3A_378 = arith.constant 16 : i32
      %parallel_loop3A_379 = arith.muli %parallel_loop3A_281, %parallel_loop3A_378 : i32
      %parallel_loop3A_380 = arith.constant 8192 : i32
      %parallel_loop3A_381 = arith.addi %parallel_loop3A_380, %parallel_loop3A_379 : i32
      %parallel_loop3A_382 = arith.constant 2 : i32
      %parallel_loop3A_383 = tpu.memref_slice %arg5[%parallel_loop3A_382, %parallel_loop3A_377] : memref<4x8192xf32, #tpu.memory_space<vmem>> -> memref<1x128xf32, #tpu.memory_space<vmem>>
      %parallel_loop3A_384 = tpu.memref_squeeze %parallel_loop3A_383 : memref<1x128xf32, #tpu.memory_space<vmem>> -> memref<128xf32, #tpu.memory_space<vmem>>
      %parallel_loop3A_385 = tpu.memref_slice %arg3[%add3A_12, %parallel_loop3A_381] : memref<128x32768xf32, #tpu.memory_space<hbm>> -> memref<1x128xf32, #tpu.memory_space<hbm>>
      %parallel_loop3A_386 = tpu.memref_squeeze %parallel_loop3A_385 : memref<1x128xf32, #tpu.memory_space<hbm>> -> memref<128xf32, #tpu.memory_space<hbm>>
      %parallel_loop3A_387 = tpu.memref_slice %arg3[%add3A_12, %parallel_loop3A_381] : memref<128x32768xf32, #tpu.memory_space<hbm>> -> memref<1x128xf32, #tpu.memory_space<hbm>>
      %parallel_loop3A_388 = tpu.memref_squeeze %parallel_loop3A_387 : memref<1x128xf32, #tpu.memory_space<hbm>> -> memref<128xf32, #tpu.memory_space<hbm>>
      %parallel_loop3A_389 = tpu.memref_slice %arg5[%parallel_loop3A_382, %parallel_loop3A_377] : memref<4x8192xf32, #tpu.memory_space<vmem>> -> memref<1x128xf32, #tpu.memory_space<vmem>>
      %parallel_loop3A_390 = tpu.memref_squeeze %parallel_loop3A_389 : memref<1x128xf32, #tpu.memory_space<vmem>> -> memref<128xf32, #tpu.memory_space<vmem>>
      tpu.enqueue_dma source(%parallel_loop3A_390 : memref<128xf32, #tpu.memory_space<vmem>>) target(%parallel_loop3A_388 : memref<128xf32, #tpu.memory_space<hbm>>) target_semaphore(%arg8 : memref<!tpu.dma_semaphore, #tpu.memory_space<semaphore_mem>>)
      %parallel_loop3A_391 = arith.constant 16 : i32
      %parallel_loop3A_392 = arith.muli %parallel_loop3A_281, %parallel_loop3A_391 : i32
      %parallel_loop3A_393 = arith.constant 16 : i32
      %parallel_loop3A_394 = arith.muli %parallel_loop3A_281, %parallel_loop3A_393 : i32
      %parallel_loop3A_395 = arith.constant 8192 : i32
      %parallel_loop3A_396 = arith.addi %parallel_loop3A_395, %parallel_loop3A_394 : i32
      %parallel_loop3A_397 = arith.constant 3 : i32
      %parallel_loop3A_398 = tpu.memref_slice %arg5[%parallel_loop3A_397, %parallel_loop3A_392] : memref<4x8192xf32, #tpu.memory_space<vmem>> -> memref<1x128xf32, #tpu.memory_space<vmem>>
      %parallel_loop3A_399 = tpu.memref_squeeze %parallel_loop3A_398 : memref<1x128xf32, #tpu.memory_space<vmem>> -> memref<128xf32, #tpu.memory_space<vmem>>
      %parallel_loop3A_400 = tpu.memref_slice %arg3[%add3A_16, %parallel_loop3A_396] : memref<128x32768xf32, #tpu.memory_space<hbm>> -> memref<1x128xf32, #tpu.memory_space<hbm>>
      %parallel_loop3A_401 = tpu.memref_squeeze %parallel_loop3A_400 : memref<1x128xf32, #tpu.memory_space<hbm>> -> memref<128xf32, #tpu.memory_space<hbm>>
      %parallel_loop3A_402 = tpu.memref_slice %arg3[%add3A_16, %parallel_loop3A_396] : memref<128x32768xf32, #tpu.memory_space<hbm>> -> memref<1x128xf32, #tpu.memory_space<hbm>>
      %parallel_loop3A_403 = tpu.memref_squeeze %parallel_loop3A_402 : memref<1x128xf32, #tpu.memory_space<hbm>> -> memref<128xf32, #tpu.memory_space<hbm>>
      %parallel_loop3A_404 = tpu.memref_slice %arg5[%parallel_loop3A_397, %parallel_loop3A_392] : memref<4x8192xf32, #tpu.memory_space<vmem>> -> memref<1x128xf32, #tpu.memory_space<vmem>>
      %parallel_loop3A_405 = tpu.memref_squeeze %parallel_loop3A_404 : memref<1x128xf32, #tpu.memory_space<vmem>> -> memref<128xf32, #tpu.memory_space<vmem>>
      tpu.enqueue_dma source(%parallel_loop3A_405 : memref<128xf32, #tpu.memory_space<vmem>>) target(%parallel_loop3A_403 : memref<128xf32, #tpu.memory_space<hbm>>) target_semaphore(%arg8 : memref<!tpu.dma_semaphore, #tpu.memory_space<semaphore_mem>>)
      %parallel_loop3A_406 = arith.constant 0 : i32
      %parallel_loop3A_407 = arith.addi %parallel_loop3A_281, %parallel_loop3A_406 : i32
      %parallel_loop3A_408 = arith.constant 16 : i32
      %parallel_loop3A_409 = arith.muli %parallel_loop3A_407, %parallel_loop3A_408 : i32
      %parallel_loop3A_410 = arith.constant 0 : i32
      %parallel_loop3A_411 = arith.index_cast %parallel_loop3A_410 : i32 to index
      %parallel_loop3A_412 = arith.index_cast %parallel_loop3A_409 : i32 to index
      %parallel_loop3A_413 = tpu.vector_load %arg6[%parallel_loop3A_411, %parallel_loop3A_412] {strides = array<i32>} : memref<4x8192xf32, #tpu.memory_space<vmem>>, vector<16xf32>,
      %parallel_loop3A_414 = arith.constant true
      %parallel_loop3A_415 = vector.broadcast %parallel_loop3A_414 : i1 to vector<16xi1>
      %parallel_loop3A_416 = tpu.scan <sum>, %parallel_loop3A_413 masked %parallel_loop3A_415 : vector<16xf32>, vector<16xi1> -> vector<16xf32>
      %parallel_loop3A_417 = arith.addf %parallel_loop3A_416, %parallel_loop3A_282 : vector<16xf32>
      %parallel_loop3A_418 = arith.constant 0 : i32
      %parallel_loop3A_419 = arith.index_cast %parallel_loop3A_418 : i32 to index
      %parallel_loop3A_420 = arith.index_cast %parallel_loop3A_409 : i32 to index
      %parallel_loop3A_421 = tpu.vector_load %arg6[%parallel_loop3A_419, %parallel_loop3A_420] {strides = array<i32>} : memref<4x8192xf32, #tpu.memory_space<vmem>>, vector<16xf32>,
      tpu.vector_store %arg6[%parallel_loop3A_419, %parallel_loop3A_420], %parallel_loop3A_417 {strides = array<i32>} : memref<4x8192xf32, #tpu.memory_space<vmem>>, vector<16xf32>,
      %parallel_loop3A_422 = arith.constant true
      %parallel_loop3A_423 = vector.broadcast %parallel_loop3A_422 : i1 to vector<16xi1>
      %parallel_loop3A_424 = tpu.scan <sum>, %parallel_loop3A_413 masked %parallel_loop3A_423 : vector<16xf32>, vector<16xi1> -> vector<16xf32>
      %parallel_loop3A_425 = vector.extract %parallel_loop3A_424[15] : f32 from vector<16xf32>
      %parallel_loop3A_426 = vector.broadcast %parallel_loop3A_425 : f32 to vector<16xf32>
      %parallel_loop3A_427 = arith.addf %parallel_loop3A_282, %parallel_loop3A_426 : vector<16xf32>
      %parallel_loop3A_428 = arith.constant 1 : i32
      %parallel_loop3A_429 = arith.index_cast %parallel_loop3A_428 : i32 to index
      %parallel_loop3A_430 = arith.index_cast %parallel_loop3A_409 : i32 to index
      %parallel_loop3A_431 = tpu.vector_load %arg6[%parallel_loop3A_429, %parallel_loop3A_430] {strides = array<i32>} : memref<4x8192xf32, #tpu.memory_space<vmem>>, vector<16xf32>,
      %parallel_loop3A_432 = arith.constant true
      %parallel_loop3A_433 = vector.broadcast %parallel_loop3A_432 : i1 to vector<16xi1>
      %parallel_loop3A_434 = tpu.scan <sum>, %parallel_loop3A_431 masked %parallel_loop3A_433 : vector<16xf32>, vector<16xi1> -> vector<16xf32>
      %parallel_loop3A_435 = arith.addf %parallel_loop3A_434, %parallel_loop3A_283 : vector<16xf32>
      %parallel_loop3A_436 = arith.constant 1 : i32
      %parallel_loop3A_437 = arith.index_cast %parallel_loop3A_436 : i32 to index
      %parallel_loop3A_438 = arith.index_cast %parallel_loop3A_409 : i32 to index
      %parallel_loop3A_439 = tpu.vector_load %arg6[%parallel_loop3A_437, %parallel_loop3A_438] {strides = array<i32>} : memref<4x8192xf32, #tpu.memory_space<vmem>>, vector<16xf32>,
      tpu.vector_store %arg6[%parallel_loop3A_437, %parallel_loop3A_438], %parallel_loop3A_435 {strides = array<i32>} : memref<4x8192xf32, #tpu.memory_space<vmem>>, vector<16xf32>,
      %parallel_loop3A_440 = arith.constant true
      %parallel_loop3A_441 = vector.broadcast %parallel_loop3A_440 : i1 to vector<16xi1>
      %parallel_loop3A_442 = tpu.scan <sum>, %parallel_loop3A_431 masked %parallel_loop3A_441 : vector<16xf32>, vector<16xi1> -> vector<16xf32>
      %parallel_loop3A_443 = vector.extract %parallel_loop3A_442[15] : f32 from vector<16xf32>
      %parallel_loop3A_444 = vector.broadcast %parallel_loop3A_443 : f32 to vector<16xf32>
      %parallel_loop3A_445 = arith.addf %parallel_loop3A_283, %parallel_loop3A_444 : vector<16xf32>
      %parallel_loop3A_446 = arith.constant 2 : i32
      %parallel_loop3A_447 = arith.index_cast %parallel_loop3A_446 : i32 to index
      %parallel_loop3A_448 = arith.index_cast %parallel_loop3A_409 : i32 to index
      %parallel_loop3A_449 = tpu.vector_load %arg6[%parallel_loop3A_447, %parallel_loop3A_448] {strides = array<i32>} : memref<4x8192xf32, #tpu.memory_space<vmem>>, vector<16xf32>,
      %parallel_loop3A_450 = arith.constant true
      %parallel_loop3A_451 = vector.broadcast %parallel_loop3A_450 : i1 to vector<16xi1>
      %parallel_loop3A_452 = tpu.scan <sum>, %parallel_loop3A_449 masked %parallel_loop3A_451 : vector<16xf32>, vector<16xi1> -> vector<16xf32>
      %parallel_loop3A_453 = arith.addf %parallel_loop3A_452, %parallel_loop3A_284 : vector<16xf32>
      %parallel_loop3A_454 = arith.constant 2 : i32
      %parallel_loop3A_455 = arith.index_cast %parallel_loop3A_454 : i32 to index
      %parallel_loop3A_456 = arith.index_cast %parallel_loop3A_409 : i32 to index
      %parallel_loop3A_457 = tpu.vector_load %arg6[%parallel_loop3A_455, %parallel_loop3A_456] {strides = array<i32>} : memref<4x8192xf32, #tpu.memory_space<vmem>>, vector<16xf32>,
      tpu.vector_store %arg6[%parallel_loop3A_455, %parallel_loop3A_456], %parallel_loop3A_453 {strides = array<i32>} : memref<4x8192xf32, #tpu.memory_space<vmem>>, vector<16xf32>,
      %parallel_loop3A_458 = arith.constant true
      %parallel_loop3A_459 = vector.broadcast %parallel_loop3A_458 : i1 to vector<16xi1>
      %parallel_loop3A_460 = tpu.scan <sum>, %parallel_loop3A_449 masked %parallel_loop3A_459 : vector<16xf32>, vector<16xi1> -> vector<16xf32>
      %parallel_loop3A_461 = vector.extract %parallel_loop3A_460[15] : f32 from vector<16xf32>
      %parallel_loop3A_462 = vector.broadcast %parallel_loop3A_461 : f32 to vector<16xf32>
      %parallel_loop3A_463 = arith.addf %parallel_loop3A_284, %parallel_loop3A_462 : vector<16xf32>
      %parallel_loop3A_464 = arith.constant 3 : i32
      %parallel_loop3A_465 = arith.index_cast %parallel_loop3A_464 : i32 to index
      %parallel_loop3A_466 = arith.index_cast %parallel_loop3A_409 : i32 to index
      %parallel_loop3A_467 = tpu.vector_load %arg6[%parallel_loop3A_465, %parallel_loop3A_466] {strides = array<i32>} : memref<4x8192xf32, #tpu.memory_space<vmem>>, vector<16xf32>,
      %parallel_loop3A_468 = arith.constant true
      %parallel_loop3A_469 = vector.broadcast %parallel_loop3A_468 : i1 to vector<16xi1>
      %parallel_loop3A_470 = tpu.scan <sum>, %parallel_loop3A_467 masked %parallel_loop3A_469 : vector<16xf32>, vector<16xi1> -> vector<16xf32>
      %parallel_loop3A_471 = arith.addf %parallel_loop3A_470, %parallel_loop3A_285 : vector<16xf32>
      %parallel_loop3A_472 = arith.constant 3 : i32
      %parallel_loop3A_473 = arith.index_cast %parallel_loop3A_472 : i32 to index
      %parallel_loop3A_474 = arith.index_cast %parallel_loop3A_409 : i32 to index
      %parallel_loop3A_475 = tpu.vector_load %arg6[%parallel_loop3A_473, %parallel_loop3A_474] {strides = array<i32>} : memref<4x8192xf32, #tpu.memory_space<vmem>>, vector<16xf32>,
      tpu.vector_store %arg6[%parallel_loop3A_473, %parallel_loop3A_474], %parallel_loop3A_471 {strides = array<i32>} : memref<4x8192xf32, #tpu.memory_space<vmem>>, vector<16xf32>,
      %parallel_loop3A_476 = arith.constant true
      %parallel_loop3A_477 = vector.broadcast %parallel_loop3A_476 : i1 to vector<16xi1>
      %parallel_loop3A_478 = tpu.scan <sum>, %parallel_loop3A_467 masked %parallel_loop3A_477 : vector<16xf32>, vector<16xi1> -> vector<16xf32>
      %parallel_loop3A_479 = vector.extract %parallel_loop3A_478[15] : f32 from vector<16xf32>
      %parallel_loop3A_480 = vector.broadcast %parallel_loop3A_479 : f32 to vector<16xf32>
      %parallel_loop3A_481 = arith.addf %parallel_loop3A_285, %parallel_loop3A_480 : vector<16xf32>
      %parallel_loop3A_482 = arith.constant 1 : i32
      %parallel_loop3A_483 = arith.addi %parallel_loop3A_281, %parallel_loop3A_482 : i32
      %parallel_loop3A_484 = arith.constant 16 : i32
      %parallel_loop3A_485 = arith.muli %parallel_loop3A_483, %parallel_loop3A_484 : i32
      %parallel_loop3A_486 = arith.constant 0 : i32
      %parallel_loop3A_487 = arith.index_cast %parallel_loop3A_486 : i32 to index
      %parallel_loop3A_488 = arith.index_cast %parallel_loop3A_485 : i32 to index
      %parallel_loop3A_489 = tpu.vector_load %arg6[%parallel_loop3A_487, %parallel_loop3A_488] {strides = array<i32>} : memref<4x8192xf32, #tpu.memory_space<vmem>>, vector<16xf32>,
      %parallel_loop3A_490 = arith.constant true
      %parallel_loop3A_491 = vector.broadcast %parallel_loop3A_490 : i1 to vector<16xi1>
      %parallel_loop3A_492 = tpu.scan <sum>, %parallel_loop3A_489 masked %parallel_loop3A_491 : vector<16xf32>, vector<16xi1> -> vector<16xf32>
      %parallel_loop3A_493 = arith.addf %parallel_loop3A_492, %parallel_loop3A_427 : vector<16xf32>
      %parallel_loop3A_494 = arith.constant 0 : i32
      %parallel_loop3A_495 = arith.index_cast %parallel_loop3A_494 : i32 to index
      %parallel_loop3A_496 = arith.index_cast %parallel_loop3A_485 : i32 to index
      %parallel_loop3A_497 = tpu.vector_load %arg6[%parallel_loop3A_495, %parallel_loop3A_496] {strides = array<i32>} : memref<4x8192xf32, #tpu.memory_space<vmem>>, vector<16xf32>,
      tpu.vector_store %arg6[%parallel_loop3A_495, %parallel_loop3A_496], %parallel_loop3A_493 {strides = array<i32>} : memref<4x8192xf32, #tpu.memory_space<vmem>>, vector<16xf32>,
      %parallel_loop3A_498 = arith.constant true
      %parallel_loop3A_499 = vector.broadcast %parallel_loop3A_498 : i1 to vector<16xi1>
      %parallel_loop3A_500 = tpu.scan <sum>, %parallel_loop3A_489 masked %parallel_loop3A_499 : vector<16xf32>, vector<16xi1> -> vector<16xf32>
      %parallel_loop3A_501 = vector.extract %parallel_loop3A_500[15] : f32 from vector<16xf32>
      %parallel_loop3A_502 = vector.broadcast %parallel_loop3A_501 : f32 to vector<16xf32>
      %parallel_loop3A_503 = arith.addf %parallel_loop3A_427, %parallel_loop3A_502 : vector<16xf32>
      %parallel_loop3A_504 = arith.constant 1 : i32
      %parallel_loop3A_505 = arith.index_cast %parallel_loop3A_504 : i32 to index
      %parallel_loop3A_506 = arith.index_cast %parallel_loop3A_485 : i32 to index
      %parallel_loop3A_507 = tpu.vector_load %arg6[%parallel_loop3A_505, %parallel_loop3A_506] {strides = array<i32>} : memref<4x8192xf32, #tpu.memory_space<vmem>>, vector<16xf32>,
      %parallel_loop3A_508 = arith.constant true
      %parallel_loop3A_509 = vector.broadcast %parallel_loop3A_508 : i1 to vector<16xi1>
      %parallel_loop3A_510 = tpu.scan <sum>, %parallel_loop3A_507 masked %parallel_loop3A_509 : vector<16xf32>, vector<16xi1> -> vector<16xf32>
      %parallel_loop3A_511 = arith.addf %parallel_loop3A_510, %parallel_loop3A_445 : vector<16xf32>
      %parallel_loop3A_512 = arith.constant 1 : i32
      %parallel_loop3A_513 = arith.index_cast %parallel_loop3A_512 : i32 to index
      %parallel_loop3A_514 = arith.index_cast %parallel_loop3A_485 : i32 to index
      %parallel_loop3A_515 = tpu.vector_load %arg6[%parallel_loop3A_513, %parallel_loop3A_514] {strides = array<i32>} : memref<4x8192xf32, #tpu.memory_space<vmem>>, vector<16xf32>,
      tpu.vector_store %arg6[%parallel_loop3A_513, %parallel_loop3A_514], %parallel_loop3A_511 {strides = array<i32>} : memref<4x8192xf32, #tpu.memory_space<vmem>>, vector<16xf32>,
      %parallel_loop3A_516 = arith.constant true
      %parallel_loop3A_517 = vector.broadcast %parallel_loop3A_516 : i1 to vector<16xi1>
      %parallel_loop3A_518 = tpu.scan <sum>, %parallel_loop3A_507 masked %parallel_loop3A_517 : vector<16xf32>, vector<16xi1> -> vector<16xf32>
      %parallel_loop3A_519 = vector.extract %parallel_loop3A_518[15] : f32 from vector<16xf32>
      %parallel_loop3A_520 = vector.broadcast %parallel_loop3A_519 : f32 to vector<16xf32>
      %parallel_loop3A_521 = arith.addf %parallel_loop3A_445, %parallel_loop3A_520 : vector<16xf32>
      %parallel_loop3A_522 = arith.constant 2 : i32
      %parallel_loop3A_523 = arith.index_cast %parallel_loop3A_522 : i32 to index
      %parallel_loop3A_524 = arith.index_cast %parallel_loop3A_485 : i32 to index
      %parallel_loop3A_525 = tpu.vector_load %arg6[%parallel_loop3A_523, %parallel_loop3A_524] {strides = array<i32>} : memref<4x8192xf32, #tpu.memory_space<vmem>>, vector<16xf32>,
      %parallel_loop3A_526 = arith.constant true
      %parallel_loop3A_527 = vector.broadcast %parallel_loop3A_526 : i1 to vector<16xi1>
      %parallel_loop3A_528 = tpu.scan <sum>, %parallel_loop3A_525 masked %parallel_loop3A_527 : vector<16xf32>, vector<16xi1> -> vector<16xf32>
      %parallel_loop3A_529 = arith.addf %parallel_loop3A_528, %parallel_loop3A_463 : vector<16xf32>
      %parallel_loop3A_530 = arith.constant 2 : i32
      %parallel_loop3A_531 = arith.index_cast %parallel_loop3A_530 : i32 to index
      %parallel_loop3A_532 = arith.index_cast %parallel_loop3A_485 : i32 to index
      %parallel_loop3A_533 = tpu.vector_load %arg6[%parallel_loop3A_531, %parallel_loop3A_532] {strides = array<i32>} : memref<4x8192xf32, #tpu.memory_space<vmem>>, vector<16xf32>,
      tpu.vector_store %arg6[%parallel_loop3A_531, %parallel_loop3A_532], %parallel_loop3A_529 {strides = array<i32>} : memref<4x8192xf32, #tpu.memory_space<vmem>>, vector<16xf32>,
      %parallel_loop3A_534 = arith.constant true
      %parallel_loop3A_535 = vector.broadcast %parallel_loop3A_534 : i1 to vector<16xi1>
      %parallel_loop3A_536 = tpu.scan <sum>, %parallel_loop3A_525 masked %parallel_loop3A_535 : vector<16xf32>, vector<16xi1> -> vector<16xf32>
      %parallel_loop3A_537 = vector.extract %parallel_loop3A_536[15] : f32 from vector<16xf32>
      %parallel_loop3A_538 = vector.broadcast %parallel_loop3A_537 : f32 to vector<16xf32>
      %parallel_loop3A_539 = arith.addf %parallel_loop3A_463, %parallel_loop3A_538 : vector<16xf32>
      %parallel_loop3A_540 = arith.constant 3 : i32
      %parallel_loop3A_541 = arith.index_cast %parallel_loop3A_540 : i32 to index
      %parallel_loop3A_542 = arith.index_cast %parallel_loop3A_485 : i32 to index
      %parallel_loop3A_543 = tpu.vector_load %arg6[%parallel_loop3A_541, %parallel_loop3A_542] {strides = array<i32>} : memref<4x8192xf32, #tpu.memory_space<vmem>>, vector<16xf32>,
      %parallel_loop3A_544 = arith.constant true
      %parallel_loop3A_545 = vector.broadcast %parallel_loop3A_544 : i1 to vector<16xi1>
      %parallel_loop3A_546 = tpu.scan <sum>, %parallel_loop3A_543 masked %parallel_loop3A_545 : vector<16xf32>, vector<16xi1> -> vector<16xf32>
      %parallel_loop3A_547 = arith.addf %parallel_loop3A_546, %parallel_loop3A_481 : vector<16xf32>
      %parallel_loop3A_548 = arith.constant 3 : i32
      %parallel_loop3A_549 = arith.index_cast %parallel_loop3A_548 : i32 to index
      %parallel_loop3A_550 = arith.index_cast %parallel_loop3A_485 : i32 to index
      %parallel_loop3A_551 = tpu.vector_load %arg6[%parallel_loop3A_549, %parallel_loop3A_550] {strides = array<i32>} : memref<4x8192xf32, #tpu.memory_space<vmem>>, vector<16xf32>,
      tpu.vector_store %arg6[%parallel_loop3A_549, %parallel_loop3A_550], %parallel_loop3A_547 {strides = array<i32>} : memref<4x8192xf32, #tpu.memory_space<vmem>>, vector<16xf32>,
      %parallel_loop3A_552 = arith.constant true
      %parallel_loop3A_553 = vector.broadcast %parallel_loop3A_552 : i1 to vector<16xi1>
      %parallel_loop3A_554 = tpu.scan <sum>, %parallel_loop3A_543 masked %parallel_loop3A_553 : vector<16xf32>, vector<16xi1> -> vector<16xf32>
      %parallel_loop3A_555 = vector.extract %parallel_loop3A_554[15] : f32 from vector<16xf32>
      %parallel_loop3A_556 = vector.broadcast %parallel_loop3A_555 : f32 to vector<16xf32>
      %parallel_loop3A_557 = arith.addf %parallel_loop3A_481, %parallel_loop3A_556 : vector<16xf32>
      %parallel_loop3A_558 = arith.constant 2 : i32
      %parallel_loop3A_559 = arith.addi %parallel_loop3A_281, %parallel_loop3A_558 : i32
      %parallel_loop3A_560 = arith.constant 16 : i32
      %parallel_loop3A_561 = arith.muli %parallel_loop3A_559, %parallel_loop3A_560 : i32
      %parallel_loop3A_562 = arith.constant 0 : i32
      %parallel_loop3A_563 = arith.index_cast %parallel_loop3A_562 : i32 to index
      %parallel_loop3A_564 = arith.index_cast %parallel_loop3A_561 : i32 to index
      %parallel_loop3A_565 = tpu.vector_load %arg6[%parallel_loop3A_563, %parallel_loop3A_564] {strides = array<i32>} : memref<4x8192xf32, #tpu.memory_space<vmem>>, vector<16xf32>,
      %parallel_loop3A_566 = arith.constant true
      %parallel_loop3A_567 = vector.broadcast %parallel_loop3A_566 : i1 to vector<16xi1>
      %parallel_loop3A_568 = tpu.scan <sum>, %parallel_loop3A_565 masked %parallel_loop3A_567 : vector<16xf32>, vector<16xi1> -> vector<16xf32>
      %parallel_loop3A_569 = arith.addf %parallel_loop3A_568, %parallel_loop3A_503 : vector<16xf32>
      %parallel_loop3A_570 = arith.constant 0 : i32
      %parallel_loop3A_571 = arith.index_cast %parallel_loop3A_570 : i32 to index
      %parallel_loop3A_572 = arith.index_cast %parallel_loop3A_561 : i32 to index
      %parallel_loop3A_573 = tpu.vector_load %arg6[%parallel_loop3A_571, %parallel_loop3A_572] {strides = array<i32>} : memref<4x8192xf32, #tpu.memory_space<vmem>>, vector<16xf32>,
      tpu.vector_store %arg6[%parallel_loop3A_571, %parallel_loop3A_572], %parallel_loop3A_569 {strides = array<i32>} : memref<4x8192xf32, #tpu.memory_space<vmem>>, vector<16xf32>,
      %parallel_loop3A_574 = arith.constant true
      %parallel_loop3A_575 = vector.broadcast %parallel_loop3A_574 : i1 to vector<16xi1>
      %parallel_loop3A_576 = tpu.scan <sum>, %parallel_loop3A_565 masked %parallel_loop3A_575 : vector<16xf32>, vector<16xi1> -> vector<16xf32>
      %parallel_loop3A_577 = vector.extract %parallel_loop3A_576[15] : f32 from vector<16xf32>
      %parallel_loop3A_578 = vector.broadcast %parallel_loop3A_577 : f32 to vector<16xf32>
      %parallel_loop3A_579 = arith.addf %parallel_loop3A_503, %parallel_loop3A_578 : vector<16xf32>
      %parallel_loop3A_580 = arith.constant 1 : i32
      %parallel_loop3A_581 = arith.index_cast %parallel_loop3A_580 : i32 to index
      %parallel_loop3A_582 = arith.index_cast %parallel_loop3A_561 : i32 to index
      %parallel_loop3A_583 = tpu.vector_load %arg6[%parallel_loop3A_581, %parallel_loop3A_582] {strides = array<i32>} : memref<4x8192xf32, #tpu.memory_space<vmem>>, vector<16xf32>,
      %parallel_loop3A_584 = arith.constant true
      %parallel_loop3A_585 = vector.broadcast %parallel_loop3A_584 : i1 to vector<16xi1>
      %parallel_loop3A_586 = tpu.scan <sum>, %parallel_loop3A_583 masked %parallel_loop3A_585 : vector<16xf32>, vector<16xi1> -> vector<16xf32>
      %parallel_loop3A_587 = arith.addf %parallel_loop3A_586, %parallel_loop3A_521 : vector<16xf32>
      %parallel_loop3A_588 = arith.constant 1 : i32
      %parallel_loop3A_589 = arith.index_cast %parallel_loop3A_588 : i32 to index
      %parallel_loop3A_590 = arith.index_cast %parallel_loop3A_561 : i32 to index
      %parallel_loop3A_591 = tpu.vector_load %arg6[%parallel_loop3A_589, %parallel_loop3A_590] {strides = array<i32>} : memref<4x8192xf32, #tpu.memory_space<vmem>>, vector<16xf32>,
      tpu.vector_store %arg6[%parallel_loop3A_589, %parallel_loop3A_590], %parallel_loop3A_587 {strides = array<i32>} : memref<4x8192xf32, #tpu.memory_space<vmem>>, vector<16xf32>,
      %parallel_loop3A_592 = arith.constant true
      %parallel_loop3A_593 = vector.broadcast %parallel_loop3A_592 : i1 to vector<16xi1>
      %parallel_loop3A_594 = tpu.scan <sum>, %parallel_loop3A_583 masked %parallel_loop3A_593 : vector<16xf32>, vector<16xi1> -> vector<16xf32>
      %parallel_loop3A_595 = vector.extract %parallel_loop3A_594[15] : f32 from vector<16xf32>
      %parallel_loop3A_596 = vector.broadcast %parallel_loop3A_595 : f32 to vector<16xf32>
      %parallel_loop3A_597 = arith.addf %parallel_loop3A_521, %parallel_loop3A_596 : vector<16xf32>
      %parallel_loop3A_598 = arith.constant 2 : i32
      %parallel_loop3A_599 = arith.index_cast %parallel_loop3A_598 : i32 to index
      %parallel_loop3A_600 = arith.index_cast %parallel_loop3A_561 : i32 to index
      %parallel_loop3A_601 = tpu.vector_load %arg6[%parallel_loop3A_599, %parallel_loop3A_600] {strides = array<i32>} : memref<4x8192xf32, #tpu.memory_space<vmem>>, vector<16xf32>,
      %parallel_loop3A_602 = arith.constant true
      %parallel_loop3A_603 = vector.broadcast %parallel_loop3A_602 : i1 to vector<16xi1>
      %parallel_loop3A_604 = tpu.scan <sum>, %parallel_loop3A_601 masked %parallel_loop3A_603 : vector<16xf32>, vector<16xi1> -> vector<16xf32>
      %parallel_loop3A_605 = arith.addf %parallel_loop3A_604, %parallel_loop3A_539 : vector<16xf32>
      %parallel_loop3A_606 = arith.constant 2 : i32
      %parallel_loop3A_607 = arith.index_cast %parallel_loop3A_606 : i32 to index
      %parallel_loop3A_608 = arith.index_cast %parallel_loop3A_561 : i32 to index
      %parallel_loop3A_609 = tpu.vector_load %arg6[%parallel_loop3A_607, %parallel_loop3A_608] {strides = array<i32>} : memref<4x8192xf32, #tpu.memory_space<vmem>>, vector<16xf32>,
      tpu.vector_store %arg6[%parallel_loop3A_607, %parallel_loop3A_608], %parallel_loop3A_605 {strides = array<i32>} : memref<4x8192xf32, #tpu.memory_space<vmem>>, vector<16xf32>,
      %parallel_loop3A_610 = arith.constant true
      %parallel_loop3A_611 = vector.broadcast %parallel_loop3A_610 : i1 to vector<16xi1>
      %parallel_loop3A_612 = tpu.scan <sum>, %parallel_loop3A_601 masked %parallel_loop3A_611 : vector<16xf32>, vector<16xi1> -> vector<16xf32>
      %parallel_loop3A_613 = vector.extract %parallel_loop3A_612[15] : f32 from vector<16xf32>
      %parallel_loop3A_614 = vector.broadcast %parallel_loop3A_613 : f32 to vector<16xf32>
      %parallel_loop3A_615 = arith.addf %parallel_loop3A_539, %parallel_loop3A_614 : vector<16xf32>
      %parallel_loop3A_616 = arith.constant 3 : i32
      %parallel_loop3A_617 = arith.index_cast %parallel_loop3A_616 : i32 to index
      %parallel_loop3A_618 = arith.index_cast %parallel_loop3A_561 : i32 to index
      %parallel_loop3A_619 = tpu.vector_load %arg6[%parallel_loop3A_617, %parallel_loop3A_618] {strides = array<i32>} : memref<4x8192xf32, #tpu.memory_space<vmem>>, vector<16xf32>,
      %parallel_loop3A_620 = arith.constant true
      %parallel_loop3A_621 = vector.broadcast %parallel_loop3A_620 : i1 to vector<16xi1>
      %parallel_loop3A_622 = tpu.scan <sum>, %parallel_loop3A_619 masked %parallel_loop3A_621 : vector<16xf32>, vector<16xi1> -> vector<16xf32>
      %parallel_loop3A_623 = arith.addf %parallel_loop3A_622, %parallel_loop3A_557 : vector<16xf32>
      %parallel_loop3A_624 = arith.constant 3 : i32
      %parallel_loop3A_625 = arith.index_cast %parallel_loop3A_624 : i32 to index
      %parallel_loop3A_626 = arith.index_cast %parallel_loop3A_561 : i32 to index
      %parallel_loop3A_627 = tpu.vector_load %arg6[%parallel_loop3A_625, %parallel_loop3A_626] {strides = array<i32>} : memref<4x8192xf32, #tpu.memory_space<vmem>>, vector<16xf32>,
      tpu.vector_store %arg6[%parallel_loop3A_625, %parallel_loop3A_626], %parallel_loop3A_623 {strides = array<i32>} : memref<4x8192xf32, #tpu.memory_space<vmem>>, vector<16xf32>,
      %parallel_loop3A_628 = arith.constant true
      %parallel_loop3A_629 = vector.broadcast %parallel_loop3A_628 : i1 to vector<16xi1>
      %parallel_loop3A_630 = tpu.scan <sum>, %parallel_loop3A_619 masked %parallel_loop3A_629 : vector<16xf32>, vector<16xi1> -> vector<16xf32>
      %parallel_loop3A_631 = vector.extract %parallel_loop3A_630[15] : f32 from vector<16xf32>
      %parallel_loop3A_632 = vector.broadcast %parallel_loop3A_631 : f32 to vector<16xf32>
      %parallel_loop3A_633 = arith.addf %parallel_loop3A_557, %parallel_loop3A_632 : vector<16xf32>
      %parallel_loop3A_634 = arith.constant 3 : i32
      %parallel_loop3A_635 = arith.addi %parallel_loop3A_281, %parallel_loop3A_634 : i32
      %parallel_loop3A_636 = arith.constant 16 : i32
      %parallel_loop3A_637 = arith.muli %parallel_loop3A_635, %parallel_loop3A_636 : i32
      %parallel_loop3A_638 = arith.constant 0 : i32
      %parallel_loop3A_639 = arith.index_cast %parallel_loop3A_638 : i32 to index
      %parallel_loop3A_640 = arith.index_cast %parallel_loop3A_637 : i32 to index
      %parallel_loop3A_641 = tpu.vector_load %arg6[%parallel_loop3A_639, %parallel_loop3A_640] {strides = array<i32>} : memref<4x8192xf32, #tpu.memory_space<vmem>>, vector<16xf32>,
      %parallel_loop3A_642 = arith.constant true
      %parallel_loop3A_643 = vector.broadcast %parallel_loop3A_642 : i1 to vector<16xi1>
      %parallel_loop3A_644 = tpu.scan <sum>, %parallel_loop3A_641 masked %parallel_loop3A_643 : vector<16xf32>, vector<16xi1> -> vector<16xf32>
      %parallel_loop3A_645 = arith.addf %parallel_loop3A_644, %parallel_loop3A_579 : vector<16xf32>
      %parallel_loop3A_646 = arith.constant 0 : i32
      %parallel_loop3A_647 = arith.index_cast %parallel_loop3A_646 : i32 to index
      %parallel_loop3A_648 = arith.index_cast %parallel_loop3A_637 : i32 to index
      %parallel_loop3A_649 = tpu.vector_load %arg6[%parallel_loop3A_647, %parallel_loop3A_648] {strides = array<i32>} : memref<4x8192xf32, #tpu.memory_space<vmem>>, vector<16xf32>,
      tpu.vector_store %arg6[%parallel_loop3A_647, %parallel_loop3A_648], %parallel_loop3A_645 {strides = array<i32>} : memref<4x8192xf32, #tpu.memory_space<vmem>>, vector<16xf32>,
      %parallel_loop3A_650 = arith.constant true
      %parallel_loop3A_651 = vector.broadcast %parallel_loop3A_650 : i1 to vector<16xi1>
      %parallel_loop3A_652 = tpu.scan <sum>, %parallel_loop3A_641 masked %parallel_loop3A_651 : vector<16xf32>, vector<16xi1> -> vector<16xf32>
      %parallel_loop3A_653 = vector.extract %parallel_loop3A_652[15] : f32 from vector<16xf32>
      %parallel_loop3A_654 = vector.broadcast %parallel_loop3A_653 : f32 to vector<16xf32>
      %parallel_loop3A_655 = arith.addf %parallel_loop3A_579, %parallel_loop3A_654 : vector<16xf32>
      %parallel_loop3A_656 = arith.constant 1 : i32
      %parallel_loop3A_657 = arith.index_cast %parallel_loop3A_656 : i32 to index
      %parallel_loop3A_658 = arith.index_cast %parallel_loop3A_637 : i32 to index
      %parallel_loop3A_659 = tpu.vector_load %arg6[%parallel_loop3A_657, %parallel_loop3A_658] {strides = array<i32>} : memref<4x8192xf32, #tpu.memory_space<vmem>>, vector<16xf32>,
      %parallel_loop3A_660 = arith.constant true
      %parallel_loop3A_661 = vector.broadcast %parallel_loop3A_660 : i1 to vector<16xi1>
      %parallel_loop3A_662 = tpu.scan <sum>, %parallel_loop3A_659 masked %parallel_loop3A_661 : vector<16xf32>, vector<16xi1> -> vector<16xf32>
      %parallel_loop3A_663 = arith.addf %parallel_loop3A_662, %parallel_loop3A_597 : vector<16xf32>
      %parallel_loop3A_664 = arith.constant 1 : i32
      %parallel_loop3A_665 = arith.index_cast %parallel_loop3A_664 : i32 to index
      %parallel_loop3A_666 = arith.index_cast %parallel_loop3A_637 : i32 to index
      %parallel_loop3A_667 = tpu.vector_load %arg6[%parallel_loop3A_665, %parallel_loop3A_666] {strides = array<i32>} : memref<4x8192xf32, #tpu.memory_space<vmem>>, vector<16xf32>,
      tpu.vector_store %arg6[%parallel_loop3A_665, %parallel_loop3A_666], %parallel_loop3A_663 {strides = array<i32>} : memref<4x8192xf32, #tpu.memory_space<vmem>>, vector<16xf32>,
      %parallel_loop3A_668 = arith.constant true
      %parallel_loop3A_669 = vector.broadcast %parallel_loop3A_668 : i1 to vector<16xi1>
      %parallel_loop3A_670 = tpu.scan <sum>, %parallel_loop3A_659 masked %parallel_loop3A_669 : vector<16xf32>, vector<16xi1> -> vector<16xf32>
      %parallel_loop3A_671 = vector.extract %parallel_loop3A_670[15] : f32 from vector<16xf32>
      %parallel_loop3A_672 = vector.broadcast %parallel_loop3A_671 : f32 to vector<16xf32>
      %parallel_loop3A_673 = arith.addf %parallel_loop3A_597, %parallel_loop3A_672 : vector<16xf32>
      %parallel_loop3A_674 = arith.constant 2 : i32
      %parallel_loop3A_675 = arith.index_cast %parallel_loop3A_674 : i32 to index
      %parallel_loop3A_676 = arith.index_cast %parallel_loop3A_637 : i32 to index
      %parallel_loop3A_677 = tpu.vector_load %arg6[%parallel_loop3A_675, %parallel_loop3A_676] {strides = array<i32>} : memref<4x8192xf32, #tpu.memory_space<vmem>>, vector<16xf32>,
      %parallel_loop3A_678 = arith.constant true
      %parallel_loop3A_679 = vector.broadcast %parallel_loop3A_678 : i1 to vector<16xi1>
      %parallel_loop3A_680 = tpu.scan <sum>, %parallel_loop3A_677 masked %parallel_loop3A_679 : vector<16xf32>, vector<16xi1> -> vector<16xf32>
      %parallel_loop3A_681 = arith.addf %parallel_loop3A_680, %parallel_loop3A_615 : vector<16xf32>
      %parallel_loop3A_682 = arith.constant 2 : i32
      %parallel_loop3A_683 = arith.index_cast %parallel_loop3A_682 : i32 to index
      %parallel_loop3A_684 = arith.index_cast %parallel_loop3A_637 : i32 to index
      %parallel_loop3A_685 = tpu.vector_load %arg6[%parallel_loop3A_683, %parallel_loop3A_684] {strides = array<i32>} : memref<4x8192xf32, #tpu.memory_space<vmem>>, vector<16xf32>,
      tpu.vector_store %arg6[%parallel_loop3A_683, %parallel_loop3A_684], %parallel_loop3A_681 {strides = array<i32>} : memref<4x8192xf32, #tpu.memory_space<vmem>>, vector<16xf32>,
      %parallel_loop3A_686 = arith.constant true
      %parallel_loop3A_687 = vector.broadcast %parallel_loop3A_686 : i1 to vector<16xi1>
      %parallel_loop3A_688 = tpu.scan <sum>, %parallel_loop3A_677 masked %parallel_loop3A_687 : vector<16xf32>, vector<16xi1> -> vector<16xf32>
      %parallel_loop3A_689 = vector.extract %parallel_loop3A_688[15] : f32 from vector<16xf32>
      %parallel_loop3A_690 = vector.broadcast %parallel_loop3A_689 : f32 to vector<16xf32>
      %parallel_loop3A_691 = arith.addf %parallel_loop3A_615, %parallel_loop3A_690 : vector<16xf32>
      %parallel_loop3A_692 = arith.constant 3 : i32
      %parallel_loop3A_693 = arith.index_cast %parallel_loop3A_692 : i32 to index
      %parallel_loop3A_694 = arith.index_cast %parallel_loop3A_637 : i32 to index
      %parallel_loop3A_695 = tpu.vector_load %arg6[%parallel_loop3A_693, %parallel_loop3A_694] {strides = array<i32>} : memref<4x8192xf32, #tpu.memory_space<vmem>>, vector<16xf32>,
      %parallel_loop3A_696 = arith.constant true
      %parallel_loop3A_697 = vector.broadcast %parallel_loop3A_696 : i1 to vector<16xi1>
      %parallel_loop3A_698 = tpu.scan <sum>, %parallel_loop3A_695 masked %parallel_loop3A_697 : vector<16xf32>, vector<16xi1> -> vector<16xf32>
      %parallel_loop3A_699 = arith.addf %parallel_loop3A_698, %parallel_loop3A_633 : vector<16xf32>
      %parallel_loop3A_700 = arith.constant 3 : i32
      %parallel_loop3A_701 = arith.index_cast %parallel_loop3A_700 : i32 to index
      %parallel_loop3A_702 = arith.index_cast %parallel_loop3A_637 : i32 to index
      %parallel_loop3A_703 = tpu.vector_load %arg6[%parallel_loop3A_701, %parallel_loop3A_702] {strides = array<i32>} : memref<4x8192xf32, #tpu.memory_space<vmem>>, vector<16xf32>,
      tpu.vector_store %arg6[%parallel_loop3A_701, %parallel_loop3A_702], %parallel_loop3A_699 {strides = array<i32>} : memref<4x8192xf32, #tpu.memory_space<vmem>>, vector<16xf32>,
      %parallel_loop3A_704 = arith.constant true
      %parallel_loop3A_705 = vector.broadcast %parallel_loop3A_704 : i1 to vector<16xi1>
      %parallel_loop3A_706 = tpu.scan <sum>, %parallel_loop3A_695 masked %parallel_loop3A_705 : vector<16xf32>, vector<16xi1> -> vector<16xf32>
      %parallel_loop3A_707 = vector.extract %parallel_loop3A_706[15] : f32 from vector<16xf32>
      %parallel_loop3A_708 = vector.broadcast %parallel_loop3A_707 : f32 to vector<16xf32>
      %parallel_loop3A_709 = arith.addf %parallel_loop3A_633, %parallel_loop3A_708 : vector<16xf32>
      %parallel_loop3A_710 = arith.constant 4 : i32
      %parallel_loop3A_711 = arith.addi %parallel_loop3A_281, %parallel_loop3A_710 : i32
      %parallel_loop3A_712 = arith.constant 16 : i32
      %parallel_loop3A_713 = arith.muli %parallel_loop3A_711, %parallel_loop3A_712 : i32
      %parallel_loop3A_714 = arith.constant 0 : i32
      %parallel_loop3A_715 = arith.index_cast %parallel_loop3A_714 : i32 to index
      %parallel_loop3A_716 = arith.index_cast %parallel_loop3A_713 : i32 to index
      %parallel_loop3A_717 = tpu.vector_load %arg6[%parallel_loop3A_715, %parallel_loop3A_716] {strides = array<i32>} : memref<4x8192xf32, #tpu.memory_space<vmem>>, vector<16xf32>,
      %parallel_loop3A_718 = arith.constant true
      %parallel_loop3A_719 = vector.broadcast %parallel_loop3A_718 : i1 to vector<16xi1>
      %parallel_loop3A_720 = tpu.scan <sum>, %parallel_loop3A_717 masked %parallel_loop3A_719 : vector<16xf32>, vector<16xi1> -> vector<16xf32>
      %parallel_loop3A_721 = arith.addf %parallel_loop3A_720, %parallel_loop3A_655 : vector<16xf32>
      %parallel_loop3A_722 = arith.constant 0 : i32
      %parallel_loop3A_723 = arith.index_cast %parallel_loop3A_722 : i32 to index
      %parallel_loop3A_724 = arith.index_cast %parallel_loop3A_713 : i32 to index
      %parallel_loop3A_725 = tpu.vector_load %arg6[%parallel_loop3A_723, %parallel_loop3A_724] {strides = array<i32>} : memref<4x8192xf32, #tpu.memory_space<vmem>>, vector<16xf32>,
      tpu.vector_store %arg6[%parallel_loop3A_723, %parallel_loop3A_724], %parallel_loop3A_721 {strides = array<i32>} : memref<4x8192xf32, #tpu.memory_space<vmem>>, vector<16xf32>,
      %parallel_loop3A_726 = arith.constant true
      %parallel_loop3A_727 = vector.broadcast %parallel_loop3A_726 : i1 to vector<16xi1>
      %parallel_loop3A_728 = tpu.scan <sum>, %parallel_loop3A_717 masked %parallel_loop3A_727 : vector<16xf32>, vector<16xi1> -> vector<16xf32>
      %parallel_loop3A_729 = vector.extract %parallel_loop3A_728[15] : f32 from vector<16xf32>
      %parallel_loop3A_730 = vector.broadcast %parallel_loop3A_729 : f32 to vector<16xf32>
      %parallel_loop3A_731 = arith.addf %parallel_loop3A_655, %parallel_loop3A_730 : vector<16xf32>
      %parallel_loop3A_732 = arith.constant 1 : i32
      %parallel_loop3A_733 = arith.index_cast %parallel_loop3A_732 : i32 to index
      %parallel_loop3A_734 = arith.index_cast %parallel_loop3A_713 : i32 to index
      %parallel_loop3A_735 = tpu.vector_load %arg6[%parallel_loop3A_733, %parallel_loop3A_734] {strides = array<i32>} : memref<4x8192xf32, #tpu.memory_space<vmem>>, vector<16xf32>,
      %parallel_loop3A_736 = arith.constant true
      %parallel_loop3A_737 = vector.broadcast %parallel_loop3A_736 : i1 to vector<16xi1>
      %parallel_loop3A_738 = tpu.scan <sum>, %parallel_loop3A_735 masked %parallel_loop3A_737 : vector<16xf32>, vector<16xi1> -> vector<16xf32>
      %parallel_loop3A_739 = arith.addf %parallel_loop3A_738, %parallel_loop3A_673 : vector<16xf32>
      %parallel_loop3A_740 = arith.constant 1 : i32
      %parallel_loop3A_741 = arith.index_cast %parallel_loop3A_740 : i32 to index
      %parallel_loop3A_742 = arith.index_cast %parallel_loop3A_713 : i32 to index
      %parallel_loop3A_743 = tpu.vector_load %arg6[%parallel_loop3A_741, %parallel_loop3A_742] {strides = array<i32>} : memref<4x8192xf32, #tpu.memory_space<vmem>>, vector<16xf32>,
      tpu.vector_store %arg6[%parallel_loop3A_741, %parallel_loop3A_742], %parallel_loop3A_739 {strides = array<i32>} : memref<4x8192xf32, #tpu.memory_space<vmem>>, vector<16xf32>,
      %parallel_loop3A_744 = arith.constant true
      %parallel_loop3A_745 = vector.broadcast %parallel_loop3A_744 : i1 to vector<16xi1>
      %parallel_loop3A_746 = tpu.scan <sum>, %parallel_loop3A_735 masked %parallel_loop3A_745 : vector<16xf32>, vector<16xi1> -> vector<16xf32>
      %parallel_loop3A_747 = vector.extract %parallel_loop3A_746[15] : f32 from vector<16xf32>
      %parallel_loop3A_748 = vector.broadcast %parallel_loop3A_747 : f32 to vector<16xf32>
      %parallel_loop3A_749 = arith.addf %parallel_loop3A_673, %parallel_loop3A_748 : vector<16xf32>
      %parallel_loop3A_750 = arith.constant 2 : i32
      %parallel_loop3A_751 = arith.index_cast %parallel_loop3A_750 : i32 to index
      %parallel_loop3A_752 = arith.index_cast %parallel_loop3A_713 : i32 to index
      %parallel_loop3A_753 = tpu.vector_load %arg6[%parallel_loop3A_751, %parallel_loop3A_752] {strides = array<i32>} : memref<4x8192xf32, #tpu.memory_space<vmem>>, vector<16xf32>,
      %parallel_loop3A_754 = arith.constant true
      %parallel_loop3A_755 = vector.broadcast %parallel_loop3A_754 : i1 to vector<16xi1>
      %parallel_loop3A_756 = tpu.scan <sum>, %parallel_loop3A_753 masked %parallel_loop3A_755 : vector<16xf32>, vector<16xi1> -> vector<16xf32>
      %parallel_loop3A_757 = arith.addf %parallel_loop3A_756, %parallel_loop3A_691 : vector<16xf32>
      %parallel_loop3A_758 = arith.constant 2 : i32
      %parallel_loop3A_759 = arith.index_cast %parallel_loop3A_758 : i32 to index
      %parallel_loop3A_760 = arith.index_cast %parallel_loop3A_713 : i32 to index
      %parallel_loop3A_761 = tpu.vector_load %arg6[%parallel_loop3A_759, %parallel_loop3A_760] {strides = array<i32>} : memref<4x8192xf32, #tpu.memory_space<vmem>>, vector<16xf32>,
      tpu.vector_store %arg6[%parallel_loop3A_759, %parallel_loop3A_760], %parallel_loop3A_757 {strides = array<i32>} : memref<4x8192xf32, #tpu.memory_space<vmem>>, vector<16xf32>,
      %parallel_loop3A_762 = arith.constant true
      %parallel_loop3A_763 = vector.broadcast %parallel_loop3A_762 : i1 to vector<16xi1>
      %parallel_loop3A_764 = tpu.scan <sum>, %parallel_loop3A_753 masked %parallel_loop3A_763 : vector<16xf32>, vector<16xi1> -> vector<16xf32>
      %parallel_loop3A_765 = vector.extract %parallel_loop3A_764[15] : f32 from vector<16xf32>
      %parallel_loop3A_766 = vector.broadcast %parallel_loop3A_765 : f32 to vector<16xf32>
      %parallel_loop3A_767 = arith.addf %parallel_loop3A_691, %parallel_loop3A_766 : vector<16xf32>
      %parallel_loop3A_768 = arith.constant 3 : i32
      %parallel_loop3A_769 = arith.index_cast %parallel_loop3A_768 : i32 to index
      %parallel_loop3A_770 = arith.index_cast %parallel_loop3A_713 : i32 to index
      %parallel_loop3A_771 = tpu.vector_load %arg6[%parallel_loop3A_769, %parallel_loop3A_770] {strides = array<i32>} : memref<4x8192xf32, #tpu.memory_space<vmem>>, vector<16xf32>,
      %parallel_loop3A_772 = arith.constant true
      %parallel_loop3A_773 = vector.broadcast %parallel_loop3A_772 : i1 to vector<16xi1>
      %parallel_loop3A_774 = tpu.scan <sum>, %parallel_loop3A_771 masked %parallel_loop3A_773 : vector<16xf32>, vector<16xi1> -> vector<16xf32>
      %parallel_loop3A_775 = arith.addf %parallel_loop3A_774, %parallel_loop3A_709 : vector<16xf32>
      %parallel_loop3A_776 = arith.constant 3 : i32
      %parallel_loop3A_777 = arith.index_cast %parallel_loop3A_776 : i32 to index
      %parallel_loop3A_778 = arith.index_cast %parallel_loop3A_713 : i32 to index
      %parallel_loop3A_779 = tpu.vector_load %arg6[%parallel_loop3A_777, %parallel_loop3A_778] {strides = array<i32>} : memref<4x8192xf32, #tpu.memory_space<vmem>>, vector<16xf32>,
      tpu.vector_store %arg6[%parallel_loop3A_777, %parallel_loop3A_778], %parallel_loop3A_775 {strides = array<i32>} : memref<4x8192xf32, #tpu.memory_space<vmem>>, vector<16xf32>,
      %parallel_loop3A_780 = arith.constant true
      %parallel_loop3A_781 = vector.broadcast %parallel_loop3A_780 : i1 to vector<16xi1>
      %parallel_loop3A_782 = tpu.scan <sum>, %parallel_loop3A_771 masked %parallel_loop3A_781 : vector<16xf32>, vector<16xi1> -> vector<16xf32>
      %parallel_loop3A_783 = vector.extract %parallel_loop3A_782[15] : f32 from vector<16xf32>
      %parallel_loop3A_784 = vector.broadcast %parallel_loop3A_783 : f32 to vector<16xf32>
      %parallel_loop3A_785 = arith.addf %parallel_loop3A_709, %parallel_loop3A_784 : vector<16xf32>
      %parallel_loop3A_786 = arith.constant 5 : i32
      %parallel_loop3A_787 = arith.addi %parallel_loop3A_281, %parallel_loop3A_786 : i32
      %parallel_loop3A_788 = arith.constant 16 : i32
      %parallel_loop3A_789 = arith.muli %parallel_loop3A_787, %parallel_loop3A_788 : i32
      %parallel_loop3A_790 = arith.constant 0 : i32
      %parallel_loop3A_791 = arith.index_cast %parallel_loop3A_790 : i32 to index
      %parallel_loop3A_792 = arith.index_cast %parallel_loop3A_789 : i32 to index
      %parallel_loop3A_793 = tpu.vector_load %arg6[%parallel_loop3A_791, %parallel_loop3A_792] {strides = array<i32>} : memref<4x8192xf32, #tpu.memory_space<vmem>>, vector<16xf32>,
      %parallel_loop3A_794 = arith.constant true
      %parallel_loop3A_795 = vector.broadcast %parallel_loop3A_794 : i1 to vector<16xi1>
      %parallel_loop3A_796 = tpu.scan <sum>, %parallel_loop3A_793 masked %parallel_loop3A_795 : vector<16xf32>, vector<16xi1> -> vector<16xf32>
      %parallel_loop3A_797 = arith.addf %parallel_loop3A_796, %parallel_loop3A_731 : vector<16xf32>
      %parallel_loop3A_798 = arith.constant 0 : i32
      %parallel_loop3A_799 = arith.index_cast %parallel_loop3A_798 : i32 to index
      %parallel_loop3A_800 = arith.index_cast %parallel_loop3A_789 : i32 to index
      %parallel_loop3A_801 = tpu.vector_load %arg6[%parallel_loop3A_799, %parallel_loop3A_800] {strides = array<i32>} : memref<4x8192xf32, #tpu.memory_space<vmem>>, vector<16xf32>,
      tpu.vector_store %arg6[%parallel_loop3A_799, %parallel_loop3A_800], %parallel_loop3A_797 {strides = array<i32>} : memref<4x8192xf32, #tpu.memory_space<vmem>>, vector<16xf32>,
      %parallel_loop3A_802 = arith.constant true
      %parallel_loop3A_803 = vector.broadcast %parallel_loop3A_802 : i1 to vector<16xi1>
      %parallel_loop3A_804 = tpu.scan <sum>, %parallel_loop3A_793 masked %parallel_loop3A_803 : vector<16xf32>, vector<16xi1> -> vector<16xf32>
      %parallel_loop3A_805 = vector.extract %parallel_loop3A_804[15] : f32 from vector<16xf32>
      %parallel_loop3A_806 = vector.broadcast %parallel_loop3A_805 : f32 to vector<16xf32>
      %parallel_loop3A_807 = arith.addf %parallel_loop3A_731, %parallel_loop3A_806 : vector<16xf32>
      %parallel_loop3A_808 = arith.constant 1 : i32
      %parallel_loop3A_809 = arith.index_cast %parallel_loop3A_808 : i32 to index
      %parallel_loop3A_810 = arith.index_cast %parallel_loop3A_789 : i32 to index
      %parallel_loop3A_811 = tpu.vector_load %arg6[%parallel_loop3A_809, %parallel_loop3A_810] {strides = array<i32>} : memref<4x8192xf32, #tpu.memory_space<vmem>>, vector<16xf32>,
      %parallel_loop3A_812 = arith.constant true
      %parallel_loop3A_813 = vector.broadcast %parallel_loop3A_812 : i1 to vector<16xi1>
      %parallel_loop3A_814 = tpu.scan <sum>, %parallel_loop3A_811 masked %parallel_loop3A_813 : vector<16xf32>, vector<16xi1> -> vector<16xf32>
      %parallel_loop3A_815 = arith.addf %parallel_loop3A_814, %parallel_loop3A_749 : vector<16xf32>
      %parallel_loop3A_816 = arith.constant 1 : i32
      %parallel_loop3A_817 = arith.index_cast %parallel_loop3A_816 : i32 to index
      %parallel_loop3A_818 = arith.index_cast %parallel_loop3A_789 : i32 to index
      %parallel_loop3A_819 = tpu.vector_load %arg6[%parallel_loop3A_817, %parallel_loop3A_818] {strides = array<i32>} : memref<4x8192xf32, #tpu.memory_space<vmem>>, vector<16xf32>,
      tpu.vector_store %arg6[%parallel_loop3A_817, %parallel_loop3A_818], %parallel_loop3A_815 {strides = array<i32>} : memref<4x8192xf32, #tpu.memory_space<vmem>>, vector<16xf32>,
      %parallel_loop3A_820 = arith.constant true
      %parallel_loop3A_821 = vector.broadcast %parallel_loop3A_820 : i1 to vector<16xi1>
      %parallel_loop3A_822 = tpu.scan <sum>, %parallel_loop3A_811 masked %parallel_loop3A_821 : vector<16xf32>, vector<16xi1> -> vector<16xf32>
      %parallel_loop3A_823 = vector.extract %parallel_loop3A_822[15] : f32 from vector<16xf32>
      %parallel_loop3A_824 = vector.broadcast %parallel_loop3A_823 : f32 to vector<16xf32>
      %parallel_loop3A_825 = arith.addf %parallel_loop3A_749, %parallel_loop3A_824 : vector<16xf32>
      %parallel_loop3A_826 = arith.constant 2 : i32
      %parallel_loop3A_827 = arith.index_cast %parallel_loop3A_826 : i32 to index
      %parallel_loop3A_828 = arith.index_cast %parallel_loop3A_789 : i32 to index
      %parallel_loop3A_829 = tpu.vector_load %arg6[%parallel_loop3A_827, %parallel_loop3A_828] {strides = array<i32>} : memref<4x8192xf32, #tpu.memory_space<vmem>>, vector<16xf32>,
      %parallel_loop3A_830 = arith.constant true
      %parallel_loop3A_831 = vector.broadcast %parallel_loop3A_830 : i1 to vector<16xi1>
      %parallel_loop3A_832 = tpu.scan <sum>, %parallel_loop3A_829 masked %parallel_loop3A_831 : vector<16xf32>, vector<16xi1> -> vector<16xf32>
      %parallel_loop3A_833 = arith.addf %parallel_loop3A_832, %parallel_loop3A_767 : vector<16xf32>
      %parallel_loop3A_834 = arith.constant 2 : i32
      %parallel_loop3A_835 = arith.index_cast %parallel_loop3A_834 : i32 to index
      %parallel_loop3A_836 = arith.index_cast %parallel_loop3A_789 : i32 to index
      %parallel_loop3A_837 = tpu.vector_load %arg6[%parallel_loop3A_835, %parallel_loop3A_836] {strides = array<i32>} : memref<4x8192xf32, #tpu.memory_space<vmem>>, vector<16xf32>,
      tpu.vector_store %arg6[%parallel_loop3A_835, %parallel_loop3A_836], %parallel_loop3A_833 {strides = array<i32>} : memref<4x8192xf32, #tpu.memory_space<vmem>>, vector<16xf32>,
      %parallel_loop3A_838 = arith.constant true
      %parallel_loop3A_839 = vector.broadcast %parallel_loop3A_838 : i1 to vector<16xi1>
      %parallel_loop3A_840 = tpu.scan <sum>, %parallel_loop3A_829 masked %parallel_loop3A_839 : vector<16xf32>, vector<16xi1> -> vector<16xf32>
      %parallel_loop3A_841 = vector.extract %parallel_loop3A_840[15] : f32 from vector<16xf32>
      %parallel_loop3A_842 = vector.broadcast %parallel_loop3A_841 : f32 to vector<16xf32>
      %parallel_loop3A_843 = arith.addf %parallel_loop3A_767, %parallel_loop3A_842 : vector<16xf32>
      %parallel_loop3A_844 = arith.constant 3 : i32
      %parallel_loop3A_845 = arith.index_cast %parallel_loop3A_844 : i32 to index
      %parallel_loop3A_846 = arith.index_cast %parallel_loop3A_789 : i32 to index
      %parallel_loop3A_847 = tpu.vector_load %arg6[%parallel_loop3A_845, %parallel_loop3A_846] {strides = array<i32>} : memref<4x8192xf32, #tpu.memory_space<vmem>>, vector<16xf32>,
      %parallel_loop3A_848 = arith.constant true
      %parallel_loop3A_849 = vector.broadcast %parallel_loop3A_848 : i1 to vector<16xi1>
      %parallel_loop3A_850 = tpu.scan <sum>, %parallel_loop3A_847 masked %parallel_loop3A_849 : vector<16xf32>, vector<16xi1> -> vector<16xf32>
      %parallel_loop3A_851 = arith.addf %parallel_loop3A_850, %parallel_loop3A_785 : vector<16xf32>
      %parallel_loop3A_852 = arith.constant 3 : i32
      %parallel_loop3A_853 = arith.index_cast %parallel_loop3A_852 : i32 to index
      %parallel_loop3A_854 = arith.index_cast %parallel_loop3A_789 : i32 to index
      %parallel_loop3A_855 = tpu.vector_load %arg6[%parallel_loop3A_853, %parallel_loop3A_854] {strides = array<i32>} : memref<4x8192xf32, #tpu.memory_space<vmem>>, vector<16xf32>,
      tpu.vector_store %arg6[%parallel_loop3A_853, %parallel_loop3A_854], %parallel_loop3A_851 {strides = array<i32>} : memref<4x8192xf32, #tpu.memory_space<vmem>>, vector<16xf32>,
      %parallel_loop3A_856 = arith.constant true
      %parallel_loop3A_857 = vector.broadcast %parallel_loop3A_856 : i1 to vector<16xi1>
      %parallel_loop3A_858 = tpu.scan <sum>, %parallel_loop3A_847 masked %parallel_loop3A_857 : vector<16xf32>, vector<16xi1> -> vector<16xf32>
      %parallel_loop3A_859 = vector.extract %parallel_loop3A_858[15] : f32 from vector<16xf32>
      %parallel_loop3A_860 = vector.broadcast %parallel_loop3A_859 : f32 to vector<16xf32>
      %parallel_loop3A_861 = arith.addf %parallel_loop3A_785, %parallel_loop3A_860 : vector<16xf32>
      %parallel_loop3A_862 = arith.constant 6 : i32
      %parallel_loop3A_863 = arith.addi %parallel_loop3A_281, %parallel_loop3A_862 : i32
      %parallel_loop3A_864 = arith.constant 16 : i32
      %parallel_loop3A_865 = arith.muli %parallel_loop3A_863, %parallel_loop3A_864 : i32
      %parallel_loop3A_866 = arith.constant 0 : i32
      %parallel_loop3A_867 = arith.index_cast %parallel_loop3A_866 : i32 to index
      %parallel_loop3A_868 = arith.index_cast %parallel_loop3A_865 : i32 to index
      %parallel_loop3A_869 = tpu.vector_load %arg6[%parallel_loop3A_867, %parallel_loop3A_868] {strides = array<i32>} : memref<4x8192xf32, #tpu.memory_space<vmem>>, vector<16xf32>,
      %parallel_loop3A_870 = arith.constant true
      %parallel_loop3A_871 = vector.broadcast %parallel_loop3A_870 : i1 to vector<16xi1>
      %parallel_loop3A_872 = tpu.scan <sum>, %parallel_loop3A_869 masked %parallel_loop3A_871 : vector<16xf32>, vector<16xi1> -> vector<16xf32>
      %parallel_loop3A_873 = arith.addf %parallel_loop3A_872, %parallel_loop3A_807 : vector<16xf32>
      %parallel_loop3A_874 = arith.constant 0 : i32
      %parallel_loop3A_875 = arith.index_cast %parallel_loop3A_874 : i32 to index
      %parallel_loop3A_876 = arith.index_cast %parallel_loop3A_865 : i32 to index
      %parallel_loop3A_877 = tpu.vector_load %arg6[%parallel_loop3A_875, %parallel_loop3A_876] {strides = array<i32>} : memref<4x8192xf32, #tpu.memory_space<vmem>>, vector<16xf32>,
      tpu.vector_store %arg6[%parallel_loop3A_875, %parallel_loop3A_876], %parallel_loop3A_873 {strides = array<i32>} : memref<4x8192xf32, #tpu.memory_space<vmem>>, vector<16xf32>,
      %parallel_loop3A_878 = arith.constant true
      %parallel_loop3A_879 = vector.broadcast %parallel_loop3A_878 : i1 to vector<16xi1>
      %parallel_loop3A_880 = tpu.scan <sum>, %parallel_loop3A_869 masked %parallel_loop3A_879 : vector<16xf32>, vector<16xi1> -> vector<16xf32>
      %parallel_loop3A_881 = vector.extract %parallel_loop3A_880[15] : f32 from vector<16xf32>
      %parallel_loop3A_882 = vector.broadcast %parallel_loop3A_881 : f32 to vector<16xf32>
      %parallel_loop3A_883 = arith.addf %parallel_loop3A_807, %parallel_loop3A_882 : vector<16xf32>
      %parallel_loop3A_884 = arith.constant 1 : i32
      %parallel_loop3A_885 = arith.index_cast %parallel_loop3A_884 : i32 to index
      %parallel_loop3A_886 = arith.index_cast %parallel_loop3A_865 : i32 to index
      %parallel_loop3A_887 = tpu.vector_load %arg6[%parallel_loop3A_885, %parallel_loop3A_886] {strides = array<i32>} : memref<4x8192xf32, #tpu.memory_space<vmem>>, vector<16xf32>,
      %parallel_loop3A_888 = arith.constant true
      %parallel_loop3A_889 = vector.broadcast %parallel_loop3A_888 : i1 to vector<16xi1>
      %parallel_loop3A_890 = tpu.scan <sum>, %parallel_loop3A_887 masked %parallel_loop3A_889 : vector<16xf32>, vector<16xi1> -> vector<16xf32>
      %parallel_loop3A_891 = arith.addf %parallel_loop3A_890, %parallel_loop3A_825 : vector<16xf32>
      %parallel_loop3A_892 = arith.constant 1 : i32
      %parallel_loop3A_893 = arith.index_cast %parallel_loop3A_892 : i32 to index
      %parallel_loop3A_894 = arith.index_cast %parallel_loop3A_865 : i32 to index
      %parallel_loop3A_895 = tpu.vector_load %arg6[%parallel_loop3A_893, %parallel_loop3A_894] {strides = array<i32>} : memref<4x8192xf32, #tpu.memory_space<vmem>>, vector<16xf32>,
      tpu.vector_store %arg6[%parallel_loop3A_893, %parallel_loop3A_894], %parallel_loop3A_891 {strides = array<i32>} : memref<4x8192xf32, #tpu.memory_space<vmem>>, vector<16xf32>,
      %parallel_loop3A_896 = arith.constant true
      %parallel_loop3A_897 = vector.broadcast %parallel_loop3A_896 : i1 to vector<16xi1>
      %parallel_loop3A_898 = tpu.scan <sum>, %parallel_loop3A_887 masked %parallel_loop3A_897 : vector<16xf32>, vector<16xi1> -> vector<16xf32>
      %parallel_loop3A_899 = vector.extract %parallel_loop3A_898[15] : f32 from vector<16xf32>
      %parallel_loop3A_900 = vector.broadcast %parallel_loop3A_899 : f32 to vector<16xf32>
      %parallel_loop3A_901 = arith.addf %parallel_loop3A_825, %parallel_loop3A_900 : vector<16xf32>
      %parallel_loop3A_902 = arith.constant 2 : i32
      %parallel_loop3A_903 = arith.index_cast %parallel_loop3A_902 : i32 to index
      %parallel_loop3A_904 = arith.index_cast %parallel_loop3A_865 : i32 to index
      %parallel_loop3A_905 = tpu.vector_load %arg6[%parallel_loop3A_903, %parallel_loop3A_904] {strides = array<i32>} : memref<4x8192xf32, #tpu.memory_space<vmem>>, vector<16xf32>,
      %parallel_loop3A_906 = arith.constant true
      %parallel_loop3A_907 = vector.broadcast %parallel_loop3A_906 : i1 to vector<16xi1>
      %parallel_loop3A_908 = tpu.scan <sum>, %parallel_loop3A_905 masked %parallel_loop3A_907 : vector<16xf32>, vector<16xi1> -> vector<16xf32>
      %parallel_loop3A_909 = arith.addf %parallel_loop3A_908, %parallel_loop3A_843 : vector<16xf32>
      %parallel_loop3A_910 = arith.constant 2 : i32
      %parallel_loop3A_911 = arith.index_cast %parallel_loop3A_910 : i32 to index
      %parallel_loop3A_912 = arith.index_cast %parallel_loop3A_865 : i32 to index
      %parallel_loop3A_913 = tpu.vector_load %arg6[%parallel_loop3A_911, %parallel_loop3A_912] {strides = array<i32>} : memref<4x8192xf32, #tpu.memory_space<vmem>>, vector<16xf32>,
      tpu.vector_store %arg6[%parallel_loop3A_911, %parallel_loop3A_912], %parallel_loop3A_909 {strides = array<i32>} : memref<4x8192xf32, #tpu.memory_space<vmem>>, vector<16xf32>,
      %parallel_loop3A_914 = arith.constant true
      %parallel_loop3A_915 = vector.broadcast %parallel_loop3A_914 : i1 to vector<16xi1>
      %parallel_loop3A_916 = tpu.scan <sum>, %parallel_loop3A_905 masked %parallel_loop3A_915 : vector<16xf32>, vector<16xi1> -> vector<16xf32>
      %parallel_loop3A_917 = vector.extract %parallel_loop3A_916[15] : f32 from vector<16xf32>
      %parallel_loop3A_918 = vector.broadcast %parallel_loop3A_917 : f32 to vector<16xf32>
      %parallel_loop3A_919 = arith.addf %parallel_loop3A_843, %parallel_loop3A_918 : vector<16xf32>
      %parallel_loop3A_920 = arith.constant 3 : i32
      %parallel_loop3A_921 = arith.index_cast %parallel_loop3A_920 : i32 to index
      %parallel_loop3A_922 = arith.index_cast %parallel_loop3A_865 : i32 to index
      %parallel_loop3A_923 = tpu.vector_load %arg6[%parallel_loop3A_921, %parallel_loop3A_922] {strides = array<i32>} : memref<4x8192xf32, #tpu.memory_space<vmem>>, vector<16xf32>,
      %parallel_loop3A_924 = arith.constant true
      %parallel_loop3A_925 = vector.broadcast %parallel_loop3A_924 : i1 to vector<16xi1>
      %parallel_loop3A_926 = tpu.scan <sum>, %parallel_loop3A_923 masked %parallel_loop3A_925 : vector<16xf32>, vector<16xi1> -> vector<16xf32>
      %parallel_loop3A_927 = arith.addf %parallel_loop3A_926, %parallel_loop3A_861 : vector<16xf32>
      %parallel_loop3A_928 = arith.constant 3 : i32
      %parallel_loop3A_929 = arith.index_cast %parallel_loop3A_928 : i32 to index
      %parallel_loop3A_930 = arith.index_cast %parallel_loop3A_865 : i32 to index
      %parallel_loop3A_931 = tpu.vector_load %arg6[%parallel_loop3A_929, %parallel_loop3A_930] {strides = array<i32>} : memref<4x8192xf32, #tpu.memory_space<vmem>>, vector<16xf32>,
      tpu.vector_store %arg6[%parallel_loop3A_929, %parallel_loop3A_930], %parallel_loop3A_927 {strides = array<i32>} : memref<4x8192xf32, #tpu.memory_space<vmem>>, vector<16xf32>,
      %parallel_loop3A_932 = arith.constant true
      %parallel_loop3A_933 = vector.broadcast %parallel_loop3A_932 : i1 to vector<16xi1>
      %parallel_loop3A_934 = tpu.scan <sum>, %parallel_loop3A_923 masked %parallel_loop3A_933 : vector<16xf32>, vector<16xi1> -> vector<16xf32>
      %parallel_loop3A_935 = vector.extract %parallel_loop3A_934[15] : f32 from vector<16xf32>
      %parallel_loop3A_936 = vector.broadcast %parallel_loop3A_935 : f32 to vector<16xf32>
      %parallel_loop3A_937 = arith.addf %parallel_loop3A_861, %parallel_loop3A_936 : vector<16xf32>
      %parallel_loop3A_938 = arith.constant 7 : i32
      %parallel_loop3A_939 = arith.addi %parallel_loop3A_281, %parallel_loop3A_938 : i32
      %parallel_loop3A_940 = arith.constant 16 : i32
      %parallel_loop3A_941 = arith.muli %parallel_loop3A_939, %parallel_loop3A_940 : i32
      %parallel_loop3A_942 = arith.constant 0 : i32
      %parallel_loop3A_943 = arith.index_cast %parallel_loop3A_942 : i32 to index
      %parallel_loop3A_944 = arith.index_cast %parallel_loop3A_941 : i32 to index
      %parallel_loop3A_945 = tpu.vector_load %arg6[%parallel_loop3A_943, %parallel_loop3A_944] {strides = array<i32>} : memref<4x8192xf32, #tpu.memory_space<vmem>>, vector<16xf32>,
      %parallel_loop3A_946 = arith.constant true
      %parallel_loop3A_947 = vector.broadcast %parallel_loop3A_946 : i1 to vector<16xi1>
      %parallel_loop3A_948 = tpu.scan <sum>, %parallel_loop3A_945 masked %parallel_loop3A_947 : vector<16xf32>, vector<16xi1> -> vector<16xf32>
      %parallel_loop3A_949 = arith.addf %parallel_loop3A_948, %parallel_loop3A_883 : vector<16xf32>
      %parallel_loop3A_950 = arith.constant 0 : i32
      %parallel_loop3A_951 = arith.index_cast %parallel_loop3A_950 : i32 to index
      %parallel_loop3A_952 = arith.index_cast %parallel_loop3A_941 : i32 to index
      %parallel_loop3A_953 = tpu.vector_load %arg6[%parallel_loop3A_951, %parallel_loop3A_952] {strides = array<i32>} : memref<4x8192xf32, #tpu.memory_space<vmem>>, vector<16xf32>,
      tpu.vector_store %arg6[%parallel_loop3A_951, %parallel_loop3A_952], %parallel_loop3A_949 {strides = array<i32>} : memref<4x8192xf32, #tpu.memory_space<vmem>>, vector<16xf32>,
      %parallel_loop3A_954 = arith.constant true
      %parallel_loop3A_955 = vector.broadcast %parallel_loop3A_954 : i1 to vector<16xi1>
      %parallel_loop3A_956 = tpu.scan <sum>, %parallel_loop3A_945 masked %parallel_loop3A_955 : vector<16xf32>, vector<16xi1> -> vector<16xf32>
      %parallel_loop3A_957 = vector.extract %parallel_loop3A_956[15] : f32 from vector<16xf32>
      %parallel_loop3A_958 = vector.broadcast %parallel_loop3A_957 : f32 to vector<16xf32>
      %parallel_loop3A_959 = arith.addf %parallel_loop3A_883, %parallel_loop3A_958 : vector<16xf32>
      %parallel_loop3A_960 = arith.constant 1 : i32
      %parallel_loop3A_961 = arith.index_cast %parallel_loop3A_960 : i32 to index
      %parallel_loop3A_962 = arith.index_cast %parallel_loop3A_941 : i32 to index
      %parallel_loop3A_963 = tpu.vector_load %arg6[%parallel_loop3A_961, %parallel_loop3A_962] {strides = array<i32>} : memref<4x8192xf32, #tpu.memory_space<vmem>>, vector<16xf32>,
      %parallel_loop3A_964 = arith.constant true
      %parallel_loop3A_965 = vector.broadcast %parallel_loop3A_964 : i1 to vector<16xi1>
      %parallel_loop3A_966 = tpu.scan <sum>, %parallel_loop3A_963 masked %parallel_loop3A_965 : vector<16xf32>, vector<16xi1> -> vector<16xf32>
      %parallel_loop3A_967 = arith.addf %parallel_loop3A_966, %parallel_loop3A_901 : vector<16xf32>
      %parallel_loop3A_968 = arith.constant 1 : i32
      %parallel_loop3A_969 = arith.index_cast %parallel_loop3A_968 : i32 to index
      %parallel_loop3A_970 = arith.index_cast %parallel_loop3A_941 : i32 to index
      %parallel_loop3A_971 = tpu.vector_load %arg6[%parallel_loop3A_969, %parallel_loop3A_970] {strides = array<i32>} : memref<4x8192xf32, #tpu.memory_space<vmem>>, vector<16xf32>,
      tpu.vector_store %arg6[%parallel_loop3A_969, %parallel_loop3A_970], %parallel_loop3A_967 {strides = array<i32>} : memref<4x8192xf32, #tpu.memory_space<vmem>>, vector<16xf32>,
      %parallel_loop3A_972 = arith.constant true
      %parallel_loop3A_973 = vector.broadcast %parallel_loop3A_972 : i1 to vector<16xi1>
      %parallel_loop3A_974 = tpu.scan <sum>, %parallel_loop3A_963 masked %parallel_loop3A_973 : vector<16xf32>, vector<16xi1> -> vector<16xf32>
      %parallel_loop3A_975 = vector.extract %parallel_loop3A_974[15] : f32 from vector<16xf32>
      %parallel_loop3A_976 = vector.broadcast %parallel_loop3A_975 : f32 to vector<16xf32>
      %parallel_loop3A_977 = arith.addf %parallel_loop3A_901, %parallel_loop3A_976 : vector<16xf32>
      %parallel_loop3A_978 = arith.constant 2 : i32
      %parallel_loop3A_979 = arith.index_cast %parallel_loop3A_978 : i32 to index
      %parallel_loop3A_980 = arith.index_cast %parallel_loop3A_941 : i32 to index
      %parallel_loop3A_981 = tpu.vector_load %arg6[%parallel_loop3A_979, %parallel_loop3A_980] {strides = array<i32>} : memref<4x8192xf32, #tpu.memory_space<vmem>>, vector<16xf32>,
      %parallel_loop3A_982 = arith.constant true
      %parallel_loop3A_983 = vector.broadcast %parallel_loop3A_982 : i1 to vector<16xi1>
      %parallel_loop3A_984 = tpu.scan <sum>, %parallel_loop3A_981 masked %parallel_loop3A_983 : vector<16xf32>, vector<16xi1> -> vector<16xf32>
      %parallel_loop3A_985 = arith.addf %parallel_loop3A_984, %parallel_loop3A_919 : vector<16xf32>
      %parallel_loop3A_986 = arith.constant 2 : i32
      %parallel_loop3A_987 = arith.index_cast %parallel_loop3A_986 : i32 to index
      %parallel_loop3A_988 = arith.index_cast %parallel_loop3A_941 : i32 to index
      %parallel_loop3A_989 = tpu.vector_load %arg6[%parallel_loop3A_987, %parallel_loop3A_988] {strides = array<i32>} : memref<4x8192xf32, #tpu.memory_space<vmem>>, vector<16xf32>,
      tpu.vector_store %arg6[%parallel_loop3A_987, %parallel_loop3A_988], %parallel_loop3A_985 {strides = array<i32>} : memref<4x8192xf32, #tpu.memory_space<vmem>>, vector<16xf32>,
      %parallel_loop3A_990 = arith.constant true
      %parallel_loop3A_991 = vector.broadcast %parallel_loop3A_990 : i1 to vector<16xi1>
      %parallel_loop3A_992 = tpu.scan <sum>, %parallel_loop3A_981 masked %parallel_loop3A_991 : vector<16xf32>, vector<16xi1> -> vector<16xf32>
      %parallel_loop3A_993 = vector.extract %parallel_loop3A_992[15] : f32 from vector<16xf32>
      %parallel_loop3A_994 = vector.broadcast %parallel_loop3A_993 : f32 to vector<16xf32>
      %parallel_loop3A_995 = arith.addf %parallel_loop3A_919, %parallel_loop3A_994 : vector<16xf32>
      %parallel_loop3A_996 = arith.constant 3 : i32
      %parallel_loop3A_997 = arith.index_cast %parallel_loop3A_996 : i32 to index
      %parallel_loop3A_998 = arith.index_cast %parallel_loop3A_941 : i32 to index
      %parallel_loop3A_999 = tpu.vector_load %arg6[%parallel_loop3A_997, %parallel_loop3A_998] {strides = array<i32>} : memref<4x8192xf32, #tpu.memory_space<vmem>>, vector<16xf32>,
      %parallel_loop3A_1000 = arith.constant true
      %parallel_loop3A_1001 = vector.broadcast %parallel_loop3A_1000 : i1 to vector<16xi1>
      %parallel_loop3A_1002 = tpu.scan <sum>, %parallel_loop3A_999 masked %parallel_loop3A_1001 : vector<16xf32>, vector<16xi1> -> vector<16xf32>
      %parallel_loop3A_1003 = arith.addf %parallel_loop3A_1002, %parallel_loop3A_937 : vector<16xf32>
      %parallel_loop3A_1004 = arith.constant 3 : i32
      %parallel_loop3A_1005 = arith.index_cast %parallel_loop3A_1004 : i32 to index
      %parallel_loop3A_1006 = arith.index_cast %parallel_loop3A_941 : i32 to index
      %parallel_loop3A_1007 = tpu.vector_load %arg6[%parallel_loop3A_1005, %parallel_loop3A_1006] {strides = array<i32>} : memref<4x8192xf32, #tpu.memory_space<vmem>>, vector<16xf32>,
      tpu.vector_store %arg6[%parallel_loop3A_1005, %parallel_loop3A_1006], %parallel_loop3A_1003 {strides = array<i32>} : memref<4x8192xf32, #tpu.memory_space<vmem>>, vector<16xf32>,
      %parallel_loop3A_1008 = arith.constant true
      %parallel_loop3A_1009 = vector.broadcast %parallel_loop3A_1008 : i1 to vector<16xi1>
      %parallel_loop3A_1010 = tpu.scan <sum>, %parallel_loop3A_999 masked %parallel_loop3A_1009 : vector<16xf32>, vector<16xi1> -> vector<16xf32>
      %parallel_loop3A_1011 = vector.extract %parallel_loop3A_1010[15] : f32 from vector<16xf32>
      %parallel_loop3A_1012 = vector.broadcast %parallel_loop3A_1011 : f32 to vector<16xf32>
      %parallel_loop3A_1013 = arith.addf %parallel_loop3A_937, %parallel_loop3A_1012 : vector<16xf32>
      scf.yield %parallel_loop3A_959, %parallel_loop3A_977, %parallel_loop3A_995, %parallel_loop3A_1013 : vector<16xf32>, vector<16xf32>, vector<16xf32>, vector<16xf32>
    } {sc.loop_unroll_factor = 2 : i64, sc.parallel_access}
    %dma_wait3A_155 = arith.constant 0 : i32
    %dma_wait3A_156 = arith.constant 0 : i32
    %dma_wait3A_157 = tpu.memref_slice %arg2[%dma_wait3A_155, %dma_wait3A_156] : memref<128x32768xf32, #tpu.memory_space<hbm>> -> memref<4x8192xf32, #tpu.memory_space<hbm>>
    %dma_wait3A_158 = arith.constant 0 : i32
    %dma_wait3A_159 = arith.constant 0 : i32
    %dma_wait3A_160 = tpu.memref_slice %arg2[%dma_wait3A_158, %dma_wait3A_159] : memref<128x32768xf32, #tpu.memory_space<hbm>> -> memref<4x8192xf32, #tpu.memory_space<hbm>>
    tpu.wait_dma2 semaphore(%arg7 : memref<!tpu.dma_semaphore, #tpu.memory_space<semaphore_mem>>) src(%dma_wait3A_160 : memref<4x8192xf32, #tpu.memory_space<hbm>>) dst(%arg4 : memref<4x8192xf32, #tpu.memory_space<vmem>>)
    %dma_wait3A_161 = arith.constant 0 : i32
    %dma_wait3A_162 = arith.constant 0 : i32
    %dma_wait3A_163 = tpu.memref_slice %arg2[%dma_wait3A_161, %dma_wait3A_162] : memref<128x32768xf32, #tpu.memory_space<hbm>> -> memref<4x8192xf32, #tpu.memory_space<hbm>>
    %dma_wait3A_164 = arith.constant 0 : i32
    %dma_wait3A_165 = arith.constant 0 : i32
    %dma_wait3A_166 = tpu.memref_slice %arg2[%dma_wait3A_164, %dma_wait3A_165] : memref<128x32768xf32, #tpu.memory_space<hbm>> -> memref<4x8192xf32, #tpu.memory_space<hbm>>
    tpu.wait_dma2 semaphore(%arg8 : memref<!tpu.dma_semaphore, #tpu.memory_space<semaphore_mem>>) src(%dma_wait3A_166 : memref<4x8192xf32, #tpu.memory_space<hbm>>) dst(%arg4 : memref<4x8192xf32, #tpu.memory_space<vmem>>)
    %parallel_loop3A_167 = arith.constant 0 : i32
    %parallel_loop3A_168 = arith.constant 512 : i32
    %parallel_loop3A_169 = arith.constant 8 : i32
    %parallel_loop3A_170:4 = scf.for %parallel_loop3A_281 = %parallel_loop3A_167 to %parallel_loop3A_168 step %parallel_loop3A_169 iter_args(%parallel_loop3A_282 = %parallel_loop3A_154#0, %parallel_loop3A_283 = %parallel_loop3A_154#1, %parallel_loop3A_284 = %parallel_loop3A_154#2, %parallel_loop3A_285 = %parallel_loop3A_154#3) -> (vector<16xf32>, vector<16xf32>, vector<16xf32>, vector<16xf32>)  : i32 {
      %parallel_loop3A_286 = arith.constant 16 : i32
      %parallel_loop3A_287 = arith.muli %parallel_loop3A_281, %parallel_loop3A_286 : i32
      %parallel_loop3A_288 = arith.constant 16 : i32
      %parallel_loop3A_289 = arith.muli %parallel_loop3A_281, %parallel_loop3A_288 : i32
      %parallel_loop3A_290 = arith.constant 16384 : i32
      %parallel_loop3A_291 = arith.addi %parallel_loop3A_290, %parallel_loop3A_289 : i32
      %parallel_loop3A_292 = arith.constant 0 : i32
      %parallel_loop3A_293 = tpu.memref_slice %arg6[%parallel_loop3A_292, %parallel_loop3A_287] : memref<4x8192xf32, #tpu.memory_space<vmem>> -> memref<1x128xf32, #tpu.memory_space<vmem>>
      %parallel_loop3A_294 = tpu.memref_squeeze %parallel_loop3A_293 : memref<1x128xf32, #tpu.memory_space<vmem>> -> memref<128xf32, #tpu.memory_space<vmem>>
      %parallel_loop3A_295 = tpu.memref_slice %arg3[%add3A_4, %parallel_loop3A_291] : memref<128x32768xf32, #tpu.memory_space<hbm>> -> memref<1x128xf32, #tpu.memory_space<hbm>>
      %parallel_loop3A_296 = tpu.memref_squeeze %parallel_loop3A_295 : memref<1x128xf32, #tpu.memory_space<hbm>> -> memref<128xf32, #tpu.memory_space<hbm>>
      %parallel_loop3A_297 = tpu.memref_slice %arg3[%add3A_4, %parallel_loop3A_291] : memref<128x32768xf32, #tpu.memory_space<hbm>> -> memref<1x128xf32, #tpu.memory_space<hbm>>
      %parallel_loop3A_298 = tpu.memref_squeeze %parallel_loop3A_297 : memref<1x128xf32, #tpu.memory_space<hbm>> -> memref<128xf32, #tpu.memory_space<hbm>>
      %parallel_loop3A_299 = tpu.memref_slice %arg6[%parallel_loop3A_292, %parallel_loop3A_287] : memref<4x8192xf32, #tpu.memory_space<vmem>> -> memref<1x128xf32, #tpu.memory_space<vmem>>
      %parallel_loop3A_300 = tpu.memref_squeeze %parallel_loop3A_299 : memref<1x128xf32, #tpu.memory_space<vmem>> -> memref<128xf32, #tpu.memory_space<vmem>>
      tpu.enqueue_dma source(%parallel_loop3A_300 : memref<128xf32, #tpu.memory_space<vmem>>) target(%parallel_loop3A_298 : memref<128xf32, #tpu.memory_space<hbm>>) target_semaphore(%arg8 : memref<!tpu.dma_semaphore, #tpu.memory_space<semaphore_mem>>)
      %parallel_loop3A_301 = arith.constant 16 : i32
      %parallel_loop3A_302 = arith.muli %parallel_loop3A_281, %parallel_loop3A_301 : i32
      %parallel_loop3A_303 = arith.constant 16 : i32
      %parallel_loop3A_304 = arith.muli %parallel_loop3A_281, %parallel_loop3A_303 : i32
      %parallel_loop3A_305 = arith.constant 16384 : i32
      %parallel_loop3A_306 = arith.addi %parallel_loop3A_305, %parallel_loop3A_304 : i32
      %parallel_loop3A_307 = arith.constant 1 : i32
      %parallel_loop3A_308 = tpu.memref_slice %arg6[%parallel_loop3A_307, %parallel_loop3A_302] : memref<4x8192xf32, #tpu.memory_space<vmem>> -> memref<1x128xf32, #tpu.memory_space<vmem>>
      %parallel_loop3A_309 = tpu.memref_squeeze %parallel_loop3A_308 : memref<1x128xf32, #tpu.memory_space<vmem>> -> memref<128xf32, #tpu.memory_space<vmem>>
      %parallel_loop3A_310 = tpu.memref_slice %arg3[%add3A_8, %parallel_loop3A_306] : memref<128x32768xf32, #tpu.memory_space<hbm>> -> memref<1x128xf32, #tpu.memory_space<hbm>>
      %parallel_loop3A_311 = tpu.memref_squeeze %parallel_loop3A_310 : memref<1x128xf32, #tpu.memory_space<hbm>> -> memref<128xf32, #tpu.memory_space<hbm>>
      %parallel_loop3A_312 = tpu.memref_slice %arg3[%add3A_8, %parallel_loop3A_306] : memref<128x32768xf32, #tpu.memory_space<hbm>> -> memref<1x128xf32, #tpu.memory_space<hbm>>
      %parallel_loop3A_313 = tpu.memref_squeeze %parallel_loop3A_312 : memref<1x128xf32, #tpu.memory_space<hbm>> -> memref<128xf32, #tpu.memory_space<hbm>>
      %parallel_loop3A_314 = tpu.memref_slice %arg6[%parallel_loop3A_307, %parallel_loop3A_302] : memref<4x8192xf32, #tpu.memory_space<vmem>> -> memref<1x128xf32, #tpu.memory_space<vmem>>
      %parallel_loop3A_315 = tpu.memref_squeeze %parallel_loop3A_314 : memref<1x128xf32, #tpu.memory_space<vmem>> -> memref<128xf32, #tpu.memory_space<vmem>>
      tpu.enqueue_dma source(%parallel_loop3A_315 : memref<128xf32, #tpu.memory_space<vmem>>) target(%parallel_loop3A_313 : memref<128xf32, #tpu.memory_space<hbm>>) target_semaphore(%arg8 : memref<!tpu.dma_semaphore, #tpu.memory_space<semaphore_mem>>)
      %parallel_loop3A_316 = arith.constant 16 : i32
      %parallel_loop3A_317 = arith.muli %parallel_loop3A_281, %parallel_loop3A_316 : i32
      %parallel_loop3A_318 = arith.constant 16 : i32
      %parallel_loop3A_319 = arith.muli %parallel_loop3A_281, %parallel_loop3A_318 : i32
      %parallel_loop3A_320 = arith.constant 16384 : i32
      %parallel_loop3A_321 = arith.addi %parallel_loop3A_320, %parallel_loop3A_319 : i32
      %parallel_loop3A_322 = arith.constant 2 : i32
      %parallel_loop3A_323 = tpu.memref_slice %arg6[%parallel_loop3A_322, %parallel_loop3A_317] : memref<4x8192xf32, #tpu.memory_space<vmem>> -> memref<1x128xf32, #tpu.memory_space<vmem>>
      %parallel_loop3A_324 = tpu.memref_squeeze %parallel_loop3A_323 : memref<1x128xf32, #tpu.memory_space<vmem>> -> memref<128xf32, #tpu.memory_space<vmem>>
      %parallel_loop3A_325 = tpu.memref_slice %arg3[%add3A_12, %parallel_loop3A_321] : memref<128x32768xf32, #tpu.memory_space<hbm>> -> memref<1x128xf32, #tpu.memory_space<hbm>>
      %parallel_loop3A_326 = tpu.memref_squeeze %parallel_loop3A_325 : memref<1x128xf32, #tpu.memory_space<hbm>> -> memref<128xf32, #tpu.memory_space<hbm>>
      %parallel_loop3A_327 = tpu.memref_slice %arg3[%add3A_12, %parallel_loop3A_321] : memref<128x32768xf32, #tpu.memory_space<hbm>> -> memref<1x128xf32, #tpu.memory_space<hbm>>
      %parallel_loop3A_328 = tpu.memref_squeeze %parallel_loop3A_327 : memref<1x128xf32, #tpu.memory_space<hbm>> -> memref<128xf32, #tpu.memory_space<hbm>>
      %parallel_loop3A_329 = tpu.memref_slice %arg6[%parallel_loop3A_322, %parallel_loop3A_317] : memref<4x8192xf32, #tpu.memory_space<vmem>> -> memref<1x128xf32, #tpu.memory_space<vmem>>
      %parallel_loop3A_330 = tpu.memref_squeeze %parallel_loop3A_329 : memref<1x128xf32, #tpu.memory_space<vmem>> -> memref<128xf32, #tpu.memory_space<vmem>>
      tpu.enqueue_dma source(%parallel_loop3A_330 : memref<128xf32, #tpu.memory_space<vmem>>) target(%parallel_loop3A_328 : memref<128xf32, #tpu.memory_space<hbm>>) target_semaphore(%arg8 : memref<!tpu.dma_semaphore, #tpu.memory_space<semaphore_mem>>)
      %parallel_loop3A_331 = arith.constant 16 : i32
      %parallel_loop3A_332 = arith.muli %parallel_loop3A_281, %parallel_loop3A_331 : i32
      %parallel_loop3A_333 = arith.constant 16 : i32
      %parallel_loop3A_334 = arith.muli %parallel_loop3A_281, %parallel_loop3A_333 : i32
      %parallel_loop3A_335 = arith.constant 16384 : i32
      %parallel_loop3A_336 = arith.addi %parallel_loop3A_335, %parallel_loop3A_334 : i32
      %parallel_loop3A_337 = arith.constant 3 : i32
      %parallel_loop3A_338 = tpu.memref_slice %arg6[%parallel_loop3A_337, %parallel_loop3A_332] : memref<4x8192xf32, #tpu.memory_space<vmem>> -> memref<1x128xf32, #tpu.memory_space<vmem>>
      %parallel_loop3A_339 = tpu.memref_squeeze %parallel_loop3A_338 : memref<1x128xf32, #tpu.memory_space<vmem>> -> memref<128xf32, #tpu.memory_space<vmem>>
      %parallel_loop3A_340 = tpu.memref_slice %arg3[%add3A_16, %parallel_loop3A_336] : memref<128x32768xf32, #tpu.memory_space<hbm>> -> memref<1x128xf32, #tpu.memory_space<hbm>>
      %parallel_loop3A_341 = tpu.memref_squeeze %parallel_loop3A_340 : memref<1x128xf32, #tpu.memory_space<hbm>> -> memref<128xf32, #tpu.memory_space<hbm>>
      %parallel_loop3A_342 = tpu.memref_slice %arg3[%add3A_16, %parallel_loop3A_336] : memref<128x32768xf32, #tpu.memory_space<hbm>> -> memref<1x128xf32, #tpu.memory_space<hbm>>
      %parallel_loop3A_343 = tpu.memref_squeeze %parallel_loop3A_342 : memref<1x128xf32, #tpu.memory_space<hbm>> -> memref<128xf32, #tpu.memory_space<hbm>>
      %parallel_loop3A_344 = tpu.memref_slice %arg6[%parallel_loop3A_337, %parallel_loop3A_332] : memref<4x8192xf32, #tpu.memory_space<vmem>> -> memref<1x128xf32, #tpu.memory_space<vmem>>
      %parallel_loop3A_345 = tpu.memref_squeeze %parallel_loop3A_344 : memref<1x128xf32, #tpu.memory_space<vmem>> -> memref<128xf32, #tpu.memory_space<vmem>>
      tpu.enqueue_dma source(%parallel_loop3A_345 : memref<128xf32, #tpu.memory_space<vmem>>) target(%parallel_loop3A_343 : memref<128xf32, #tpu.memory_space<hbm>>) target_semaphore(%arg8 : memref<!tpu.dma_semaphore, #tpu.memory_space<semaphore_mem>>)
      %parallel_loop3A_346 = arith.constant 0 : i32
      %parallel_loop3A_347 = arith.addi %parallel_loop3A_281, %parallel_loop3A_346 : i32
      %parallel_loop3A_348 = arith.constant 16 : i32
      %parallel_loop3A_349 = arith.muli %parallel_loop3A_347, %parallel_loop3A_348 : i32
      %parallel_loop3A_350 = arith.constant 0 : i32
      %parallel_loop3A_351 = arith.index_cast %parallel_loop3A_350 : i32 to index
      %parallel_loop3A_352 = arith.index_cast %parallel_loop3A_349 : i32 to index
      %parallel_loop3A_353 = tpu.vector_load %arg4[%parallel_loop3A_351, %parallel_loop3A_352] {strides = array<i32>} : memref<4x8192xf32, #tpu.memory_space<vmem>>, vector<16xf32>,
      %parallel_loop3A_354 = arith.constant true
      %parallel_loop3A_355 = vector.broadcast %parallel_loop3A_354 : i1 to vector<16xi1>
      %parallel_loop3A_356 = tpu.scan <sum>, %parallel_loop3A_353 masked %parallel_loop3A_355 : vector<16xf32>, vector<16xi1> -> vector<16xf32>
      %parallel_loop3A_357 = arith.addf %parallel_loop3A_356, %parallel_loop3A_282 : vector<16xf32>
      %parallel_loop3A_358 = arith.constant 0 : i32
      %parallel_loop3A_359 = arith.index_cast %parallel_loop3A_358 : i32 to index
      %parallel_loop3A_360 = arith.index_cast %parallel_loop3A_349 : i32 to index
      %parallel_loop3A_361 = tpu.vector_load %arg4[%parallel_loop3A_359, %parallel_loop3A_360] {strides = array<i32>} : memref<4x8192xf32, #tpu.memory_space<vmem>>, vector<16xf32>,
      tpu.vector_store %arg4[%parallel_loop3A_359, %parallel_loop3A_360], %parallel_loop3A_357 {strides = array<i32>} : memref<4x8192xf32, #tpu.memory_space<vmem>>, vector<16xf32>,
      %parallel_loop3A_362 = arith.constant true
      %parallel_loop3A_363 = vector.broadcast %parallel_loop3A_362 : i1 to vector<16xi1>
      %parallel_loop3A_364 = tpu.scan <sum>, %parallel_loop3A_353 masked %parallel_loop3A_363 : vector<16xf32>, vector<16xi1> -> vector<16xf32>
      %parallel_loop3A_365 = vector.extract %parallel_loop3A_364[15] : f32 from vector<16xf32>
      %parallel_loop3A_366 = vector.broadcast %parallel_loop3A_365 : f32 to vector<16xf32>
      %parallel_loop3A_367 = arith.addf %parallel_loop3A_282, %parallel_loop3A_366 : vector<16xf32>
      %parallel_loop3A_368 = arith.constant 1 : i32
      %parallel_loop3A_369 = arith.index_cast %parallel_loop3A_368 : i32 to index
      %parallel_loop3A_370 = arith.index_cast %parallel_loop3A_349 : i32 to index
      %parallel_loop3A_371 = tpu.vector_load %arg4[%parallel_loop3A_369, %parallel_loop3A_370] {strides = array<i32>} : memref<4x8192xf32, #tpu.memory_space<vmem>>, vector<16xf32>,
      %parallel_loop3A_372 = arith.constant true
      %parallel_loop3A_373 = vector.broadcast %parallel_loop3A_372 : i1 to vector<16xi1>
      %parallel_loop3A_374 = tpu.scan <sum>, %parallel_loop3A_371 masked %parallel_loop3A_373 : vector<16xf32>, vector<16xi1> -> vector<16xf32>
      %parallel_loop3A_375 = arith.addf %parallel_loop3A_374, %parallel_loop3A_283 : vector<16xf32>
      %parallel_loop3A_376 = arith.constant 1 : i32
      %parallel_loop3A_377 = arith.index_cast %parallel_loop3A_376 : i32 to index
      %parallel_loop3A_378 = arith.index_cast %parallel_loop3A_349 : i32 to index
      %parallel_loop3A_379 = tpu.vector_load %arg4[%parallel_loop3A_377, %parallel_loop3A_378] {strides = array<i32>} : memref<4x8192xf32, #tpu.memory_space<vmem>>, vector<16xf32>,
      tpu.vector_store %arg4[%parallel_loop3A_377, %parallel_loop3A_378], %parallel_loop3A_375 {strides = array<i32>} : memref<4x8192xf32, #tpu.memory_space<vmem>>, vector<16xf32>,
      %parallel_loop3A_380 = arith.constant true
      %parallel_loop3A_381 = vector.broadcast %parallel_loop3A_380 : i1 to vector<16xi1>
      %parallel_loop3A_382 = tpu.scan <sum>, %parallel_loop3A_371 masked %parallel_loop3A_381 : vector<16xf32>, vector<16xi1> -> vector<16xf32>
      %parallel_loop3A_383 = vector.extract %parallel_loop3A_382[15] : f32 from vector<16xf32>
      %parallel_loop3A_384 = vector.broadcast %parallel_loop3A_383 : f32 to vector<16xf32>
      %parallel_loop3A_385 = arith.addf %parallel_loop3A_283, %parallel_loop3A_384 : vector<16xf32>
      %parallel_loop3A_386 = arith.constant 2 : i32
      %parallel_loop3A_387 = arith.index_cast %parallel_loop3A_386 : i32 to index
      %parallel_loop3A_388 = arith.index_cast %parallel_loop3A_349 : i32 to index
      %parallel_loop3A_389 = tpu.vector_load %arg4[%parallel_loop3A_387, %parallel_loop3A_388] {strides = array<i32>} : memref<4x8192xf32, #tpu.memory_space<vmem>>, vector<16xf32>,
      %parallel_loop3A_390 = arith.constant true
      %parallel_loop3A_391 = vector.broadcast %parallel_loop3A_390 : i1 to vector<16xi1>
      %parallel_loop3A_392 = tpu.scan <sum>, %parallel_loop3A_389 masked %parallel_loop3A_391 : vector<16xf32>, vector<16xi1> -> vector<16xf32>
      %parallel_loop3A_393 = arith.addf %parallel_loop3A_392, %parallel_loop3A_284 : vector<16xf32>
      %parallel_loop3A_394 = arith.constant 2 : i32
      %parallel_loop3A_395 = arith.index_cast %parallel_loop3A_394 : i32 to index
      %parallel_loop3A_396 = arith.index_cast %parallel_loop3A_349 : i32 to index
      %parallel_loop3A_397 = tpu.vector_load %arg4[%parallel_loop3A_395, %parallel_loop3A_396] {strides = array<i32>} : memref<4x8192xf32, #tpu.memory_space<vmem>>, vector<16xf32>,
      tpu.vector_store %arg4[%parallel_loop3A_395, %parallel_loop3A_396], %parallel_loop3A_393 {strides = array<i32>} : memref<4x8192xf32, #tpu.memory_space<vmem>>, vector<16xf32>,
      %parallel_loop3A_398 = arith.constant true
      %parallel_loop3A_399 = vector.broadcast %parallel_loop3A_398 : i1 to vector<16xi1>
      %parallel_loop3A_400 = tpu.scan <sum>, %parallel_loop3A_389 masked %parallel_loop3A_399 : vector<16xf32>, vector<16xi1> -> vector<16xf32>
      %parallel_loop3A_401 = vector.extract %parallel_loop3A_400[15] : f32 from vector<16xf32>
      %parallel_loop3A_402 = vector.broadcast %parallel_loop3A_401 : f32 to vector<16xf32>
      %parallel_loop3A_403 = arith.addf %parallel_loop3A_284, %parallel_loop3A_402 : vector<16xf32>
      %parallel_loop3A_404 = arith.constant 3 : i32
      %parallel_loop3A_405 = arith.index_cast %parallel_loop3A_404 : i32 to index
      %parallel_loop3A_406 = arith.index_cast %parallel_loop3A_349 : i32 to index
      %parallel_loop3A_407 = tpu.vector_load %arg4[%parallel_loop3A_405, %parallel_loop3A_406] {strides = array<i32>} : memref<4x8192xf32, #tpu.memory_space<vmem>>, vector<16xf32>,
      %parallel_loop3A_408 = arith.constant true
      %parallel_loop3A_409 = vector.broadcast %parallel_loop3A_408 : i1 to vector<16xi1>
      %parallel_loop3A_410 = tpu.scan <sum>, %parallel_loop3A_407 masked %parallel_loop3A_409 : vector<16xf32>, vector<16xi1> -> vector<16xf32>
      %parallel_loop3A_411 = arith.addf %parallel_loop3A_410, %parallel_loop3A_285 : vector<16xf32>
      %parallel_loop3A_412 = arith.constant 3 : i32
      %parallel_loop3A_413 = arith.index_cast %parallel_loop3A_412 : i32 to index
      %parallel_loop3A_414 = arith.index_cast %parallel_loop3A_349 : i32 to index
      %parallel_loop3A_415 = tpu.vector_load %arg4[%parallel_loop3A_413, %parallel_loop3A_414] {strides = array<i32>} : memref<4x8192xf32, #tpu.memory_space<vmem>>, vector<16xf32>,
      tpu.vector_store %arg4[%parallel_loop3A_413, %parallel_loop3A_414], %parallel_loop3A_411 {strides = array<i32>} : memref<4x8192xf32, #tpu.memory_space<vmem>>, vector<16xf32>,
      %parallel_loop3A_416 = arith.constant true
      %parallel_loop3A_417 = vector.broadcast %parallel_loop3A_416 : i1 to vector<16xi1>
      %parallel_loop3A_418 = tpu.scan <sum>, %parallel_loop3A_407 masked %parallel_loop3A_417 : vector<16xf32>, vector<16xi1> -> vector<16xf32>
      %parallel_loop3A_419 = vector.extract %parallel_loop3A_418[15] : f32 from vector<16xf32>
      %parallel_loop3A_420 = vector.broadcast %parallel_loop3A_419 : f32 to vector<16xf32>
      %parallel_loop3A_421 = arith.addf %parallel_loop3A_285, %parallel_loop3A_420 : vector<16xf32>
      %parallel_loop3A_422 = arith.constant 1 : i32
      %parallel_loop3A_423 = arith.addi %parallel_loop3A_281, %parallel_loop3A_422 : i32
      %parallel_loop3A_424 = arith.constant 16 : i32
      %parallel_loop3A_425 = arith.muli %parallel_loop3A_423, %parallel_loop3A_424 : i32
      %parallel_loop3A_426 = arith.constant 0 : i32
      %parallel_loop3A_427 = arith.index_cast %parallel_loop3A_426 : i32 to index
      %parallel_loop3A_428 = arith.index_cast %parallel_loop3A_425 : i32 to index
      %parallel_loop3A_429 = tpu.vector_load %arg4[%parallel_loop3A_427, %parallel_loop3A_428] {strides = array<i32>} : memref<4x8192xf32, #tpu.memory_space<vmem>>, vector<16xf32>,
      %parallel_loop3A_430 = arith.constant true
      %parallel_loop3A_431 = vector.broadcast %parallel_loop3A_430 : i1 to vector<16xi1>
      %parallel_loop3A_432 = tpu.scan <sum>, %parallel_loop3A_429 masked %parallel_loop3A_431 : vector<16xf32>, vector<16xi1> -> vector<16xf32>
      %parallel_loop3A_433 = arith.addf %parallel_loop3A_432, %parallel_loop3A_367 : vector<16xf32>
      %parallel_loop3A_434 = arith.constant 0 : i32
      %parallel_loop3A_435 = arith.index_cast %parallel_loop3A_434 : i32 to index
      %parallel_loop3A_436 = arith.index_cast %parallel_loop3A_425 : i32 to index
      %parallel_loop3A_437 = tpu.vector_load %arg4[%parallel_loop3A_435, %parallel_loop3A_436] {strides = array<i32>} : memref<4x8192xf32, #tpu.memory_space<vmem>>, vector<16xf32>,
      tpu.vector_store %arg4[%parallel_loop3A_435, %parallel_loop3A_436], %parallel_loop3A_433 {strides = array<i32>} : memref<4x8192xf32, #tpu.memory_space<vmem>>, vector<16xf32>,
      %parallel_loop3A_438 = arith.constant true
      %parallel_loop3A_439 = vector.broadcast %parallel_loop3A_438 : i1 to vector<16xi1>
      %parallel_loop3A_440 = tpu.scan <sum>, %parallel_loop3A_429 masked %parallel_loop3A_439 : vector<16xf32>, vector<16xi1> -> vector<16xf32>
      %parallel_loop3A_441 = vector.extract %parallel_loop3A_440[15] : f32 from vector<16xf32>
      %parallel_loop3A_442 = vector.broadcast %parallel_loop3A_441 : f32 to vector<16xf32>
      %parallel_loop3A_443 = arith.addf %parallel_loop3A_367, %parallel_loop3A_442 : vector<16xf32>
      %parallel_loop3A_444 = arith.constant 1 : i32
      %parallel_loop3A_445 = arith.index_cast %parallel_loop3A_444 : i32 to index
      %parallel_loop3A_446 = arith.index_cast %parallel_loop3A_425 : i32 to index
      %parallel_loop3A_447 = tpu.vector_load %arg4[%parallel_loop3A_445, %parallel_loop3A_446] {strides = array<i32>} : memref<4x8192xf32, #tpu.memory_space<vmem>>, vector<16xf32>,
      %parallel_loop3A_448 = arith.constant true
      %parallel_loop3A_449 = vector.broadcast %parallel_loop3A_448 : i1 to vector<16xi1>
      %parallel_loop3A_450 = tpu.scan <sum>, %parallel_loop3A_447 masked %parallel_loop3A_449 : vector<16xf32>, vector<16xi1> -> vector<16xf32>
      %parallel_loop3A_451 = arith.addf %parallel_loop3A_450, %parallel_loop3A_385 : vector<16xf32>
      %parallel_loop3A_452 = arith.constant 1 : i32
      %parallel_loop3A_453 = arith.index_cast %parallel_loop3A_452 : i32 to index
      %parallel_loop3A_454 = arith.index_cast %parallel_loop3A_425 : i32 to index
      %parallel_loop3A_455 = tpu.vector_load %arg4[%parallel_loop3A_453, %parallel_loop3A_454] {strides = array<i32>} : memref<4x8192xf32, #tpu.memory_space<vmem>>, vector<16xf32>,
      tpu.vector_store %arg4[%parallel_loop3A_453, %parallel_loop3A_454], %parallel_loop3A_451 {strides = array<i32>} : memref<4x8192xf32, #tpu.memory_space<vmem>>, vector<16xf32>,
      %parallel_loop3A_456 = arith.constant true
      %parallel_loop3A_457 = vector.broadcast %parallel_loop3A_456 : i1 to vector<16xi1>
      %parallel_loop3A_458 = tpu.scan <sum>, %parallel_loop3A_447 masked %parallel_loop3A_457 : vector<16xf32>, vector<16xi1> -> vector<16xf32>
      %parallel_loop3A_459 = vector.extract %parallel_loop3A_458[15] : f32 from vector<16xf32>
      %parallel_loop3A_460 = vector.broadcast %parallel_loop3A_459 : f32 to vector<16xf32>
      %parallel_loop3A_461 = arith.addf %parallel_loop3A_385, %parallel_loop3A_460 : vector<16xf32>
      %parallel_loop3A_462 = arith.constant 2 : i32
      %parallel_loop3A_463 = arith.index_cast %parallel_loop3A_462 : i32 to index
      %parallel_loop3A_464 = arith.index_cast %parallel_loop3A_425 : i32 to index
      %parallel_loop3A_465 = tpu.vector_load %arg4[%parallel_loop3A_463, %parallel_loop3A_464] {strides = array<i32>} : memref<4x8192xf32, #tpu.memory_space<vmem>>, vector<16xf32>,
      %parallel_loop3A_466 = arith.constant true
      %parallel_loop3A_467 = vector.broadcast %parallel_loop3A_466 : i1 to vector<16xi1>
      %parallel_loop3A_468 = tpu.scan <sum>, %parallel_loop3A_465 masked %parallel_loop3A_467 : vector<16xf32>, vector<16xi1> -> vector<16xf32>
      %parallel_loop3A_469 = arith.addf %parallel_loop3A_468, %parallel_loop3A_403 : vector<16xf32>
      %parallel_loop3A_470 = arith.constant 2 : i32
      %parallel_loop3A_471 = arith.index_cast %parallel_loop3A_470 : i32 to index
      %parallel_loop3A_472 = arith.index_cast %parallel_loop3A_425 : i32 to index
      %parallel_loop3A_473 = tpu.vector_load %arg4[%parallel_loop3A_471, %parallel_loop3A_472] {strides = array<i32>} : memref<4x8192xf32, #tpu.memory_space<vmem>>, vector<16xf32>,
      tpu.vector_store %arg4[%parallel_loop3A_471, %parallel_loop3A_472], %parallel_loop3A_469 {strides = array<i32>} : memref<4x8192xf32, #tpu.memory_space<vmem>>, vector<16xf32>,
      %parallel_loop3A_474 = arith.constant true
      %parallel_loop3A_475 = vector.broadcast %parallel_loop3A_474 : i1 to vector<16xi1>
      %parallel_loop3A_476 = tpu.scan <sum>, %parallel_loop3A_465 masked %parallel_loop3A_475 : vector<16xf32>, vector<16xi1> -> vector<16xf32>
      %parallel_loop3A_477 = vector.extract %parallel_loop3A_476[15] : f32 from vector<16xf32>
      %parallel_loop3A_478 = vector.broadcast %parallel_loop3A_477 : f32 to vector<16xf32>
      %parallel_loop3A_479 = arith.addf %parallel_loop3A_403, %parallel_loop3A_478 : vector<16xf32>
      %parallel_loop3A_480 = arith.constant 3 : i32
      %parallel_loop3A_481 = arith.index_cast %parallel_loop3A_480 : i32 to index
      %parallel_loop3A_482 = arith.index_cast %parallel_loop3A_425 : i32 to index
      %parallel_loop3A_483 = tpu.vector_load %arg4[%parallel_loop3A_481, %parallel_loop3A_482] {strides = array<i32>} : memref<4x8192xf32, #tpu.memory_space<vmem>>, vector<16xf32>,
      %parallel_loop3A_484 = arith.constant true
      %parallel_loop3A_485 = vector.broadcast %parallel_loop3A_484 : i1 to vector<16xi1>
      %parallel_loop3A_486 = tpu.scan <sum>, %parallel_loop3A_483 masked %parallel_loop3A_485 : vector<16xf32>, vector<16xi1> -> vector<16xf32>
      %parallel_loop3A_487 = arith.addf %parallel_loop3A_486, %parallel_loop3A_421 : vector<16xf32>
      %parallel_loop3A_488 = arith.constant 3 : i32
      %parallel_loop3A_489 = arith.index_cast %parallel_loop3A_488 : i32 to index
      %parallel_loop3A_490 = arith.index_cast %parallel_loop3A_425 : i32 to index
      %parallel_loop3A_491 = tpu.vector_load %arg4[%parallel_loop3A_489, %parallel_loop3A_490] {strides = array<i32>} : memref<4x8192xf32, #tpu.memory_space<vmem>>, vector<16xf32>,
      tpu.vector_store %arg4[%parallel_loop3A_489, %parallel_loop3A_490], %parallel_loop3A_487 {strides = array<i32>} : memref<4x8192xf32, #tpu.memory_space<vmem>>, vector<16xf32>,
      %parallel_loop3A_492 = arith.constant true
      %parallel_loop3A_493 = vector.broadcast %parallel_loop3A_492 : i1 to vector<16xi1>
      %parallel_loop3A_494 = tpu.scan <sum>, %parallel_loop3A_483 masked %parallel_loop3A_493 : vector<16xf32>, vector<16xi1> -> vector<16xf32>
      %parallel_loop3A_495 = vector.extract %parallel_loop3A_494[15] : f32 from vector<16xf32>
      %parallel_loop3A_496 = vector.broadcast %parallel_loop3A_495 : f32 to vector<16xf32>
      %parallel_loop3A_497 = arith.addf %parallel_loop3A_421, %parallel_loop3A_496 : vector<16xf32>
      %parallel_loop3A_498 = arith.constant 2 : i32
      %parallel_loop3A_499 = arith.addi %parallel_loop3A_281, %parallel_loop3A_498 : i32
      %parallel_loop3A_500 = arith.constant 16 : i32
      %parallel_loop3A_501 = arith.muli %parallel_loop3A_499, %parallel_loop3A_500 : i32
      %parallel_loop3A_502 = arith.constant 0 : i32
      %parallel_loop3A_503 = arith.index_cast %parallel_loop3A_502 : i32 to index
      %parallel_loop3A_504 = arith.index_cast %parallel_loop3A_501 : i32 to index
      %parallel_loop3A_505 = tpu.vector_load %arg4[%parallel_loop3A_503, %parallel_loop3A_504] {strides = array<i32>} : memref<4x8192xf32, #tpu.memory_space<vmem>>, vector<16xf32>,
      %parallel_loop3A_506 = arith.constant true
      %parallel_loop3A_507 = vector.broadcast %parallel_loop3A_506 : i1 to vector<16xi1>
      %parallel_loop3A_508 = tpu.scan <sum>, %parallel_loop3A_505 masked %parallel_loop3A_507 : vector<16xf32>, vector<16xi1> -> vector<16xf32>
      %parallel_loop3A_509 = arith.addf %parallel_loop3A_508, %parallel_loop3A_443 : vector<16xf32>
      %parallel_loop3A_510 = arith.constant 0 : i32
      %parallel_loop3A_511 = arith.index_cast %parallel_loop3A_510 : i32 to index
      %parallel_loop3A_512 = arith.index_cast %parallel_loop3A_501 : i32 to index
      %parallel_loop3A_513 = tpu.vector_load %arg4[%parallel_loop3A_511, %parallel_loop3A_512] {strides = array<i32>} : memref<4x8192xf32, #tpu.memory_space<vmem>>, vector<16xf32>,
      tpu.vector_store %arg4[%parallel_loop3A_511, %parallel_loop3A_512], %parallel_loop3A_509 {strides = array<i32>} : memref<4x8192xf32, #tpu.memory_space<vmem>>, vector<16xf32>,
      %parallel_loop3A_514 = arith.constant true
      %parallel_loop3A_515 = vector.broadcast %parallel_loop3A_514 : i1 to vector<16xi1>
      %parallel_loop3A_516 = tpu.scan <sum>, %parallel_loop3A_505 masked %parallel_loop3A_515 : vector<16xf32>, vector<16xi1> -> vector<16xf32>
      %parallel_loop3A_517 = vector.extract %parallel_loop3A_516[15] : f32 from vector<16xf32>
      %parallel_loop3A_518 = vector.broadcast %parallel_loop3A_517 : f32 to vector<16xf32>
      %parallel_loop3A_519 = arith.addf %parallel_loop3A_443, %parallel_loop3A_518 : vector<16xf32>
      %parallel_loop3A_520 = arith.constant 1 : i32
      %parallel_loop3A_521 = arith.index_cast %parallel_loop3A_520 : i32 to index
      %parallel_loop3A_522 = arith.index_cast %parallel_loop3A_501 : i32 to index
      %parallel_loop3A_523 = tpu.vector_load %arg4[%parallel_loop3A_521, %parallel_loop3A_522] {strides = array<i32>} : memref<4x8192xf32, #tpu.memory_space<vmem>>, vector<16xf32>,
      %parallel_loop3A_524 = arith.constant true
      %parallel_loop3A_525 = vector.broadcast %parallel_loop3A_524 : i1 to vector<16xi1>
      %parallel_loop3A_526 = tpu.scan <sum>, %parallel_loop3A_523 masked %parallel_loop3A_525 : vector<16xf32>, vector<16xi1> -> vector<16xf32>
      %parallel_loop3A_527 = arith.addf %parallel_loop3A_526, %parallel_loop3A_461 : vector<16xf32>
      %parallel_loop3A_528 = arith.constant 1 : i32
      %parallel_loop3A_529 = arith.index_cast %parallel_loop3A_528 : i32 to index
      %parallel_loop3A_530 = arith.index_cast %parallel_loop3A_501 : i32 to index
      %parallel_loop3A_531 = tpu.vector_load %arg4[%parallel_loop3A_529, %parallel_loop3A_530] {strides = array<i32>} : memref<4x8192xf32, #tpu.memory_space<vmem>>, vector<16xf32>,
      tpu.vector_store %arg4[%parallel_loop3A_529, %parallel_loop3A_530], %parallel_loop3A_527 {strides = array<i32>} : memref<4x8192xf32, #tpu.memory_space<vmem>>, vector<16xf32>,
      %parallel_loop3A_532 = arith.constant true
      %parallel_loop3A_533 = vector.broadcast %parallel_loop3A_532 : i1 to vector<16xi1>
      %parallel_loop3A_534 = tpu.scan <sum>, %parallel_loop3A_523 masked %parallel_loop3A_533 : vector<16xf32>, vector<16xi1> -> vector<16xf32>
      %parallel_loop3A_535 = vector.extract %parallel_loop3A_534[15] : f32 from vector<16xf32>
      %parallel_loop3A_536 = vector.broadcast %parallel_loop3A_535 : f32 to vector<16xf32>
      %parallel_loop3A_537 = arith.addf %parallel_loop3A_461, %parallel_loop3A_536 : vector<16xf32>
      %parallel_loop3A_538 = arith.constant 2 : i32
      %parallel_loop3A_539 = arith.index_cast %parallel_loop3A_538 : i32 to index
      %parallel_loop3A_540 = arith.index_cast %parallel_loop3A_501 : i32 to index
      %parallel_loop3A_541 = tpu.vector_load %arg4[%parallel_loop3A_539, %parallel_loop3A_540] {strides = array<i32>} : memref<4x8192xf32, #tpu.memory_space<vmem>>, vector<16xf32>,
      %parallel_loop3A_542 = arith.constant true
      %parallel_loop3A_543 = vector.broadcast %parallel_loop3A_542 : i1 to vector<16xi1>
      %parallel_loop3A_544 = tpu.scan <sum>, %parallel_loop3A_541 masked %parallel_loop3A_543 : vector<16xf32>, vector<16xi1> -> vector<16xf32>
      %parallel_loop3A_545 = arith.addf %parallel_loop3A_544, %parallel_loop3A_479 : vector<16xf32>
      %parallel_loop3A_546 = arith.constant 2 : i32
      %parallel_loop3A_547 = arith.index_cast %parallel_loop3A_546 : i32 to index
      %parallel_loop3A_548 = arith.index_cast %parallel_loop3A_501 : i32 to index
      %parallel_loop3A_549 = tpu.vector_load %arg4[%parallel_loop3A_547, %parallel_loop3A_548] {strides = array<i32>} : memref<4x8192xf32, #tpu.memory_space<vmem>>, vector<16xf32>,
      tpu.vector_store %arg4[%parallel_loop3A_547, %parallel_loop3A_548], %parallel_loop3A_545 {strides = array<i32>} : memref<4x8192xf32, #tpu.memory_space<vmem>>, vector<16xf32>,
      %parallel_loop3A_550 = arith.constant true
      %parallel_loop3A_551 = vector.broadcast %parallel_loop3A_550 : i1 to vector<16xi1>
      %parallel_loop3A_552 = tpu.scan <sum>, %parallel_loop3A_541 masked %parallel_loop3A_551 : vector<16xf32>, vector<16xi1> -> vector<16xf32>
      %parallel_loop3A_553 = vector.extract %parallel_loop3A_552[15] : f32 from vector<16xf32>
      %parallel_loop3A_554 = vector.broadcast %parallel_loop3A_553 : f32 to vector<16xf32>
      %parallel_loop3A_555 = arith.addf %parallel_loop3A_479, %parallel_loop3A_554 : vector<16xf32>
      %parallel_loop3A_556 = arith.constant 3 : i32
      %parallel_loop3A_557 = arith.index_cast %parallel_loop3A_556 : i32 to index
      %parallel_loop3A_558 = arith.index_cast %parallel_loop3A_501 : i32 to index
      %parallel_loop3A_559 = tpu.vector_load %arg4[%parallel_loop3A_557, %parallel_loop3A_558] {strides = array<i32>} : memref<4x8192xf32, #tpu.memory_space<vmem>>, vector<16xf32>,
      %parallel_loop3A_560 = arith.constant true
      %parallel_loop3A_561 = vector.broadcast %parallel_loop3A_560 : i1 to vector<16xi1>
      %parallel_loop3A_562 = tpu.scan <sum>, %parallel_loop3A_559 masked %parallel_loop3A_561 : vector<16xf32>, vector<16xi1> -> vector<16xf32>
      %parallel_loop3A_563 = arith.addf %parallel_loop3A_562, %parallel_loop3A_497 : vector<16xf32>
      %parallel_loop3A_564 = arith.constant 3 : i32
      %parallel_loop3A_565 = arith.index_cast %parallel_loop3A_564 : i32 to index
      %parallel_loop3A_566 = arith.index_cast %parallel_loop3A_501 : i32 to index
      %parallel_loop3A_567 = tpu.vector_load %arg4[%parallel_loop3A_565, %parallel_loop3A_566] {strides = array<i32>} : memref<4x8192xf32, #tpu.memory_space<vmem>>, vector<16xf32>,
      tpu.vector_store %arg4[%parallel_loop3A_565, %parallel_loop3A_566], %parallel_loop3A_563 {strides = array<i32>} : memref<4x8192xf32, #tpu.memory_space<vmem>>, vector<16xf32>,
      %parallel_loop3A_568 = arith.constant true
      %parallel_loop3A_569 = vector.broadcast %parallel_loop3A_568 : i1 to vector<16xi1>
      %parallel_loop3A_570 = tpu.scan <sum>, %parallel_loop3A_559 masked %parallel_loop3A_569 : vector<16xf32>, vector<16xi1> -> vector<16xf32>
      %parallel_loop3A_571 = vector.extract %parallel_loop3A_570[15] : f32 from vector<16xf32>
      %parallel_loop3A_572 = vector.broadcast %parallel_loop3A_571 : f32 to vector<16xf32>
      %parallel_loop3A_573 = arith.addf %parallel_loop3A_497, %parallel_loop3A_572 : vector<16xf32>
      %parallel_loop3A_574 = arith.constant 3 : i32
      %parallel_loop3A_575 = arith.addi %parallel_loop3A_281, %parallel_loop3A_574 : i32
      %parallel_loop3A_576 = arith.constant 16 : i32
      %parallel_loop3A_577 = arith.muli %parallel_loop3A_575, %parallel_loop3A_576 : i32
      %parallel_loop3A_578 = arith.constant 0 : i32
      %parallel_loop3A_579 = arith.index_cast %parallel_loop3A_578 : i32 to index
      %parallel_loop3A_580 = arith.index_cast %parallel_loop3A_577 : i32 to index
      %parallel_loop3A_581 = tpu.vector_load %arg4[%parallel_loop3A_579, %parallel_loop3A_580] {strides = array<i32>} : memref<4x8192xf32, #tpu.memory_space<vmem>>, vector<16xf32>,
      %parallel_loop3A_582 = arith.constant true
      %parallel_loop3A_583 = vector.broadcast %parallel_loop3A_582 : i1 to vector<16xi1>
      %parallel_loop3A_584 = tpu.scan <sum>, %parallel_loop3A_581 masked %parallel_loop3A_583 : vector<16xf32>, vector<16xi1> -> vector<16xf32>
      %parallel_loop3A_585 = arith.addf %parallel_loop3A_584, %parallel_loop3A_519 : vector<16xf32>
      %parallel_loop3A_586 = arith.constant 0 : i32
      %parallel_loop3A_587 = arith.index_cast %parallel_loop3A_586 : i32 to index
      %parallel_loop3A_588 = arith.index_cast %parallel_loop3A_577 : i32 to index
      %parallel_loop3A_589 = tpu.vector_load %arg4[%parallel_loop3A_587, %parallel_loop3A_588] {strides = array<i32>} : memref<4x8192xf32, #tpu.memory_space<vmem>>, vector<16xf32>,
      tpu.vector_store %arg4[%parallel_loop3A_587, %parallel_loop3A_588], %parallel_loop3A_585 {strides = array<i32>} : memref<4x8192xf32, #tpu.memory_space<vmem>>, vector<16xf32>,
      %parallel_loop3A_590 = arith.constant true
      %parallel_loop3A_591 = vector.broadcast %parallel_loop3A_590 : i1 to vector<16xi1>
      %parallel_loop3A_592 = tpu.scan <sum>, %parallel_loop3A_581 masked %parallel_loop3A_591 : vector<16xf32>, vector<16xi1> -> vector<16xf32>
      %parallel_loop3A_593 = vector.extract %parallel_loop3A_592[15] : f32 from vector<16xf32>
      %parallel_loop3A_594 = vector.broadcast %parallel_loop3A_593 : f32 to vector<16xf32>
      %parallel_loop3A_595 = arith.addf %parallel_loop3A_519, %parallel_loop3A_594 : vector<16xf32>
      %parallel_loop3A_596 = arith.constant 1 : i32
      %parallel_loop3A_597 = arith.index_cast %parallel_loop3A_596 : i32 to index
      %parallel_loop3A_598 = arith.index_cast %parallel_loop3A_577 : i32 to index
      %parallel_loop3A_599 = tpu.vector_load %arg4[%parallel_loop3A_597, %parallel_loop3A_598] {strides = array<i32>} : memref<4x8192xf32, #tpu.memory_space<vmem>>, vector<16xf32>,
      %parallel_loop3A_600 = arith.constant true
      %parallel_loop3A_601 = vector.broadcast %parallel_loop3A_600 : i1 to vector<16xi1>
      %parallel_loop3A_602 = tpu.scan <sum>, %parallel_loop3A_599 masked %parallel_loop3A_601 : vector<16xf32>, vector<16xi1> -> vector<16xf32>
      %parallel_loop3A_603 = arith.addf %parallel_loop3A_602, %parallel_loop3A_537 : vector<16xf32>
      %parallel_loop3A_604 = arith.constant 1 : i32
      %parallel_loop3A_605 = arith.index_cast %parallel_loop3A_604 : i32 to index
      %parallel_loop3A_606 = arith.index_cast %parallel_loop3A_577 : i32 to index
      %parallel_loop3A_607 = tpu.vector_load %arg4[%parallel_loop3A_605, %parallel_loop3A_606] {strides = array<i32>} : memref<4x8192xf32, #tpu.memory_space<vmem>>, vector<16xf32>,
      tpu.vector_store %arg4[%parallel_loop3A_605, %parallel_loop3A_606], %parallel_loop3A_603 {strides = array<i32>} : memref<4x8192xf32, #tpu.memory_space<vmem>>, vector<16xf32>,
      %parallel_loop3A_608 = arith.constant true
      %parallel_loop3A_609 = vector.broadcast %parallel_loop3A_608 : i1 to vector<16xi1>
      %parallel_loop3A_610 = tpu.scan <sum>, %parallel_loop3A_599 masked %parallel_loop3A_609 : vector<16xf32>, vector<16xi1> -> vector<16xf32>
      %parallel_loop3A_611 = vector.extract %parallel_loop3A_610[15] : f32 from vector<16xf32>
      %parallel_loop3A_612 = vector.broadcast %parallel_loop3A_611 : f32 to vector<16xf32>
      %parallel_loop3A_613 = arith.addf %parallel_loop3A_537, %parallel_loop3A_612 : vector<16xf32>
      %parallel_loop3A_614 = arith.constant 2 : i32
      %parallel_loop3A_615 = arith.index_cast %parallel_loop3A_614 : i32 to index
      %parallel_loop3A_616 = arith.index_cast %parallel_loop3A_577 : i32 to index
      %parallel_loop3A_617 = tpu.vector_load %arg4[%parallel_loop3A_615, %parallel_loop3A_616] {strides = array<i32>} : memref<4x8192xf32, #tpu.memory_space<vmem>>, vector<16xf32>,
      %parallel_loop3A_618 = arith.constant true
      %parallel_loop3A_619 = vector.broadcast %parallel_loop3A_618 : i1 to vector<16xi1>
      %parallel_loop3A_620 = tpu.scan <sum>, %parallel_loop3A_617 masked %parallel_loop3A_619 : vector<16xf32>, vector<16xi1> -> vector<16xf32>
      %parallel_loop3A_621 = arith.addf %parallel_loop3A_620, %parallel_loop3A_555 : vector<16xf32>
      %parallel_loop3A_622 = arith.constant 2 : i32
      %parallel_loop3A_623 = arith.index_cast %parallel_loop3A_622 : i32 to index
      %parallel_loop3A_624 = arith.index_cast %parallel_loop3A_577 : i32 to index
      %parallel_loop3A_625 = tpu.vector_load %arg4[%parallel_loop3A_623, %parallel_loop3A_624] {strides = array<i32>} : memref<4x8192xf32, #tpu.memory_space<vmem>>, vector<16xf32>,
      tpu.vector_store %arg4[%parallel_loop3A_623, %parallel_loop3A_624], %parallel_loop3A_621 {strides = array<i32>} : memref<4x8192xf32, #tpu.memory_space<vmem>>, vector<16xf32>,
      %parallel_loop3A_626 = arith.constant true
      %parallel_loop3A_627 = vector.broadcast %parallel_loop3A_626 : i1 to vector<16xi1>
      %parallel_loop3A_628 = tpu.scan <sum>, %parallel_loop3A_617 masked %parallel_loop3A_627 : vector<16xf32>, vector<16xi1> -> vector<16xf32>
      %parallel_loop3A_629 = vector.extract %parallel_loop3A_628[15] : f32 from vector<16xf32>
      %parallel_loop3A_630 = vector.broadcast %parallel_loop3A_629 : f32 to vector<16xf32>
      %parallel_loop3A_631 = arith.addf %parallel_loop3A_555, %parallel_loop3A_630 : vector<16xf32>
      %parallel_loop3A_632 = arith.constant 3 : i32
      %parallel_loop3A_633 = arith.index_cast %parallel_loop3A_632 : i32 to index
      %parallel_loop3A_634 = arith.index_cast %parallel_loop3A_577 : i32 to index
      %parallel_loop3A_635 = tpu.vector_load %arg4[%parallel_loop3A_633, %parallel_loop3A_634] {strides = array<i32>} : memref<4x8192xf32, #tpu.memory_space<vmem>>, vector<16xf32>,
      %parallel_loop3A_636 = arith.constant true
      %parallel_loop3A_637 = vector.broadcast %parallel_loop3A_636 : i1 to vector<16xi1>
      %parallel_loop3A_638 = tpu.scan <sum>, %parallel_loop3A_635 masked %parallel_loop3A_637 : vector<16xf32>, vector<16xi1> -> vector<16xf32>
      %parallel_loop3A_639 = arith.addf %parallel_loop3A_638, %parallel_loop3A_573 : vector<16xf32>
      %parallel_loop3A_640 = arith.constant 3 : i32
      %parallel_loop3A_641 = arith.index_cast %parallel_loop3A_640 : i32 to index
      %parallel_loop3A_642 = arith.index_cast %parallel_loop3A_577 : i32 to index
      %parallel_loop3A_643 = tpu.vector_load %arg4[%parallel_loop3A_641, %parallel_loop3A_642] {strides = array<i32>} : memref<4x8192xf32, #tpu.memory_space<vmem>>, vector<16xf32>,
      tpu.vector_store %arg4[%parallel_loop3A_641, %parallel_loop3A_642], %parallel_loop3A_639 {strides = array<i32>} : memref<4x8192xf32, #tpu.memory_space<vmem>>, vector<16xf32>,
      %parallel_loop3A_644 = arith.constant true
      %parallel_loop3A_645 = vector.broadcast %parallel_loop3A_644 : i1 to vector<16xi1>
      %parallel_loop3A_646 = tpu.scan <sum>, %parallel_loop3A_635 masked %parallel_loop3A_645 : vector<16xf32>, vector<16xi1> -> vector<16xf32>
      %parallel_loop3A_647 = vector.extract %parallel_loop3A_646[15] : f32 from vector<16xf32>
      %parallel_loop3A_648 = vector.broadcast %parallel_loop3A_647 : f32 to vector<16xf32>
      %parallel_loop3A_649 = arith.addf %parallel_loop3A_573, %parallel_loop3A_648 : vector<16xf32>
      %parallel_loop3A_650 = arith.constant 4 : i32
      %parallel_loop3A_651 = arith.addi %parallel_loop3A_281, %parallel_loop3A_650 : i32
      %parallel_loop3A_652 = arith.constant 16 : i32
      %parallel_loop3A_653 = arith.muli %parallel_loop3A_651, %parallel_loop3A_652 : i32
      %parallel_loop3A_654 = arith.constant 0 : i32
      %parallel_loop3A_655 = arith.index_cast %parallel_loop3A_654 : i32 to index
      %parallel_loop3A_656 = arith.index_cast %parallel_loop3A_653 : i32 to index
      %parallel_loop3A_657 = tpu.vector_load %arg4[%parallel_loop3A_655, %parallel_loop3A_656] {strides = array<i32>} : memref<4x8192xf32, #tpu.memory_space<vmem>>, vector<16xf32>,
      %parallel_loop3A_658 = arith.constant true
      %parallel_loop3A_659 = vector.broadcast %parallel_loop3A_658 : i1 to vector<16xi1>
      %parallel_loop3A_660 = tpu.scan <sum>, %parallel_loop3A_657 masked %parallel_loop3A_659 : vector<16xf32>, vector<16xi1> -> vector<16xf32>
      %parallel_loop3A_661 = arith.addf %parallel_loop3A_660, %parallel_loop3A_595 : vector<16xf32>
      %parallel_loop3A_662 = arith.constant 0 : i32
      %parallel_loop3A_663 = arith.index_cast %parallel_loop3A_662 : i32 to index
      %parallel_loop3A_664 = arith.index_cast %parallel_loop3A_653 : i32 to index
      %parallel_loop3A_665 = tpu.vector_load %arg4[%parallel_loop3A_663, %parallel_loop3A_664] {strides = array<i32>} : memref<4x8192xf32, #tpu.memory_space<vmem>>, vector<16xf32>,
      tpu.vector_store %arg4[%parallel_loop3A_663, %parallel_loop3A_664], %parallel_loop3A_661 {strides = array<i32>} : memref<4x8192xf32, #tpu.memory_space<vmem>>, vector<16xf32>,
      %parallel_loop3A_666 = arith.constant true
      %parallel_loop3A_667 = vector.broadcast %parallel_loop3A_666 : i1 to vector<16xi1>
      %parallel_loop3A_668 = tpu.scan <sum>, %parallel_loop3A_657 masked %parallel_loop3A_667 : vector<16xf32>, vector<16xi1> -> vector<16xf32>
      %parallel_loop3A_669 = vector.extract %parallel_loop3A_668[15] : f32 from vector<16xf32>
      %parallel_loop3A_670 = vector.broadcast %parallel_loop3A_669 : f32 to vector<16xf32>
      %parallel_loop3A_671 = arith.addf %parallel_loop3A_595, %parallel_loop3A_670 : vector<16xf32>
      %parallel_loop3A_672 = arith.constant 1 : i32
      %parallel_loop3A_673 = arith.index_cast %parallel_loop3A_672 : i32 to index
      %parallel_loop3A_674 = arith.index_cast %parallel_loop3A_653 : i32 to index
      %parallel_loop3A_675 = tpu.vector_load %arg4[%parallel_loop3A_673, %parallel_loop3A_674] {strides = array<i32>} : memref<4x8192xf32, #tpu.memory_space<vmem>>, vector<16xf32>,
      %parallel_loop3A_676 = arith.constant true
      %parallel_loop3A_677 = vector.broadcast %parallel_loop3A_676 : i1 to vector<16xi1>
      %parallel_loop3A_678 = tpu.scan <sum>, %parallel_loop3A_675 masked %parallel_loop3A_677 : vector<16xf32>, vector<16xi1> -> vector<16xf32>
      %parallel_loop3A_679 = arith.addf %parallel_loop3A_678, %parallel_loop3A_613 : vector<16xf32>
      %parallel_loop3A_680 = arith.constant 1 : i32
      %parallel_loop3A_681 = arith.index_cast %parallel_loop3A_680 : i32 to index
      %parallel_loop3A_682 = arith.index_cast %parallel_loop3A_653 : i32 to index
      %parallel_loop3A_683 = tpu.vector_load %arg4[%parallel_loop3A_681, %parallel_loop3A_682] {strides = array<i32>} : memref<4x8192xf32, #tpu.memory_space<vmem>>, vector<16xf32>,
      tpu.vector_store %arg4[%parallel_loop3A_681, %parallel_loop3A_682], %parallel_loop3A_679 {strides = array<i32>} : memref<4x8192xf32, #tpu.memory_space<vmem>>, vector<16xf32>,
      %parallel_loop3A_684 = arith.constant true
      %parallel_loop3A_685 = vector.broadcast %parallel_loop3A_684 : i1 to vector<16xi1>
      %parallel_loop3A_686 = tpu.scan <sum>, %parallel_loop3A_675 masked %parallel_loop3A_685 : vector<16xf32>, vector<16xi1> -> vector<16xf32>
      %parallel_loop3A_687 = vector.extract %parallel_loop3A_686[15] : f32 from vector<16xf32>
      %parallel_loop3A_688 = vector.broadcast %parallel_loop3A_687 : f32 to vector<16xf32>
      %parallel_loop3A_689 = arith.addf %parallel_loop3A_613, %parallel_loop3A_688 : vector<16xf32>
      %parallel_loop3A_690 = arith.constant 2 : i32
      %parallel_loop3A_691 = arith.index_cast %parallel_loop3A_690 : i32 to index
      %parallel_loop3A_692 = arith.index_cast %parallel_loop3A_653 : i32 to index
      %parallel_loop3A_693 = tpu.vector_load %arg4[%parallel_loop3A_691, %parallel_loop3A_692] {strides = array<i32>} : memref<4x8192xf32, #tpu.memory_space<vmem>>, vector<16xf32>,
      %parallel_loop3A_694 = arith.constant true
      %parallel_loop3A_695 = vector.broadcast %parallel_loop3A_694 : i1 to vector<16xi1>
      %parallel_loop3A_696 = tpu.scan <sum>, %parallel_loop3A_693 masked %parallel_loop3A_695 : vector<16xf32>, vector<16xi1> -> vector<16xf32>
      %parallel_loop3A_697 = arith.addf %parallel_loop3A_696, %parallel_loop3A_631 : vector<16xf32>
      %parallel_loop3A_698 = arith.constant 2 : i32
      %parallel_loop3A_699 = arith.index_cast %parallel_loop3A_698 : i32 to index
      %parallel_loop3A_700 = arith.index_cast %parallel_loop3A_653 : i32 to index
      %parallel_loop3A_701 = tpu.vector_load %arg4[%parallel_loop3A_699, %parallel_loop3A_700] {strides = array<i32>} : memref<4x8192xf32, #tpu.memory_space<vmem>>, vector<16xf32>,
      tpu.vector_store %arg4[%parallel_loop3A_699, %parallel_loop3A_700], %parallel_loop3A_697 {strides = array<i32>} : memref<4x8192xf32, #tpu.memory_space<vmem>>, vector<16xf32>,
      %parallel_loop3A_702 = arith.constant true
      %parallel_loop3A_703 = vector.broadcast %parallel_loop3A_702 : i1 to vector<16xi1>
      %parallel_loop3A_704 = tpu.scan <sum>, %parallel_loop3A_693 masked %parallel_loop3A_703 : vector<16xf32>, vector<16xi1> -> vector<16xf32>
      %parallel_loop3A_705 = vector.extract %parallel_loop3A_704[15] : f32 from vector<16xf32>
      %parallel_loop3A_706 = vector.broadcast %parallel_loop3A_705 : f32 to vector<16xf32>
      %parallel_loop3A_707 = arith.addf %parallel_loop3A_631, %parallel_loop3A_706 : vector<16xf32>
      %parallel_loop3A_708 = arith.constant 3 : i32
      %parallel_loop3A_709 = arith.index_cast %parallel_loop3A_708 : i32 to index
      %parallel_loop3A_710 = arith.index_cast %parallel_loop3A_653 : i32 to index
      %parallel_loop3A_711 = tpu.vector_load %arg4[%parallel_loop3A_709, %parallel_loop3A_710] {strides = array<i32>} : memref<4x8192xf32, #tpu.memory_space<vmem>>, vector<16xf32>,
      %parallel_loop3A_712 = arith.constant true
      %parallel_loop3A_713 = vector.broadcast %parallel_loop3A_712 : i1 to vector<16xi1>
      %parallel_loop3A_714 = tpu.scan <sum>, %parallel_loop3A_711 masked %parallel_loop3A_713 : vector<16xf32>, vector<16xi1> -> vector<16xf32>
      %parallel_loop3A_715 = arith.addf %parallel_loop3A_714, %parallel_loop3A_649 : vector<16xf32>
      %parallel_loop3A_716 = arith.constant 3 : i32
      %parallel_loop3A_717 = arith.index_cast %parallel_loop3A_716 : i32 to index
      %parallel_loop3A_718 = arith.index_cast %parallel_loop3A_653 : i32 to index
      %parallel_loop3A_719 = tpu.vector_load %arg4[%parallel_loop3A_717, %parallel_loop3A_718] {strides = array<i32>} : memref<4x8192xf32, #tpu.memory_space<vmem>>, vector<16xf32>,
      tpu.vector_store %arg4[%parallel_loop3A_717, %parallel_loop3A_718], %parallel_loop3A_715 {strides = array<i32>} : memref<4x8192xf32, #tpu.memory_space<vmem>>, vector<16xf32>,
      %parallel_loop3A_720 = arith.constant true
      %parallel_loop3A_721 = vector.broadcast %parallel_loop3A_720 : i1 to vector<16xi1>
      %parallel_loop3A_722 = tpu.scan <sum>, %parallel_loop3A_711 masked %parallel_loop3A_721 : vector<16xf32>, vector<16xi1> -> vector<16xf32>
      %parallel_loop3A_723 = vector.extract %parallel_loop3A_722[15] : f32 from vector<16xf32>
      %parallel_loop3A_724 = vector.broadcast %parallel_loop3A_723 : f32 to vector<16xf32>
      %parallel_loop3A_725 = arith.addf %parallel_loop3A_649, %parallel_loop3A_724 : vector<16xf32>
      %parallel_loop3A_726 = arith.constant 5 : i32
      %parallel_loop3A_727 = arith.addi %parallel_loop3A_281, %parallel_loop3A_726 : i32
      %parallel_loop3A_728 = arith.constant 16 : i32
      %parallel_loop3A_729 = arith.muli %parallel_loop3A_727, %parallel_loop3A_728 : i32
      %parallel_loop3A_730 = arith.constant 0 : i32
      %parallel_loop3A_731 = arith.index_cast %parallel_loop3A_730 : i32 to index
      %parallel_loop3A_732 = arith.index_cast %parallel_loop3A_729 : i32 to index
      %parallel_loop3A_733 = tpu.vector_load %arg4[%parallel_loop3A_731, %parallel_loop3A_732] {strides = array<i32>} : memref<4x8192xf32, #tpu.memory_space<vmem>>, vector<16xf32>,
      %parallel_loop3A_734 = arith.constant true
      %parallel_loop3A_735 = vector.broadcast %parallel_loop3A_734 : i1 to vector<16xi1>
      %parallel_loop3A_736 = tpu.scan <sum>, %parallel_loop3A_733 masked %parallel_loop3A_735 : vector<16xf32>, vector<16xi1> -> vector<16xf32>
      %parallel_loop3A_737 = arith.addf %parallel_loop3A_736, %parallel_loop3A_671 : vector<16xf32>
      %parallel_loop3A_738 = arith.constant 0 : i32
      %parallel_loop3A_739 = arith.index_cast %parallel_loop3A_738 : i32 to index
      %parallel_loop3A_740 = arith.index_cast %parallel_loop3A_729 : i32 to index
      %parallel_loop3A_741 = tpu.vector_load %arg4[%parallel_loop3A_739, %parallel_loop3A_740] {strides = array<i32>} : memref<4x8192xf32, #tpu.memory_space<vmem>>, vector<16xf32>,
      tpu.vector_store %arg4[%parallel_loop3A_739, %parallel_loop3A_740], %parallel_loop3A_737 {strides = array<i32>} : memref<4x8192xf32, #tpu.memory_space<vmem>>, vector<16xf32>,
      %parallel_loop3A_742 = arith.constant true
      %parallel_loop3A_743 = vector.broadcast %parallel_loop3A_742 : i1 to vector<16xi1>
      %parallel_loop3A_744 = tpu.scan <sum>, %parallel_loop3A_733 masked %parallel_loop3A_743 : vector<16xf32>, vector<16xi1> -> vector<16xf32>
      %parallel_loop3A_745 = vector.extract %parallel_loop3A_744[15] : f32 from vector<16xf32>
      %parallel_loop3A_746 = vector.broadcast %parallel_loop3A_745 : f32 to vector<16xf32>
      %parallel_loop3A_747 = arith.addf %parallel_loop3A_671, %parallel_loop3A_746 : vector<16xf32>
      %parallel_loop3A_748 = arith.constant 1 : i32
      %parallel_loop3A_749 = arith.index_cast %parallel_loop3A_748 : i32 to index
      %parallel_loop3A_750 = arith.index_cast %parallel_loop3A_729 : i32 to index
      %parallel_loop3A_751 = tpu.vector_load %arg4[%parallel_loop3A_749, %parallel_loop3A_750] {strides = array<i32>} : memref<4x8192xf32, #tpu.memory_space<vmem>>, vector<16xf32>,
      %parallel_loop3A_752 = arith.constant true
      %parallel_loop3A_753 = vector.broadcast %parallel_loop3A_752 : i1 to vector<16xi1>
      %parallel_loop3A_754 = tpu.scan <sum>, %parallel_loop3A_751 masked %parallel_loop3A_753 : vector<16xf32>, vector<16xi1> -> vector<16xf32>
      %parallel_loop3A_755 = arith.addf %parallel_loop3A_754, %parallel_loop3A_689 : vector<16xf32>
      %parallel_loop3A_756 = arith.constant 1 : i32
      %parallel_loop3A_757 = arith.index_cast %parallel_loop3A_756 : i32 to index
      %parallel_loop3A_758 = arith.index_cast %parallel_loop3A_729 : i32 to index
      %parallel_loop3A_759 = tpu.vector_load %arg4[%parallel_loop3A_757, %parallel_loop3A_758] {strides = array<i32>} : memref<4x8192xf32, #tpu.memory_space<vmem>>, vector<16xf32>,
      tpu.vector_store %arg4[%parallel_loop3A_757, %parallel_loop3A_758], %parallel_loop3A_755 {strides = array<i32>} : memref<4x8192xf32, #tpu.memory_space<vmem>>, vector<16xf32>,
      %parallel_loop3A_760 = arith.constant true
      %parallel_loop3A_761 = vector.broadcast %parallel_loop3A_760 : i1 to vector<16xi1>
      %parallel_loop3A_762 = tpu.scan <sum>, %parallel_loop3A_751 masked %parallel_loop3A_761 : vector<16xf32>, vector<16xi1> -> vector<16xf32>
      %parallel_loop3A_763 = vector.extract %parallel_loop3A_762[15] : f32 from vector<16xf32>
      %parallel_loop3A_764 = vector.broadcast %parallel_loop3A_763 : f32 to vector<16xf32>
      %parallel_loop3A_765 = arith.addf %parallel_loop3A_689, %parallel_loop3A_764 : vector<16xf32>
      %parallel_loop3A_766 = arith.constant 2 : i32
      %parallel_loop3A_767 = arith.index_cast %parallel_loop3A_766 : i32 to index
      %parallel_loop3A_768 = arith.index_cast %parallel_loop3A_729 : i32 to index
      %parallel_loop3A_769 = tpu.vector_load %arg4[%parallel_loop3A_767, %parallel_loop3A_768] {strides = array<i32>} : memref<4x8192xf32, #tpu.memory_space<vmem>>, vector<16xf32>,
      %parallel_loop3A_770 = arith.constant true
      %parallel_loop3A_771 = vector.broadcast %parallel_loop3A_770 : i1 to vector<16xi1>
      %parallel_loop3A_772 = tpu.scan <sum>, %parallel_loop3A_769 masked %parallel_loop3A_771 : vector<16xf32>, vector<16xi1> -> vector<16xf32>
      %parallel_loop3A_773 = arith.addf %parallel_loop3A_772, %parallel_loop3A_707 : vector<16xf32>
      %parallel_loop3A_774 = arith.constant 2 : i32
      %parallel_loop3A_775 = arith.index_cast %parallel_loop3A_774 : i32 to index
      %parallel_loop3A_776 = arith.index_cast %parallel_loop3A_729 : i32 to index
      %parallel_loop3A_777 = tpu.vector_load %arg4[%parallel_loop3A_775, %parallel_loop3A_776] {strides = array<i32>} : memref<4x8192xf32, #tpu.memory_space<vmem>>, vector<16xf32>,
      tpu.vector_store %arg4[%parallel_loop3A_775, %parallel_loop3A_776], %parallel_loop3A_773 {strides = array<i32>} : memref<4x8192xf32, #tpu.memory_space<vmem>>, vector<16xf32>,
      %parallel_loop3A_778 = arith.constant true
      %parallel_loop3A_779 = vector.broadcast %parallel_loop3A_778 : i1 to vector<16xi1>
      %parallel_loop3A_780 = tpu.scan <sum>, %parallel_loop3A_769 masked %parallel_loop3A_779 : vector<16xf32>, vector<16xi1> -> vector<16xf32>
      %parallel_loop3A_781 = vector.extract %parallel_loop3A_780[15] : f32 from vector<16xf32>
      %parallel_loop3A_782 = vector.broadcast %parallel_loop3A_781 : f32 to vector<16xf32>
      %parallel_loop3A_783 = arith.addf %parallel_loop3A_707, %parallel_loop3A_782 : vector<16xf32>
      %parallel_loop3A_784 = arith.constant 3 : i32
      %parallel_loop3A_785 = arith.index_cast %parallel_loop3A_784 : i32 to index
      %parallel_loop3A_786 = arith.index_cast %parallel_loop3A_729 : i32 to index
      %parallel_loop3A_787 = tpu.vector_load %arg4[%parallel_loop3A_785, %parallel_loop3A_786] {strides = array<i32>} : memref<4x8192xf32, #tpu.memory_space<vmem>>, vector<16xf32>,
      %parallel_loop3A_788 = arith.constant true
      %parallel_loop3A_789 = vector.broadcast %parallel_loop3A_788 : i1 to vector<16xi1>
      %parallel_loop3A_790 = tpu.scan <sum>, %parallel_loop3A_787 masked %parallel_loop3A_789 : vector<16xf32>, vector<16xi1> -> vector<16xf32>
      %parallel_loop3A_791 = arith.addf %parallel_loop3A_790, %parallel_loop3A_725 : vector<16xf32>
      %parallel_loop3A_792 = arith.constant 3 : i32
      %parallel_loop3A_793 = arith.index_cast %parallel_loop3A_792 : i32 to index
      %parallel_loop3A_794 = arith.index_cast %parallel_loop3A_729 : i32 to index
      %parallel_loop3A_795 = tpu.vector_load %arg4[%parallel_loop3A_793, %parallel_loop3A_794] {strides = array<i32>} : memref<4x8192xf32, #tpu.memory_space<vmem>>, vector<16xf32>,
      tpu.vector_store %arg4[%parallel_loop3A_793, %parallel_loop3A_794], %parallel_loop3A_791 {strides = array<i32>} : memref<4x8192xf32, #tpu.memory_space<vmem>>, vector<16xf32>,
      %parallel_loop3A_796 = arith.constant true
      %parallel_loop3A_797 = vector.broadcast %parallel_loop3A_796 : i1 to vector<16xi1>
      %parallel_loop3A_798 = tpu.scan <sum>, %parallel_loop3A_787 masked %parallel_loop3A_797 : vector<16xf32>, vector<16xi1> -> vector<16xf32>
      %parallel_loop3A_799 = vector.extract %parallel_loop3A_798[15] : f32 from vector<16xf32>
      %parallel_loop3A_800 = vector.broadcast %parallel_loop3A_799 : f32 to vector<16xf32>
      %parallel_loop3A_801 = arith.addf %parallel_loop3A_725, %parallel_loop3A_800 : vector<16xf32>
      %parallel_loop3A_802 = arith.constant 6 : i32
      %parallel_loop3A_803 = arith.addi %parallel_loop3A_281, %parallel_loop3A_802 : i32
      %parallel_loop3A_804 = arith.constant 16 : i32
      %parallel_loop3A_805 = arith.muli %parallel_loop3A_803, %parallel_loop3A_804 : i32
      %parallel_loop3A_806 = arith.constant 0 : i32
      %parallel_loop3A_807 = arith.index_cast %parallel_loop3A_806 : i32 to index
      %parallel_loop3A_808 = arith.index_cast %parallel_loop3A_805 : i32 to index
      %parallel_loop3A_809 = tpu.vector_load %arg4[%parallel_loop3A_807, %parallel_loop3A_808] {strides = array<i32>} : memref<4x8192xf32, #tpu.memory_space<vmem>>, vector<16xf32>,
      %parallel_loop3A_810 = arith.constant true
      %parallel_loop3A_811 = vector.broadcast %parallel_loop3A_810 : i1 to vector<16xi1>
      %parallel_loop3A_812 = tpu.scan <sum>, %parallel_loop3A_809 masked %parallel_loop3A_811 : vector<16xf32>, vector<16xi1> -> vector<16xf32>
      %parallel_loop3A_813 = arith.addf %parallel_loop3A_812, %parallel_loop3A_747 : vector<16xf32>
      %parallel_loop3A_814 = arith.constant 0 : i32
      %parallel_loop3A_815 = arith.index_cast %parallel_loop3A_814 : i32 to index
      %parallel_loop3A_816 = arith.index_cast %parallel_loop3A_805 : i32 to index
      %parallel_loop3A_817 = tpu.vector_load %arg4[%parallel_loop3A_815, %parallel_loop3A_816] {strides = array<i32>} : memref<4x8192xf32, #tpu.memory_space<vmem>>, vector<16xf32>,
      tpu.vector_store %arg4[%parallel_loop3A_815, %parallel_loop3A_816], %parallel_loop3A_813 {strides = array<i32>} : memref<4x8192xf32, #tpu.memory_space<vmem>>, vector<16xf32>,
      %parallel_loop3A_818 = arith.constant true
      %parallel_loop3A_819 = vector.broadcast %parallel_loop3A_818 : i1 to vector<16xi1>
      %parallel_loop3A_820 = tpu.scan <sum>, %parallel_loop3A_809 masked %parallel_loop3A_819 : vector<16xf32>, vector<16xi1> -> vector<16xf32>
      %parallel_loop3A_821 = vector.extract %parallel_loop3A_820[15] : f32 from vector<16xf32>
      %parallel_loop3A_822 = vector.broadcast %parallel_loop3A_821 : f32 to vector<16xf32>
      %parallel_loop3A_823 = arith.addf %parallel_loop3A_747, %parallel_loop3A_822 : vector<16xf32>
      %parallel_loop3A_824 = arith.constant 1 : i32
      %parallel_loop3A_825 = arith.index_cast %parallel_loop3A_824 : i32 to index
      %parallel_loop3A_826 = arith.index_cast %parallel_loop3A_805 : i32 to index
      %parallel_loop3A_827 = tpu.vector_load %arg4[%parallel_loop3A_825, %parallel_loop3A_826] {strides = array<i32>} : memref<4x8192xf32, #tpu.memory_space<vmem>>, vector<16xf32>,
      %parallel_loop3A_828 = arith.constant true
      %parallel_loop3A_829 = vector.broadcast %parallel_loop3A_828 : i1 to vector<16xi1>
      %parallel_loop3A_830 = tpu.scan <sum>, %parallel_loop3A_827 masked %parallel_loop3A_829 : vector<16xf32>, vector<16xi1> -> vector<16xf32>
      %parallel_loop3A_831 = arith.addf %parallel_loop3A_830, %parallel_loop3A_765 : vector<16xf32>
      %parallel_loop3A_832 = arith.constant 1 : i32
      %parallel_loop3A_833 = arith.index_cast %parallel_loop3A_832 : i32 to index
      %parallel_loop3A_834 = arith.index_cast %parallel_loop3A_805 : i32 to index
      %parallel_loop3A_835 = tpu.vector_load %arg4[%parallel_loop3A_833, %parallel_loop3A_834] {strides = array<i32>} : memref<4x8192xf32, #tpu.memory_space<vmem>>, vector<16xf32>,
      tpu.vector_store %arg4[%parallel_loop3A_833, %parallel_loop3A_834], %parallel_loop3A_831 {strides = array<i32>} : memref<4x8192xf32, #tpu.memory_space<vmem>>, vector<16xf32>,
      %parallel_loop3A_836 = arith.constant true
      %parallel_loop3A_837 = vector.broadcast %parallel_loop3A_836 : i1 to vector<16xi1>
      %parallel_loop3A_838 = tpu.scan <sum>, %parallel_loop3A_827 masked %parallel_loop3A_837 : vector<16xf32>, vector<16xi1> -> vector<16xf32>
      %parallel_loop3A_839 = vector.extract %parallel_loop3A_838[15] : f32 from vector<16xf32>
      %parallel_loop3A_840 = vector.broadcast %parallel_loop3A_839 : f32 to vector<16xf32>
      %parallel_loop3A_841 = arith.addf %parallel_loop3A_765, %parallel_loop3A_840 : vector<16xf32>
      %parallel_loop3A_842 = arith.constant 2 : i32
      %parallel_loop3A_843 = arith.index_cast %parallel_loop3A_842 : i32 to index
      %parallel_loop3A_844 = arith.index_cast %parallel_loop3A_805 : i32 to index
      %parallel_loop3A_845 = tpu.vector_load %arg4[%parallel_loop3A_843, %parallel_loop3A_844] {strides = array<i32>} : memref<4x8192xf32, #tpu.memory_space<vmem>>, vector<16xf32>,
      %parallel_loop3A_846 = arith.constant true
      %parallel_loop3A_847 = vector.broadcast %parallel_loop3A_846 : i1 to vector<16xi1>
      %parallel_loop3A_848 = tpu.scan <sum>, %parallel_loop3A_845 masked %parallel_loop3A_847 : vector<16xf32>, vector<16xi1> -> vector<16xf32>
      %parallel_loop3A_849 = arith.addf %parallel_loop3A_848, %parallel_loop3A_783 : vector<16xf32>
      %parallel_loop3A_850 = arith.constant 2 : i32
      %parallel_loop3A_851 = arith.index_cast %parallel_loop3A_850 : i32 to index
      %parallel_loop3A_852 = arith.index_cast %parallel_loop3A_805 : i32 to index
      %parallel_loop3A_853 = tpu.vector_load %arg4[%parallel_loop3A_851, %parallel_loop3A_852] {strides = array<i32>} : memref<4x8192xf32, #tpu.memory_space<vmem>>, vector<16xf32>,
      tpu.vector_store %arg4[%parallel_loop3A_851, %parallel_loop3A_852], %parallel_loop3A_849 {strides = array<i32>} : memref<4x8192xf32, #tpu.memory_space<vmem>>, vector<16xf32>,
      %parallel_loop3A_854 = arith.constant true
      %parallel_loop3A_855 = vector.broadcast %parallel_loop3A_854 : i1 to vector<16xi1>
      %parallel_loop3A_856 = tpu.scan <sum>, %parallel_loop3A_845 masked %parallel_loop3A_855 : vector<16xf32>, vector<16xi1> -> vector<16xf32>
      %parallel_loop3A_857 = vector.extract %parallel_loop3A_856[15] : f32 from vector<16xf32>
      %parallel_loop3A_858 = vector.broadcast %parallel_loop3A_857 : f32 to vector<16xf32>
      %parallel_loop3A_859 = arith.addf %parallel_loop3A_783, %parallel_loop3A_858 : vector<16xf32>
      %parallel_loop3A_860 = arith.constant 3 : i32
      %parallel_loop3A_861 = arith.index_cast %parallel_loop3A_860 : i32 to index
      %parallel_loop3A_862 = arith.index_cast %parallel_loop3A_805 : i32 to index
      %parallel_loop3A_863 = tpu.vector_load %arg4[%parallel_loop3A_861, %parallel_loop3A_862] {strides = array<i32>} : memref<4x8192xf32, #tpu.memory_space<vmem>>, vector<16xf32>,
      %parallel_loop3A_864 = arith.constant true
      %parallel_loop3A_865 = vector.broadcast %parallel_loop3A_864 : i1 to vector<16xi1>
      %parallel_loop3A_866 = tpu.scan <sum>, %parallel_loop3A_863 masked %parallel_loop3A_865 : vector<16xf32>, vector<16xi1> -> vector<16xf32>
      %parallel_loop3A_867 = arith.addf %parallel_loop3A_866, %parallel_loop3A_801 : vector<16xf32>
      %parallel_loop3A_868 = arith.constant 3 : i32
      %parallel_loop3A_869 = arith.index_cast %parallel_loop3A_868 : i32 to index
      %parallel_loop3A_870 = arith.index_cast %parallel_loop3A_805 : i32 to index
      %parallel_loop3A_871 = tpu.vector_load %arg4[%parallel_loop3A_869, %parallel_loop3A_870] {strides = array<i32>} : memref<4x8192xf32, #tpu.memory_space<vmem>>, vector<16xf32>,
      tpu.vector_store %arg4[%parallel_loop3A_869, %parallel_loop3A_870], %parallel_loop3A_867 {strides = array<i32>} : memref<4x8192xf32, #tpu.memory_space<vmem>>, vector<16xf32>,
      %parallel_loop3A_872 = arith.constant true
      %parallel_loop3A_873 = vector.broadcast %parallel_loop3A_872 : i1 to vector<16xi1>
      %parallel_loop3A_874 = tpu.scan <sum>, %parallel_loop3A_863 masked %parallel_loop3A_873 : vector<16xf32>, vector<16xi1> -> vector<16xf32>
      %parallel_loop3A_875 = vector.extract %parallel_loop3A_874[15] : f32 from vector<16xf32>
      %parallel_loop3A_876 = vector.broadcast %parallel_loop3A_875 : f32 to vector<16xf32>
      %parallel_loop3A_877 = arith.addf %parallel_loop3A_801, %parallel_loop3A_876 : vector<16xf32>
      %parallel_loop3A_878 = arith.constant 7 : i32
      %parallel_loop3A_879 = arith.addi %parallel_loop3A_281, %parallel_loop3A_878 : i32
      %parallel_loop3A_880 = arith.constant 16 : i32
      %parallel_loop3A_881 = arith.muli %parallel_loop3A_879, %parallel_loop3A_880 : i32
      %parallel_loop3A_882 = arith.constant 0 : i32
      %parallel_loop3A_883 = arith.index_cast %parallel_loop3A_882 : i32 to index
      %parallel_loop3A_884 = arith.index_cast %parallel_loop3A_881 : i32 to index
      %parallel_loop3A_885 = tpu.vector_load %arg4[%parallel_loop3A_883, %parallel_loop3A_884] {strides = array<i32>} : memref<4x8192xf32, #tpu.memory_space<vmem>>, vector<16xf32>,
      %parallel_loop3A_886 = arith.constant true
      %parallel_loop3A_887 = vector.broadcast %parallel_loop3A_886 : i1 to vector<16xi1>
      %parallel_loop3A_888 = tpu.scan <sum>, %parallel_loop3A_885 masked %parallel_loop3A_887 : vector<16xf32>, vector<16xi1> -> vector<16xf32>
      %parallel_loop3A_889 = arith.addf %parallel_loop3A_888, %parallel_loop3A_823 : vector<16xf32>
      %parallel_loop3A_890 = arith.constant 0 : i32
      %parallel_loop3A_891 = arith.index_cast %parallel_loop3A_890 : i32 to index
      %parallel_loop3A_892 = arith.index_cast %parallel_loop3A_881 : i32 to index
      %parallel_loop3A_893 = tpu.vector_load %arg4[%parallel_loop3A_891, %parallel_loop3A_892] {strides = array<i32>} : memref<4x8192xf32, #tpu.memory_space<vmem>>, vector<16xf32>,
      tpu.vector_store %arg4[%parallel_loop3A_891, %parallel_loop3A_892], %parallel_loop3A_889 {strides = array<i32>} : memref<4x8192xf32, #tpu.memory_space<vmem>>, vector<16xf32>,
      %parallel_loop3A_894 = arith.constant true
      %parallel_loop3A_895 = vector.broadcast %parallel_loop3A_894 : i1 to vector<16xi1>
      %parallel_loop3A_896 = tpu.scan <sum>, %parallel_loop3A_885 masked %parallel_loop3A_895 : vector<16xf32>, vector<16xi1> -> vector<16xf32>
      %parallel_loop3A_897 = vector.extract %parallel_loop3A_896[15] : f32 from vector<16xf32>
      %parallel_loop3A_898 = vector.broadcast %parallel_loop3A_897 : f32 to vector<16xf32>
      %parallel_loop3A_899 = arith.addf %parallel_loop3A_823, %parallel_loop3A_898 : vector<16xf32>
      %parallel_loop3A_900 = arith.constant 1 : i32
      %parallel_loop3A_901 = arith.index_cast %parallel_loop3A_900 : i32 to index
      %parallel_loop3A_902 = arith.index_cast %parallel_loop3A_881 : i32 to index
      %parallel_loop3A_903 = tpu.vector_load %arg4[%parallel_loop3A_901, %parallel_loop3A_902] {strides = array<i32>} : memref<4x8192xf32, #tpu.memory_space<vmem>>, vector<16xf32>,
      %parallel_loop3A_904 = arith.constant true
      %parallel_loop3A_905 = vector.broadcast %parallel_loop3A_904 : i1 to vector<16xi1>
      %parallel_loop3A_906 = tpu.scan <sum>, %parallel_loop3A_903 masked %parallel_loop3A_905 : vector<16xf32>, vector<16xi1> -> vector<16xf32>
      %parallel_loop3A_907 = arith.addf %parallel_loop3A_906, %parallel_loop3A_841 : vector<16xf32>
      %parallel_loop3A_908 = arith.constant 1 : i32
      %parallel_loop3A_909 = arith.index_cast %parallel_loop3A_908 : i32 to index
      %parallel_loop3A_910 = arith.index_cast %parallel_loop3A_881 : i32 to index
      %parallel_loop3A_911 = tpu.vector_load %arg4[%parallel_loop3A_909, %parallel_loop3A_910] {strides = array<i32>} : memref<4x8192xf32, #tpu.memory_space<vmem>>, vector<16xf32>,
      tpu.vector_store %arg4[%parallel_loop3A_909, %parallel_loop3A_910], %parallel_loop3A_907 {strides = array<i32>} : memref<4x8192xf32, #tpu.memory_space<vmem>>, vector<16xf32>,
      %parallel_loop3A_912 = arith.constant true
      %parallel_loop3A_913 = vector.broadcast %parallel_loop3A_912 : i1 to vector<16xi1>
      %parallel_loop3A_914 = tpu.scan <sum>, %parallel_loop3A_903 masked %parallel_loop3A_913 : vector<16xf32>, vector<16xi1> -> vector<16xf32>
      %parallel_loop3A_915 = vector.extract %parallel_loop3A_914[15] : f32 from vector<16xf32>
      %parallel_loop3A_916 = vector.broadcast %parallel_loop3A_915 : f32 to vector<16xf32>
      %parallel_loop3A_917 = arith.addf %parallel_loop3A_841, %parallel_loop3A_916 : vector<16xf32>
      %parallel_loop3A_918 = arith.constant 2 : i32
      %parallel_loop3A_919 = arith.index_cast %parallel_loop3A_918 : i32 to index
      %parallel_loop3A_920 = arith.index_cast %parallel_loop3A_881 : i32 to index
      %parallel_loop3A_921 = tpu.vector_load %arg4[%parallel_loop3A_919, %parallel_loop3A_920] {strides = array<i32>} : memref<4x8192xf32, #tpu.memory_space<vmem>>, vector<16xf32>,
      %parallel_loop3A_922 = arith.constant true
      %parallel_loop3A_923 = vector.broadcast %parallel_loop3A_922 : i1 to vector<16xi1>
      %parallel_loop3A_924 = tpu.scan <sum>, %parallel_loop3A_921 masked %parallel_loop3A_923 : vector<16xf32>, vector<16xi1> -> vector<16xf32>
      %parallel_loop3A_925 = arith.addf %parallel_loop3A_924, %parallel_loop3A_859 : vector<16xf32>
      %parallel_loop3A_926 = arith.constant 2 : i32
      %parallel_loop3A_927 = arith.index_cast %parallel_loop3A_926 : i32 to index
      %parallel_loop3A_928 = arith.index_cast %parallel_loop3A_881 : i32 to index
      %parallel_loop3A_929 = tpu.vector_load %arg4[%parallel_loop3A_927, %parallel_loop3A_928] {strides = array<i32>} : memref<4x8192xf32, #tpu.memory_space<vmem>>, vector<16xf32>,
      tpu.vector_store %arg4[%parallel_loop3A_927, %parallel_loop3A_928], %parallel_loop3A_925 {strides = array<i32>} : memref<4x8192xf32, #tpu.memory_space<vmem>>, vector<16xf32>,
      %parallel_loop3A_930 = arith.constant true
      %parallel_loop3A_931 = vector.broadcast %parallel_loop3A_930 : i1 to vector<16xi1>
      %parallel_loop3A_932 = tpu.scan <sum>, %parallel_loop3A_921 masked %parallel_loop3A_931 : vector<16xf32>, vector<16xi1> -> vector<16xf32>
      %parallel_loop3A_933 = vector.extract %parallel_loop3A_932[15] : f32 from vector<16xf32>
      %parallel_loop3A_934 = vector.broadcast %parallel_loop3A_933 : f32 to vector<16xf32>
      %parallel_loop3A_935 = arith.addf %parallel_loop3A_859, %parallel_loop3A_934 : vector<16xf32>
      %parallel_loop3A_936 = arith.constant 3 : i32
      %parallel_loop3A_937 = arith.index_cast %parallel_loop3A_936 : i32 to index
      %parallel_loop3A_938 = arith.index_cast %parallel_loop3A_881 : i32 to index
      %parallel_loop3A_939 = tpu.vector_load %arg4[%parallel_loop3A_937, %parallel_loop3A_938] {strides = array<i32>} : memref<4x8192xf32, #tpu.memory_space<vmem>>, vector<16xf32>,
      %parallel_loop3A_940 = arith.constant true
      %parallel_loop3A_941 = vector.broadcast %parallel_loop3A_940 : i1 to vector<16xi1>
      %parallel_loop3A_942 = tpu.scan <sum>, %parallel_loop3A_939 masked %parallel_loop3A_941 : vector<16xf32>, vector<16xi1> -> vector<16xf32>
      %parallel_loop3A_943 = arith.addf %parallel_loop3A_942, %parallel_loop3A_877 : vector<16xf32>
      %parallel_loop3A_944 = arith.constant 3 : i32
      %parallel_loop3A_945 = arith.index_cast %parallel_loop3A_944 : i32 to index
      %parallel_loop3A_946 = arith.index_cast %parallel_loop3A_881 : i32 to index
      %parallel_loop3A_947 = tpu.vector_load %arg4[%parallel_loop3A_945, %parallel_loop3A_946] {strides = array<i32>} : memref<4x8192xf32, #tpu.memory_space<vmem>>, vector<16xf32>,
      tpu.vector_store %arg4[%parallel_loop3A_945, %parallel_loop3A_946], %parallel_loop3A_943 {strides = array<i32>} : memref<4x8192xf32, #tpu.memory_space<vmem>>, vector<16xf32>,
      %parallel_loop3A_948 = arith.constant true
      %parallel_loop3A_949 = vector.broadcast %parallel_loop3A_948 : i1 to vector<16xi1>
      %parallel_loop3A_950 = tpu.scan <sum>, %parallel_loop3A_939 masked %parallel_loop3A_949 : vector<16xf32>, vector<16xi1> -> vector<16xf32>
      %parallel_loop3A_951 = vector.extract %parallel_loop3A_950[15] : f32 from vector<16xf32>
      %parallel_loop3A_952 = vector.broadcast %parallel_loop3A_951 : f32 to vector<16xf32>
      %parallel_loop3A_953 = arith.addf %parallel_loop3A_877, %parallel_loop3A_952 : vector<16xf32>
      scf.yield %parallel_loop3A_899, %parallel_loop3A_917, %parallel_loop3A_935, %parallel_loop3A_953 : vector<16xf32>, vector<16xf32>, vector<16xf32>, vector<16xf32>
    } {sc.loop_unroll_factor = 2 : i64, sc.parallel_access}
    %dma_wait3A_171 = arith.constant 0 : i32
    %dma_wait3A_172 = arith.constant 0 : i32
    %dma_wait3A_173 = tpu.memref_slice %arg2[%dma_wait3A_171, %dma_wait3A_172] : memref<128x32768xf32, #tpu.memory_space<hbm>> -> memref<4x8192xf32, #tpu.memory_space<hbm>>
    %dma_wait3A_174 = arith.constant 0 : i32
    %dma_wait3A_175 = arith.constant 0 : i32
    %dma_wait3A_176 = tpu.memref_slice %arg2[%dma_wait3A_174, %dma_wait3A_175] : memref<128x32768xf32, #tpu.memory_space<hbm>> -> memref<4x8192xf32, #tpu.memory_space<hbm>>
    tpu.wait_dma2 semaphore(%arg8 : memref<!tpu.dma_semaphore, #tpu.memory_space<semaphore_mem>>) src(%dma_wait3A_176 : memref<4x8192xf32, #tpu.memory_space<hbm>>) dst(%arg4 : memref<4x8192xf32, #tpu.memory_space<vmem>>)
    %dma_start3A_177 = arith.constant 0 : i32
    %dma_start3A_178 = arith.constant 0 : i32
    %dma_start3A_179 = tpu.memref_slice %arg4[%dma_start3A_177, %dma_start3A_178] : memref<4x8192xf32, #tpu.memory_space<vmem>> -> memref<1x8192xf32, #tpu.memory_space<vmem>>
    %dma_start3A_180 = tpu.memref_squeeze %dma_start3A_179 : memref<1x8192xf32, #tpu.memory_space<vmem>> -> memref<8192xf32, #tpu.memory_space<vmem>>
    %dma_start3A_181 = arith.constant 24576 : i32
    %dma_start3A_182 = tpu.memref_slice %arg3[%add3A_4, %dma_start3A_181] : memref<128x32768xf32, #tpu.memory_space<hbm>> -> memref<1x8192xf32, #tpu.memory_space<hbm>>
    %dma_start3A_183 = tpu.memref_squeeze %dma_start3A_182 : memref<1x8192xf32, #tpu.memory_space<hbm>> -> memref<8192xf32, #tpu.memory_space<hbm>>
    %dma_start3A_184 = arith.constant 24576 : i32
    %dma_start3A_185 = tpu.memref_slice %arg3[%add3A_4, %dma_start3A_184] : memref<128x32768xf32, #tpu.memory_space<hbm>> -> memref<1x8192xf32, #tpu.memory_space<hbm>>
    %dma_start3A_186 = tpu.memref_squeeze %dma_start3A_185 : memref<1x8192xf32, #tpu.memory_space<hbm>> -> memref<8192xf32, #tpu.memory_space<hbm>>
    %dma_start3A_187 = arith.constant 0 : i32
    %dma_start3A_188 = tpu.memref_slice %arg4[%dma_start3A_177, %dma_start3A_187] : memref<4x8192xf32, #tpu.memory_space<vmem>> -> memref<1x8192xf32, #tpu.memory_space<vmem>>
    %dma_start3A_189 = tpu.memref_squeeze %dma_start3A_188 : memref<1x8192xf32, #tpu.memory_space<vmem>> -> memref<8192xf32, #tpu.memory_space<vmem>>
    tpu.enqueue_dma source(%dma_start3A_189 : memref<8192xf32, #tpu.memory_space<vmem>>) target(%dma_start3A_186 : memref<8192xf32, #tpu.memory_space<hbm>>) target_semaphore(%arg8 : memref<!tpu.dma_semaphore, #tpu.memory_space<semaphore_mem>>)
    %dma_start3A_190 = arith.constant 1 : i32
    %dma_start3A_191 = arith.constant 0 : i32
    %dma_start3A_192 = tpu.memref_slice %arg4[%dma_start3A_190, %dma_start3A_191] : memref<4x8192xf32, #tpu.memory_space<vmem>> -> memref<1x8192xf32, #tpu.memory_space<vmem>>
    %dma_start3A_193 = tpu.memref_squeeze %dma_start3A_192 : memref<1x8192xf32, #tpu.memory_space<vmem>> -> memref<8192xf32, #tpu.memory_space<vmem>>
    %dma_start3A_194 = arith.constant 24576 : i32
    %dma_start3A_195 = tpu.memref_slice %arg3[%add3A_8, %dma_start3A_194] : memref<128x32768xf32, #tpu.memory_space<hbm>> -> memref<1x8192xf32, #tpu.memory_space<hbm>>
    %dma_start3A_196 = tpu.memref_squeeze %dma_start3A_195 : memref<1x8192xf32, #tpu.memory_space<hbm>> -> memref<8192xf32, #tpu.memory_space<hbm>>
    %dma_start3A_197 = arith.constant 24576 : i32
    %dma_start3A_198 = tpu.memref_slice %arg3[%add3A_8, %dma_start3A_197] : memref<128x32768xf32, #tpu.memory_space<hbm>> -> memref<1x8192xf32, #tpu.memory_space<hbm>>
    %dma_start3A_199 = tpu.memref_squeeze %dma_start3A_198 : memref<1x8192xf32, #tpu.memory_space<hbm>> -> memref<8192xf32, #tpu.memory_space<hbm>>
    %dma_start3A_200 = arith.constant 0 : i32
    %dma_start3A_201 = tpu.memref_slice %arg4[%dma_start3A_190, %dma_start3A_200] : memref<4x8192xf32, #tpu.memory_space<vmem>> -> memref<1x8192xf32, #tpu.memory_space<vmem>>
    %dma_start3A_202 = tpu.memref_squeeze %dma_start3A_201 : memref<1x8192xf32, #tpu.memory_space<vmem>> -> memref<8192xf32, #tpu.memory_space<vmem>>
    tpu.enqueue_dma source(%dma_start3A_202 : memref<8192xf32, #tpu.memory_space<vmem>>) target(%dma_start3A_199 : memref<8192xf32, #tpu.memory_space<hbm>>) target_semaphore(%arg8 : memref<!tpu.dma_semaphore, #tpu.memory_space<semaphore_mem>>)
    %dma_start3A_203 = arith.constant 2 : i32
    %dma_start3A_204 = arith.constant 0 : i32
    %dma_start3A_205 = tpu.memref_slice %arg4[%dma_start3A_203, %dma_start3A_204] : memref<4x8192xf32, #tpu.memory_space<vmem>> -> memref<1x8192xf32, #tpu.memory_space<vmem>>
    %dma_start3A_206 = tpu.memref_squeeze %dma_start3A_205 : memref<1x8192xf32, #tpu.memory_space<vmem>> -> memref<8192xf32, #tpu.memory_space<vmem>>
    %dma_start3A_207 = arith.constant 24576 : i32
    %dma_start3A_208 = tpu.memref_slice %arg3[%add3A_12, %dma_start3A_207] : memref<128x32768xf32, #tpu.memory_space<hbm>> -> memref<1x8192xf32, #tpu.memory_space<hbm>>
    %dma_start3A_209 = tpu.memref_squeeze %dma_start3A_208 : memref<1x8192xf32, #tpu.memory_space<hbm>> -> memref<8192xf32, #tpu.memory_space<hbm>>
    %dma_start3A_210 = arith.constant 24576 : i32
    %dma_start3A_211 = tpu.memref_slice %arg3[%add3A_12, %dma_start3A_210] : memref<128x32768xf32, #tpu.memory_space<hbm>> -> memref<1x8192xf32, #tpu.memory_space<hbm>>
    %dma_start3A_212 = tpu.memref_squeeze %dma_start3A_211 : memref<1x8192xf32, #tpu.memory_space<hbm>> -> memref<8192xf32, #tpu.memory_space<hbm>>
    %dma_start3A_213 = arith.constant 0 : i32
    %dma_start3A_214 = tpu.memref_slice %arg4[%dma_start3A_203, %dma_start3A_213] : memref<4x8192xf32, #tpu.memory_space<vmem>> -> memref<1x8192xf32, #tpu.memory_space<vmem>>
    %dma_start3A_215 = tpu.memref_squeeze %dma_start3A_214 : memref<1x8192xf32, #tpu.memory_space<vmem>> -> memref<8192xf32, #tpu.memory_space<vmem>>
    tpu.enqueue_dma source(%dma_start3A_215 : memref<8192xf32, #tpu.memory_space<vmem>>) target(%dma_start3A_212 : memref<8192xf32, #tpu.memory_space<hbm>>) target_semaphore(%arg8 : memref<!tpu.dma_semaphore, #tpu.memory_space<semaphore_mem>>)
    %dma_start3A_216 = arith.constant 3 : i32
    %dma_start3A_217 = arith.constant 0 : i32
    %dma_start3A_218 = tpu.memref_slice %arg4[%dma_start3A_216, %dma_start3A_217] : memref<4x8192xf32, #tpu.memory_space<vmem>> -> memref<1x8192xf32, #tpu.memory_space<vmem>>
    %dma_start3A_219 = tpu.memref_squeeze %dma_start3A_218 : memref<1x8192xf32, #tpu.memory_space<vmem>> -> memref<8192xf32, #tpu.memory_space<vmem>>
    %dma_start3A_220 = arith.constant 24576 : i32
    %dma_start3A_221 = tpu.memref_slice %arg3[%add3A_16, %dma_start3A_220] : memref<128x32768xf32, #tpu.memory_space<hbm>> -> memref<1x8192xf32, #tpu.memory_space<hbm>>
    %dma_start3A_222 = tpu.memref_squeeze %dma_start3A_221 : memref<1x8192xf32, #tpu.memory_space<hbm>> -> memref<8192xf32, #tpu.memory_space<hbm>>
    %dma_start3A_223 = arith.constant 24576 : i32
    %dma_start3A_224 = tpu.memref_slice %arg3[%add3A_16, %dma_start3A_223] : memref<128x32768xf32, #tpu.memory_space<hbm>> -> memref<1x8192xf32, #tpu.memory_space<hbm>>
    %dma_start3A_225 = tpu.memref_squeeze %dma_start3A_224 : memref<1x8192xf32, #tpu.memory_space<hbm>> -> memref<8192xf32, #tpu.memory_space<hbm>>
    %dma_start3A_226 = arith.constant 0 : i32
    %dma_start3A_227 = tpu.memref_slice %arg4[%dma_start3A_216, %dma_start3A_226] : memref<4x8192xf32, #tpu.memory_space<vmem>> -> memref<1x8192xf32, #tpu.memory_space<vmem>>
    %dma_start3A_228 = tpu.memref_squeeze %dma_start3A_227 : memref<1x8192xf32, #tpu.memory_space<vmem>> -> memref<8192xf32, #tpu.memory_space<vmem>>
    tpu.enqueue_dma source(%dma_start3A_228 : memref<8192xf32, #tpu.memory_space<vmem>>) target(%dma_start3A_225 : memref<8192xf32, #tpu.memory_space<hbm>>) target_semaphore(%arg8 : memref<!tpu.dma_semaphore, #tpu.memory_space<semaphore_mem>>)
    %dma_wait3A_229 = arith.constant 0 : i32
    %dma_wait3A_230 = arith.constant 0 : i32
    %dma_wait3A_231 = tpu.memref_slice %arg4[%dma_wait3A_229, %dma_wait3A_230] : memref<4x8192xf32, #tpu.memory_space<vmem>> -> memref<1x8192xf32, #tpu.memory_space<vmem>>
    %dma_wait3A_232 = tpu.memref_squeeze %dma_wait3A_231 : memref<1x8192xf32, #tpu.memory_space<vmem>> -> memref<8192xf32, #tpu.memory_space<vmem>>
    %dma_wait3A_233 = arith.constant 24576 : i32
    %dma_wait3A_234 = tpu.memref_slice %arg3[%add3A_4, %dma_wait3A_233] : memref<128x32768xf32, #tpu.memory_space<hbm>> -> memref<1x8192xf32, #tpu.memory_space<hbm>>
    %dma_wait3A_235 = tpu.memref_squeeze %dma_wait3A_234 : memref<1x8192xf32, #tpu.memory_space<hbm>> -> memref<8192xf32, #tpu.memory_space<hbm>>
    %dma_wait3A_236 = arith.constant 24576 : i32
    %dma_wait3A_237 = tpu.memref_slice %arg3[%add3A_4, %dma_wait3A_236] : memref<128x32768xf32, #tpu.memory_space<hbm>> -> memref<1x8192xf32, #tpu.memory_space<hbm>>
    %dma_wait3A_238 = tpu.memref_squeeze %dma_wait3A_237 : memref<1x8192xf32, #tpu.memory_space<hbm>> -> memref<8192xf32, #tpu.memory_space<hbm>>
    %dma_wait3A_239 = arith.constant 0 : i32
    %dma_wait3A_240 = tpu.memref_slice %arg4[%dma_wait3A_229, %dma_wait3A_239] : memref<4x8192xf32, #tpu.memory_space<vmem>> -> memref<1x8192xf32, #tpu.memory_space<vmem>>
    %dma_wait3A_241 = tpu.memref_squeeze %dma_wait3A_240 : memref<1x8192xf32, #tpu.memory_space<vmem>> -> memref<8192xf32, #tpu.memory_space<vmem>>
    tpu.wait_dma2 semaphore(%arg8 : memref<!tpu.dma_semaphore, #tpu.memory_space<semaphore_mem>>) src(%dma_wait3A_241 : memref<8192xf32, #tpu.memory_space<vmem>>) dst(%dma_wait3A_238 : memref<8192xf32, #tpu.memory_space<hbm>>)
    %dma_wait3A_242 = arith.constant 1 : i32
    %dma_wait3A_243 = arith.constant 0 : i32
    %dma_wait3A_244 = tpu.memref_slice %arg4[%dma_wait3A_242, %dma_wait3A_243] : memref<4x8192xf32, #tpu.memory_space<vmem>> -> memref<1x8192xf32, #tpu.memory_space<vmem>>
    %dma_wait3A_245 = tpu.memref_squeeze %dma_wait3A_244 : memref<1x8192xf32, #tpu.memory_space<vmem>> -> memref<8192xf32, #tpu.memory_space<vmem>>
    %dma_wait3A_246 = arith.constant 24576 : i32
    %dma_wait3A_247 = tpu.memref_slice %arg3[%add3A_8, %dma_wait3A_246] : memref<128x32768xf32, #tpu.memory_space<hbm>> -> memref<1x8192xf32, #tpu.memory_space<hbm>>
    %dma_wait3A_248 = tpu.memref_squeeze %dma_wait3A_247 : memref<1x8192xf32, #tpu.memory_space<hbm>> -> memref<8192xf32, #tpu.memory_space<hbm>>
    %dma_wait3A_249 = arith.constant 24576 : i32
    %dma_wait3A_250 = tpu.memref_slice %arg3[%add3A_8, %dma_wait3A_249] : memref<128x32768xf32, #tpu.memory_space<hbm>> -> memref<1x8192xf32, #tpu.memory_space<hbm>>
    %dma_wait3A_251 = tpu.memref_squeeze %dma_wait3A_250 : memref<1x8192xf32, #tpu.memory_space<hbm>> -> memref<8192xf32, #tpu.memory_space<hbm>>
    %dma_wait3A_252 = arith.constant 0 : i32
    %dma_wait3A_253 = tpu.memref_slice %arg4[%dma_wait3A_242, %dma_wait3A_252] : memref<4x8192xf32, #tpu.memory_space<vmem>> -> memref<1x8192xf32, #tpu.memory_space<vmem>>
    %dma_wait3A_254 = tpu.memref_squeeze %dma_wait3A_253 : memref<1x8192xf32, #tpu.memory_space<vmem>> -> memref<8192xf32, #tpu.memory_space<vmem>>
    tpu.wait_dma2 semaphore(%arg8 : memref<!tpu.dma_semaphore, #tpu.memory_space<semaphore_mem>>) src(%dma_wait3A_254 : memref<8192xf32, #tpu.memory_space<vmem>>) dst(%dma_wait3A_251 : memref<8192xf32, #tpu.memory_space<hbm>>)
    %dma_wait3A_255 = arith.constant 2 : i32
    %dma_wait3A_256 = arith.constant 0 : i32
    %dma_wait3A_257 = tpu.memref_slice %arg4[%dma_wait3A_255, %dma_wait3A_256] : memref<4x8192xf32, #tpu.memory_space<vmem>> -> memref<1x8192xf32, #tpu.memory_space<vmem>>
    %dma_wait3A_258 = tpu.memref_squeeze %dma_wait3A_257 : memref<1x8192xf32, #tpu.memory_space<vmem>> -> memref<8192xf32, #tpu.memory_space<vmem>>
    %dma_wait3A_259 = arith.constant 24576 : i32
    %dma_wait3A_260 = tpu.memref_slice %arg3[%add3A_12, %dma_wait3A_259] : memref<128x32768xf32, #tpu.memory_space<hbm>> -> memref<1x8192xf32, #tpu.memory_space<hbm>>
    %dma_wait3A_261 = tpu.memref_squeeze %dma_wait3A_260 : memref<1x8192xf32, #tpu.memory_space<hbm>> -> memref<8192xf32, #tpu.memory_space<hbm>>
    %dma_wait3A_262 = arith.constant 24576 : i32
    %dma_wait3A_263 = tpu.memref_slice %arg3[%add3A_12, %dma_wait3A_262] : memref<128x32768xf32, #tpu.memory_space<hbm>> -> memref<1x8192xf32, #tpu.memory_space<hbm>>
    %dma_wait3A_264 = tpu.memref_squeeze %dma_wait3A_263 : memref<1x8192xf32, #tpu.memory_space<hbm>> -> memref<8192xf32, #tpu.memory_space<hbm>>
    %dma_wait3A_265 = arith.constant 0 : i32
    %dma_wait3A_266 = tpu.memref_slice %arg4[%dma_wait3A_255, %dma_wait3A_265] : memref<4x8192xf32, #tpu.memory_space<vmem>> -> memref<1x8192xf32, #tpu.memory_space<vmem>>
    %dma_wait3A_267 = tpu.memref_squeeze %dma_wait3A_266 : memref<1x8192xf32, #tpu.memory_space<vmem>> -> memref<8192xf32, #tpu.memory_space<vmem>>
    tpu.wait_dma2 semaphore(%arg8 : memref<!tpu.dma_semaphore, #tpu.memory_space<semaphore_mem>>) src(%dma_wait3A_267 : memref<8192xf32, #tpu.memory_space<vmem>>) dst(%dma_wait3A_264 : memref<8192xf32, #tpu.memory_space<hbm>>)
    %dma_wait3A_268 = arith.constant 3 : i32
    %dma_wait3A_269 = arith.constant 0 : i32
    %dma_wait3A_270 = tpu.memref_slice %arg4[%dma_wait3A_268, %dma_wait3A_269] : memref<4x8192xf32, #tpu.memory_space<vmem>> -> memref<1x8192xf32, #tpu.memory_space<vmem>>
    %dma_wait3A_271 = tpu.memref_squeeze %dma_wait3A_270 : memref<1x8192xf32, #tpu.memory_space<vmem>> -> memref<8192xf32, #tpu.memory_space<vmem>>
    %dma_wait3A_272 = arith.constant 24576 : i32
    %dma_wait3A_273 = tpu.memref_slice %arg3[%add3A_16, %dma_wait3A_272] : memref<128x32768xf32, #tpu.memory_space<hbm>> -> memref<1x8192xf32, #tpu.memory_space<hbm>>
    %dma_wait3A_274 = tpu.memref_squeeze %dma_wait3A_273 : memref<1x8192xf32, #tpu.memory_space<hbm>> -> memref<8192xf32, #tpu.memory_space<hbm>>
    %dma_wait3A_275 = arith.constant 24576 : i32
    %dma_wait3A_276 = tpu.memref_slice %arg3[%add3A_16, %dma_wait3A_275] : memref<128x32768xf32, #tpu.memory_space<hbm>> -> memref<1x8192xf32, #tpu.memory_space<hbm>>
    %dma_wait3A_277 = tpu.memref_squeeze %dma_wait3A_276 : memref<1x8192xf32, #tpu.memory_space<hbm>> -> memref<8192xf32, #tpu.memory_space<hbm>>
    %dma_wait3A_278 = arith.constant 0 : i32
    %dma_wait3A_279 = tpu.memref_slice %arg4[%dma_wait3A_268, %dma_wait3A_278] : memref<4x8192xf32, #tpu.memory_space<vmem>> -> memref<1x8192xf32, #tpu.memory_space<vmem>>
    %dma_wait3A_280 = tpu.memref_squeeze %dma_wait3A_279 : memref<1x8192xf32, #tpu.memory_space<vmem>> -> memref<8192xf32, #tpu.memory_space<vmem>>
    tpu.wait_dma2 semaphore(%arg8 : memref<!tpu.dma_semaphore, #tpu.memory_space<semaphore_mem>>) src(%dma_wait3A_280 : memref<8192xf32, #tpu.memory_space<vmem>>) dst(%dma_wait3A_277 : memref<8192xf32, #tpu.memory_space<hbm>>)
    return
  }
}

</mosaic_0001>

<sc_bundles>
// kernel: kernel.3.cloned.1.call-start
scs
__scs_entry_jumppad:
0x0: {  	(pc) =	sbr.rel $0x88, $3  }
0x1: {  	(tag) =	ssettag $0x0;
	lr =	simm.s32 $0x1  }
0x2: {  	[smem:$0x3FA0] =	sst lr;
	_ =	strace $0xD0000000  }
0x3: {  	_ = 	snop  }
0x4: {  	_ = 	snop  }
0x5: {  	_ = 	snop  }
0x6: {  	_ = 	snop  }
0x7: {  	_ = 	snop  }
__scs_overlays_trampoline_lowered:
0x8: {  	[smem:$0x3FAF] =	sst s0  }
0x9: {  	[smem:$0x3FB0] =	sst s1  }
0xa: {  	[smem:$0x3FB1] =	sst s2  }
0xb: {  	[smem:$0x3FB2] =	sst s3  }
0xc: {  	[smem:$0x3FB3] =	sst s4  }
0xd: {  	[smem:$0x3FB4] =	sst s5  }
0xe: {  	[smem:$0x3FB5] =	sst s6  }
0xf: {  	[smem:$0x3FB6] =	sst s7  }
0x10: {  	[smem:$0x3FB7] =	sst s8  }
0x11: {  	[smem:$0x3FB8] =	sst s9;
	s0 =	simm.s32 @!p0 $0x0  }
0x12: {  	s1 =	sld [smem:$0x3F9E];
	s0 =	simm.s32 @p0 $0x1  }
0x13: {  	[smem:$0x3FB9] =	sst s0;
	s0 =	simm.s32 @!p1 $0x0  }
0x14: {  	s2 =	sld [smem:$0x3F9D];
	s0 =	simm.s32 @p1 $0x1  }
0x15: {  	[smem:$0x3FBA] =	sst s0;
	s0 =	simm.s32 @!p2 $0x0  }
0x16: {  	s3 =	sld [smem:$0x3FDB];
	s0 =	simm.s32 @p2 $0x1  }
0x17: {  	s4 =	simm.s32 $0x1BF5;
	[smem:$0x3FBC] =	sst s0  }
0x18: {  	s0 =	sld [smem:$0x3F9F];
	_ =	swait.ge [sflag:s4], $0x0  }
0x19: {  	s7 =	sld [smem:$0x3FA0]  }
0x1a: {  	s8 =	sadd.s32 $0xFFFFE003, lr  }
0x1b: {  	s9 =	sadd.s32 $0xFFFFFEF7, lr;
	s5 =	simm.s32 $0xFFFFFFFF;
	p2 =	slt.u32 s8, $0xFFFFF086  }
0x1c: {  	p1 =	slt.u32 s9, $0xF7A;
	s5 =	simm.s32 @!p2 $0x0  }
0x1d: {  	s5 =	simm.s32 @p1 $0x1;
	p0 =	seq.s32 s7, s2  }
0x1e: {  	s7 =	smul.u32 @!p0 $0xF7A, s2;
	p2 =	seq.s32 @!p0 s5, $0x0  }
0x1f: {  	s9 =	smul.u32 $0xF7A, s1;
	s8 =	simm.s32 @!p0 $0x1BF5;
	p2 =	por !p2, p0  }
0x20: {  	[sflag:s8] =	ssyncset.s32 @!p0 $0xFFFFF086;
	s6 =	sadd.s32 @!p0 s3, s7;
	s7 =	simm.s32 @!p0 $0x108  }
0x21: {  	s3 =	sadd.s32 s3, s9;
	s6 =	sadd.s32 @!p0 $0x88, s6;
	s7 =	simm.s32 @p2 $0x1082  }
0x22: {  	[simem:s7], [sflag:s8] =	dma.local @!p0 [hbm:s6], $0xF7A  }
0x23: {  	s9 =	sor.u32 $0xD0000000, s2;
	s6 =	simm.s32 $0x108;
	_ =	swait.ge @!p0 [sflag:s8], $0x0  }
0x24: {  	s3 =	sadd.s32 $0x88, s3;
	s6 =	simm.s32 @!p1 $0x1082;
	[sflag:s4] =	ssyncset.s32 $0xFFFFF086  }
0x25: {  	[simem:s6], [sflag:s4] =	dma.local [hbm:s3], $0xF7A  }
0x26: {  	[smem:$0x3FA0] =	sst s1;
	(tag) =	ssettag s2;
	_ =	strace s9  }
0x27: {  	s1 =	sld [smem:$0x3FB0]  }
0x28: {  	s2 =	sld [smem:$0x3FB1]  }
0x29: {  	s4 =	sld [smem:$0x3FB3]  }
0x2a: {  	p0 =	seq.s32 s5, $0x0;
	s5 =	sld [smem:$0x3FB4]  }
0x2b: {  	s6 =	sld [smem:$0x3FB5]  }
0x2c: {  	s7 =	sld [smem:$0x3FB6]  }
0x2d: {  	s3 =	simm.s32 $0x108;
	s8 =	sld [smem:$0x3FB7]  }
0x2e: {  	s3 =	simm.s32 @!p0 $0x1082;
	s9 =	sld [smem:$0x3FB8]  }
0x2f: {  	lr =	sadd.s32 s0, s3;
	s0 =	sld [smem:$0x3FAF]  }
0x30: {  	s3 =	sld [smem:$0x3FB2]  }
0x31: {  	[smem:$0x3FBB] =	sst s10  }
0x32: {  	s10 =	sld [smem:$0x3FB9];
	_ =	sdelay $0x3  }
0x33: {  	p0 =	seq.s32 s10, $0x1;
	s10 =	sld [smem:$0x3FBB];
	_ =	sdelay $0x3  }
0x34: {  	[smem:$0x3FBB] =	sst s10  }
0x35: {  	s10 =	sld [smem:$0x3FBA];
	_ =	sdelay $0x3  }
0x36: {  	p1 =	seq.s32 s10, $0x1;
	s10 =	sld [smem:$0x3FBB];
	_ =	sdelay $0x3  }
0x37: {  	[smem:$0x3FBB] =	sst s10  }
0x38: {  	s10 =	sld [smem:$0x3FBC]  }
0x39: {  	_ = 	snop;
	(pc) =	sbr.ind lr, $3  }
0x3a: {  	_ = 	snop  }
0x3b: {  	_ = 	snop  }
0x3c: {  	p2 =	seq.s32 s10, $0x1;
	s10 =	sld [smem:$0x3FBB]  }
0x3d: {  	_ =	shalt  }
0x3e: {  	_ =	shalt  }
0x3f: {  	_ =	shalt  }
0x40: {  	_ =	shalt  }
0x41: {  	_ =	shalt  }
0x42: {  	_ =	shalt  }
0x43: {  	_ =	shalt  }
0x44: {  	_ =	shalt  }
0x45: {  	_ =	shalt  }
0x46: {  	_ =	shalt  }
0x47: {  	_ =	shalt  }
0x48: {  	_ =	shalt  }
0x49: {  	_ =	shalt  }
0x4a: {  	_ =	shalt  }
0x4b: {  	_ =	shalt  }
0x4c: {  	_ =	shalt  }
0x4d: {  	_ =	shalt  }
0x4e: {  	_ =	shalt  }
0x4f: {  	_ =	shalt  }
0x50: {  	_ =	shalt  }
0x51: {  	_ =	shalt  }
0x52: {  	_ =	shalt  }
0x53: {  	_ =	shalt  }
0x54: {  	_ =	shalt  }
0x55: {  	_ =	shalt  }
0x56: {  	_ =	shalt  }
0x57: {  	_ =	shalt  }
0x58: {  	_ =	shalt  }
0x59: {  	_ =	shalt  }
0x5a: {  	_ =	shalt  }
0x5b: {  	_ =	shalt  }
0x5c: {  	_ =	shalt  }
0x5d: {  	_ =	shalt  }
0x5e: {  	_ =	shalt  }
0x5f: {  	_ =	shalt  }
0x60: {  	_ =	shalt  }
0x61: {  	_ =	shalt  }
0x62: {  	_ =	shalt  }
0x63: {  	_ =	shalt  }
0x64: {  	_ =	shalt  }
0x65: {  	_ =	shalt  }
0x66: {  	_ =	shalt  }
0x67: {  	_ =	shalt  }
0x68: {  	_ =	shalt  }
0x69: {  	_ =	shalt  }
0x6a: {  	_ =	shalt  }
0x6b: {  	_ =	shalt  }
0x6c: {  	_ =	shalt  }
0x6d: {  	_ =	shalt  }
0x6e: {  	_ =	shalt  }
0x6f: {  	_ =	shalt  }
0x70: {  	_ =	shalt  }
0x71: {  	_ =	shalt  }
0x72: {  	_ =	shalt  }
0x73: {  	_ =	shalt  }
0x74: {  	_ =	shalt  }
0x75: {  	_ =	shalt  }
0x76: {  	_ =	shalt  }
0x77: {  	_ =	shalt  }
0x78: {  	_ =	shalt  }
0x79: {  	_ =	shalt  }
0x7a: {  	_ =	shalt  }
0x7b: {  	_ =	shalt  }
0x7c: {  	_ =	shalt  }
0x7d: {  	_ =	shalt  }
0x7e: {  	_ =	shalt  }
0x7f: {  	_ =	shalt  }
0x80: {  	_ =	shalt  }
0x81: {  	_ =	shalt  }
0x82: {  	_ =	shalt  }
0x83: {  	_ =	shalt  }
0x84: {  	_ =	shalt  }
0x85: {  	_ =	shalt  }
0x86: {  	_ =	shalt  }
0x87: {  	_ =	shalt  }
.Lfunc_end0:
.L_simem_size_0:
called_computation_lowered:
.L_overlay_start_0:
0x88: {  	s2 =	sld [smem:$0x3FD9]  }
0x89: {  	s3 =	sld [smem:$0x3FFE];
	_ =	sdelay $0x1  }
0x8a: {  	s1 =	srdreg.scid  }
0x8b: {  	s0 =	sand.u32 $0x1, s1  }
0x8c: {  	s18 =	sshll.u32 s0, $0xA;
	s2 =	sadd.s32 s3, s2  }
0x8d: {  	s2 =	sadd.s32 s2, s18  }
0x8e: {  	[smem:$0x3FC7] =	sst s2  }
0x8f: {  	_ = 	snop  }
0x90: {  	s2 =	sld [smem:$0x3FC9]  }
0x91: {  	s19 =	sld [smem:$0x3FD0];
	(tm) =	ssettm $0x1  }
0x92: {  	s4 =	sld [smem:$0x3FFB];
	_ =	sdelay $0x3  }
0x93: {  	_ =	strace s4  }
0x94: {  	s4 =	sld [smem:$0x3FFC];
	_ =	sdelay $0x3  }
0x95: {  	_ =	strace s4  }
0x96: {  	s4 =	sld [smem:$0x3FFD];
	_ =	sdelay $0x3  }
0x97: {  	_ =	strace s4  }
0x98: {  	_ =	strace $0x8FFFFFFF  }
0x99: {  	s20 =	sld [smem:$0x3FDB];
	_ =	sdelay $0x1  }
0x9a: {  	s5 =	simm.s32 $_scs_section_size  }
0x9b: {  	s6 =	simm.s32 $_size__tile_overlayer_lowered;
	s7 =	simm.s32 $_tile_overlayer_lowered  }
0x9c: {  	s23 =	simm.s32 $0x1BFF;
	s22 =	sshll.u32 s7, $0x1;
	s4 =	sadd.s32 s5, s20  }
0x9d: {  	s8 =	simm.s32 $0x0;
	s21 =	sshll.u32 s6, $0x1;
	s6 =	sadd.s32 s22, s4  }
0x9e: {  	[timem:s8], [sflag:s23] =	dma.local [hbm:s6], s21  }
0x9f: {  	_ =	swait.ge [sflag:s23], s21  }
0xa0: {  	s5 =	ssub.s32 $0x0, s21;
	[sflag:s23] =	ssyncset.done $0x0  }
0xa1: {  	[sflag:s23] =	ssyncadd.s32 s5;
	_ =	sdelay $0x1  }
0xa2: {  	s24 =	simm.s32 $0x1B8B  }
0xa3: {  	_ =	swait.ge [sflag:s24], $0x1  }
0xa4: {  	[sflag:s24] =	ssyncset.done $0x0  }
0xa5: {  	s25 =	simm.s32 $0x1B8E;
	[sflag:s24] =	ssyncadd.s32 $0xFFFFFFFF  }
0xa6: {  	s26 =	simm.s32 $execute0_lowered;
	[smem:$0x3FD2] =	sst s25  }
0xa7: {  	s5 =	sshll.u32 s26, $0x1;
	_ =	strace $0x80000046;
	[dreg:$0x1] =	wrdreg $0xFFFFFFFF  }
0xa8: {  	s28 =	simm.s32 $_size_execute0_lowered;
	s4 =	sadd.s32 s4, s5;
	[dreg:$0x0] =	wrdreg $0x0  }
0xa9: {  	s5 =	sshll.u32 s28, $0x1;
	[dreg:$0x2] =	wrdreg s4  }
0xaa: {  	[dreg:$0x3] =	wrdreg s5  }
0xab: {  	[dreg:$0x4] =	wrdreg $0xC0  }
0xac: {  	_ =	task [dreg:s8], $0x5FFFF  }
0xad: {  	[dreg:$0x1] =	wrdreg $0xFFFFFFFF  }
0xae: {  	[dreg:$0x0] =	wrdreg $0x60  }
0xaf: {  	[dreg:$0x2] =	wrdreg s2  }
0xb0: {  	[dreg:$0x3] =	wrdreg s19  }
0xb1: {  	[dreg:$0x4] =	wrdreg $0x9  }
0xb2: {  	_ =	task.clear_ibuf [dreg:s8], $0x5FFFF;
	_ =	strace $0x90000046  }
0xb3: {  	s29 =	simm.s32 $0x9;
	_ =	strace $0x80000048  }
0xb4: {  	_ =	swait.ge [sflag:s29], $0x1  }
0xb5: {  	[sflag:s29] =	ssyncadd.s32 $0xFFFFFFFF  }
0xb6: {  	_ =	strace $0x90000048  }
0xb7: {  	_ =	sfence  }
0xb8: {  	s30 =	sld [smem:$0x0];
	_ =	sdelay $0x2  }
0xb9: {  	s31 =	sshll.u32 s1, $0xD;
	s1 =	sshrl.u32 s1, $0x2  }
0xba: {  	s3 =	sand.u32 $0x4000, s31;
	s1 =	sadd.s32 s1, s30  }
0xbb: {  	s0 =	sor.u32 s3, s0;
	s1 =	sshll.u32 s1, $0x11  }
0xbc: {  	s0 =	sor.u32 s1, s0  }
0xbd: {  	s0 =	sadd.s32 $0x8F2B, s0  }
0xbe: {  	[sflag:s0] =	ssyncadd.remote.s32 $0x1  }
0xbf: {  	_ =	sfence.sel $0xFFFF  }
0xc0: {  	[dreg:$0x0] =	wrdreg $0xFFFFFFFF;
	(pc) =	sbr.abs _section_cstart, $3  }
0xc1: {  	[dreg:$0x1] =	wrdreg $0xFFFFFFFF  }
0xc2: {  	_ =	task.clear_ibuf [dreg:s8], $0x2FFFF;
	_ =	strace $0x9FFFFFFF  }
0xc3: {  	(tm) =	ssettm $0x7FFFFFFF  }
tec
execute0_lowered:
.L_overlay_start_1:
0x0: {  	(tag) =	ssettag $0x1  }
0x1: {  	s30 =	rddreg [dreg:$0x0];
	s0 =	srdreg.scid  }
0x2: {  	s23 =	rddreg [dreg:$0x1];
	s1 =	stileid.u32;
	s3 =	sand.u32 $0x1, s0  }
0x3: {  	s4 =	simm.s32 $0x0;
	s5 =	sshll.u32 s1, $0x12;
	s6 =	sshll.u32 s3, $0x9  }
0x4: {  	[smem:$0x7FF] =	sst s4;
	s28 =	sadd.s32 $0x6000, s23;
	s19 =	sor.u32 s6, s5  }
0x5: {  	_ =	strace $0x80000047;
	s3 =	ssub.s32 $0x2, s3;
	s0 =	sshrl.u32 s19, $0x3  }
0x6: {  	s1 =	sor.u32 $0x80, s19;
	s2 =	sor.u32 $0x100, s19;
	s5 =	sor.u32 $0x400, s19  }
0x7: {  	s6 =	sor.u32 $0x480, s19;
	s9 =	sor.u32 $0x180, s19;
	s8 =	sor.u32 $0x500, s19  }
0x8: {  	s11 =	sor.u32 $0x580, s19;
	s13 =	sor.u32 $0x20480, s19;
	s14 =	sor.u32 $0x20500, s19  }
0x9: {  	s16 =	sor.u32 $0x10580, s19;
	s21 =	sor.u32 $0x20000, s19;
	s24 =	sor.u32 $0x20080, s19  }
0xa: {  	s25 =	sor.u32 $0x20100, s19;
	s26 =	sor.u32 $0x20180, s19;
	s1 =	sshrl.u32 s1, $0x3  }
0xb: {  	s2 =	sshrl.u32 s2, $0x3;
	s5 =	sshrl.u32 s5, $0x3;
	s6 =	sshrl.u32 s6, $0x3  }
0xc: {  	s10 =	sshrl.u32 s8, $0x3;
	s29 =	sshrl.u32 s9, $0x3;
	s17 =	sadd.s32 s0, s23  }
0xd: {  	s9 =	sshrl.u32 s21, $0x3;
	s5 =	sadd.s32 s5, s23;
	[dreg:$0xb] =	wrdreg s17  }
0xe: {  	s21 =	sor.u32 $0x30100, s19;
	s7 =	sadd.s32 s6, s23;
	[dreg:$0x3] =	wrdreg s5  }
0xf: {  	s16 =	sshrl.u32 s16, $0x3;
	s18 =	sadd.s32 s1, s23;
	[dreg:$0x4] =	wrdreg s7  }
0x10: {  	s6 =	sshrl.u32 s11, $0x3;
	s20 =	sadd.s32 s2, s23;
	[dreg:$0xc] =	wrdreg s18  }
0x11: {  	s22 =	sadd.s32 s29, s23;
	s5 =	sadd.s32 s10, s23;
	[dreg:$0xd] =	wrdreg s20  }
0x12: {  	s7 =	sor.u32 $0x20400, s19;
	s6 =	sadd.s32 s6, s23;
	[dreg:$0xe] =	wrdreg s22  }
0x13: {  	s10 =	sor.u32 $0x20580, s19;
	s18 =	sor.u32 $0x30180, s19;
	[dreg:$0x5] =	wrdreg s5  }
0x14: {  	s22 =	sshrl.u32 s21, $0x3;
	s31 =	sshrl.u32 s7, $0x3;
	[dreg:$0x6] =	wrdreg s6  }
0x15: {  	s6 =	sshrl.u32 s13, $0x3;
	s7 =	sshrl.u32 s14, $0x3;
	s14 =	sor.u32 $0x10480, s19  }
0x16: {  	s13 =	sor.u32 $0x10400, s19;
	s18 =	sshrl.u32 s18, $0x3;
	s12 =	sadd.s32 s31, s30  }
0x17: {  	s8 =	sadd.s32 s6, s30;
	s11 =	sadd.s32 s7, s30;
	[smem:$0x7FD] =	sst s31  }
0x18: {  	s20 =	sadd.s32 s18, s30;
	s13 =	sshrl.u32 s13, $0x3;
	[dreg:$0x7] =	wrdreg s12  }
0x19: {  	s14 =	sshrl.u32 s14, $0x3;
	[dreg:$0x8] =	wrdreg s8;
	s8 =	sshrl.u32 s10, $0x3  }
0x1a: {  	[dreg:$0x9] =	wrdreg s11;
	s12 =	sadd.s32 s9, s30;
	s10 =	sshrl.u32 s24, $0x3  }
0x1b: {  	[dreg:$0x13] =	wrdreg s20;
	s24 =	sor.u32 $0x30080, s19;
	s20 =	sor.u32 $0x30000, s19  }
0x1c: {  	s15 =	sadd.s32 s8, s30;
	[dreg:$0xf] =	wrdreg s12;
	s11 =	sadd.s32 s10, s30  }
0x1d: {  	s12 =	sshrl.u32 s26, $0x3;
	s18 =	sshrl.u32 s24, $0x3;
	[dreg:$0xa] =	wrdreg s15  }
0x1e: {  	s26 =	sshrl.u32 s20, $0x3;
	s20 =	sadd.s32 s14, s23;
	[dreg:$0x10] =	wrdreg s11  }
0x1f: {  	s24 =	sor.u32 $0x30400, s19;
	s5 =	sadd.s32 s12, s30;
	[dreg:$0x18] =	wrdreg s20  }
0x20: {  	s11 =	sshrl.u32 s25, $0x3;
	s25 =	sadd.s32 s18, s30;
	[dreg:$0x12] =	wrdreg s5  }
0x21: {  	s15 =	sor.u32 $0x10500, s19;
	s18 =	sadd.s32 s13, s23;
	[dreg:$0x15] =	wrdreg s25  }
0x22: {  	s17 =	sadd.s32 s11, s30;
	s5 =	sadd.s32 s26, s30;
	[dreg:$0x17] =	wrdreg s18  }
0x23: {  	s15 =	sshrl.u32 s15, $0x3;
	s25 =	sshrl.u32 s24, $0x3;
	[dreg:$0x11] =	wrdreg s17  }
0x24: {  	s26 =	sor.u32 $0x30480, s19;
	s17 =	sadd.s32 s22, s30;
	[dreg:$0x16] =	wrdreg s5  }
0x25: {  	s21 =	sadd.s32 s15, s23;
	s22 =	sadd.s32 s16, s23;
	[dreg:$0x14] =	wrdreg s17  }
0x26: {  	s18 =	sshrl.u32 s26, $0x3;
	s5 =	sor.u32 $0x30500, s19;
	[dreg:$0x19] =	wrdreg s21  }
0x27: {  	s26 =	sor.u32 $0x10180, s19;
	[dreg:$0x1a] =	wrdreg s22;
	s17 =	sadd.s32 s25, s30  }
0x28: {  	s21 =	sadd.s32 s18, s30;
	s22 =	sshrl.u32 s5, $0x3;
	[dreg:$0x1b] =	wrdreg s17  }
0x29: {  	s25 =	sor.u32 $0x30580, s19;
	[dreg:$0x1c] =	wrdreg s21;
	s24 =	sadd.s32 s22, s30  }
0x2a: {  	s18 =	sshrl.u32 s25, $0x3;
	s21 =	sor.u32 $0x10100, s19;
	s17 =	sshrl.u32 s26, $0x3  }
0x2b: {  	s22 =	sor.u32 $0x10080, s19;
	s26 =	sshrl.u32 s3, $0x1;
	[dreg:$0x1d] =	wrdreg s24  }
0x2c: {  	s5 =	sadd.s32 s18, s30;
	s18 =	sshrl.u32 s21, $0x3;
	s21 =	sadd.s32 s17, s23  }
0x2d: {  	s24 =	sor.u32 $0x10000, s19;
	s19 =	sshrl.u32 s22, $0x3;
	[dreg:$0x1e] =	wrdreg s5  }
0x2e: {  	s3 =	ssub.s32 s3, s26;
	[dreg:$0x1f] =	wrdreg s21;
	s21 =	sadd.s32 s18, s23  }
0x2f: {  	s26 =	sadd.s32 s2, s28;
	s25 =	sadd.s32 s19, s23;
	[smem:$0x7F9] =	sst s21  }
0x30: {  	s20 =	sshrl.u32 s24, $0x3;
	s24 =	sadd.s32 s1, s28;
	[smem:$0x7FA] =	sst s25  }
0x31: {  	s22 =	sadd.s32 s20, s23;
	s21 =	sadd.s32 s30, s0;
	s23 =	sadd.s32 s30, s1  }
0x32: {  	s25 =	sadd.s32 s30, s2;
	[smem:$0x7FB] =	sst s22;
	s22 =	sadd.s32 s0, s28  }
0x33: {  	s28 =	sadd.s32 s29, s28;
	s29 =	sadd.s32 s30, s29;
	s30 =	smax.u32 s3, $0x1  }
0x34: {  	s2 =	simm.s32 $0x0;
	[smem:$0x7FC] =	sst s30  }
.LBB2_1:
0x35: {  	[smem:$0x7F8] =	sst s2;
	s1 =	simm.s32 $0x80  }
0x36: {  	s30 =	sadd.s32 $0x0, s21;
	s2 =	simm.s32 $0x200;
	s3 =	simm.s32 $0x0  }
.LBB2_2:
0x37: {  	[tilespmem:s3], [sflag:$0x1] =	stream.linear.gather [hbm4b:s30+s4], $0x80, $0x38;
	[tilespmem:$0x18000] =	vst v63  }
0x38: {  	s30 =	smov.u32 s1;
	s3 =	smov.u32 s2;
	p0 =	sne.s32 s1, $0x1F80  }
.Ltmp0:
0x39: {  	s1 =	sadd.s32 $0x80, s1;
	(pc) =	sbr.rel @p0 .LBB2_2-.Ltmp0, $2  }
0x3a: {  	_ =	sdelay $0x2  }
0x3b: {  	s2 =	sadd.s32 $0x200, s2;
	s30 =	sadd.s32 s30, s21  }
0x3c: {  	[tilespmem:s3], [sflag:$0x1] =	stream.linear.gather [hbm4b:s30+s4], $0x80, $0x38;
	[tilespmem:$0x18000] =	vst v63  }
0x3d: {  	s1 =	simm.s32 $0x80  }
0x3e: {  	s2 =	simm.s32 $0x80;
	s30 =	sadd.s32 $0x0, s23;
	s3 =	simm.s32 $0x280  }
.LBB2_4:
0x3f: {  	[tilespmem:s1], [sflag:$0x1] =	stream.linear.gather [hbm4b:s30+s4], $0x80, $0x38;
	[tilespmem:$0x18000] =	vst v63  }
0x40: {  	s30 =	smov.u32 s2;
	s1 =	smov.u32 s3;
	p0 =	sne.s32 s2, $0x1F80  }
.Ltmp1:
0x41: {  	s2 =	sadd.s32 $0x80, s2;
	(pc) =	sbr.rel @p0 .LBB2_4-.Ltmp1, $2  }
0x42: {  	_ =	sdelay $0x2  }
0x43: {  	s3 =	sadd.s32 $0x200, s3;
	s30 =	sadd.s32 s30, s23  }
0x44: {  	[tilespmem:s1], [sflag:$0x1] =	stream.linear.gather [hbm4b:s30+s4], $0x80, $0x38;
	[tilespmem:$0x18000] =	vst v63  }
0x45: {  	s1 =	simm.s32 $0x100  }
0x46: {  	s2 =	simm.s32 $0x80;
	s30 =	sadd.s32 $0x0, s25;
	s3 =	simm.s32 $0x300  }
.LBB2_6:
0x47: {  	[tilespmem:s1], [sflag:$0x1] =	stream.linear.gather [hbm4b:s30+s4], $0x80, $0x38;
	[tilespmem:$0x18000] =	vst v63  }
0x48: {  	s30 =	smov.u32 s2;
	s1 =	smov.u32 s3;
	p0 =	sne.s32 s2, $0x1F80  }
.Ltmp2:
0x49: {  	s2 =	sadd.s32 $0x80, s2;
	(pc) =	sbr.rel @p0 .LBB2_6-.Ltmp2, $2  }
0x4a: {  	_ =	sdelay $0x2  }
0x4b: {  	s3 =	sadd.s32 $0x200, s3;
	s30 =	sadd.s32 s30, s25  }
0x4c: {  	[tilespmem:s1], [sflag:$0x1] =	stream.linear.gather [hbm4b:s30+s4], $0x80, $0x38;
	[tilespmem:$0x18000] =	vst v63  }
0x4d: {  	s1 =	simm.s32 $0x180  }
0x4e: {  	s2 =	simm.s32 $0x80;
	s30 =	sadd.s32 $0x0, s29;
	s3 =	simm.s32 $0x380  }
.LBB2_8:
0x4f: {  	[tilespmem:s1], [sflag:$0x1] =	stream.linear.gather [hbm4b:s30+s4], $0x80, $0x38;
	[tilespmem:$0x18000] =	vst v63  }
0x50: {  	s30 =	smov.u32 s2;
	s1 =	smov.u32 s3;
	p0 =	sne.s32 s2, $0x1F80  }
.Ltmp3:
0x51: {  	s2 =	sadd.s32 $0x80, s2;
	(pc) =	sbr.rel @p0 .LBB2_8-.Ltmp3, $2  }
0x52: {  	_ =	sdelay $0x2  }
0x53: {  	s3 =	sadd.s32 $0x200, s3;
	s30 =	sadd.s32 s30, s29  }
0x54: {  	[tilespmem:s1], [sflag:$0x1] =	stream.linear.gather [hbm4b:s30+s4], $0x80, $0x38;
	[tilespmem:$0x18000] =	vst v63  }
0x55: {  	s0 =	simm.s32 $0x1  }
0x56: {  	_ =	swait.ge [sflag:s0], $0x2000  }
0x57: {  	[sflag:s0] =	ssyncset.done $0x0  }
0x58: {  	[sflag:s0] =	ssyncadd.s32 $0xFFFFE000  }
0x59: {  	_ =	swait.ge [sflag:s0], $0x2000  }
0x5a: {  	[sflag:s0] =	ssyncset.done $0x0  }
0x5b: {  	[sflag:s0] =	ssyncadd.s32 $0xFFFFE000  }
0x5c: {  	_ =	swait.ge [sflag:s0], $0x2000  }
0x5d: {  	[sflag:s0] =	ssyncset.done $0x0  }
0x5e: {  	[sflag:s0] =	ssyncadd.s32 $0xFFFFE000  }
0x5f: {  	_ =	swait.ge [sflag:s0], $0x2000  }
0x60: {  	[sflag:s0] =	ssyncset.done $0x0  }
0x61: {  	v0 =	vimm.f32 $0.0e+00;
	[sflag:s0] =	ssyncadd.s32 $0xFFFFE000  }
0x62: {  	s1 =	simm.s32 $0xFFFFFFF0;
	s2 =	simm.s32 $0x0;
	v1 =	vimm.f32 $0.0e+00;
	v2 =	vimm.f32 $0.0e+00;
	v3 =	vimm.f32 $0.0e+00;
	s3 =	rddreg [dreg:$0x0]  }
.LBB2_10:
0x63: {  	s30 =	sshra.s32 s2, $0x2  }
0x64: {  	s0 =	sadd.s32 s3, s20;
	s31 =	sadd.s32 $0x8000, s30  }
0x65: {  	[tilespmem:s31], [sflag:$0x1] =	stream.linear.gather [hbm4b:s0+s4], $0x80, $0x38;
	[tilespmem:$0x18000] =	vst v63  }
0x66: {  	s5 =	sadd.s32 s3, s19;
	s0 =	sadd.s32 $0x8080, s30  }
0x67: {  	[tilespmem:s0], [sflag:$0x1] =	stream.linear.gather [hbm4b:s5+s4], $0x80, $0x38;
	[tilespmem:$0x18000] =	vst v63  }
0x68: {  	s0 =	sadd.s32 $0x8100, s30;
	s5 =	sadd.s32 s3, s18  }
0x69: {  	[tilespmem:s0], [sflag:$0x1] =	stream.linear.gather [hbm4b:s5+s4], $0x80, $0x38;
	[tilespmem:$0x18000] =	vst v63  }
0x6a: {  	s0 =	sadd.s32 $0x8180, s30;
	s5 =	sadd.s32 s3, s17  }
0x6b: {  	[tilespmem:s0], [sflag:$0x1] =	stream.linear.gather [hbm4b:s5+s4], $0x80, $0x38;
	[tilespmem:$0x18000] =	vst v63  }
0x6c: {  	v4 =	vld [tilespmem:s30+$0x0]  }
0x6d: {  	v5 =	vld [tilespmem:s30+$0x80];
	_ =	sdelay $0x1  }
0x6e: {  	v6 =	vld [tilespmem:s30+$0x100];
	_ =	sdelay $0x1  }
0x6f: {  	v7 =	vld [tilespmem:s30+$0x180];
	(xrf2) =	vadd.scan.msk.f32 $0xffff, v4  }
0x70: {  	v4 =	vld [tilespmem:s30+$0x10];
	(xrf2) =	vadd.scan.msk.f32 $0xffff, v5  }
0x71: {  	v5 =	vld [tilespmem:s30+$0x90]  }
0x72: {  	(xrf2) =	vadd.scan.msk.f32 $0xffff, v6  }
0x73: {  	v57 =	vld [tilespmem:s30+$0x110]  }
0x74: {  	v58 =	vld [tilespmem:s30+$0x190];
	(xrf2) =	vadd.scan.msk.f32 $0xffff, v7  }
0x75: {  	(xrf2) =	vadd.scan.msk.f32 $0xffff, v4;
	v4 =	vld [tilespmem:s30+$0x20]  }
0x76: {  	(xrf2) =	vadd.scan.msk.f32 $0xffff, v5;
	v5 =	vld [tilespmem:s30+$0xA0];
	_ =	sdelay $0x1  }
0x77: {  	(xrf2) =	vadd.scan.msk.f32 $0xffff, v57  }
0x78: {  	v8, _, _ =	vpop (xrf2);
	(xrf2) =	vadd.scan.msk.f32 $0xffff, v58  }
0x79: {  	v59 =	vld [tilespmem:s30+$0x120];
	(xrf2) =	vadd.scan.msk.f32 $0xffff, v4;
	v10, _, _ =	vpop (xrf2)  }
0x7a: {  	v60 =	vld [tilespmem:s30+$0x1A0];
	(xrf2) =	vadd.scan.msk.f32 $0xffff, v5;
	v5 =	vadd.f32 v10, v2  }
0x7b: {  	v4 =	vld [tilespmem:s30+$0x30];
	v61, _, _ =	vpop (xrf2)  }
0x7c: {  	v9 =	vadd.f32 v8, v3;
	v8 =	vbroadcast v8, $0xF;
	[tilespmem:s30+$0x80] =	vst v5;
	v5 =	vbroadcast v61, $0xF  }
0x7d: {  	v62 =	vbroadcast v10, $0xF  }
0x7e: {  	v11 =	vld [tilespmem:s30+$0xB0];
	v3 =	vadd.f32 v8, v3;
	v12, _, _ =	vpop (xrf2);
	(xrf2) =	vadd.scan.msk.f32 $0xffff, v59  }
0x7f: {  	v16 =	vld [tilespmem:s30+$0x130];
	v63 =	vadd.f32 v61, v1;
	(xrf2) =	vadd.scan.msk.f32 $0xffff, v60;
	v2 =	vadd.f32 v62, v2;
	v20, _, _ =	vpop (xrf2)  }
0x80: {  	v18 =	vld [tilespmem:s30+$0x1B0];
	(xrf2) =	vadd.scan.msk.f32 $0xffff, v4;
	v1 =	vadd.f32 v5, v1;
	v4 =	vadd.f32 v20, v3;
	v5, _, _ =	vpop (xrf2)  }
0x81: {  	v21 =	vld [tilespmem:s30+$0x40];
	v19 =	vbroadcast v12, $0xF;
	v24, _, _ =	vpop (xrf2)  }
0x82: {  	[tilespmem:s30+$0x10] =	vst v4;
	v23 =	vadd.f32 v5, v2;
	v4 =	vbroadcast v5, $0xF;
	v5 =	vadd.f32 v24, v1  }
0x83: {  	v25 =	vld [tilespmem:s30+$0xC0];
	[tilespmem:s30+$0x0] =	vst v9;
	v17 =	vadd.f32 v12, v0;
	v22 =	vbroadcast v20, $0xF;
	(xrf2) =	vadd.scan.msk.f32 $0xffff, v11  }
0x84: {  	v26 =	vld [tilespmem:s30+$0x140];
	[tilespmem:s30+$0x100] =	vst v63;
	v0 =	vadd.f32 v19, v0;
	(xrf2) =	vadd.scan.msk.f32 $0xffff, v16  }
0x85: {  	[tilespmem:s30+$0x180] =	vst v17;
	v3 =	vadd.f32 v22, v3;
	(xrf2) =	vadd.scan.msk.f32 $0xffff, v18;
	v27 =	vbroadcast v24, $0xF;
	v28, _, _ =	vpop (xrf2)  }
0x86: {  	v29 =	vld [tilespmem:s30+$0x1C0];
	(xrf2) =	vadd.scan.msk.f32 $0xffff, v21;
	v2 =	vadd.f32 v4, v2;
	v4 =	vadd.f32 v28, v0;
	[tilespmem:s30+$0x110] =	vst v5;
	v5, _, _ =	vpop (xrf2)  }
0x87: {  	v33 =	vld [tilespmem:s30+$0x50];
	[tilespmem:s30+$0x90] =	vst v23;
	v30 =	vbroadcast v28, $0xF;
	v1 =	vadd.f32 v27, v1;
	v31 =	vadd.f32 v5, v3;
	v32, _, _ =	vpop (xrf2)  }
0x88: {  	v34 =	vld [tilespmem:s30+$0xD0];
	[tilespmem:s30+$0x190] =	vst v4;
	v4 =	vbroadcast v5, $0xF;
	(xrf2) =	vadd.scan.msk.f32 $0xffff, v25;
	v5 =	vadd.f32 v32, v2  }
0x89: {  	v37 =	vld [tilespmem:s30+$0x150];
	v0 =	vadd.f32 v30, v0;
	v35 =	vbroadcast v32, $0xF;
	v36, _, _ =	vpop (xrf2);
	(xrf2) =	vadd.scan.msk.f32 $0xffff, v26;
	[tilespmem:s30+$0x20] =	vst v31  }
0x8a: {  	v39 =	vld [tilespmem:s30+$0x1D0];
	v3 =	vadd.f32 v4, v3;
	v4 =	vadd.f32 v36, v1;
	v38, _, _ =	vpop (xrf2);
	[tilespmem:s30+$0xA0] =	vst v5;
	v5 =	vbroadcast v36, $0xF  }
0x8b: {  	v41 =	vld [tilespmem:s30+$0x60];
	(xrf2) =	vadd.scan.msk.f32 $0xffff, v29;
	v2 =	vadd.f32 v35, v2;
	v40 =	vadd.f32 v38, v0;
	v10 =	vbroadcast v38, $0xF;
	v13, _, _ =	vpop (xrf2)  }
0x8c: {  	(xrf2) =	vadd.scan.msk.f32 $0xffff, v33;
	[tilespmem:s30+$0x120] =	vst v4;
	v4 =	vadd.f32 v13, v3;
	v1 =	vadd.f32 v5, v1;
	v5 =	vld [tilespmem:s30+$0xE0]  }
0x8d: {  	v44 =	vld [tilespmem:s30+$0x160];
	v42 =	vbroadcast v13, $0xF;
	v43, _, _ =	vpop (xrf2);
	(xrf2) =	vadd.scan.msk.f32 $0xffff, v34;
	[tilespmem:s30+$0x1A0] =	vst v40;
	v0 =	vadd.f32 v10, v0  }
0x8e: {  	v46 =	vld [tilespmem:s30+$0x1E0];
	v9 =	vbroadcast v43, $0xF;
	v45, _, _ =	vpop (xrf2);
	(xrf2) =	vadd.scan.msk.f32 $0xffff, v37;
	[tilespmem:s30+$0x30] =	vst v4;
	v4 =	vadd.f32 v43, v2  }
0x8f: {  	v49 =	vld [tilespmem:s30+$0x70];
	v3 =	vadd.f32 v42, v3;
	v11 =	vbroadcast v45, $0xF;
	v48, _, _ =	vpop (xrf2);
	(xrf2) =	vadd.scan.msk.f32 $0xffff, v39;
	v47 =	vadd.f32 v45, v1  }
0x90: {  	v50 =	vld [tilespmem:s30+$0xF0];
	v2 =	vadd.f32 v9, v2;
	(xrf2) =	vadd.scan.msk.f32 $0xffff, v41;
	[tilespmem:s30+$0xB0] =	vst v4;
	v4 =	vadd.f32 v48, v0  }
0x91: {  	v51 =	vbroadcast v48, $0xF;
	v52, _, _ =	vpop (xrf2);
	v1 =	vadd.f32 v11, v1;
	[tilespmem:s30+$0x130] =	vst v47;
	(xrf2) =	vadd.scan.msk.f32 $0xffff, v5;
	v5 =	vld [tilespmem:s30+$0x170]  }
0x92: {  	v54 =	vld [tilespmem:s30+$0x1F0];
	v9 =	vbroadcast v52, $0xF;
	[tilespmem:s30+$0x1B0] =	vst v4;
	v4 =	vadd.f32 v52, v3;
	v53, _, _ =	vpop (xrf2);
	(xrf2) =	vadd.scan.msk.f32 $0xffff, v44  }
0x93: {  	v0 =	vadd.f32 v51, v0;
	v55 =	vadd.f32 v53, v2;
	v11 =	vbroadcast v53, $0xF;
	v56, _, _ =	vpop (xrf2);
	(xrf2) =	vadd.scan.msk.f32 $0xffff, v46  }
0x94: {  	v3 =	vadd.f32 v9, v3;
	[tilespmem:s30+$0x40] =	vst v4;
	v4 =	vadd.f32 v56, v1;
	(xrf2) =	vadd.scan.msk.f32 $0xffff, v49  }
0x95: {  	v57 =	vbroadcast v56, $0xF;
	v58, _, _ =	vpop (xrf2);
	[tilespmem:s30+$0xC0] =	vst v55;
	v2 =	vadd.f32 v11, v2;
	(xrf2) =	vadd.scan.msk.f32 $0xffff, v50  }
0x96: {  	v59 =	vbroadcast v58, $0xF;
	v60, _, _ =	vpop (xrf2);
	[tilespmem:s30+$0x140] =	vst v4;
	v4 =	vadd.f32 v58, v0;
	(xrf2) =	vadd.scan.msk.f32 $0xffff, v5  }
0x97: {  	v1 =	vadd.f32 v57, v1;
	v61 =	vbroadcast v60, $0xF;
	v62, _, _ =	vpop (xrf2);
	v5 =	vadd.f32 v60, v3;
	(xrf2) =	vadd.scan.msk.f32 $0xffff, v54  }
0x98: {  	v0 =	vadd.f32 v59, v0;
	v63 =	vbroadcast v62, $0xF;
	v12, _, _ =	vpop (xrf2);
	[tilespmem:s30+$0x1C0] =	vst v4;
	v4 =	vadd.f32 v62, v2  }
0x99: {  	v3 =	vadd.f32 v61, v3;
	v13 =	vbroadcast v12, $0xF;
	v14, _, _ =	vpop (xrf2);
	[tilespmem:s30+$0x50] =	vst v5;
	v5 =	vadd.f32 v12, v1  }
0x9a: {  	v2 =	vadd.f32 v63, v2;
	v15 =	vbroadcast v14, $0xF;
	v16, _, _ =	vpop (xrf2);
	[tilespmem:s30+$0xD0] =	vst v4;
	v4 =	vadd.f32 v14, v0  }
0x9b: {  	v1 =	vadd.f32 v13, v1;
	v17 =	vbroadcast v16, $0xF;
	[tilespmem:s30+$0x150] =	vst v5;
	v5 =	vadd.f32 v16, v3;
	v18, _, _ =	vpop (xrf2)  }
0x9c: {  	v0 =	vadd.f32 v15, v0;
	[tilespmem:s30+$0x1D0] =	vst v4;
	v4 =	vadd.f32 v18, v2;
	v19 =	vbroadcast v18, $0xF;
	v20, _, _ =	vpop (xrf2)  }
0x9d: {  	v3 =	vadd.f32 v17, v3;
	[tilespmem:s30+$0x60] =	vst v5;
	v5 =	vadd.f32 v20, v1;
	v21 =	vbroadcast v20, $0xF;
	v22, _, _ =	vpop (xrf2)  }
0x9e: {  	[tilespmem:s30+$0xE0] =	vst v4;
	v2 =	vadd.f32 v19, v2;
	v4 =	vadd.f32 v22, v0;
	v23 =	vbroadcast v22, $0xF;
	v24, _, _ =	vpop (xrf2)  }
0x9f: {  	[tilespmem:s30+$0x160] =	vst v5;
	v1 =	vadd.f32 v21, v1;
	v5 =	vadd.f32 v24, v3;
	v25, _, _ =	vpop (xrf2)  }
0xa0: {  	[tilespmem:s30+$0x1E0] =	vst v4;
	v0 =	vadd.f32 v23, v0;
	v4 =	vadd.f32 v25, v2;
	v26, _, _ =	vpop (xrf2)  }
0xa1: {  	[tilespmem:s30+$0x70] =	vst v5;
	v5 =	vadd.f32 v26, v1;
	v27, _, _ =	vpop (xrf2)  }
0xa2: {  	[tilespmem:s30+$0xF0] =	vst v4;
	v4 =	vadd.f32 v27, v0  }
0xa3: {  	[tilespmem:s30+$0x170] =	vst v5  }
0xa4: {  	s0 =	sadd.s32 $0x8200, s30;
	s5 =	sadd.s32 s3, s13;
	[tilespmem:s30+$0x1F0] =	vst v4  }
0xa5: {  	[tilespmem:s0], [sflag:$0x1] =	stream.linear.gather [hbm4b:s5+s4], $0x80, $0x38;
	[tilespmem:$0x18000] =	vst v63  }
0xa6: {  	s0 =	sadd.s32 $0x8280, s30;
	s5 =	sadd.s32 s3, s14  }
0xa7: {  	[tilespmem:s0], [sflag:$0x1] =	stream.linear.gather [hbm4b:s5+s4], $0x80, $0x38;
	[tilespmem:$0x18000] =	vst v63  }
0xa8: {  	s0 =	sadd.s32 $0x8300, s30;
	s5 =	sadd.s32 s3, s15  }
0xa9: {  	[tilespmem:s0], [sflag:$0x1] =	stream.linear.gather [hbm4b:s5+s4], $0x80, $0x38;
	[tilespmem:$0x18000] =	vst v63  }
0xaa: {  	s0 =	sadd.s32 $0x8380, s30;
	s5 =	sadd.s32 s3, s16  }
0xab: {  	[tilespmem:s0], [sflag:$0x1] =	stream.linear.gather [hbm4b:s5+s4], $0x80, $0x38;
	[tilespmem:$0x18000] =	vst v63  }
0xac: {  	v4 =	vld [tilespmem:s30+$0x200]  }
0xad: {  	v5 =	vld [tilespmem:s30+$0x280];
	_ =	sdelay $0x1  }
0xae: {  	v28 =	vld [tilespmem:s30+$0x300];
	_ =	sdelay $0x1  }
0xaf: {  	v29 =	vld [tilespmem:s30+$0x380];
	(xrf2) =	vadd.scan.msk.f32 $0xffff, v4  }
0xb0: {  	v4 =	vld [tilespmem:s30+$0x210];
	(xrf2) =	vadd.scan.msk.f32 $0xffff, v5  }
0xb1: {  	v5 =	vld [tilespmem:s30+$0x290]  }
0xb2: {  	(xrf2) =	vadd.scan.msk.f32 $0xffff, v28  }
0xb3: {  	v30 =	vld [tilespmem:s30+$0x310]  }
0xb4: {  	v31 =	vld [tilespmem:s30+$0x390];
	(xrf2) =	vadd.scan.msk.f32 $0xffff, v29  }
0xb5: {  	(xrf2) =	vadd.scan.msk.f32 $0xffff, v4;
	v4 =	vld [tilespmem:s30+$0x220]  }
0xb6: {  	(xrf2) =	vadd.scan.msk.f32 $0xffff, v5;
	v5 =	vld [tilespmem:s30+$0x2A0]  }
0xb7: {  	v6 =	vbroadcast v25, $0xF  }
0xb8: {  	(xrf2) =	vadd.scan.msk.f32 $0xffff, v30  }
0xb9: {  	v2 =	vadd.f32 v6, v2;
	(xrf2) =	vadd.scan.msk.f32 $0xffff, v31;
	v33, _, _ =	vpop (xrf2)  }
0xba: {  	v32 =	vld [tilespmem:s30+$0x320];
	(xrf2) =	vadd.scan.msk.f32 $0xffff, v4;
	v38, _, _ =	vpop (xrf2)  }
0xbb: {  	v8 =	vbroadcast v24, $0xF;
	v34 =	vld [tilespmem:s30+$0x3A0];
	(xrf2) =	vadd.scan.msk.f32 $0xffff, v5;
	v5 =	vadd.f32 v38, v2  }
0xbc: {  	v7 =	vbroadcast v26, $0xF;
	v35 =	vbroadcast v27, $0xF;
	v4 =	vld [tilespmem:s30+$0x230];
	v39, _, _ =	vpop (xrf2)  }
0xbd: {  	v3 =	vadd.f32 v8, v3;
	v37 =	vbroadcast v33, $0xF;
	[tilespmem:s30+$0x280] =	vst v5;
	v5 =	vbroadcast v39, $0xF  }
0xbe: {  	v1 =	vadd.f32 v7, v1;
	v0 =	vadd.f32 v35, v0;
	v41 =	vbroadcast v38, $0xF  }
0xbf: {  	v40 =	vld [tilespmem:s30+$0x2B0];
	v36 =	vadd.f32 v33, v3;
	v3 =	vadd.f32 v37, v3;
	v43, _, _ =	vpop (xrf2);
	(xrf2) =	vadd.scan.msk.f32 $0xffff, v32  }
0xc0: {  	v44 =	vld [tilespmem:s30+$0x330];
	v42 =	vadd.f32 v39, v1;
	(xrf2) =	vadd.scan.msk.f32 $0xffff, v34;
	v2 =	vadd.f32 v41, v2;
	v48, _, _ =	vpop (xrf2)  }
0xc1: {  	v46 =	vld [tilespmem:s30+$0x3B0];
	(xrf2) =	vadd.scan.msk.f32 $0xffff, v4;
	v1 =	vadd.f32 v5, v1;
	v4 =	vadd.f32 v48, v3;
	v5, _, _ =	vpop (xrf2)  }
0xc2: {  	v49 =	vld [tilespmem:s30+$0x240];
	[tilespmem:s30+$0x200] =	vst v36;
	v45 =	vadd.f32 v43, v0;
	v47 =	vbroadcast v43, $0xF;
	v52, _, _ =	vpop (xrf2)  }
0xc3: {  	v53 =	vld [tilespmem:s30+$0x2C0];
	[tilespmem:s30+$0x210] =	vst v4;
	v51 =	vadd.f32 v5, v2;
	v4 =	vbroadcast v5, $0xF;
	v5 =	vadd.f32 v52, v1  }
0xc4: {  	v54 =	vld [tilespmem:s30+$0x340];
	[tilespmem:s30+$0x300] =	vst v42;
	v50 =	vbroadcast v48, $0xF;
	(xrf2) =	vadd.scan.msk.f32 $0xffff, v40  }
0xc5: {  	v57 =	vld [tilespmem:s30+$0x3C0];
	[tilespmem:s30+$0x380] =	vst v45;
	v0 =	vadd.f32 v47, v0;
	(xrf2) =	vadd.scan.msk.f32 $0xffff, v44  }
0xc6: {  	v3 =	vadd.f32 v50, v3;
	(xrf2) =	vadd.scan.msk.f32 $0xffff, v46;
	v55 =	vbroadcast v52, $0xF;
	v56, _, _ =	vpop (xrf2);
	[tilespmem:s30+$0x290] =	vst v51  }
0xc7: {  	v61 =	vld [tilespmem:s30+$0x250];
	(xrf2) =	vadd.scan.msk.f32 $0xffff, v49;
	v2 =	vadd.f32 v4, v2;
	v4 =	vadd.f32 v56, v0;
	[tilespmem:s30+$0x310] =	vst v5;
	v5, _, _ =	vpop (xrf2)  }
0xc8: {  	v62 =	vld [tilespmem:s30+$0x2D0];
	v58 =	vbroadcast v56, $0xF;
	v1 =	vadd.f32 v55, v1;
	(xrf2) =	vadd.scan.msk.f32 $0xffff, v53;
	v59 =	vadd.f32 v5, v3;
	v60, _, _ =	vpop (xrf2)  }
0xc9: {  	v17 =	vld [tilespmem:s30+$0x350];
	[tilespmem:s30+$0x390] =	vst v4;
	v4 =	vbroadcast v5, $0xF;
	(xrf2) =	vadd.scan.msk.f32 $0xffff, v54;
	v5 =	vadd.f32 v60, v2  }
0xca: {  	v0 =	vadd.f32 v58, v0;
	v63 =	vbroadcast v60, $0xF;
	v16, _, _ =	vpop (xrf2);
	(xrf2) =	vadd.scan.msk.f32 $0xffff, v57;
	[tilespmem:s30+$0x220] =	vst v59  }
0xcb: {  	v19 =	vld [tilespmem:s30+$0x3D0];
	v3 =	vadd.f32 v4, v3;
	v4 =	vadd.f32 v16, v1;
	v18, _, _ =	vpop (xrf2);
	[tilespmem:s30+$0x2A0] =	vst v5;
	v5 =	vbroadcast v16, $0xF  }
0xcc: {  	v22 =	vld [tilespmem:s30+$0x260];
	(xrf2) =	vadd.scan.msk.f32 $0xffff, v61;
	v2 =	vadd.f32 v63, v2;
	v20 =	vadd.f32 v18, v0;
	v10 =	vbroadcast v18, $0xF;
	v21, _, _ =	vpop (xrf2)  }
0xcd: {  	(xrf2) =	vadd.scan.msk.f32 $0xffff, v62;
	[tilespmem:s30+$0x320] =	vst v4;
	v4 =	vadd.f32 v21, v3;
	v1 =	vadd.f32 v5, v1;
	v5 =	vld [tilespmem:s30+$0x2E0]  }
0xce: {  	v25 =	vld [tilespmem:s30+$0x360];
	v23 =	vbroadcast v21, $0xF;
	v24, _, _ =	vpop (xrf2);
	(xrf2) =	vadd.scan.msk.f32 $0xffff, v17;
	[tilespmem:s30+$0x3A0] =	vst v20  }
0xcf: {  	v27 =	vld [tilespmem:s30+$0x3E0];
	v0 =	vadd.f32 v10, v0;
	v7 =	vbroadcast v24, $0xF;
	v26, _, _ =	vpop (xrf2);
	[tilespmem:s30+$0x230] =	vst v4;
	v4 =	vadd.f32 v24, v2  }
0xd0: {  	v30 =	vld [tilespmem:s30+$0x270];
	(xrf2) =	vadd.scan.msk.f32 $0xffff, v19;
	v3 =	vadd.f32 v23, v3;
	v10 =	vbroadcast v26, $0xF;
	v29, _, _ =	vpop (xrf2);
	v28 =	vadd.f32 v26, v1  }
0xd1: {  	v31 =	vld [tilespmem:s30+$0x2F0];
	(xrf2) =	vadd.scan.msk.f32 $0xffff, v22;
	v2 =	vadd.f32 v7, v2;
	[tilespmem:s30+$0x2B0] =	vst v4;
	v4 =	vadd.f32 v29, v0  }
0xd2: {  	v32 =	vbroadcast v29, $0xF;
	v33, _, _ =	vpop (xrf2);
	v1 =	vadd.f32 v10, v1;
	[tilespmem:s30+$0x330] =	vst v28;
	(xrf2) =	vadd.scan.msk.f32 $0xffff, v5;
	v5 =	vld [tilespmem:s30+$0x370]  }
0xd3: {  	v35 =	vld [tilespmem:s30+$0x3F0];
	v10 =	vbroadcast v33, $0xF;
	v34, _, _ =	vpop (xrf2);
	[tilespmem:s30+$0x3B0] =	vst v4;
	v4 =	vadd.f32 v33, v3;
	(xrf2) =	vadd.scan.msk.f32 $0xffff, v25  }
0xd4: {  	v0 =	vadd.f32 v32, v0;
	v36 =	vadd.f32 v34, v2;
	v11 =	vbroadcast v34, $0xF;
	v37, _, _ =	vpop (xrf2);
	(xrf2) =	vadd.scan.msk.f32 $0xffff, v27  }
0xd5: {  	v3 =	vadd.f32 v10, v3;
	[tilespmem:s30+$0x240] =	vst v4;
	v4 =	vadd.f32 v37, v1;
	(xrf2) =	vadd.scan.msk.f32 $0xffff, v30  }
0xd6: {  	v38 =	vbroadcast v37, $0xF;
	v39, _, _ =	vpop (xrf2);
	[tilespmem:s30+$0x2C0] =	vst v36;
	v2 =	vadd.f32 v11, v2;
	(xrf2) =	vadd.scan.msk.f32 $0xffff, v31  }
0xd7: {  	v40 =	vbroadcast v39, $0xF;
	v41, _, _ =	vpop (xrf2);
	[tilespmem:s30+$0x340] =	vst v4;
	v4 =	vadd.f32 v39, v0;
	(xrf2) =	vadd.scan.msk.f32 $0xffff, v5  }
0xd8: {  	v1 =	vadd.f32 v38, v1;
	v42 =	vbroadcast v41, $0xF;
	v43, _, _ =	vpop (xrf2);
	v5 =	vadd.f32 v41, v3;
	(xrf2) =	vadd.scan.msk.f32 $0xffff, v35  }
0xd9: {  	v44, _, _ =	vpop (xrf2);
	v0 =	vadd.f32 v40, v0;
	v45 =	vbroadcast v43, $0xF;
	[tilespmem:s30+$0x3C0] =	vst v4;
	v4 =	vadd.f32 v43, v2  }
0xda: {  	v46, _, _ =	vpop (xrf2);
	v3 =	vadd.f32 v42, v3;
	v47 =	vbroadcast v44, $0xF;
	[tilespmem:s30+$0x250] =	vst v5;
	v5 =	vadd.f32 v44, v1  }
0xdb: {  	v48, _, _ =	vpop (xrf2);
	v2 =	vadd.f32 v45, v2;
	v49 =	vbroadcast v46, $0xF;
	[tilespmem:s30+$0x2D0] =	vst v4;
	v4 =	vadd.f32 v46, v0  }
0xdc: {  	v1 =	vadd.f32 v47, v1;
	v51 =	vbroadcast v48, $0xF;
	[tilespmem:s30+$0x350] =	vst v5;
	v5 =	vadd.f32 v48, v3;
	v50, _, _ =	vpop (xrf2)  }
0xdd: {  	v0 =	vadd.f32 v49, v0;
	[tilespmem:s30+$0x3D0] =	vst v4;
	v52, _, _ =	vpop (xrf2);
	v4 =	vadd.f32 v50, v2;
	v53 =	vbroadcast v50, $0xF  }
0xde: {  	v3 =	vadd.f32 v51, v3;
	[tilespmem:s30+$0x260] =	vst v5;
	v54, _, _ =	vpop (xrf2);
	v5 =	vadd.f32 v52, v1;
	v55 =	vbroadcast v52, $0xF  }
0xdf: {  	s1 =	sadd.s32 $0x10, s1;
	v56, _, _ =	vpop (xrf2);
	[tilespmem:s30+$0x2E0] =	vst v4;
	v2 =	vadd.f32 v53, v2;
	v4 =	vadd.f32 v54, v0;
	v57 =	vbroadcast v54, $0xF  }
0xe0: {  	p0 =	slt.u32 s1, $0x1F0;
	v58, _, _ =	vpop (xrf2);
	[tilespmem:s30+$0x360] =	vst v5;
	v1 =	vadd.f32 v55, v1;
	v5 =	vadd.f32 v56, v3  }
.Ltmp4:
0xe1: {  	v59, _, _ =	vpop (xrf2);
	[tilespmem:s30+$0x3E0] =	vst v4;
	v0 =	vadd.f32 v57, v0;
	v4 =	vadd.f32 v58, v2;
	(pc) =	sbr.rel @p0 .LBB2_10-.Ltmp4, $4  }
0xe2: {  	v60 =	vbroadcast v58, $0xF;
	[tilespmem:s30+$0x270] =	vst v5;
	v5 =	vbroadcast v56, $0xF;
	v61 =	vadd.f32 v59, v1;
	v62, _, _ =	vpop (xrf2)  }
0xe3: {  	[tilespmem:s30+$0x2F0] =	vst v4;
	v4 =	vbroadcast v59, $0xF;
	v63 =	vadd.f32 v62, v0;
	v9 =	vbroadcast v62, $0xF  }
0xe4: {  	v2 =	vadd.f32 v60, v2;
	v3 =	vadd.f32 v5, v3;
	[tilespmem:s30+$0x370] =	vst v61  }
0xe5: {  	s2 =	sadd.s32 $0x1000, s2;
	s3 =	sadd.s32 $0x100, s3;
	v1 =	vadd.f32 v4, v1;
	[tilespmem:s30+$0x3F0] =	vst v63;
	v0 =	vadd.f32 v9, v0  }
0xe6: {  	s0 =	simm.s32 $0x1  }
0xe7: {  	_ =	swait.ge [sflag:s0], $0x8000  }
0xe8: {  	s3 =	simm.s32 $0xFFFFFFF0;
	[sflag:s0] =	ssyncset.done $0x0  }
0xe9: {  	s2 =	simm.s32 $0x0;
	s30 =	simm.s32 $0x0;
	[sflag:s0] =	ssyncadd.s32 $0xFFFF8000  }
.LBB2_12:
0xea: {  	s0 =	rddreg [dreg:$0xf];
	s1 =	sshra.s32 s2, $0x2  }
0xeb: {  	s31 =	rddreg [dreg:$0x10];
	s5 =	sadd.s32 $0x10000, s1;
	s0 =	sadd.s32 s30, s0  }
0xec: {  	[tilespmem:s5], [sflag:$0x1] =	stream.linear.gather [hbm4b:s0+s4], $0x80, $0x38;
	[tilespmem:$0x18000] =	vst v63  }
0xed: {  	s0 =	sadd.s32 $0x10080, s1;
	s5 =	sadd.s32 s30, s31;
	s31 =	rddreg [dreg:$0x11]  }
0xee: {  	[tilespmem:s0], [sflag:$0x1] =	stream.linear.gather [hbm4b:s5+s4], $0x80, $0x38;
	[tilespmem:$0x18000] =	vst v63  }
0xef: {  	s31 =	sadd.s32 s30, s31;
	s0 =	rddreg [dreg:$0x12];
	s5 =	sadd.s32 $0x10100, s1  }
0xf0: {  	[tilespmem:s5], [sflag:$0x1] =	stream.linear.gather [hbm4b:s31+s4], $0x80, $0x38;
	[tilespmem:$0x18000] =	vst v63  }
0xf1: {  	s0 =	sadd.s32 s30, s0;
	s5 =	sadd.s32 $0x10180, s1;
	s31 =	rddreg [dreg:$0xb]  }
0xf2: {  	[tilespmem:s5], [sflag:$0x1] =	stream.linear.gather [hbm4b:s0+s4], $0x80, $0x38;
	[tilespmem:$0x18000] =	vst v63  }
0xf3: {  	s31 =	sadd.s32 s30, s31;
	s0 =	rddreg [dreg:$0xc]  }
0xf4: {  	[hbm4b:s31+s4] =	stream.linear.scatter [tilespmem:s1], [sflag:$0x2], $0x80, $0x38;
	[tilespmem:$0x18000] =	vst v63  }
0xf5: {  	s5 =	sadd.s32 $0x80, s1;
	s0 =	sadd.s32 s30, s0;
	s31 =	rddreg [dreg:$0xd]  }
0xf6: {  	[hbm4b:s0+s4] =	stream.linear.scatter [tilespmem:s5], [sflag:$0x2], $0x80, $0x38;
	[tilespmem:$0x18000] =	vst v63  }
0xf7: {  	s0 =	rddreg [dreg:$0xe];
	s5 =	sadd.s32 s30, s31;
	s31 =	sadd.s32 $0x100, s1  }
0xf8: {  	[hbm4b:s5+s4] =	stream.linear.scatter [tilespmem:s31], [sflag:$0x2], $0x80, $0x38;
	[tilespmem:$0x18000] =	vst v63  }
0xf9: {  	s0 =	sadd.s32 s30, s0;
	s31 =	sadd.s32 $0x180, s1  }
0xfa: {  	[hbm4b:s0+s4] =	stream.linear.scatter [tilespmem:s31], [sflag:$0x2], $0x80, $0x38;
	[tilespmem:$0x18000] =	vst v63  }
0xfb: {  	v4 =	vld [tilespmem:s1+$0x8000]  }
0xfc: {  	v5 =	vld [tilespmem:s1+$0x8080];
	_ =	sdelay $0x1  }
0xfd: {  	v6 =	vld [tilespmem:s1+$0x8100];
	_ =	sdelay $0x1  }
0xfe: {  	v7 =	vld [tilespmem:s1+$0x8180];
	(xrf2) =	vadd.scan.msk.f32 $0xffff, v4  }
0xff: {  	v4 =	vld [tilespmem:s1+$0x8010];
	(xrf2) =	vadd.scan.msk.f32 $0xffff, v5  }
0x100: {  	v5 =	vld [tilespmem:s1+$0x8090]  }
0x101: {  	(xrf2) =	vadd.scan.msk.f32 $0xffff, v6  }
0x102: {  	v57 =	vld [tilespmem:s1+$0x8110]  }
0x103: {  	v58 =	vld [tilespmem:s1+$0x8190];
	(xrf2) =	vadd.scan.msk.f32 $0xffff, v7  }
0x104: {  	(xrf2) =	vadd.scan.msk.f32 $0xffff, v4;
	v4 =	vld [tilespmem:s1+$0x8020]  }
0x105: {  	(xrf2) =	vadd.scan.msk.f32 $0xffff, v5;
	v5 =	vld [tilespmem:s1+$0x80A0];
	_ =	sdelay $0x1  }
0x106: {  	(xrf2) =	vadd.scan.msk.f32 $0xffff, v57  }
0x107: {  	v8, _, _ =	vpop (xrf2);
	(xrf2) =	vadd.scan.msk.f32 $0xffff, v58  }
0x108: {  	v59 =	vld [tilespmem:s1+$0x8120];
	(xrf2) =	vadd.scan.msk.f32 $0xffff, v4;
	v10, _, _ =	vpop (xrf2)  }
0x109: {  	v60 =	vld [tilespmem:s1+$0x81A0];
	(xrf2) =	vadd.scan.msk.f32 $0xffff, v5;
	v5 =	vadd.f32 v10, v2  }
0x10a: {  	v4 =	vld [tilespmem:s1+$0x8030];
	v61, _, _ =	vpop (xrf2)  }
0x10b: {  	v9 =	vadd.f32 v8, v3;
	v8 =	vbroadcast v8, $0xF;
	[tilespmem:s1+$0x8080] =	vst v5;
	v5 =	vbroadcast v61, $0xF  }
0x10c: {  	v62 =	vbroadcast v10, $0xF  }
0x10d: {  	v11 =	vld [tilespmem:s1+$0x80B0];
	v3 =	vadd.f32 v8, v3;
	v12, _, _ =	vpop (xrf2);
	(xrf2) =	vadd.scan.msk.f32 $0xffff, v59  }
0x10e: {  	v16 =	vld [tilespmem:s1+$0x8130];
	v63 =	vadd.f32 v61, v1;
	(xrf2) =	vadd.scan.msk.f32 $0xffff, v60;
	v2 =	vadd.f32 v62, v2;
	v20, _, _ =	vpop (xrf2)  }
0x10f: {  	v18 =	vld [tilespmem:s1+$0x81B0];
	(xrf2) =	vadd.scan.msk.f32 $0xffff, v4;
	v1 =	vadd.f32 v5, v1;
	v4 =	vadd.f32 v20, v3;
	v5, _, _ =	vpop (xrf2)  }
0x110: {  	v21 =	vld [tilespmem:s1+$0x8040];
	v19 =	vbroadcast v12, $0xF;
	v24, _, _ =	vpop (xrf2)  }
0x111: {  	[tilespmem:s1+$0x8010] =	vst v4;
	v23 =	vadd.f32 v5, v2;
	v4 =	vbroadcast v5, $0xF;
	v5 =	vadd.f32 v24, v1  }
0x112: {  	v25 =	vld [tilespmem:s1+$0x80C0];
	[tilespmem:s1+$0x8000] =	vst v9;
	v17 =	vadd.f32 v12, v0;
	v22 =	vbroadcast v20, $0xF;
	(xrf2) =	vadd.scan.msk.f32 $0xffff, v11  }
0x113: {  	v26 =	vld [tilespmem:s1+$0x8140];
	[tilespmem:s1+$0x8100] =	vst v63;
	v0 =	vadd.f32 v19, v0;
	(xrf2) =	vadd.scan.msk.f32 $0xffff, v16  }
0x114: {  	[tilespmem:s1+$0x8180] =	vst v17;
	v3 =	vadd.f32 v22, v3;
	(xrf2) =	vadd.scan.msk.f32 $0xffff, v18;
	v27 =	vbroadcast v24, $0xF;
	v28, _, _ =	vpop (xrf2)  }
0x115: {  	v29 =	vld [tilespmem:s1+$0x81C0];
	(xrf2) =	vadd.scan.msk.f32 $0xffff, v21;
	v2 =	vadd.f32 v4, v2;
	v4 =	vadd.f32 v28, v0;
	[tilespmem:s1+$0x8110] =	vst v5;
	v5, _, _ =	vpop (xrf2)  }
0x116: {  	v33 =	vld [tilespmem:s1+$0x8050];
	[tilespmem:s1+$0x8090] =	vst v23;
	v30 =	vbroadcast v28, $0xF;
	v1 =	vadd.f32 v27, v1;
	v31 =	vadd.f32 v5, v3;
	v32, _, _ =	vpop (xrf2)  }
0x117: {  	v34 =	vld [tilespmem:s1+$0x80D0];
	[tilespmem:s1+$0x8190] =	vst v4;
	v4 =	vbroadcast v5, $0xF;
	(xrf2) =	vadd.scan.msk.f32 $0xffff, v25;
	v5 =	vadd.f32 v32, v2  }
0x118: {  	v37 =	vld [tilespmem:s1+$0x8150];
	v0 =	vadd.f32 v30, v0;
	v35 =	vbroadcast v32, $0xF;
	v36, _, _ =	vpop (xrf2);
	(xrf2) =	vadd.scan.msk.f32 $0xffff, v26;
	[tilespmem:s1+$0x8020] =	vst v31  }
0x119: {  	v39 =	vld [tilespmem:s1+$0x81D0];
	v3 =	vadd.f32 v4, v3;
	v4 =	vadd.f32 v36, v1;
	v38, _, _ =	vpop (xrf2);
	[tilespmem:s1+$0x80A0] =	vst v5;
	v5 =	vbroadcast v36, $0xF  }
0x11a: {  	v41 =	vld [tilespmem:s1+$0x8060];
	(xrf2) =	vadd.scan.msk.f32 $0xffff, v29;
	v2 =	vadd.f32 v35, v2;
	v40 =	vadd.f32 v38, v0;
	v10 =	vbroadcast v38, $0xF;
	v13, _, _ =	vpop (xrf2)  }
0x11b: {  	(xrf2) =	vadd.scan.msk.f32 $0xffff, v33;
	[tilespmem:s1+$0x8120] =	vst v4;
	v4 =	vadd.f32 v13, v3;
	v1 =	vadd.f32 v5, v1;
	v5 =	vld [tilespmem:s1+$0x80E0]  }
0x11c: {  	v44 =	vld [tilespmem:s1+$0x8160];
	v42 =	vbroadcast v13, $0xF;
	v43, _, _ =	vpop (xrf2);
	(xrf2) =	vadd.scan.msk.f32 $0xffff, v34;
	[tilespmem:s1+$0x81A0] =	vst v40;
	v0 =	vadd.f32 v10, v0  }
0x11d: {  	v46 =	vld [tilespmem:s1+$0x81E0];
	v9 =	vbroadcast v43, $0xF;
	v45, _, _ =	vpop (xrf2);
	(xrf2) =	vadd.scan.msk.f32 $0xffff, v37;
	[tilespmem:s1+$0x8030] =	vst v4;
	v4 =	vadd.f32 v43, v2  }
0x11e: {  	v49 =	vld [tilespmem:s1+$0x8070];
	v3 =	vadd.f32 v42, v3;
	v11 =	vbroadcast v45, $0xF;
	v48, _, _ =	vpop (xrf2);
	(xrf2) =	vadd.scan.msk.f32 $0xffff, v39;
	v47 =	vadd.f32 v45, v1  }
0x11f: {  	v50 =	vld [tilespmem:s1+$0x80F0];
	v2 =	vadd.f32 v9, v2;
	(xrf2) =	vadd.scan.msk.f32 $0xffff, v41;
	[tilespmem:s1+$0x80B0] =	vst v4;
	v4 =	vadd.f32 v48, v0  }
0x120: {  	v51 =	vbroadcast v48, $0xF;
	v52, _, _ =	vpop (xrf2);
	v1 =	vadd.f32 v11, v1;
	[tilespmem:s1+$0x8130] =	vst v47;
	(xrf2) =	vadd.scan.msk.f32 $0xffff, v5;
	v5 =	vld [tilespmem:s1+$0x8170]  }
0x121: {  	v54 =	vld [tilespmem:s1+$0x81F0];
	v9 =	vbroadcast v52, $0xF;
	[tilespmem:s1+$0x81B0] =	vst v4;
	v4 =	vadd.f32 v52, v3;
	v53, _, _ =	vpop (xrf2);
	(xrf2) =	vadd.scan.msk.f32 $0xffff, v44  }
0x122: {  	v0 =	vadd.f32 v51, v0;
	v55 =	vadd.f32 v53, v2;
	v11 =	vbroadcast v53, $0xF;
	v56, _, _ =	vpop (xrf2);
	(xrf2) =	vadd.scan.msk.f32 $0xffff, v46  }
0x123: {  	v3 =	vadd.f32 v9, v3;
	[tilespmem:s1+$0x8040] =	vst v4;
	v4 =	vadd.f32 v56, v1;
	(xrf2) =	vadd.scan.msk.f32 $0xffff, v49  }
0x124: {  	v57 =	vbroadcast v56, $0xF;
	v58, _, _ =	vpop (xrf2);
	[tilespmem:s1+$0x80C0] =	vst v55;
	v2 =	vadd.f32 v11, v2;
	(xrf2) =	vadd.scan.msk.f32 $0xffff, v50  }
0x125: {  	v59 =	vbroadcast v58, $0xF;
	v60, _, _ =	vpop (xrf2);
	[tilespmem:s1+$0x8140] =	vst v4;
	v4 =	vadd.f32 v58, v0;
	(xrf2) =	vadd.scan.msk.f32 $0xffff, v5  }
0x126: {  	v1 =	vadd.f32 v57, v1;
	v61 =	vbroadcast v60, $0xF;
	v62, _, _ =	vpop (xrf2);
	v5 =	vadd.f32 v60, v3;
	(xrf2) =	vadd.scan.msk.f32 $0xffff, v54  }
0x127: {  	v0 =	vadd.f32 v59, v0;
	v63 =	vbroadcast v62, $0xF;
	v12, _, _ =	vpop (xrf2);
	[tilespmem:s1+$0x81C0] =	vst v4;
	v4 =	vadd.f32 v62, v2  }
0x128: {  	v3 =	vadd.f32 v61, v3;
	v13 =	vbroadcast v12, $0xF;
	v14, _, _ =	vpop (xrf2);
	[tilespmem:s1+$0x8050] =	vst v5;
	v5 =	vadd.f32 v12, v1  }
0x129: {  	v2 =	vadd.f32 v63, v2;
	v15 =	vbroadcast v14, $0xF;
	v16, _, _ =	vpop (xrf2);
	[tilespmem:s1+$0x80D0] =	vst v4;
	v4 =	vadd.f32 v14, v0  }
0x12a: {  	v1 =	vadd.f32 v13, v1;
	v17 =	vbroadcast v16, $0xF;
	[tilespmem:s1+$0x8150] =	vst v5;
	v5 =	vadd.f32 v16, v3;
	v18, _, _ =	vpop (xrf2)  }
0x12b: {  	v0 =	vadd.f32 v15, v0;
	[tilespmem:s1+$0x81D0] =	vst v4;
	v4 =	vadd.f32 v18, v2;
	v19 =	vbroadcast v18, $0xF;
	v20, _, _ =	vpop (xrf2)  }
0x12c: {  	v3 =	vadd.f32 v17, v3;
	[tilespmem:s1+$0x8060] =	vst v5;
	v5 =	vadd.f32 v20, v1;
	v21 =	vbroadcast v20, $0xF;
	v22, _, _ =	vpop (xrf2)  }
0x12d: {  	[tilespmem:s1+$0x80E0] =	vst v4;
	v2 =	vadd.f32 v19, v2;
	v4 =	vadd.f32 v22, v0;
	v23 =	vbroadcast v22, $0xF;
	v24, _, _ =	vpop (xrf2)  }
0x12e: {  	[tilespmem:s1+$0x8160] =	vst v5;
	v1 =	vadd.f32 v21, v1;
	v5 =	vadd.f32 v24, v3;
	v25, _, _ =	vpop (xrf2)  }
0x12f: {  	[tilespmem:s1+$0x81E0] =	vst v4;
	v0 =	vadd.f32 v23, v0;
	v4 =	vadd.f32 v25, v2;
	v26, _, _ =	vpop (xrf2)  }
0x130: {  	[tilespmem:s1+$0x8070] =	vst v5;
	v5 =	vadd.f32 v26, v1;
	v27, _, _ =	vpop (xrf2)  }
0x131: {  	[tilespmem:s1+$0x80F0] =	vst v4;
	v4 =	vadd.f32 v27, v0  }
0x132: {  	s0 =	rddreg [dreg:$0x7];
	[tilespmem:s1+$0x8170] =	vst v5  }
0x133: {  	s5 =	rddreg [dreg:$0x8];
	s31 =	sadd.s32 $0x10200, s1;
	s0 =	sadd.s32 s30, s0;
	[tilespmem:s1+$0x81F0] =	vst v4  }
0x134: {  	[tilespmem:s31], [sflag:$0x1] =	stream.linear.gather [hbm4b:s0+s4], $0x80, $0x38;
	[tilespmem:$0x18000] =	vst v63  }
0x135: {  	s5 =	sadd.s32 s30, s5;
	s0 =	sadd.s32 $0x10280, s1;
	s31 =	rddreg [dreg:$0x9]  }
0x136: {  	[tilespmem:s0], [sflag:$0x1] =	stream.linear.gather [hbm4b:s5+s4], $0x80, $0x38;
	[tilespmem:$0x18000] =	vst v63  }
0x137: {  	s31 =	sadd.s32 s30, s31;
	s0 =	rddreg [dreg:$0xa];
	s5 =	sadd.s32 $0x10300, s1  }
0x138: {  	[tilespmem:s5], [sflag:$0x1] =	stream.linear.gather [hbm4b:s31+s4], $0x80, $0x38;
	[tilespmem:$0x18000] =	vst v63  }
0x139: {  	s0 =	sadd.s32 s30, s0;
	s5 =	sadd.s32 $0x10380, s1;
	s31 =	rddreg [dreg:$0x3]  }
0x13a: {  	[tilespmem:s5], [sflag:$0x1] =	stream.linear.gather [hbm4b:s0+s4], $0x80, $0x38;
	[tilespmem:$0x18000] =	vst v63  }
0x13b: {  	s0 =	rddreg [dreg:$0x4];
	s5 =	sadd.s32 s30, s31;
	s31 =	sadd.s32 $0x200, s1  }
0x13c: {  	[hbm4b:s5+s4] =	stream.linear.scatter [tilespmem:s31], [sflag:$0x2], $0x80, $0x38;
	[tilespmem:$0x18000] =	vst v63  }
0x13d: {  	s0 =	sadd.s32 s30, s0;
	s5 =	sadd.s32 $0x280, s1;
	s31 =	rddreg [dreg:$0x5]  }
0x13e: {  	[hbm4b:s0+s4] =	stream.linear.scatter [tilespmem:s5], [sflag:$0x2], $0x80, $0x38;
	[tilespmem:$0x18000] =	vst v63  }
0x13f: {  	s0 =	rddreg [dreg:$0x6];
	s5 =	sadd.s32 s30, s31;
	s31 =	sadd.s32 $0x300, s1  }
0x140: {  	[hbm4b:s5+s4] =	stream.linear.scatter [tilespmem:s31], [sflag:$0x2], $0x80, $0x38;
	[tilespmem:$0x18000] =	vst v63  }
0x141: {  	s0 =	sadd.s32 s30, s0;
	s31 =	sadd.s32 $0x380, s1  }
0x142: {  	[hbm4b:s0+s4] =	stream.linear.scatter [tilespmem:s31], [sflag:$0x2], $0x80, $0x38;
	[tilespmem:$0x18000] =	vst v63  }
0x143: {  	v4 =	vld [tilespmem:s1+$0x8200]  }
0x144: {  	v5 =	vld [tilespmem:s1+$0x8280];
	_ =	sdelay $0x1  }
0x145: {  	v28 =	vld [tilespmem:s1+$0x8300];
	_ =	sdelay $0x1  }
0x146: {  	v29 =	vld [tilespmem:s1+$0x8380];
	(xrf2) =	vadd.scan.msk.f32 $0xffff, v4  }
0x147: {  	v4 =	vld [tilespmem:s1+$0x8210];
	(xrf2) =	vadd.scan.msk.f32 $0xffff, v5  }
0x148: {  	v5 =	vld [tilespmem:s1+$0x8290]  }
0x149: {  	(xrf2) =	vadd.scan.msk.f32 $0xffff, v28  }
0x14a: {  	v30 =	vld [tilespmem:s1+$0x8310]  }
0x14b: {  	v31 =	vld [tilespmem:s1+$0x8390];
	(xrf2) =	vadd.scan.msk.f32 $0xffff, v29  }
0x14c: {  	(xrf2) =	vadd.scan.msk.f32 $0xffff, v4;
	v4 =	vld [tilespmem:s1+$0x8220]  }
0x14d: {  	(xrf2) =	vadd.scan.msk.f32 $0xffff, v5;
	v5 =	vld [tilespmem:s1+$0x82A0]  }
0x14e: {  	v6 =	vbroadcast v25, $0xF  }
0x14f: {  	(xrf2) =	vadd.scan.msk.f32 $0xffff, v30  }
0x150: {  	v2 =	vadd.f32 v6, v2;
	(xrf2) =	vadd.scan.msk.f32 $0xffff, v31;
	v33, _, _ =	vpop (xrf2)  }
0x151: {  	v32 =	vld [tilespmem:s1+$0x8320];
	(xrf2) =	vadd.scan.msk.f32 $0xffff, v4;
	v38, _, _ =	vpop (xrf2)  }
0x152: {  	v8 =	vbroadcast v24, $0xF;
	v34 =	vld [tilespmem:s1+$0x83A0];
	(xrf2) =	vadd.scan.msk.f32 $0xffff, v5;
	v5 =	vadd.f32 v38, v2  }
0x153: {  	v7 =	vbroadcast v26, $0xF;
	v35 =	vbroadcast v27, $0xF;
	v4 =	vld [tilespmem:s1+$0x8230];
	v39, _, _ =	vpop (xrf2)  }
0x154: {  	v3 =	vadd.f32 v8, v3;
	v37 =	vbroadcast v33, $0xF;
	[tilespmem:s1+$0x8280] =	vst v5;
	v5 =	vbroadcast v39, $0xF  }
0x155: {  	v1 =	vadd.f32 v7, v1;
	v0 =	vadd.f32 v35, v0;
	v41 =	vbroadcast v38, $0xF  }
0x156: {  	v40 =	vld [tilespmem:s1+$0x82B0];
	v36 =	vadd.f32 v33, v3;
	v3 =	vadd.f32 v37, v3;
	v43, _, _ =	vpop (xrf2);
	(xrf2) =	vadd.scan.msk.f32 $0xffff, v32  }
0x157: {  	v44 =	vld [tilespmem:s1+$0x8330];
	v42 =	vadd.f32 v39, v1;
	(xrf2) =	vadd.scan.msk.f32 $0xffff, v34;
	v2 =	vadd.f32 v41, v2;
	v48, _, _ =	vpop (xrf2)  }
0x158: {  	v46 =	vld [tilespmem:s1+$0x83B0];
	(xrf2) =	vadd.scan.msk.f32 $0xffff, v4;
	v1 =	vadd.f32 v5, v1;
	v4 =	vadd.f32 v48, v3;
	v5, _, _ =	vpop (xrf2)  }
0x159: {  	v49 =	vld [tilespmem:s1+$0x8240];
	[tilespmem:s1+$0x8200] =	vst v36;
	v45 =	vadd.f32 v43, v0;
	v47 =	vbroadcast v43, $0xF;
	v52, _, _ =	vpop (xrf2)  }
0x15a: {  	v53 =	vld [tilespmem:s1+$0x82C0];
	[tilespmem:s1+$0x8210] =	vst v4;
	v51 =	vadd.f32 v5, v2;
	v4 =	vbroadcast v5, $0xF;
	v5 =	vadd.f32 v52, v1  }
0x15b: {  	v54 =	vld [tilespmem:s1+$0x8340];
	[tilespmem:s1+$0x8300] =	vst v42;
	v50 =	vbroadcast v48, $0xF;
	(xrf2) =	vadd.scan.msk.f32 $0xffff, v40  }
0x15c: {  	v57 =	vld [tilespmem:s1+$0x83C0];
	[tilespmem:s1+$0x8380] =	vst v45;
	v0 =	vadd.f32 v47, v0;
	(xrf2) =	vadd.scan.msk.f32 $0xffff, v44  }
0x15d: {  	v3 =	vadd.f32 v50, v3;
	(xrf2) =	vadd.scan.msk.f32 $0xffff, v46;
	v55 =	vbroadcast v52, $0xF;
	v56, _, _ =	vpop (xrf2);
	[tilespmem:s1+$0x8290] =	vst v51  }
0x15e: {  	v61 =	vld [tilespmem:s1+$0x8250];
	(xrf2) =	vadd.scan.msk.f32 $0xffff, v49;
	v2 =	vadd.f32 v4, v2;
	v4 =	vadd.f32 v56, v0;
	[tilespmem:s1+$0x8310] =	vst v5;
	v5, _, _ =	vpop (xrf2)  }
0x15f: {  	v62 =	vld [tilespmem:s1+$0x82D0];
	v58 =	vbroadcast v56, $0xF;
	v1 =	vadd.f32 v55, v1;
	(xrf2) =	vadd.scan.msk.f32 $0xffff, v53;
	v59 =	vadd.f32 v5, v3;
	v60, _, _ =	vpop (xrf2)  }
0x160: {  	v17 =	vld [tilespmem:s1+$0x8350];
	[tilespmem:s1+$0x8390] =	vst v4;
	v4 =	vbroadcast v5, $0xF;
	(xrf2) =	vadd.scan.msk.f32 $0xffff, v54;
	v5 =	vadd.f32 v60, v2  }
0x161: {  	v0 =	vadd.f32 v58, v0;
	v63 =	vbroadcast v60, $0xF;
	v16, _, _ =	vpop (xrf2);
	(xrf2) =	vadd.scan.msk.f32 $0xffff, v57;
	[tilespmem:s1+$0x8220] =	vst v59  }
0x162: {  	v19 =	vld [tilespmem:s1+$0x83D0];
	v3 =	vadd.f32 v4, v3;
	v4 =	vadd.f32 v16, v1;
	v18, _, _ =	vpop (xrf2);
	[tilespmem:s1+$0x82A0] =	vst v5;
	v5 =	vbroadcast v16, $0xF  }
0x163: {  	v22 =	vld [tilespmem:s1+$0x8260];
	(xrf2) =	vadd.scan.msk.f32 $0xffff, v61;
	v2 =	vadd.f32 v63, v2;
	v20 =	vadd.f32 v18, v0;
	v10 =	vbroadcast v18, $0xF;
	v21, _, _ =	vpop (xrf2)  }
0x164: {  	(xrf2) =	vadd.scan.msk.f32 $0xffff, v62;
	[tilespmem:s1+$0x8320] =	vst v4;
	v4 =	vadd.f32 v21, v3;
	v1 =	vadd.f32 v5, v1;
	v5 =	vld [tilespmem:s1+$0x82E0]  }
0x165: {  	v25 =	vld [tilespmem:s1+$0x8360];
	v23 =	vbroadcast v21, $0xF;
	v24, _, _ =	vpop (xrf2);
	(xrf2) =	vadd.scan.msk.f32 $0xffff, v17;
	[tilespmem:s1+$0x83A0] =	vst v20  }
0x166: {  	v27 =	vld [tilespmem:s1+$0x83E0];
	v0 =	vadd.f32 v10, v0;
	v7 =	vbroadcast v24, $0xF;
	v26, _, _ =	vpop (xrf2);
	[tilespmem:s1+$0x8230] =	vst v4;
	v4 =	vadd.f32 v24, v2  }
0x167: {  	v30 =	vld [tilespmem:s1+$0x8270];
	(xrf2) =	vadd.scan.msk.f32 $0xffff, v19;
	v3 =	vadd.f32 v23, v3;
	v10 =	vbroadcast v26, $0xF;
	v29, _, _ =	vpop (xrf2);
	v28 =	vadd.f32 v26, v1  }
0x168: {  	v31 =	vld [tilespmem:s1+$0x82F0];
	(xrf2) =	vadd.scan.msk.f32 $0xffff, v22;
	v2 =	vadd.f32 v7, v2;
	[tilespmem:s1+$0x82B0] =	vst v4;
	v4 =	vadd.f32 v29, v0  }
0x169: {  	v32 =	vbroadcast v29, $0xF;
	v33, _, _ =	vpop (xrf2);
	v1 =	vadd.f32 v10, v1;
	[tilespmem:s1+$0x8330] =	vst v28;
	(xrf2) =	vadd.scan.msk.f32 $0xffff, v5;
	v5 =	vld [tilespmem:s1+$0x8370]  }
0x16a: {  	v35 =	vld [tilespmem:s1+$0x83F0];
	v10 =	vbroadcast v33, $0xF;
	v34, _, _ =	vpop (xrf2);
	[tilespmem:s1+$0x83B0] =	vst v4;
	v4 =	vadd.f32 v33, v3;
	(xrf2) =	vadd.scan.msk.f32 $0xffff, v25  }
0x16b: {  	v0 =	vadd.f32 v32, v0;
	v36 =	vadd.f32 v34, v2;
	v11 =	vbroadcast v34, $0xF;
	v37, _, _ =	vpop (xrf2);
	(xrf2) =	vadd.scan.msk.f32 $0xffff, v27  }
0x16c: {  	v3 =	vadd.f32 v10, v3;
	[tilespmem:s1+$0x8240] =	vst v4;
	v4 =	vadd.f32 v37, v1;
	(xrf2) =	vadd.scan.msk.f32 $0xffff, v30  }
0x16d: {  	v38 =	vbroadcast v37, $0xF;
	v39, _, _ =	vpop (xrf2);
	[tilespmem:s1+$0x82C0] =	vst v36;
	v2 =	vadd.f32 v11, v2;
	(xrf2) =	vadd.scan.msk.f32 $0xffff, v31  }
0x16e: {  	v40 =	vbroadcast v39, $0xF;
	v41, _, _ =	vpop (xrf2);
	[tilespmem:s1+$0x8340] =	vst v4;
	v4 =	vadd.f32 v39, v0;
	(xrf2) =	vadd.scan.msk.f32 $0xffff, v5  }
0x16f: {  	v1 =	vadd.f32 v38, v1;
	v42 =	vbroadcast v41, $0xF;
	v43, _, _ =	vpop (xrf2);
	v5 =	vadd.f32 v41, v3;
	(xrf2) =	vadd.scan.msk.f32 $0xffff, v35  }
0x170: {  	v44, _, _ =	vpop (xrf2);
	v0 =	vadd.f32 v40, v0;
	v45 =	vbroadcast v43, $0xF;
	[tilespmem:s1+$0x83C0] =	vst v4;
	v4 =	vadd.f32 v43, v2  }
0x171: {  	v46, _, _ =	vpop (xrf2);
	v3 =	vadd.f32 v42, v3;
	v47 =	vbroadcast v44, $0xF;
	[tilespmem:s1+$0x8250] =	vst v5;
	v5 =	vadd.f32 v44, v1  }
0x172: {  	v48, _, _ =	vpop (xrf2);
	v2 =	vadd.f32 v45, v2;
	v49 =	vbroadcast v46, $0xF;
	[tilespmem:s1+$0x82D0] =	vst v4;
	v4 =	vadd.f32 v46, v0  }
0x173: {  	v1 =	vadd.f32 v47, v1;
	v51 =	vbroadcast v48, $0xF;
	[tilespmem:s1+$0x8350] =	vst v5;
	v5 =	vadd.f32 v48, v3;
	v50, _, _ =	vpop (xrf2)  }
0x174: {  	v0 =	vadd.f32 v49, v0;
	[tilespmem:s1+$0x83D0] =	vst v4;
	v52, _, _ =	vpop (xrf2);
	v4 =	vadd.f32 v50, v2;
	v53 =	vbroadcast v50, $0xF  }
0x175: {  	v3 =	vadd.f32 v51, v3;
	[tilespmem:s1+$0x8260] =	vst v5;
	v54, _, _ =	vpop (xrf2);
	v5 =	vadd.f32 v52, v1;
	v55 =	vbroadcast v52, $0xF  }
0x176: {  	s3 =	sadd.s32 $0x10, s3;
	v56, _, _ =	vpop (xrf2);
	[tilespmem:s1+$0x82E0] =	vst v4;
	v2 =	vadd.f32 v53, v2;
	v4 =	vadd.f32 v54, v0;
	v57 =	vbroadcast v54, $0xF  }
0x177: {  	p0 =	slt.u32 s3, $0x1F0;
	v58, _, _ =	vpop (xrf2);
	[tilespmem:s1+$0x8360] =	vst v5;
	v1 =	vadd.f32 v55, v1;
	v5 =	vadd.f32 v56, v3  }
.Ltmp5:
0x178: {  	v59, _, _ =	vpop (xrf2);
	[tilespmem:s1+$0x83E0] =	vst v4;
	v0 =	vadd.f32 v57, v0;
	v4 =	vadd.f32 v58, v2;
	(pc) =	sbr.rel @p0 .LBB2_12-.Ltmp5, $4  }
0x179: {  	v60 =	vbroadcast v58, $0xF;
	[tilespmem:s1+$0x8270] =	vst v5;
	v5 =	vbroadcast v56, $0xF;
	v61 =	vadd.f32 v59, v1;
	v62, _, _ =	vpop (xrf2)  }
0x17a: {  	[tilespmem:s1+$0x82F0] =	vst v4;
	v4 =	vbroadcast v59, $0xF;
	v63 =	vadd.f32 v62, v0;
	v9 =	vbroadcast v62, $0xF  }
0x17b: {  	v2 =	vadd.f32 v60, v2;
	v3 =	vadd.f32 v5, v3;
	[tilespmem:s1+$0x8370] =	vst v61  }
0x17c: {  	s2 =	sadd.s32 $0x1000, s2;
	s30 =	sadd.s32 $0x100, s30;
	v1 =	vadd.f32 v4, v1;
	[tilespmem:s1+$0x83F0] =	vst v63;
	v0 =	vadd.f32 v9, v0  }
0x17d: {  	s0 =	simm.s32 $0x1  }
0x17e: {  	_ =	swait.ge [sflag:s0], $0x8000  }
0x17f: {  	[sflag:s0] =	ssyncset.done $0x0  }
0x180: {  	s31 =	simm.s32 $0x2;
	[sflag:s0] =	ssyncadd.s32 $0xFFFF8000  }
0x181: {  	_ =	swait.ge [sflag:s31], $0x8000  }
0x182: {  	s3 =	simm.s32 $0xFFFFFFF0;
	[sflag:s31] =	ssyncset.done $0x0  }
0x183: {  	s2 =	simm.s32 $0x0;
	s30 =	simm.s32 $0x0;
	[sflag:s31] =	ssyncadd.s32 $0xFFFF8000  }
.LBB2_14:
0x184: {  	s0 =	rddreg [dreg:$0x16]  }
0x185: {  	s5 =	rddreg [dreg:$0x15];
	s1 =	sshra.s32 s30, $0x2;
	s0 =	sadd.s32 s2, s0  }
0x186: {  	[tilespmem:s1], [sflag:$0x1] =	stream.linear.gather [hbm4b:s0+s4], $0x80, $0x38;
	[tilespmem:$0x18000] =	vst v63  }
0x187: {  	s31 =	rddreg [dreg:$0x14];
	s5 =	sadd.s32 s2, s5;
	s0 =	sadd.s32 $0x80, s1  }
0x188: {  	[tilespmem:s0], [sflag:$0x1] =	stream.linear.gather [hbm4b:s5+s4], $0x80, $0x38;
	[tilespmem:$0x18000] =	vst v63  }
0x189: {  	s31 =	sadd.s32 s2, s31;
	s0 =	rddreg [dreg:$0x13];
	s5 =	sadd.s32 $0x100, s1  }
0x18a: {  	[tilespmem:s5], [sflag:$0x1] =	stream.linear.gather [hbm4b:s31+s4], $0x80, $0x38;
	[tilespmem:$0x18000] =	vst v63  }
0x18b: {  	s31 =	sld [smem:$0x7FB]  }
0x18c: {  	s0 =	sadd.s32 s2, s0;
	s5 =	sadd.s32 $0x180, s1  }
0x18d: {  	[tilespmem:s5], [sflag:$0x1] =	stream.linear.gather [hbm4b:s0+s4], $0x80, $0x38;
	[tilespmem:$0x18000] =	vst v63  }
0x18e: {  	s0 =	sld [smem:$0x7FA];
	s5 =	sadd.s32 s2, s31;
	s31 =	sadd.s32 $0x8000, s1  }
0x18f: {  	[hbm4b:s5+s4] =	stream.linear.scatter [tilespmem:s31], [sflag:$0x2], $0x80, $0x38;
	[tilespmem:$0x18000] =	vst v63  }
0x190: {  	s31 =	sld [smem:$0x7F9]  }
0x191: {  	s5 =	sadd.s32 $0x8080, s1;
	s0 =	sadd.s32 s2, s0  }
0x192: {  	[hbm4b:s0+s4] =	stream.linear.scatter [tilespmem:s5], [sflag:$0x2], $0x80, $0x38;
	[tilespmem:$0x18000] =	vst v63  }
0x193: {  	s0 =	rddreg [dreg:$0x1f];
	s5 =	sadd.s32 s2, s31;
	s31 =	sadd.s32 $0x8100, s1  }
0x194: {  	[hbm4b:s5+s4] =	stream.linear.scatter [tilespmem:s31], [sflag:$0x2], $0x80, $0x38;
	[tilespmem:$0x18000] =	vst v63  }
0x195: {  	s0 =	sadd.s32 s2, s0;
	s31 =	sadd.s32 $0x8180, s1  }
0x196: {  	[hbm4b:s0+s4] =	stream.linear.scatter [tilespmem:s31], [sflag:$0x2], $0x80, $0x38;
	[tilespmem:$0x18000] =	vst v63  }
0x197: {  	v4 =	vld [tilespmem:s1+$0x10000]  }
0x198: {  	v5 =	vld [tilespmem:s1+$0x10080];
	_ =	sdelay $0x1  }
0x199: {  	v6 =	vld [tilespmem:s1+$0x10100];
	_ =	sdelay $0x1  }
0x19a: {  	v7 =	vld [tilespmem:s1+$0x10180];
	(xrf2) =	vadd.scan.msk.f32 $0xffff, v4  }
0x19b: {  	v4 =	vld [tilespmem:s1+$0x10010];
	(xrf2) =	vadd.scan.msk.f32 $0xffff, v5  }
0x19c: {  	v5 =	vld [tilespmem:s1+$0x10090]  }
0x19d: {  	(xrf2) =	vadd.scan.msk.f32 $0xffff, v6  }
0x19e: {  	v57 =	vld [tilespmem:s1+$0x10110]  }
0x19f: {  	v58 =	vld [tilespmem:s1+$0x10190];
	(xrf2) =	vadd.scan.msk.f32 $0xffff, v7  }
0x1a0: {  	(xrf2) =	vadd.scan.msk.f32 $0xffff, v4;
	v4 =	vld [tilespmem:s1+$0x10020]  }
0x1a1: {  	(xrf2) =	vadd.scan.msk.f32 $0xffff, v5;
	v5 =	vld [tilespmem:s1+$0x100A0];
	_ =	sdelay $0x1  }
0x1a2: {  	(xrf2) =	vadd.scan.msk.f32 $0xffff, v57  }
0x1a3: {  	v8, _, _ =	vpop (xrf2);
	(xrf2) =	vadd.scan.msk.f32 $0xffff, v58  }
0x1a4: {  	v59 =	vld [tilespmem:s1+$0x10120];
	(xrf2) =	vadd.scan.msk.f32 $0xffff, v4;
	v10, _, _ =	vpop (xrf2)  }
0x1a5: {  	v60 =	vld [tilespmem:s1+$0x101A0];
	(xrf2) =	vadd.scan.msk.f32 $0xffff, v5;
	v5 =	vadd.f32 v10, v2  }
0x1a6: {  	v4 =	vld [tilespmem:s1+$0x10030];
	v61, _, _ =	vpop (xrf2)  }
0x1a7: {  	v9 =	vadd.f32 v8, v3;
	v8 =	vbroadcast v8, $0xF;
	[tilespmem:s1+$0x10080] =	vst v5;
	v5 =	vbroadcast v61, $0xF  }
0x1a8: {  	v62 =	vbroadcast v10, $0xF  }
0x1a9: {  	v11 =	vld [tilespmem:s1+$0x100B0];
	v3 =	vadd.f32 v8, v3;
	v12, _, _ =	vpop (xrf2);
	(xrf2) =	vadd.scan.msk.f32 $0xffff, v59  }
0x1aa: {  	v16 =	vld [tilespmem:s1+$0x10130];
	v63 =	vadd.f32 v61, v1;
	(xrf2) =	vadd.scan.msk.f32 $0xffff, v60;
	v2 =	vadd.f32 v62, v2;
	v20, _, _ =	vpop (xrf2)  }
0x1ab: {  	v18 =	vld [tilespmem:s1+$0x101B0];
	(xrf2) =	vadd.scan.msk.f32 $0xffff, v4;
	v1 =	vadd.f32 v5, v1;
	v4 =	vadd.f32 v20, v3;
	v5, _, _ =	vpop (xrf2)  }
0x1ac: {  	v21 =	vld [tilespmem:s1+$0x10040];
	v19 =	vbroadcast v12, $0xF;
	v24, _, _ =	vpop (xrf2)  }
0x1ad: {  	[tilespmem:s1+$0x10010] =	vst v4;
	v23 =	vadd.f32 v5, v2;
	v4 =	vbroadcast v5, $0xF;
	v5 =	vadd.f32 v24, v1  }
0x1ae: {  	v25 =	vld [tilespmem:s1+$0x100C0];
	[tilespmem:s1+$0x10000] =	vst v9;
	v17 =	vadd.f32 v12, v0;
	v22 =	vbroadcast v20, $0xF;
	(xrf2) =	vadd.scan.msk.f32 $0xffff, v11  }
0x1af: {  	v26 =	vld [tilespmem:s1+$0x10140];
	[tilespmem:s1+$0x10100] =	vst v63;
	v0 =	vadd.f32 v19, v0;
	(xrf2) =	vadd.scan.msk.f32 $0xffff, v16  }
0x1b0: {  	[tilespmem:s1+$0x10180] =	vst v17;
	v3 =	vadd.f32 v22, v3;
	(xrf2) =	vadd.scan.msk.f32 $0xffff, v18;
	v27 =	vbroadcast v24, $0xF;
	v28, _, _ =	vpop (xrf2)  }
0x1b1: {  	v29 =	vld [tilespmem:s1+$0x101C0];
	(xrf2) =	vadd.scan.msk.f32 $0xffff, v21;
	v2 =	vadd.f32 v4, v2;
	v4 =	vadd.f32 v28, v0;
	[tilespmem:s1+$0x10110] =	vst v5;
	v5, _, _ =	vpop (xrf2)  }
0x1b2: {  	v33 =	vld [tilespmem:s1+$0x10050];
	[tilespmem:s1+$0x10090] =	vst v23;
	v30 =	vbroadcast v28, $0xF;
	v1 =	vadd.f32 v27, v1;
	v31 =	vadd.f32 v5, v3;
	v32, _, _ =	vpop (xrf2)  }
0x1b3: {  	v34 =	vld [tilespmem:s1+$0x100D0];
	[tilespmem:s1+$0x10190] =	vst v4;
	v4 =	vbroadcast v5, $0xF;
	(xrf2) =	vadd.scan.msk.f32 $0xffff, v25;
	v5 =	vadd.f32 v32, v2  }
0x1b4: {  	v37 =	vld [tilespmem:s1+$0x10150];
	v0 =	vadd.f32 v30, v0;
	v35 =	vbroadcast v32, $0xF;
	v36, _, _ =	vpop (xrf2);
	(xrf2) =	vadd.scan.msk.f32 $0xffff, v26;
	[tilespmem:s1+$0x10020] =	vst v31  }
0x1b5: {  	v39 =	vld [tilespmem:s1+$0x101D0];
	v3 =	vadd.f32 v4, v3;
	v4 =	vadd.f32 v36, v1;
	v38, _, _ =	vpop (xrf2);
	[tilespmem:s1+$0x100A0] =	vst v5;
	v5 =	vbroadcast v36, $0xF  }
0x1b6: {  	v41 =	vld [tilespmem:s1+$0x10060];
	(xrf2) =	vadd.scan.msk.f32 $0xffff, v29;
	v2 =	vadd.f32 v35, v2;
	v40 =	vadd.f32 v38, v0;
	v10 =	vbroadcast v38, $0xF;
	v13, _, _ =	vpop (xrf2)  }
0x1b7: {  	(xrf2) =	vadd.scan.msk.f32 $0xffff, v33;
	[tilespmem:s1+$0x10120] =	vst v4;
	v4 =	vadd.f32 v13, v3;
	v1 =	vadd.f32 v5, v1;
	v5 =	vld [tilespmem:s1+$0x100E0]  }
0x1b8: {  	v44 =	vld [tilespmem:s1+$0x10160];
	v42 =	vbroadcast v13, $0xF;
	v43, _, _ =	vpop (xrf2);
	(xrf2) =	vadd.scan.msk.f32 $0xffff, v34;
	[tilespmem:s1+$0x101A0] =	vst v40;
	v0 =	vadd.f32 v10, v0  }
0x1b9: {  	v46 =	vld [tilespmem:s1+$0x101E0];
	v9 =	vbroadcast v43, $0xF;
	v45, _, _ =	vpop (xrf2);
	(xrf2) =	vadd.scan.msk.f32 $0xffff, v37;
	[tilespmem:s1+$0x10030] =	vst v4;
	v4 =	vadd.f32 v43, v2  }
0x1ba: {  	v49 =	vld [tilespmem:s1+$0x10070];
	v3 =	vadd.f32 v42, v3;
	v11 =	vbroadcast v45, $0xF;
	v48, _, _ =	vpop (xrf2);
	(xrf2) =	vadd.scan.msk.f32 $0xffff, v39;
	v47 =	vadd.f32 v45, v1  }
0x1bb: {  	v50 =	vld [tilespmem:s1+$0x100F0];
	v2 =	vadd.f32 v9, v2;
	(xrf2) =	vadd.scan.msk.f32 $0xffff, v41;
	[tilespmem:s1+$0x100B0] =	vst v4;
	v4 =	vadd.f32 v48, v0  }
0x1bc: {  	v51 =	vbroadcast v48, $0xF;
	v52, _, _ =	vpop (xrf2);
	v1 =	vadd.f32 v11, v1;
	[tilespmem:s1+$0x10130] =	vst v47;
	(xrf2) =	vadd.scan.msk.f32 $0xffff, v5;
	v5 =	vld [tilespmem:s1+$0x10170]  }
0x1bd: {  	v54 =	vld [tilespmem:s1+$0x101F0];
	v9 =	vbroadcast v52, $0xF;
	[tilespmem:s1+$0x101B0] =	vst v4;
	v4 =	vadd.f32 v52, v3;
	v53, _, _ =	vpop (xrf2);
	(xrf2) =	vadd.scan.msk.f32 $0xffff, v44  }
0x1be: {  	v0 =	vadd.f32 v51, v0;
	v55 =	vadd.f32 v53, v2;
	v11 =	vbroadcast v53, $0xF;
	v56, _, _ =	vpop (xrf2);
	(xrf2) =	vadd.scan.msk.f32 $0xffff, v46  }
0x1bf: {  	v3 =	vadd.f32 v9, v3;
	[tilespmem:s1+$0x10040] =	vst v4;
	v4 =	vadd.f32 v56, v1;
	(xrf2) =	vadd.scan.msk.f32 $0xffff, v49  }
0x1c0: {  	v57 =	vbroadcast v56, $0xF;
	v58, _, _ =	vpop (xrf2);
	[tilespmem:s1+$0x100C0] =	vst v55;
	v2 =	vadd.f32 v11, v2;
	(xrf2) =	vadd.scan.msk.f32 $0xffff, v50  }
0x1c1: {  	v59 =	vbroadcast v58, $0xF;
	v60, _, _ =	vpop (xrf2);
	[tilespmem:s1+$0x10140] =	vst v4;
	v4 =	vadd.f32 v58, v0;
	(xrf2) =	vadd.scan.msk.f32 $0xffff, v5  }
0x1c2: {  	v1 =	vadd.f32 v57, v1;
	v61 =	vbroadcast v60, $0xF;
	v62, _, _ =	vpop (xrf2);
	v5 =	vadd.f32 v60, v3;
	(xrf2) =	vadd.scan.msk.f32 $0xffff, v54  }
0x1c3: {  	v0 =	vadd.f32 v59, v0;
	v63 =	vbroadcast v62, $0xF;
	v12, _, _ =	vpop (xrf2);
	[tilespmem:s1+$0x101C0] =	vst v4;
	v4 =	vadd.f32 v62, v2  }
0x1c4: {  	v3 =	vadd.f32 v61, v3;
	v13 =	vbroadcast v12, $0xF;
	v14, _, _ =	vpop (xrf2);
	[tilespmem:s1+$0x10050] =	vst v5;
	v5 =	vadd.f32 v12, v1  }
0x1c5: {  	v2 =	vadd.f32 v63, v2;
	v15 =	vbroadcast v14, $0xF;
	v16, _, _ =	vpop (xrf2);
	[tilespmem:s1+$0x100D0] =	vst v4;
	v4 =	vadd.f32 v14, v0  }
0x1c6: {  	v1 =	vadd.f32 v13, v1;
	v17 =	vbroadcast v16, $0xF;
	[tilespmem:s1+$0x10150] =	vst v5;
	v5 =	vadd.f32 v16, v3;
	v18, _, _ =	vpop (xrf2)  }
0x1c7: {  	v0 =	vadd.f32 v15, v0;
	[tilespmem:s1+$0x101D0] =	vst v4;
	v4 =	vadd.f32 v18, v2;
	v19 =	vbroadcast v18, $0xF;
	v20, _, _ =	vpop (xrf2)  }
0x1c8: {  	v3 =	vadd.f32 v17, v3;
	[tilespmem:s1+$0x10060] =	vst v5;
	v5 =	vadd.f32 v20, v1;
	v21 =	vbroadcast v20, $0xF;
	v22, _, _ =	vpop (xrf2)  }
0x1c9: {  	[tilespmem:s1+$0x100E0] =	vst v4;
	v2 =	vadd.f32 v19, v2;
	v4 =	vadd.f32 v22, v0;
	v23 =	vbroadcast v22, $0xF;
	v24, _, _ =	vpop (xrf2)  }
0x1ca: {  	[tilespmem:s1+$0x10160] =	vst v5;
	v1 =	vadd.f32 v21, v1;
	v5 =	vadd.f32 v24, v3;
	v25, _, _ =	vpop (xrf2)  }
0x1cb: {  	[tilespmem:s1+$0x101E0] =	vst v4;
	v0 =	vadd.f32 v23, v0;
	v4 =	vadd.f32 v25, v2;
	v26, _, _ =	vpop (xrf2)  }
0x1cc: {  	[tilespmem:s1+$0x10070] =	vst v5;
	v5 =	vadd.f32 v26, v1;
	v27, _, _ =	vpop (xrf2)  }
0x1cd: {  	[tilespmem:s1+$0x100F0] =	vst v4;
	v4 =	vadd.f32 v27, v0  }
0x1ce: {  	s0 =	rddreg [dreg:$0x1b];
	[tilespmem:s1+$0x10170] =	vst v5  }
0x1cf: {  	s5 =	rddreg [dreg:$0x1c];
	s31 =	sadd.s32 $0x200, s1;
	s0 =	sadd.s32 s2, s0;
	[tilespmem:s1+$0x101F0] =	vst v4  }
0x1d0: {  	[tilespmem:s31], [sflag:$0x1] =	stream.linear.gather [hbm4b:s0+s4], $0x80, $0x38;
	[tilespmem:$0x18000] =	vst v63  }
0x1d1: {  	s5 =	sadd.s32 s2, s5;
	s0 =	sadd.s32 $0x280, s1;
	s31 =	rddreg [dreg:$0x1d]  }
0x1d2: {  	[tilespmem:s0], [sflag:$0x1] =	stream.linear.gather [hbm4b:s5+s4], $0x80, $0x38;
	[tilespmem:$0x18000] =	vst v63  }
0x1d3: {  	s31 =	sadd.s32 s2, s31;
	s0 =	rddreg [dreg:$0x1e];
	s5 =	sadd.s32 $0x300, s1  }
0x1d4: {  	[tilespmem:s5], [sflag:$0x1] =	stream.linear.gather [hbm4b:s31+s4], $0x80, $0x38;
	[tilespmem:$0x18000] =	vst v63  }
0x1d5: {  	s0 =	sadd.s32 s2, s0;
	s5 =	sadd.s32 $0x380, s1;
	s31 =	rddreg [dreg:$0x17]  }
0x1d6: {  	[tilespmem:s5], [sflag:$0x1] =	stream.linear.gather [hbm4b:s0+s4], $0x80, $0x38;
	[tilespmem:$0x18000] =	vst v63  }
0x1d7: {  	s0 =	rddreg [dreg:$0x18];
	s5 =	sadd.s32 s2, s31;
	s31 =	sadd.s32 $0x8200, s1  }
0x1d8: {  	[hbm4b:s5+s4] =	stream.linear.scatter [tilespmem:s31], [sflag:$0x2], $0x80, $0x38;
	[tilespmem:$0x18000] =	vst v63  }
0x1d9: {  	s0 =	sadd.s32 s2, s0;
	s5 =	sadd.s32 $0x8280, s1;
	s31 =	rddreg [dreg:$0x19]  }
0x1da: {  	[hbm4b:s0+s4] =	stream.linear.scatter [tilespmem:s5], [sflag:$0x2], $0x80, $0x38;
	[tilespmem:$0x18000] =	vst v63  }
0x1db: {  	s0 =	rddreg [dreg:$0x1a];
	s5 =	sadd.s32 s2, s31;
	s31 =	sadd.s32 $0x8300, s1  }
0x1dc: {  	[hbm4b:s5+s4] =	stream.linear.scatter [tilespmem:s31], [sflag:$0x2], $0x80, $0x38;
	[tilespmem:$0x18000] =	vst v63  }
0x1dd: {  	s0 =	sadd.s32 s2, s0;
	s31 =	sadd.s32 $0x8380, s1  }
0x1de: {  	[hbm4b:s0+s4] =	stream.linear.scatter [tilespmem:s31], [sflag:$0x2], $0x80, $0x38;
	[tilespmem:$0x18000] =	vst v63  }
0x1df: {  	v4 =	vld [tilespmem:s1+$0x10200]  }
0x1e0: {  	v5 =	vld [tilespmem:s1+$0x10280];
	_ =	sdelay $0x1  }
0x1e1: {  	v28 =	vld [tilespmem:s1+$0x10300];
	_ =	sdelay $0x1  }
0x1e2: {  	v29 =	vld [tilespmem:s1+$0x10380];
	(xrf2) =	vadd.scan.msk.f32 $0xffff, v4  }
0x1e3: {  	v4 =	vld [tilespmem:s1+$0x10210];
	(xrf2) =	vadd.scan.msk.f32 $0xffff, v5  }
0x1e4: {  	v5 =	vld [tilespmem:s1+$0x10290]  }
0x1e5: {  	(xrf2) =	vadd.scan.msk.f32 $0xffff, v28  }
0x1e6: {  	v30 =	vld [tilespmem:s1+$0x10310]  }
0x1e7: {  	v31 =	vld [tilespmem:s1+$0x10390];
	(xrf2) =	vadd.scan.msk.f32 $0xffff, v29  }
0x1e8: {  	(xrf2) =	vadd.scan.msk.f32 $0xffff, v4;
	v4 =	vld [tilespmem:s1+$0x10220]  }
0x1e9: {  	(xrf2) =	vadd.scan.msk.f32 $0xffff, v5;
	v5 =	vld [tilespmem:s1+$0x102A0]  }
0x1ea: {  	v6 =	vbroadcast v25, $0xF  }
0x1eb: {  	(xrf2) =	vadd.scan.msk.f32 $0xffff, v30  }
0x1ec: {  	v2 =	vadd.f32 v6, v2;
	(xrf2) =	vadd.scan.msk.f32 $0xffff, v31;
	v33, _, _ =	vpop (xrf2)  }
0x1ed: {  	v32 =	vld [tilespmem:s1+$0x10320];
	(xrf2) =	vadd.scan.msk.f32 $0xffff, v4;
	v38, _, _ =	vpop (xrf2)  }
0x1ee: {  	v8 =	vbroadcast v24, $0xF;
	v34 =	vld [tilespmem:s1+$0x103A0];
	(xrf2) =	vadd.scan.msk.f32 $0xffff, v5;
	v5 =	vadd.f32 v38, v2  }
0x1ef: {  	v7 =	vbroadcast v26, $0xF;
	v35 =	vbroadcast v27, $0xF;
	v4 =	vld [tilespmem:s1+$0x10230];
	v39, _, _ =	vpop (xrf2)  }
0x1f0: {  	v3 =	vadd.f32 v8, v3;
	v37 =	vbroadcast v33, $0xF;
	[tilespmem:s1+$0x10280] =	vst v5;
	v5 =	vbroadcast v39, $0xF  }
0x1f1: {  	v1 =	vadd.f32 v7, v1;
	v0 =	vadd.f32 v35, v0;
	v41 =	vbroadcast v38, $0xF  }
0x1f2: {  	v40 =	vld [tilespmem:s1+$0x102B0];
	v36 =	vadd.f32 v33, v3;
	v3 =	vadd.f32 v37, v3;
	v43, _, _ =	vpop (xrf2);
	(xrf2) =	vadd.scan.msk.f32 $0xffff, v32  }
0x1f3: {  	v44 =	vld [tilespmem:s1+$0x10330];
	v42 =	vadd.f32 v39, v1;
	(xrf2) =	vadd.scan.msk.f32 $0xffff, v34;
	v2 =	vadd.f32 v41, v2;
	v48, _, _ =	vpop (xrf2)  }
0x1f4: {  	v46 =	vld [tilespmem:s1+$0x103B0];
	(xrf2) =	vadd.scan.msk.f32 $0xffff, v4;
	v1 =	vadd.f32 v5, v1;
	v4 =	vadd.f32 v48, v3;
	v5, _, _ =	vpop (xrf2)  }
0x1f5: {  	v49 =	vld [tilespmem:s1+$0x10240];
	[tilespmem:s1+$0x10200] =	vst v36;
	v45 =	vadd.f32 v43, v0;
	v47 =	vbroadcast v43, $0xF;
	v52, _, _ =	vpop (xrf2)  }
0x1f6: {  	v53 =	vld [tilespmem:s1+$0x102C0];
	[tilespmem:s1+$0x10210] =	vst v4;
	v51 =	vadd.f32 v5, v2;
	v4 =	vbroadcast v5, $0xF;
	v5 =	vadd.f32 v52, v1  }
0x1f7: {  	v54 =	vld [tilespmem:s1+$0x10340];
	[tilespmem:s1+$0x10300] =	vst v42;
	v50 =	vbroadcast v48, $0xF;
	(xrf2) =	vadd.scan.msk.f32 $0xffff, v40  }
0x1f8: {  	v57 =	vld [tilespmem:s1+$0x103C0];
	[tilespmem:s1+$0x10380] =	vst v45;
	v0 =	vadd.f32 v47, v0;
	(xrf2) =	vadd.scan.msk.f32 $0xffff, v44  }
0x1f9: {  	v3 =	vadd.f32 v50, v3;
	(xrf2) =	vadd.scan.msk.f32 $0xffff, v46;
	v55 =	vbroadcast v52, $0xF;
	v56, _, _ =	vpop (xrf2);
	[tilespmem:s1+$0x10290] =	vst v51  }
0x1fa: {  	v61 =	vld [tilespmem:s1+$0x10250];
	(xrf2) =	vadd.scan.msk.f32 $0xffff, v49;
	v2 =	vadd.f32 v4, v2;
	v4 =	vadd.f32 v56, v0;
	[tilespmem:s1+$0x10310] =	vst v5;
	v5, _, _ =	vpop (xrf2)  }
0x1fb: {  	v62 =	vld [tilespmem:s1+$0x102D0];
	v58 =	vbroadcast v56, $0xF;
	v1 =	vadd.f32 v55, v1;
	(xrf2) =	vadd.scan.msk.f32 $0xffff, v53;
	v59 =	vadd.f32 v5, v3;
	v60, _, _ =	vpop (xrf2)  }
0x1fc: {  	v17 =	vld [tilespmem:s1+$0x10350];
	[tilespmem:s1+$0x10390] =	vst v4;
	v4 =	vbroadcast v5, $0xF;
	(xrf2) =	vadd.scan.msk.f32 $0xffff, v54;
	v5 =	vadd.f32 v60, v2  }
0x1fd: {  	v0 =	vadd.f32 v58, v0;
	v63 =	vbroadcast v60, $0xF;
	v16, _, _ =	vpop (xrf2);
	(xrf2) =	vadd.scan.msk.f32 $0xffff, v57;
	[tilespmem:s1+$0x10220] =	vst v59  }
0x1fe: {  	v19 =	vld [tilespmem:s1+$0x103D0];
	v3 =	vadd.f32 v4, v3;
	v4 =	vadd.f32 v16, v1;
	v18, _, _ =	vpop (xrf2);
	[tilespmem:s1+$0x102A0] =	vst v5;
	v5 =	vbroadcast v16, $0xF  }
0x1ff: {  	v22 =	vld [tilespmem:s1+$0x10260];
	(xrf2) =	vadd.scan.msk.f32 $0xffff, v61;
	v2 =	vadd.f32 v63, v2;
	v20 =	vadd.f32 v18, v0;
	v10 =	vbroadcast v18, $0xF;
	v21, _, _ =	vpop (xrf2)  }
0x200: {  	(xrf2) =	vadd.scan.msk.f32 $0xffff, v62;
	[tilespmem:s1+$0x10320] =	vst v4;
	v4 =	vadd.f32 v21, v3;
	v1 =	vadd.f32 v5, v1;
	v5 =	vld [tilespmem:s1+$0x102E0]  }
0x201: {  	v25 =	vld [tilespmem:s1+$0x10360];
	v23 =	vbroadcast v21, $0xF;
	v24, _, _ =	vpop (xrf2);
	(xrf2) =	vadd.scan.msk.f32 $0xffff, v17;
	[tilespmem:s1+$0x103A0] =	vst v20  }
0x202: {  	v27 =	vld [tilespmem:s1+$0x103E0];
	v0 =	vadd.f32 v10, v0;
	v7 =	vbroadcast v24, $0xF;
	v26, _, _ =	vpop (xrf2);
	[tilespmem:s1+$0x10230] =	vst v4;
	v4 =	vadd.f32 v24, v2  }
0x203: {  	v30 =	vld [tilespmem:s1+$0x10270];
	(xrf2) =	vadd.scan.msk.f32 $0xffff, v19;
	v3 =	vadd.f32 v23, v3;
	v10 =	vbroadcast v26, $0xF;
	v29, _, _ =	vpop (xrf2);
	v28 =	vadd.f32 v26, v1  }
0x204: {  	v31 =	vld [tilespmem:s1+$0x102F0];
	(xrf2) =	vadd.scan.msk.f32 $0xffff, v22;
	v2 =	vadd.f32 v7, v2;
	[tilespmem:s1+$0x102B0] =	vst v4;
	v4 =	vadd.f32 v29, v0  }
0x205: {  	v32 =	vbroadcast v29, $0xF;
	v33, _, _ =	vpop (xrf2);
	v1 =	vadd.f32 v10, v1;
	[tilespmem:s1+$0x10330] =	vst v28;
	(xrf2) =	vadd.scan.msk.f32 $0xffff, v5;
	v5 =	vld [tilespmem:s1+$0x10370]  }
0x206: {  	v35 =	vld [tilespmem:s1+$0x103F0];
	v10 =	vbroadcast v33, $0xF;
	v34, _, _ =	vpop (xrf2);
	[tilespmem:s1+$0x103B0] =	vst v4;
	v4 =	vadd.f32 v33, v3;
	(xrf2) =	vadd.scan.msk.f32 $0xffff, v25  }
0x207: {  	v0 =	vadd.f32 v32, v0;
	v36 =	vadd.f32 v34, v2;
	v11 =	vbroadcast v34, $0xF;
	v37, _, _ =	vpop (xrf2);
	(xrf2) =	vadd.scan.msk.f32 $0xffff, v27  }
0x208: {  	v3 =	vadd.f32 v10, v3;
	[tilespmem:s1+$0x10240] =	vst v4;
	v4 =	vadd.f32 v37, v1;
	(xrf2) =	vadd.scan.msk.f32 $0xffff, v30  }
0x209: {  	v38 =	vbroadcast v37, $0xF;
	v39, _, _ =	vpop (xrf2);
	[tilespmem:s1+$0x102C0] =	vst v36;
	v2 =	vadd.f32 v11, v2;
	(xrf2) =	vadd.scan.msk.f32 $0xffff, v31  }
0x20a: {  	v40 =	vbroadcast v39, $0xF;
	v41, _, _ =	vpop (xrf2);
	[tilespmem:s1+$0x10340] =	vst v4;
	v4 =	vadd.f32 v39, v0;
	(xrf2) =	vadd.scan.msk.f32 $0xffff, v5  }
0x20b: {  	v1 =	vadd.f32 v38, v1;
	v42 =	vbroadcast v41, $0xF;
	v43, _, _ =	vpop (xrf2);
	v5 =	vadd.f32 v41, v3;
	(xrf2) =	vadd.scan.msk.f32 $0xffff, v35  }
0x20c: {  	v44, _, _ =	vpop (xrf2);
	v0 =	vadd.f32 v40, v0;
	v45 =	vbroadcast v43, $0xF;
	[tilespmem:s1+$0x103C0] =	vst v4;
	v4 =	vadd.f32 v43, v2  }
0x20d: {  	v46, _, _ =	vpop (xrf2);
	v3 =	vadd.f32 v42, v3;
	v47 =	vbroadcast v44, $0xF;
	[tilespmem:s1+$0x10250] =	vst v5;
	v5 =	vadd.f32 v44, v1  }
0x20e: {  	v48, _, _ =	vpop (xrf2);
	v2 =	vadd.f32 v45, v2;
	v49 =	vbroadcast v46, $0xF;
	[tilespmem:s1+$0x102D0] =	vst v4;
	v4 =	vadd.f32 v46, v0  }
0x20f: {  	v1 =	vadd.f32 v47, v1;
	v51 =	vbroadcast v48, $0xF;
	[tilespmem:s1+$0x10350] =	vst v5;
	v5 =	vadd.f32 v48, v3;
	v50, _, _ =	vpop (xrf2)  }
0x210: {  	v0 =	vadd.f32 v49, v0;
	[tilespmem:s1+$0x103D0] =	vst v4;
	v52, _, _ =	vpop (xrf2);
	v4 =	vadd.f32 v50, v2;
	v53 =	vbroadcast v50, $0xF  }
0x211: {  	v3 =	vadd.f32 v51, v3;
	[tilespmem:s1+$0x10260] =	vst v5;
	v54, _, _ =	vpop (xrf2);
	v5 =	vadd.f32 v52, v1;
	v55 =	vbroadcast v52, $0xF  }
0x212: {  	s3 =	sadd.s32 $0x10, s3;
	v56, _, _ =	vpop (xrf2);
	[tilespmem:s1+$0x102E0] =	vst v4;
	v2 =	vadd.f32 v53, v2;
	v4 =	vadd.f32 v54, v0;
	v57 =	vbroadcast v54, $0xF  }
0x213: {  	p0 =	slt.u32 s3, $0x1F0;
	v58, _, _ =	vpop (xrf2);
	[tilespmem:s1+$0x10360] =	vst v5;
	v1 =	vadd.f32 v55, v1;
	v5 =	vadd.f32 v56, v3  }
.Ltmp6:
0x214: {  	v59, _, _ =	vpop (xrf2);
	[tilespmem:s1+$0x103E0] =	vst v4;
	v0 =	vadd.f32 v57, v0;
	v4 =	vadd.f32 v58, v2;
	(pc) =	sbr.rel @p0 .LBB2_14-.Ltmp6, $4  }
0x215: {  	v60 =	vbroadcast v58, $0xF;
	[tilespmem:s1+$0x10270] =	vst v5;
	v5 =	vbroadcast v56, $0xF;
	v61 =	vadd.f32 v59, v1;
	v62, _, _ =	vpop (xrf2)  }
0x216: {  	[tilespmem:s1+$0x102F0] =	vst v4;
	v4 =	vbroadcast v59, $0xF;
	v63 =	vadd.f32 v62, v0;
	v9 =	vbroadcast v62, $0xF  }
0x217: {  	v2 =	vadd.f32 v60, v2;
	v3 =	vadd.f32 v5, v3;
	[tilespmem:s1+$0x10370] =	vst v61  }
0x218: {  	s30 =	sadd.s32 $0x1000, s30;
	s2 =	sadd.s32 $0x100, s2;
	v1 =	vadd.f32 v4, v1;
	[tilespmem:s1+$0x103F0] =	vst v63;
	v0 =	vadd.f32 v9, v0  }
0x219: {  	s0 =	simm.s32 $0x1  }
0x21a: {  	_ =	swait.ge [sflag:s0], $0x8000  }
0x21b: {  	[sflag:s0] =	ssyncset.done $0x0  }
0x21c: {  	s30 =	simm.s32 $0x2;
	[sflag:s0] =	ssyncadd.s32 $0xFFFF8000  }
0x21d: {  	_ =	swait.ge [sflag:s30], $0x8000  }
0x21e: {  	[sflag:s30] =	ssyncset.done $0x0  }
0x21f: {  	s31 =	sld [smem:$0x7FD];
	[sflag:s30] =	ssyncadd.s32 $0xFFFF8000  }
0x220: {  	s1 =	simm.s32 $0xFFFFFFF0;
	s2 =	simm.s32 $0x0;
	s3 =	rddreg [dreg:$0x1]  }
.LBB2_16:
0x221: {  	s30 =	sshra.s32 s2, $0x2  }
0x222: {  	s0 =	sadd.s32 s3, s9;
	s5 =	sadd.s32 $0x10000, s30  }
0x223: {  	[hbm4b:s0+s4] =	stream.linear.scatter [tilespmem:s5], [sflag:$0x2], $0x80, $0x38;
	[tilespmem:$0x18000] =	vst v63  }
0x224: {  	s0 =	sadd.s32 s3, s10;
	s5 =	sadd.s32 $0x10080, s30  }
0x225: {  	[hbm4b:s0+s4] =	stream.linear.scatter [tilespmem:s5], [sflag:$0x2], $0x80, $0x38;
	[tilespmem:$0x18000] =	vst v63  }
0x226: {  	s0 =	sadd.s32 s3, s11;
	s5 =	sadd.s32 $0x10100, s30  }
0x227: {  	[hbm4b:s0+s4] =	stream.linear.scatter [tilespmem:s5], [sflag:$0x2], $0x80, $0x38;
	[tilespmem:$0x18000] =	vst v63  }
0x228: {  	s0 =	sadd.s32 s3, s12;
	s5 =	sadd.s32 $0x10180, s30  }
0x229: {  	[hbm4b:s0+s4] =	stream.linear.scatter [tilespmem:s5], [sflag:$0x2], $0x80, $0x38;
	[tilespmem:$0x18000] =	vst v63  }
0x22a: {  	v4 =	vld [tilespmem:s30+$0x0]  }
0x22b: {  	v5 =	vld [tilespmem:s30+$0x80];
	_ =	sdelay $0x1  }
0x22c: {  	v6 =	vld [tilespmem:s30+$0x100];
	_ =	sdelay $0x1  }
0x22d: {  	v7 =	vld [tilespmem:s30+$0x180];
	(xrf2) =	vadd.scan.msk.f32 $0xffff, v4  }
0x22e: {  	v4 =	vld [tilespmem:s30+$0x10];
	(xrf2) =	vadd.scan.msk.f32 $0xffff, v5  }
0x22f: {  	v5 =	vld [tilespmem:s30+$0x90]  }
0x230: {  	(xrf2) =	vadd.scan.msk.f32 $0xffff, v6  }
0x231: {  	v57 =	vld [tilespmem:s30+$0x110]  }
0x232: {  	v58 =	vld [tilespmem:s30+$0x190];
	(xrf2) =	vadd.scan.msk.f32 $0xffff, v7  }
0x233: {  	(xrf2) =	vadd.scan.msk.f32 $0xffff, v4;
	v4 =	vld [tilespmem:s30+$0x20]  }
0x234: {  	(xrf2) =	vadd.scan.msk.f32 $0xffff, v5;
	v5 =	vld [tilespmem:s30+$0xA0];
	_ =	sdelay $0x1  }
0x235: {  	(xrf2) =	vadd.scan.msk.f32 $0xffff, v57  }
0x236: {  	v8, _, _ =	vpop (xrf2);
	(xrf2) =	vadd.scan.msk.f32 $0xffff, v58  }
0x237: {  	v59 =	vld [tilespmem:s30+$0x120];
	(xrf2) =	vadd.scan.msk.f32 $0xffff, v4;
	v10, _, _ =	vpop (xrf2)  }
0x238: {  	v60 =	vld [tilespmem:s30+$0x1A0];
	(xrf2) =	vadd.scan.msk.f32 $0xffff, v5;
	v5 =	vadd.f32 v10, v2  }
0x239: {  	v4 =	vld [tilespmem:s30+$0x30];
	v61, _, _ =	vpop (xrf2)  }
0x23a: {  	v9 =	vadd.f32 v8, v3;
	v8 =	vbroadcast v8, $0xF;
	[tilespmem:s30+$0x80] =	vst v5;
	v5 =	vbroadcast v61, $0xF  }
0x23b: {  	v62 =	vbroadcast v10, $0xF  }
0x23c: {  	v11 =	vld [tilespmem:s30+$0xB0];
	v3 =	vadd.f32 v8, v3;
	v12, _, _ =	vpop (xrf2);
	(xrf2) =	vadd.scan.msk.f32 $0xffff, v59  }
0x23d: {  	v16 =	vld [tilespmem:s30+$0x130];
	v63 =	vadd.f32 v61, v1;
	(xrf2) =	vadd.scan.msk.f32 $0xffff, v60;
	v2 =	vadd.f32 v62, v2;
	v20, _, _ =	vpop (xrf2)  }
0x23e: {  	v18 =	vld [tilespmem:s30+$0x1B0];
	(xrf2) =	vadd.scan.msk.f32 $0xffff, v4;
	v1 =	vadd.f32 v5, v1;
	v4 =	vadd.f32 v20, v3;
	v5, _, _ =	vpop (xrf2)  }
0x23f: {  	v21 =	vld [tilespmem:s30+$0x40];
	v19 =	vbroadcast v12, $0xF;
	v24, _, _ =	vpop (xrf2)  }
0x240: {  	[tilespmem:s30+$0x10] =	vst v4;
	v23 =	vadd.f32 v5, v2;
	v4 =	vbroadcast v5, $0xF;
	v5 =	vadd.f32 v24, v1  }
0x241: {  	v25 =	vld [tilespmem:s30+$0xC0];
	[tilespmem:s30+$0x0] =	vst v9;
	v17 =	vadd.f32 v12, v0;
	v22 =	vbroadcast v20, $0xF;
	(xrf2) =	vadd.scan.msk.f32 $0xffff, v11  }
0x242: {  	v26 =	vld [tilespmem:s30+$0x140];
	[tilespmem:s30+$0x100] =	vst v63;
	v0 =	vadd.f32 v19, v0;
	(xrf2) =	vadd.scan.msk.f32 $0xffff, v16  }
0x243: {  	[tilespmem:s30+$0x180] =	vst v17;
	v3 =	vadd.f32 v22, v3;
	(xrf2) =	vadd.scan.msk.f32 $0xffff, v18;
	v27 =	vbroadcast v24, $0xF;
	v28, _, _ =	vpop (xrf2)  }
0x244: {  	v29 =	vld [tilespmem:s30+$0x1C0];
	(xrf2) =	vadd.scan.msk.f32 $0xffff, v21;
	v2 =	vadd.f32 v4, v2;
	v4 =	vadd.f32 v28, v0;
	[tilespmem:s30+$0x110] =	vst v5;
	v5, _, _ =	vpop (xrf2)  }
0x245: {  	v33 =	vld [tilespmem:s30+$0x50];
	[tilespmem:s30+$0x90] =	vst v23;
	v30 =	vbroadcast v28, $0xF;
	v1 =	vadd.f32 v27, v1;
	v31 =	vadd.f32 v5, v3;
	v32, _, _ =	vpop (xrf2)  }
0x246: {  	v34 =	vld [tilespmem:s30+$0xD0];
	[tilespmem:s30+$0x190] =	vst v4;
	v4 =	vbroadcast v5, $0xF;
	(xrf2) =	vadd.scan.msk.f32 $0xffff, v25;
	v5 =	vadd.f32 v32, v2  }
0x247: {  	v37 =	vld [tilespmem:s30+$0x150];
	v0 =	vadd.f32 v30, v0;
	v35 =	vbroadcast v32, $0xF;
	v36, _, _ =	vpop (xrf2);
	(xrf2) =	vadd.scan.msk.f32 $0xffff, v26;
	[tilespmem:s30+$0x20] =	vst v31  }
0x248: {  	v39 =	vld [tilespmem:s30+$0x1D0];
	v3 =	vadd.f32 v4, v3;
	v4 =	vadd.f32 v36, v1;
	v38, _, _ =	vpop (xrf2);
	[tilespmem:s30+$0xA0] =	vst v5;
	v5 =	vbroadcast v36, $0xF  }
0x249: {  	v41 =	vld [tilespmem:s30+$0x60];
	(xrf2) =	vadd.scan.msk.f32 $0xffff, v29;
	v2 =	vadd.f32 v35, v2;
	v40 =	vadd.f32 v38, v0;
	v10 =	vbroadcast v38, $0xF;
	v13, _, _ =	vpop (xrf2)  }
0x24a: {  	(xrf2) =	vadd.scan.msk.f32 $0xffff, v33;
	[tilespmem:s30+$0x120] =	vst v4;
	v4 =	vadd.f32 v13, v3;
	v1 =	vadd.f32 v5, v1;
	v5 =	vld [tilespmem:s30+$0xE0]  }
0x24b: {  	v44 =	vld [tilespmem:s30+$0x160];
	v42 =	vbroadcast v13, $0xF;
	v43, _, _ =	vpop (xrf2);
	(xrf2) =	vadd.scan.msk.f32 $0xffff, v34;
	[tilespmem:s30+$0x1A0] =	vst v40;
	v0 =	vadd.f32 v10, v0  }
0x24c: {  	v46 =	vld [tilespmem:s30+$0x1E0];
	v9 =	vbroadcast v43, $0xF;
	v45, _, _ =	vpop (xrf2);
	(xrf2) =	vadd.scan.msk.f32 $0xffff, v37;
	[tilespmem:s30+$0x30] =	vst v4;
	v4 =	vadd.f32 v43, v2  }
0x24d: {  	v49 =	vld [tilespmem:s30+$0x70];
	v3 =	vadd.f32 v42, v3;
	v11 =	vbroadcast v45, $0xF;
	v48, _, _ =	vpop (xrf2);
	(xrf2) =	vadd.scan.msk.f32 $0xffff, v39;
	v47 =	vadd.f32 v45, v1  }
0x24e: {  	v50 =	vld [tilespmem:s30+$0xF0];
	v2 =	vadd.f32 v9, v2;
	(xrf2) =	vadd.scan.msk.f32 $0xffff, v41;
	[tilespmem:s30+$0xB0] =	vst v4;
	v4 =	vadd.f32 v48, v0  }
0x24f: {  	v51 =	vbroadcast v48, $0xF;
	v52, _, _ =	vpop (xrf2);
	v1 =	vadd.f32 v11, v1;
	[tilespmem:s30+$0x130] =	vst v47;
	(xrf2) =	vadd.scan.msk.f32 $0xffff, v5;
	v5 =	vld [tilespmem:s30+$0x170]  }
0x250: {  	v54 =	vld [tilespmem:s30+$0x1F0];
	v9 =	vbroadcast v52, $0xF;
	[tilespmem:s30+$0x1B0] =	vst v4;
	v4 =	vadd.f32 v52, v3;
	v53, _, _ =	vpop (xrf2);
	(xrf2) =	vadd.scan.msk.f32 $0xffff, v44  }
0x251: {  	v0 =	vadd.f32 v51, v0;
	v55 =	vadd.f32 v53, v2;
	v11 =	vbroadcast v53, $0xF;
	v56, _, _ =	vpop (xrf2);
	(xrf2) =	vadd.scan.msk.f32 $0xffff, v46  }
0x252: {  	v3 =	vadd.f32 v9, v3;
	[tilespmem:s30+$0x40] =	vst v4;
	v4 =	vadd.f32 v56, v1;
	(xrf2) =	vadd.scan.msk.f32 $0xffff, v49  }
0x253: {  	v57 =	vbroadcast v56, $0xF;
	v58, _, _ =	vpop (xrf2);
	[tilespmem:s30+$0xC0] =	vst v55;
	v2 =	vadd.f32 v11, v2;
	(xrf2) =	vadd.scan.msk.f32 $0xffff, v50  }
0x254: {  	v59 =	vbroadcast v58, $0xF;
	v60, _, _ =	vpop (xrf2);
	[tilespmem:s30+$0x140] =	vst v4;
	v4 =	vadd.f32 v58, v0;
	(xrf2) =	vadd.scan.msk.f32 $0xffff, v5  }
0x255: {  	v1 =	vadd.f32 v57, v1;
	v61 =	vbroadcast v60, $0xF;
	v62, _, _ =	vpop (xrf2);
	v5 =	vadd.f32 v60, v3;
	(xrf2) =	vadd.scan.msk.f32 $0xffff, v54  }
0x256: {  	v0 =	vadd.f32 v59, v0;
	v63 =	vbroadcast v62, $0xF;
	v12, _, _ =	vpop (xrf2);
	[tilespmem:s30+$0x1C0] =	vst v4;
	v4 =	vadd.f32 v62, v2  }
0x257: {  	v3 =	vadd.f32 v61, v3;
	v13 =	vbroadcast v12, $0xF;
	v14, _, _ =	vpop (xrf2);
	[tilespmem:s30+$0x50] =	vst v5;
	v5 =	vadd.f32 v12, v1  }
0x258: {  	v2 =	vadd.f32 v63, v2;
	v15 =	vbroadcast v14, $0xF;
	v16, _, _ =	vpop (xrf2);
	[tilespmem:s30+$0xD0] =	vst v4;
	v4 =	vadd.f32 v14, v0  }
0x259: {  	v1 =	vadd.f32 v13, v1;
	v17 =	vbroadcast v16, $0xF;
	[tilespmem:s30+$0x150] =	vst v5;
	v5 =	vadd.f32 v16, v3;
	v18, _, _ =	vpop (xrf2)  }
0x25a: {  	v0 =	vadd.f32 v15, v0;
	[tilespmem:s30+$0x1D0] =	vst v4;
	v4 =	vadd.f32 v18, v2;
	v19 =	vbroadcast v18, $0xF;
	v20, _, _ =	vpop (xrf2)  }
0x25b: {  	v3 =	vadd.f32 v17, v3;
	[tilespmem:s30+$0x60] =	vst v5;
	v5 =	vadd.f32 v20, v1;
	v21 =	vbroadcast v20, $0xF;
	v22, _, _ =	vpop (xrf2)  }
0x25c: {  	[tilespmem:s30+$0xE0] =	vst v4;
	v2 =	vadd.f32 v19, v2;
	v4 =	vadd.f32 v22, v0;
	v23 =	vbroadcast v22, $0xF;
	v24, _, _ =	vpop (xrf2)  }
0x25d: {  	[tilespmem:s30+$0x160] =	vst v5;
	v1 =	vadd.f32 v21, v1;
	v5 =	vadd.f32 v24, v3;
	v25, _, _ =	vpop (xrf2)  }
0x25e: {  	[tilespmem:s30+$0x1E0] =	vst v4;
	v0 =	vadd.f32 v23, v0;
	v4 =	vadd.f32 v25, v2;
	v26, _, _ =	vpop (xrf2)  }
0x25f: {  	[tilespmem:s30+$0x70] =	vst v5;
	v5 =	vadd.f32 v26, v1;
	v27, _, _ =	vpop (xrf2)  }
0x260: {  	[tilespmem:s30+$0xF0] =	vst v4;
	v4 =	vadd.f32 v27, v0  }
0x261: {  	[tilespmem:s30+$0x170] =	vst v5  }
0x262: {  	s0 =	sadd.s32 s3, s31;
	s5 =	sadd.s32 $0x10200, s30;
	[tilespmem:s30+$0x1F0] =	vst v4  }
0x263: {  	[hbm4b:s0+s4] =	stream.linear.scatter [tilespmem:s5], [sflag:$0x2], $0x80, $0x38;
	[tilespmem:$0x18000] =	vst v63  }
0x264: {  	s0 =	sadd.s32 s3, s6;
	s5 =	sadd.s32 $0x10280, s30  }
0x265: {  	[hbm4b:s0+s4] =	stream.linear.scatter [tilespmem:s5], [sflag:$0x2], $0x80, $0x38;
	[tilespmem:$0x18000] =	vst v63  }
0x266: {  	s0 =	sadd.s32 s3, s7;
	s5 =	sadd.s32 $0x10300, s30  }
0x267: {  	[hbm4b:s0+s4] =	stream.linear.scatter [tilespmem:s5], [sflag:$0x2], $0x80, $0x38;
	[tilespmem:$0x18000] =	vst v63  }
0x268: {  	s0 =	sadd.s32 s3, s8;
	s5 =	sadd.s32 $0x10380, s30  }
0x269: {  	[hbm4b:s0+s4] =	stream.linear.scatter [tilespmem:s5], [sflag:$0x2], $0x80, $0x38;
	[tilespmem:$0x18000] =	vst v63  }
0x26a: {  	v4 =	vld [tilespmem:s30+$0x200]  }
0x26b: {  	v5 =	vld [tilespmem:s30+$0x280];
	_ =	sdelay $0x1  }
0x26c: {  	v28 =	vld [tilespmem:s30+$0x300];
	_ =	sdelay $0x1  }
0x26d: {  	v29 =	vld [tilespmem:s30+$0x380];
	(xrf2) =	vadd.scan.msk.f32 $0xffff, v4  }
0x26e: {  	v4 =	vld [tilespmem:s30+$0x210];
	(xrf2) =	vadd.scan.msk.f32 $0xffff, v5  }
0x26f: {  	v5 =	vld [tilespmem:s30+$0x290]  }
0x270: {  	(xrf2) =	vadd.scan.msk.f32 $0xffff, v28  }
0x271: {  	v30 =	vld [tilespmem:s30+$0x310]  }
0x272: {  	v31 =	vld [tilespmem:s30+$0x390];
	(xrf2) =	vadd.scan.msk.f32 $0xffff, v29  }
0x273: {  	(xrf2) =	vadd.scan.msk.f32 $0xffff, v4;
	v4 =	vld [tilespmem:s30+$0x220]  }
0x274: {  	(xrf2) =	vadd.scan.msk.f32 $0xffff, v5;
	v5 =	vld [tilespmem:s30+$0x2A0]  }
0x275: {  	v6 =	vbroadcast v25, $0xF  }
0x276: {  	(xrf2) =	vadd.scan.msk.f32 $0xffff, v30  }
0x277: {  	v2 =	vadd.f32 v6, v2;
	(xrf2) =	vadd.scan.msk.f32 $0xffff, v31;
	v33, _, _ =	vpop (xrf2)  }
0x278: {  	v32 =	vld [tilespmem:s30+$0x320];
	(xrf2) =	vadd.scan.msk.f32 $0xffff, v4;
	v38, _, _ =	vpop (xrf2)  }
0x279: {  	v8 =	vbroadcast v24, $0xF;
	v34 =	vld [tilespmem:s30+$0x3A0];
	(xrf2) =	vadd.scan.msk.f32 $0xffff, v5;
	v5 =	vadd.f32 v38, v2  }
0x27a: {  	v7 =	vbroadcast v26, $0xF;
	v35 =	vbroadcast v27, $0xF;
	v4 =	vld [tilespmem:s30+$0x230];
	v39, _, _ =	vpop (xrf2)  }
0x27b: {  	v3 =	vadd.f32 v8, v3;
	v37 =	vbroadcast v33, $0xF;
	[tilespmem:s30+$0x280] =	vst v5;
	v5 =	vbroadcast v39, $0xF  }
0x27c: {  	v1 =	vadd.f32 v7, v1;
	v0 =	vadd.f32 v35, v0;
	v41 =	vbroadcast v38, $0xF  }
0x27d: {  	v40 =	vld [tilespmem:s30+$0x2B0];
	v36 =	vadd.f32 v33, v3;
	v3 =	vadd.f32 v37, v3;
	v43, _, _ =	vpop (xrf2);
	(xrf2) =	vadd.scan.msk.f32 $0xffff, v32  }
0x27e: {  	v44 =	vld [tilespmem:s30+$0x330];
	v42 =	vadd.f32 v39, v1;
	(xrf2) =	vadd.scan.msk.f32 $0xffff, v34;
	v2 =	vadd.f32 v41, v2;
	v48, _, _ =	vpop (xrf2)  }
0x27f: {  	v46 =	vld [tilespmem:s30+$0x3B0];
	(xrf2) =	vadd.scan.msk.f32 $0xffff, v4;
	v1 =	vadd.f32 v5, v1;
	v4 =	vadd.f32 v48, v3;
	v5, _, _ =	vpop (xrf2)  }
0x280: {  	v49 =	vld [tilespmem:s30+$0x240];
	[tilespmem:s30+$0x200] =	vst v36;
	v45 =	vadd.f32 v43, v0;
	v47 =	vbroadcast v43, $0xF;
	v52, _, _ =	vpop (xrf2)  }
0x281: {  	v53 =	vld [tilespmem:s30+$0x2C0];
	[tilespmem:s30+$0x210] =	vst v4;
	v51 =	vadd.f32 v5, v2;
	v4 =	vbroadcast v5, $0xF;
	v5 =	vadd.f32 v52, v1  }
0x282: {  	v54 =	vld [tilespmem:s30+$0x340];
	[tilespmem:s30+$0x300] =	vst v42;
	v50 =	vbroadcast v48, $0xF;
	(xrf2) =	vadd.scan.msk.f32 $0xffff, v40  }
0x283: {  	v57 =	vld [tilespmem:s30+$0x3C0];
	[tilespmem:s30+$0x380] =	vst v45;
	v0 =	vadd.f32 v47, v0;
	(xrf2) =	vadd.scan.msk.f32 $0xffff, v44  }
0x284: {  	v3 =	vadd.f32 v50, v3;
	(xrf2) =	vadd.scan.msk.f32 $0xffff, v46;
	v55 =	vbroadcast v52, $0xF;
	v56, _, _ =	vpop (xrf2);
	[tilespmem:s30+$0x290] =	vst v51  }
0x285: {  	v61 =	vld [tilespmem:s30+$0x250];
	(xrf2) =	vadd.scan.msk.f32 $0xffff, v49;
	v2 =	vadd.f32 v4, v2;
	v4 =	vadd.f32 v56, v0;
	[tilespmem:s30+$0x310] =	vst v5;
	v5, _, _ =	vpop (xrf2)  }
0x286: {  	v62 =	vld [tilespmem:s30+$0x2D0];
	v58 =	vbroadcast v56, $0xF;
	v1 =	vadd.f32 v55, v1;
	(xrf2) =	vadd.scan.msk.f32 $0xffff, v53;
	v59 =	vadd.f32 v5, v3;
	v60, _, _ =	vpop (xrf2)  }
0x287: {  	v17 =	vld [tilespmem:s30+$0x350];
	[tilespmem:s30+$0x390] =	vst v4;
	v4 =	vbroadcast v5, $0xF;
	(xrf2) =	vadd.scan.msk.f32 $0xffff, v54;
	v5 =	vadd.f32 v60, v2  }
0x288: {  	v0 =	vadd.f32 v58, v0;
	v63 =	vbroadcast v60, $0xF;
	v16, _, _ =	vpop (xrf2);
	(xrf2) =	vadd.scan.msk.f32 $0xffff, v57;
	[tilespmem:s30+$0x220] =	vst v59  }
0x289: {  	v19 =	vld [tilespmem:s30+$0x3D0];
	v3 =	vadd.f32 v4, v3;
	v4 =	vadd.f32 v16, v1;
	v18, _, _ =	vpop (xrf2);
	[tilespmem:s30+$0x2A0] =	vst v5;
	v5 =	vbroadcast v16, $0xF  }
0x28a: {  	v22 =	vld [tilespmem:s30+$0x260];
	(xrf2) =	vadd.scan.msk.f32 $0xffff, v61;
	v2 =	vadd.f32 v63, v2;
	v20 =	vadd.f32 v18, v0;
	v10 =	vbroadcast v18, $0xF;
	v21, _, _ =	vpop (xrf2)  }
0x28b: {  	(xrf2) =	vadd.scan.msk.f32 $0xffff, v62;
	[tilespmem:s30+$0x320] =	vst v4;
	v4 =	vadd.f32 v21, v3;
	v1 =	vadd.f32 v5, v1;
	v5 =	vld [tilespmem:s30+$0x2E0]  }
0x28c: {  	v25 =	vld [tilespmem:s30+$0x360];
	v23 =	vbroadcast v21, $0xF;
	v24, _, _ =	vpop (xrf2);
	(xrf2) =	vadd.scan.msk.f32 $0xffff, v17;
	[tilespmem:s30+$0x3A0] =	vst v20  }
0x28d: {  	v27 =	vld [tilespmem:s30+$0x3E0];
	v0 =	vadd.f32 v10, v0;
	v7 =	vbroadcast v24, $0xF;
	v26, _, _ =	vpop (xrf2);
	[tilespmem:s30+$0x230] =	vst v4;
	v4 =	vadd.f32 v24, v2  }
0x28e: {  	v30 =	vld [tilespmem:s30+$0x270];
	(xrf2) =	vadd.scan.msk.f32 $0xffff, v19;
	v3 =	vadd.f32 v23, v3;
	v10 =	vbroadcast v26, $0xF;
	v29, _, _ =	vpop (xrf2);
	v28 =	vadd.f32 v26, v1  }
0x28f: {  	v31 =	vld [tilespmem:s30+$0x2F0];
	(xrf2) =	vadd.scan.msk.f32 $0xffff, v22;
	v2 =	vadd.f32 v7, v2;
	[tilespmem:s30+$0x2B0] =	vst v4;
	v4 =	vadd.f32 v29, v0  }
0x290: {  	v32 =	vbroadcast v29, $0xF;
	v33, _, _ =	vpop (xrf2);
	v1 =	vadd.f32 v10, v1;
	[tilespmem:s30+$0x330] =	vst v28;
	(xrf2) =	vadd.scan.msk.f32 $0xffff, v5;
	v5 =	vld [tilespmem:s30+$0x370]  }
0x291: {  	v35 =	vld [tilespmem:s30+$0x3F0];
	v10 =	vbroadcast v33, $0xF;
	v34, _, _ =	vpop (xrf2);
	[tilespmem:s30+$0x3B0] =	vst v4;
	v4 =	vadd.f32 v33, v3;
	(xrf2) =	vadd.scan.msk.f32 $0xffff, v25  }
0x292: {  	v0 =	vadd.f32 v32, v0;
	v36 =	vadd.f32 v34, v2;
	v11 =	vbroadcast v34, $0xF;
	v37, _, _ =	vpop (xrf2);
	(xrf2) =	vadd.scan.msk.f32 $0xffff, v27  }
0x293: {  	v3 =	vadd.f32 v10, v3;
	[tilespmem:s30+$0x240] =	vst v4;
	v4 =	vadd.f32 v37, v1;
	(xrf2) =	vadd.scan.msk.f32 $0xffff, v30  }
0x294: {  	v38 =	vbroadcast v37, $0xF;
	v39, _, _ =	vpop (xrf2);
	[tilespmem:s30+$0x2C0] =	vst v36;
	v2 =	vadd.f32 v11, v2;
	(xrf2) =	vadd.scan.msk.f32 $0xffff, v31  }
0x295: {  	v40 =	vbroadcast v39, $0xF;
	v41, _, _ =	vpop (xrf2);
	[tilespmem:s30+$0x340] =	vst v4;
	v4 =	vadd.f32 v39, v0;
	(xrf2) =	vadd.scan.msk.f32 $0xffff, v5  }
0x296: {  	v1 =	vadd.f32 v38, v1;
	v42 =	vbroadcast v41, $0xF;
	v43, _, _ =	vpop (xrf2);
	v5 =	vadd.f32 v41, v3;
	(xrf2) =	vadd.scan.msk.f32 $0xffff, v35  }
0x297: {  	v44, _, _ =	vpop (xrf2);
	v0 =	vadd.f32 v40, v0;
	v45 =	vbroadcast v43, $0xF;
	[tilespmem:s30+$0x3C0] =	vst v4;
	v4 =	vadd.f32 v43, v2  }
0x298: {  	v46, _, _ =	vpop (xrf2);
	v3 =	vadd.f32 v42, v3;
	v47 =	vbroadcast v44, $0xF;
	[tilespmem:s30+$0x250] =	vst v5;
	v5 =	vadd.f32 v44, v1  }
0x299: {  	v48, _, _ =	vpop (xrf2);
	v2 =	vadd.f32 v45, v2;
	v49 =	vbroadcast v46, $0xF;
	[tilespmem:s30+$0x2D0] =	vst v4;
	v4 =	vadd.f32 v46, v0  }
0x29a: {  	v1 =	vadd.f32 v47, v1;
	v51 =	vbroadcast v48, $0xF;
	[tilespmem:s30+$0x350] =	vst v5;
	v5 =	vadd.f32 v48, v3;
	v50, _, _ =	vpop (xrf2)  }
0x29b: {  	v0 =	vadd.f32 v49, v0;
	[tilespmem:s30+$0x3D0] =	vst v4;
	v52, _, _ =	vpop (xrf2);
	v4 =	vadd.f32 v50, v2;
	v53 =	vbroadcast v50, $0xF  }
0x29c: {  	v3 =	vadd.f32 v51, v3;
	[tilespmem:s30+$0x260] =	vst v5;
	v54, _, _ =	vpop (xrf2);
	v5 =	vadd.f32 v52, v1;
	v55 =	vbroadcast v52, $0xF  }
0x29d: {  	s1 =	sadd.s32 $0x10, s1;
	v56, _, _ =	vpop (xrf2);
	[tilespmem:s30+$0x2E0] =	vst v4;
	v2 =	vadd.f32 v53, v2;
	v4 =	vadd.f32 v54, v0;
	v57 =	vbroadcast v54, $0xF  }
0x29e: {  	p0 =	slt.u32 s1, $0x1F0;
	v58, _, _ =	vpop (xrf2);
	[tilespmem:s30+$0x360] =	vst v5;
	v1 =	vadd.f32 v55, v1;
	v5 =	vadd.f32 v56, v3  }
.Ltmp7:
0x29f: {  	v59, _, _ =	vpop (xrf2);
	[tilespmem:s30+$0x3E0] =	vst v4;
	v0 =	vadd.f32 v57, v0;
	v4 =	vadd.f32 v58, v2;
	(pc) =	sbr.rel @p0 .LBB2_16-.Ltmp7, $4  }
0x2a0: {  	v60 =	vbroadcast v58, $0xF;
	[tilespmem:s30+$0x270] =	vst v5;
	v5 =	vbroadcast v56, $0xF;
	v61 =	vadd.f32 v59, v1;
	v62, _, _ =	vpop (xrf2)  }
0x2a1: {  	[tilespmem:s30+$0x2F0] =	vst v4;
	v4 =	vbroadcast v59, $0xF;
	v63 =	vadd.f32 v62, v0;
	v9 =	vbroadcast v62, $0xF  }
0x2a2: {  	v2 =	vadd.f32 v60, v2;
	v3 =	vadd.f32 v5, v3;
	[tilespmem:s30+$0x370] =	vst v61  }
0x2a3: {  	s2 =	sadd.s32 $0x1000, s2;
	s3 =	sadd.s32 $0x100, s3;
	v1 =	vadd.f32 v4, v1;
	[tilespmem:s30+$0x3F0] =	vst v63;
	v0 =	vadd.f32 v9, v0  }
0x2a4: {  	s0 =	simm.s32 $0x2  }
0x2a5: {  	_ =	swait.ge [sflag:s0], $0x8000  }
0x2a6: {  	s1 =	simm.s32 $0x0;
	s2 =	simm.s32 $0x80;
	[sflag:s0] =	ssyncset.done $0x0  }
0x2a7: {  	s30 =	sadd.s32 $0x0, s22;
	s3 =	simm.s32 $0x200;
	[sflag:s0] =	ssyncadd.s32 $0xFFFF8000  }
.LBB2_18:
0x2a8: {  	[hbm4b:s30+s4] =	stream.linear.scatter [tilespmem:s1], [sflag:$0x2], $0x80, $0x38;
	[tilespmem:$0x18000] =	vst v63  }
0x2a9: {  	s0 =	smov.u32 s2;
	s1 =	smov.u32 s3;
	p0 =	sne.s32 s2, $0x1F80  }
.Ltmp8:
0x2aa: {  	s2 =	sadd.s32 $0x80, s2;
	(pc) =	sbr.rel @p0 .LBB2_18-.Ltmp8, $2  }
0x2ab: {  	_ =	sdelay $0x2  }
0x2ac: {  	s3 =	sadd.s32 $0x200, s3;
	s30 =	sadd.s32 s0, s22  }
0x2ad: {  	[hbm4b:s30+s4] =	stream.linear.scatter [tilespmem:s1], [sflag:$0x2], $0x80, $0x38;
	[tilespmem:$0x18000] =	vst v63  }
0x2ae: {  	s1 =	simm.s32 $0x80  }
0x2af: {  	s2 =	simm.s32 $0x80;
	s30 =	sadd.s32 $0x0, s24;
	s3 =	simm.s32 $0x280  }
.LBB2_20:
0x2b0: {  	[hbm4b:s30+s4] =	stream.linear.scatter [tilespmem:s1], [sflag:$0x2], $0x80, $0x38;
	[tilespmem:$0x18000] =	vst v63  }
0x2b1: {  	s0 =	smov.u32 s2;
	s1 =	smov.u32 s3;
	p0 =	sne.s32 s2, $0x1F80  }
.Ltmp9:
0x2b2: {  	s2 =	sadd.s32 $0x80, s2;
	(pc) =	sbr.rel @p0 .LBB2_20-.Ltmp9, $2  }
0x2b3: {  	_ =	sdelay $0x2  }
0x2b4: {  	s3 =	sadd.s32 $0x200, s3;
	s30 =	sadd.s32 s0, s24  }
0x2b5: {  	[hbm4b:s30+s4] =	stream.linear.scatter [tilespmem:s1], [sflag:$0x2], $0x80, $0x38;
	[tilespmem:$0x18000] =	vst v63  }
0x2b6: {  	s1 =	simm.s32 $0x100  }
0x2b7: {  	s2 =	simm.s32 $0x80;
	s30 =	sadd.s32 $0x0, s26;
	s3 =	simm.s32 $0x300  }
.LBB2_22:
0x2b8: {  	[hbm4b:s30+s4] =	stream.linear.scatter [tilespmem:s1], [sflag:$0x2], $0x80, $0x38;
	[tilespmem:$0x18000] =	vst v63  }
0x2b9: {  	s0 =	smov.u32 s2;
	s1 =	smov.u32 s3;
	p0 =	sne.s32 s2, $0x1F80  }
.Ltmp10:
0x2ba: {  	s2 =	sadd.s32 $0x80, s2;
	(pc) =	sbr.rel @p0 .LBB2_22-.Ltmp10, $2  }
0x2bb: {  	_ =	sdelay $0x2  }
0x2bc: {  	s3 =	sadd.s32 $0x200, s3;
	s30 =	sadd.s32 s0, s26  }
0x2bd: {  	[hbm4b:s30+s4] =	stream.linear.scatter [tilespmem:s1], [sflag:$0x2], $0x80, $0x38;
	[tilespmem:$0x18000] =	vst v63  }
0x2be: {  	s1 =	simm.s32 $0x180  }
0x2bf: {  	s2 =	simm.s32 $0x80;
	s30 =	sadd.s32 $0x0, s28;
	s3 =	simm.s32 $0x380  }
.LBB2_24:
0x2c0: {  	[hbm4b:s30+s4] =	stream.linear.scatter [tilespmem:s1], [sflag:$0x2], $0x80, $0x38;
	[tilespmem:$0x18000] =	vst v63  }
0x2c1: {  	s0 =	smov.u32 s2;
	s1 =	smov.u32 s3;
	p0 =	sne.s32 s2, $0x1F80  }
.Ltmp11:
0x2c2: {  	s2 =	sadd.s32 $0x80, s2;
	(pc) =	sbr.rel @p0 .LBB2_24-.Ltmp11, $2  }
0x2c3: {  	_ =	sdelay $0x2  }
0x2c4: {  	s3 =	sadd.s32 $0x200, s3;
	s30 =	sadd.s32 s0, s28  }
0x2c5: {  	[hbm4b:s30+s4] =	stream.linear.scatter [tilespmem:s1], [sflag:$0x2], $0x80, $0x38;
	[tilespmem:$0x18000] =	vst v63  }
0x2c6: {  	s31 =	simm.s32 $0x2  }
0x2c7: {  	_ =	swait.ge [sflag:s31], $0x2000  }
0x2c8: {  	[sflag:s31] =	ssyncset.done $0x0  }
0x2c9: {  	[sflag:s31] =	ssyncadd.s32 $0xFFFFE000  }
0x2ca: {  	_ =	swait.ge [sflag:s31], $0x2000  }
0x2cb: {  	[sflag:s31] =	ssyncset.done $0x0  }
0x2cc: {  	[sflag:s31] =	ssyncadd.s32 $0xFFFFE000  }
0x2cd: {  	_ =	swait.ge [sflag:s31], $0x2000  }
0x2ce: {  	[sflag:s31] =	ssyncset.done $0x0  }
0x2cf: {  	[sflag:s31] =	ssyncadd.s32 $0xFFFFE000  }
0x2d0: {  	_ =	swait.ge [sflag:s31], $0x2000  }
0x2d1: {  	s2 =	sld [smem:$0x7F8]  }
0x2d2: {  	s0 =	sld [smem:$0x7FC];
	_ =	sdelay $0x1  }
0x2d3: {  	s2 =	sadd.s32 $0x1, s2  }
0x2d4: {  	p0 =	sne.s32 s2, s0  }
.Ltmp12:
0x2d5: {  	_ = 	snop;
	(pc) =	sbr.rel @p0 .LBB2_1-.Ltmp12, $3  }
0x2d6: {  	_ =	sdelay $0x1  }
0x2d7: {  	[sflag:s31] =	ssyncset.done $0x0  }
0x2d8: {  	[sflag:s31] =	ssyncadd.s32 $0xFFFFE000  }
0x2d9: {  	_ =	sfence.sel $0x180000  }
0x2da: {  	[bflag:$0x0] =	sbarrier.arrive $0xFFFF  }
0x2db: {  	_ =	strace $0x90000047  }
0x2dc: {  	s0 =	stileid.u32;
	[bflag:$0x2] =	sbarrier.arrive $0xFFFF  }
0x2dd: {  	p0 =	sne.s32 s0, $0x0;
	s0 =	rddreg [dreg:$0x2]  }
0x2de: {  	s0 =	sadd.s32 @!p0 $0x100000, s0  }
0x2df: {  	[sflag:s0] =	ssyncadd.tile.s32 @!p0 $0x1;
	_ =	shalt  }
.Lfunc_end2:
_tile_overlayer_lowered:
.L_overlay_start_2:
0x2e0: {  	(tag) =	ssettag $0x2  }
0x2e1: {  	s0 =	rddreg [dreg:$0x0];
	s2 =	stileid.u32  }
0x2e2: {  	s1 =	rddreg [dreg:$0x1];
	p0 =	sne.s32 s2, $0x0  }
0x2e3: {  	s3 =	rddreg [dreg:$0x2];
	[bflag:$0x3] =	sbarrier.arrive $0xFFFF;
	s2 =	simm.s32 @!p0 $0x1C03  }
0x2e4: {  	[timem:s3], [sflag:s2] =	dma.local @!p0 [hbm:s0], s1  }
0x2e5: {  	s0 =	simm.s32 @!p0 $0x3  }
0x2e6: {  	_ =	swait.ge @!p0 [sflag:s0], s1  }
0x2e7: {  	s1 =	ssub.s32 @!p0 $0x0, s1;
	[sflag:s0] =	ssyncset.done @!p0 $0x0  }
0x2e8: {  	[sflag:s0] =	ssyncadd.s32 @!p0 s1  }
0x2e9: {  	[bflag:$0x3] =	sbarrier.arrive $0xFFFF  }
0x2ea: {  	_ =	shalt  }

</sc_bundles>
